<compile_context>
chip_gen: v7x
topology: tpu7x:2x2x1
jax: 0.10.2.dev20260603
libtpu: 0.0.44.dev20260713+nightly
codegen_flags: <defaults>
</compile_context>

<pallas_src>
import functools

import jax
import jax.numpy as jnp
from jax import lax
from jax.experimental import pallas as pl
from jax.experimental.pallas import tpu as pltpu
from jax.experimental.pallas import tpu_sc as plsc

N = 6400000
NUM_CH = 100000
NC = 2
NS = 16
NWK = NC * NS
PER_W = N // NWK
WIN = 4000
IDW = WIN + 32
NWIN = PER_W // WIN
UNROLL = 10
CHECK = 10
GPW = WIN // (16 * UNROLL)
LIST = 256
FLUSH_AT = LIST - 16 * CHECK
CH_SLICE = 6272
NUM_CH_PAD = NS * CH_SLICE


def _gather16(v, idx):
    return v.at[idx].get(mode="promise_in_bounds")


def _sc_body(out_hbm, tgt_hbm, ids_hbm, part_hbm,
             win_out, win_tgt, win_ids, stage,
             idx_l, sum_l, cmb_l,
             acc_sum, acc_cmb, dsem, fsem0, fsem1):
    c = lax.axis_index("c")
    s = lax.axis_index("s")
    wid = s * NC + c
    e0 = wid * PER_W
    io16 = lax.iota(jnp.int32, 16)
    io16p1 = io16 + 1
    m15 = io16 == 15
    mz = io16 > 0
    c15 = jnp.full((16,), 15, jnp.int32)
    pad_idx = NUM_CH + s * 16 + io16
    zero16 = jnp.zeros((16,), jnp.float32)
    fsems = (fsem0, fsem1)

    def _zb(i, _):
        stage[pl.ds(i * 16, 16)] = zero16
        return 0
    lax.fori_loop(0, CH_SLICE // 16, _zb, 0)
    off = s * CH_SLICE
    pltpu.sync_copy(stage, acc_sum.at[pl.ds(off, CH_SLICE)])
    pltpu.sync_copy(stage, acc_cmb.at[pl.ds(off, CH_SLICE)])

    def _fill(si):
        def _fb(k, _):
            for rr in range(2):
                idx_l[si, rr, pl.ds(16 * k, 16)] = pad_idx
                sum_l[si, rr, pl.ds(16 * k, 16)] = zero16
                cmb_l[si, rr, pl.ds(16 * k, 16)] = zero16
            return 0
        lax.fori_loop(0, 128 // 16, _fb, 0)

    _fill(0)
    _fill(1)

    def _fire(si):
        for rr in range(2):
            pltpu.async_copy(sum_l.at[si, rr], acc_sum.at[idx_l.at[si, rr]],
                             fsems[si], add=True)
            pltpu.async_copy(cmb_l.at[si, rr], acc_cmb.at[idx_l.at[si, rr]],
                             fsems[si], add=True)

    def _drain(si):
        for rr in range(2):
            pltpu.make_async_copy(sum_l.at[si, rr], acc_sum.at[idx_l.at[si, rr]],
                                  fsems[si]).wait()
            pltpu.make_async_copy(cmb_l.at[si, rr], acc_cmb.at[idx_l.at[si, rr]],
                                  fsems[si]).wait()

    def _win_dma(w, slot):
        base = e0 + w * WIN
        pltpu.async_copy(out_hbm.at[pl.ds(base, WIN)],
                         win_out.at[pl.ds(slot * WIN, WIN)], dsem)
        pltpu.async_copy(tgt_hbm.at[pl.ds(base, WIN)],
                         win_tgt.at[pl.ds(slot * WIN, WIN)], dsem)
        pltpu.async_copy(ids_hbm.at[pl.ds(base - 16, WIN + 16)],
                         win_ids.at[pl.ds(slot * IDW, WIN + 16)], dsem)

    def _win_wait():
        pltpu.make_async_copy(out_hbm.at[pl.ds(0, WIN)],
                              win_out.at[pl.ds(0, WIN)], dsem).wait()
        pltpu.make_async_copy(tgt_hbm.at[pl.ds(0, WIN)],
                              win_tgt.at[pl.ds(0, WIN)], dsem).wait()
        pltpu.make_async_copy(ids_hbm.at[pl.ds(0, WIN + 16)],
                              win_ids.at[pl.ds(0, WIN + 16)], dsem).wait()

    @pl.when(wid > 0)
    def _():
        pltpu.async_copy(ids_hbm.at[pl.ds(e0 - 16, WIN + 16)],
                         win_ids.at[pl.ds(0, WIN + 16)], dsem)

    @pl.when(wid == 0)
    def _():
        win_ids[pl.ds(0, 16)] = jnp.full((16,), -1, jnp.int32)
        pltpu.async_copy(ids_hbm.at[pl.ds(0, WIN + 16)],
                         win_ids.at[pl.ds(16, WIN + 16)], dsem)

    pltpu.async_copy(out_hbm.at[pl.ds(e0, WIN)],
                     win_out.at[pl.ds(0, WIN)], dsem)
    pltpu.async_copy(tgt_hbm.at[pl.ds(e0, WIN)],
                     win_tgt.at[pl.ds(0, WIN)], dsem)

    def vec_chunk(ioffs, boffs, curv, rowv):
        n = len(ioffs)
        ids = [win_ids[pl.ds(ioffs[k], 16)] for k in range(n)]
        sh = [win_ids[pl.ds(ioffs[k] - 1, 16)] for k in range(n)]
        shl = [win_ids[pl.ds(ioffs[k] + 1, 16)] for k in range(n)]
        x = [win_out[pl.ds(boffs[k], 16)] for k in range(n)]
        t = [win_tgt[pl.ds(boffs[k], 16)] for k in range(n)]
        p = [1.0 / (1.0 + jnp.exp(-x[k])) for k in range(n)]
        sb = [ids[k] != sh[k] for k in range(n)]
        sbz = [sb[k] & mz for k in range(n)]
        qz = [plsc.cumsum(jnp.where(sbz[k], 1, 0)) for k in range(n)]
        r = [plsc.cummax(jnp.where(sb[k], io16, 0)) for k in range(n)]
        cs = [plsc.cumsum(p[k]) for k in range(n)]
        csx = [cs[k] - p[k] for k in range(n)]
        base = [_gather16(csx[k], r[k]) for k in range(n)]
        runsum = [cs[k] - base[k] for k in range(n)]
        runcnt = [(io16p1 - r[k]).astype(jnp.float32) for k in range(n)]
        tsel = [jnp.where(sb[k], t[k], 0.0) for k in range(n)]
        tstart = [_gather16(tsel[k], r[k]) for k in range(n)]
        comb = [2.0 * runcnt[k] + tstart[k] for k in range(n)]
        eb = [(ids[k] != shl[k]) | m15 for k in range(n)]
        pos = []
        for k in range(n):
            pk = curv + qz[k]
            pos.append(pk)
            curv = _gather16(pk, c15) + 1
        for k in range(n):
            ph = jnp.right_shift(pos[k], 7)
            plo = pos[k] & 127
            plsc.store_scatter(idx_l, [rowv, ph, plo], ids[k], mask=eb[k])
            plsc.store_scatter(sum_l, [rowv, ph, plo], runsum[k], mask=eb[k])
            plsc.store_scatter(cmb_l, [rowv, ph, plo], comb[k], mask=eb[k])
        return curv

    def _check_flush(carry):
        curv, parity, nflush = carry
        do_flush = jnp.max(curv) >= FLUSH_AT

        @pl.when(do_flush)
        def _():
            for si in range(2):
                @pl.when(parity == si)
                def _(si=si):
                    _fire(si)

                    @pl.when(nflush >= 1)
                    def _():
                        _drain(1 - si)
                        _fill(1 - si)

        curv = jnp.where(do_flush, 0, curv)
        parity = jnp.where(do_flush, 1 - parity, parity)
        nflush = jnp.where(do_flush, nflush + 1, nflush)
        return (curv, parity, nflush)

    def grp_body(slot, g, carry):
        curv, parity, nflush = carry
        ibase = slot * IDW + 16 + g * (16 * UNROLL)
        bbase = slot * WIN + g * (16 * UNROLL)
        for u0 in range(0, UNROLL, CHECK):
            rowv = jnp.broadcast_to(parity, (16,))
            ioffs = [ibase + (u0 + k) * 16 for k in range(CHECK)]
            boffs = [bbase + (u0 + k) * 16 for k in range(CHECK)]
            curv = vec_chunk(ioffs, boffs, curv, rowv)
            curv, parity, nflush = _check_flush((curv, parity, nflush))
        return (curv, parity, nflush)

    def pair_body(i, carry):
        for slot in range(2):
            w = 2 * i + slot
            _win_wait()

            @pl.when(w + 1 < NWIN)
            def _(slot=slot):
                _win_dma(w + 1, 1 - slot)

            carry = lax.fori_loop(
                0, GPW, functools.partial(grp_body, slot), carry)
        return carry

    curv, parity, nflush = lax.fori_loop(
        0, NWIN // 2, pair_body,
        (jnp.zeros((16,), jnp.int32), jnp.int32(0), jnp.int32(0)))
    cursor = jnp.max(curv)

    for si in range(2):
        @pl.when((parity == 1 - si) & (nflush >= 1))
        def _(si=si):
            _drain(si)

        @pl.when((parity == si) & (cursor > 0))
        def _(si=si):
            _fire(si)
            _drain(si)

    plsc.subcore_barrier()

    pltpu.sync_copy(acc_sum.at[pl.ds(off, CH_SLICE)], stage)
    pltpu.sync_copy(stage, part_hbm.at[pl.ds((c * 2 + 0) * NUM_CH_PAD + off, CH_SLICE)])
    pltpu.sync_copy(acc_cmb.at[pl.ds(off, CH_SLICE)], stage)
    pltpu.sync_copy(stage, part_hbm.at[pl.ds((c * 2 + 1) * NUM_CH_PAD + off, CH_SLICE)])


@jax.jit
def _sc_segsum(output, target, ids32):
    mesh = plsc.VectorSubcoreMesh(core_axis_name="c", subcore_axis_name="s")
    f = pl.kernel(
        _sc_body,
        out_type=jax.ShapeDtypeStruct((NC * 2 * NUM_CH_PAD,), jnp.float32),
        mesh=mesh,
        compiler_params=pltpu.CompilerParams(needs_layout_passes=False),
        scratch_types=[
            pltpu.VMEM((2 * WIN,), jnp.float32),
            pltpu.VMEM((2 * WIN,), jnp.float32),
            pltpu.VMEM((2 * IDW,), jnp.int32),
            pltpu.VMEM((CH_SLICE,), jnp.float32),
            pltpu.VMEM((2, 2, 128), jnp.int32),
            pltpu.VMEM((2, 2, 128), jnp.float32),
            pltpu.VMEM((2, 2, 128), jnp.float32),
            pltpu.VMEM_SHARED((NUM_CH_PAD,), jnp.float32),
            pltpu.VMEM_SHARED((NUM_CH_PAD,), jnp.float32),
            pltpu.SemaphoreType.DMA,
            pltpu.SemaphoreType.DMA,
            pltpu.SemaphoreType.DMA,
        ],
    )
    return f(output, target, ids32)


def _bce_body(p_ref, o_ref):
    st = p_ref[0, 0] + p_ref[1, 0]
    comb = p_ref[0, 1] + p_ref[1, 1]
    cnt = jnp.floor(comb * 0.5)
    tv = comb - 2.0 * cnt
    present = cnt > 0.0
    mean_p = st / jnp.maximum(cnt, 1.0)
    log_p = jnp.maximum(jnp.log(mean_p), -100.0)
    log_1mp = jnp.maximum(jnp.log(1.0 - mean_p), -100.0)
    per = -(tv * log_p + (1.0 - tv) * log_1mp)
    per = jnp.where(present, per, 0.0)
    n_present = jnp.maximum(jnp.sum(present.astype(jnp.float32)), 1.0)
    o_ref[0, 0] = jnp.sum(per) / n_present


@jax.jit
def _bce(partials):
    return pl.pallas_call(
        _bce_body,
        out_shape=jax.ShapeDtypeStruct((1, 1), jnp.float32),
        out_specs=pl.BlockSpec(memory_space=pltpu.SMEM),
    )(partials)


def kernel(output, target, ch_ids):
    ids32 = ch_ids.astype(jnp.int32)
    partials = _sc_segsum(output, target, ids32)
    loss = _bce(partials.reshape(NC, 2, NUM_CH_PAD // 128, 128))
    return loss[0, 0]

# --- scband reference (transcript-rebuilt; emitter-appended) ---
"""Pipeline reference for scband-channel-loss-48661979464272 (READ-ONLY COPY).

The authoritative reference and input builder live on the scoring server;
editing this copy changes nothing except your own understanding.
"""

import jax, jax.numpy as jnp
import numpy as np

N = 6400000
NUM_CH = 100000

def setup_inputs(seed: int = 0) -> dict:
    key = jax.random.key(seed)
    k1, k2, k3 = jax.random.split(key, 3)
    output = jax.random.normal(k1, (N,), dtype=jnp.float32)
    target = jax.random.randint(k2, (N,), 0, 2).astype(jnp.float32)
    ch_ids = jnp.sort(jax.random.randint(k3, (N,), 0, NUM_CH)).astype(jnp.int64)
    return {"output": output, "target": target, "ch_ids": ch_ids}

def reference(output, target, ch_ids):
    # ChannelLoss with loss_type='BCE', u_weight=False.
    # Per-channel mean of window sigmoid probabilities, then BCE against the
    # first target value observed in each channel, averaged over present channels.
    probs = jax.nn.sigmoid(output)
    ones = jnp.ones_like(output)
    counts = jax.ops.segment_sum(ones, ch_ids, num_segments=NUM_CH)
    sums = jax.ops.segment_sum(probs, ch_ids, num_segments=NUM_CH)
    present = counts > 0
    mean_p = sums / jnp.maximum(counts, 1.0)
    # first occurrence index per channel (ch_ids sorted, but scatter-min is general)
    idx = jnp.arange(N, dtype=jnp.int32)
    first_idx = jnp.full((NUM_CH,), N, dtype=jnp.int32).at[ch_ids].min(idx)
    safe_idx = jnp.where(present, first_idx, 0)
    ch_t = target[safe_idx]
    # torch BCELoss clamps log terms at -100
    log_p = jnp.maximum(jnp.log(mean_p), -100.0)
    log_1mp = jnp.maximum(jnp.log(1.0 - mean_p), -100.0)
    per_ch = -(ch_t * log_p + (1.0 - ch_t) * log_1mp)
    per_ch = jnp.where(present, per_ch, 0.0)
    n_present = jnp.maximum(jnp.sum(present.astype(jnp.float32)), 1.0)
    loss = jnp.sum(per_ch) / n_present
    return loss

if __name__ == "__main__":
    import jax
    _d = setup_inputs()
    print(jax.jit(kernel)(*tuple(_d.values())))

</pallas_src>

<mosaic_0001>
#map = affine_map<(d0, d1) -> (0)>
module attributes {stable_mosaic.version = 14 : i64} {
  func.func @_sc_body(%arg0: i32, %arg1: i32, %arg2: memref<6400000xf32, #tpu.memory_space<hbm>>, %arg3: memref<6400000xf32, #tpu.memory_space<hbm>>, %arg4: memref<6400000xi32, #tpu.memory_space<hbm>>, %arg5: memref<401408xf32, #tpu.memory_space<hbm>>, %arg6: memref<8000xf32, #tpu.memory_space<vmem>>, %arg7: memref<8000xf32, #tpu.memory_space<vmem>>, %arg8: memref<8064xi32, #tpu.memory_space<vmem>>, %arg9: memref<6272xf32, #tpu.memory_space<vmem>>, %arg10: memref<2x2x128xi32, #tpu.memory_space<vmem>>, %arg11: memref<2x2x128xf32, #tpu.memory_space<vmem>>, %arg12: memref<2x2x128xf32, #tpu.memory_space<vmem>>, %arg13: memref<100352xf32, #tpu.memory_space<vmem_shared>>, %arg14: memref<100352xf32, #tpu.memory_space<vmem_shared>>, %arg15: memref<!tpu.dma_semaphore, #tpu.memory_space<semaphore_mem>>, %arg16: memref<!tpu.dma_semaphore, #tpu.memory_space<semaphore_mem>>, %arg17: memref<!tpu.dma_semaphore, #tpu.memory_space<semaphore_mem>>) attributes {dimension_semantics = [#tpu.dimension_semantics<core_parallel>, #tpu.dimension_semantics<subcore_parallel>], iteration_bounds = array<i64: 2, 16>, scalar_prefetch = 0 : i64, scratch_operands = 12 : i64, tpu.core_type = #tpu.core_type<sc_vector_subcore>, window_params = [{transform_indices = #map}, {transform_indices = #map}, {transform_indices = #map}, {transform_indices = #map}]} {
    %mul3A = arith.constant 2 : i32
    %mul3A_0 = arith.muli %arg1, %mul3A : i32
    %add3A = arith.addi %mul3A_0, %arg0 : i32
    %mul3A_1 = arith.constant 200000 : i32
    %mul3A_2 = arith.muli %add3A, %mul3A_1 : i32
    %iota3A = tpu.iota {dimensions = array<i32: 0>} : vector<16xi32>
    %add3A_3 = arith.constant 1 : i32
    %add3A_4 = vector.broadcast %add3A_3 : i32 to vector<16xi32>
    %add3A_5 = arith.addi %iota3A, %add3A_4 : vector<16xi32>
    %eq3A = arith.constant 15 : i32
    %eq3A_6 = vector.broadcast %eq3A : i32 to vector<16xi32>
    %eq3A_7 = arith.cmpi eq, %iota3A, %eq3A_6 : vector<16xi32>
    %gt3A = arith.constant 0 : i32
    %gt3A_8 = vector.broadcast %gt3A : i32 to vector<16xi32>
    %gt3A_9 = arith.cmpi sgt, %iota3A, %gt3A_8 : vector<16xi32>
    %broadcast_in_dim3A = arith.constant 15 : i32
    %broadcast_in_dim3A_10 = vector.broadcast %broadcast_in_dim3A : i32 to vector<16xi32>
    %mul3A_11 = arith.constant 16 : i32
    %mul3A_12 = arith.muli %arg1, %mul3A_11 : i32
    %add3A_13 = arith.constant 100000 : i32
    %add3A_14 = arith.addi %add3A_13, %mul3A_12 : i32
    %add3A_15 = vector.broadcast %add3A_14 : i32 to vector<16xi32>
    %add3A_16 = arith.addi %add3A_15, %iota3A : vector<16xi32>
    %broadcast_in_dim3A_17 = arith.constant 0.000000e+00 : f32
    %broadcast_in_dim3A_18 = vector.broadcast %broadcast_in_dim3A_17 : f32 to vector<16xf32>
    %scan3A = arith.constant 0 : i32
    %scan3A_19 = arith.constant 0 : i32
    %scan3A_20 = arith.constant 392 : i32
    %scan3A_21 = arith.addi %scan3A_19, %scan3A_20 : i32
    %scan3A_22 = arith.constant 1 : i32
    %scan3A_23 = scf.for %scan3A_121 = %scan3A_19 to %scan3A_21 step %scan3A_22 iter_args(%scan3A_122 = %scan3A) -> (i32)  : i32 {
      %mul3A_123 = arith.constant 16 : i32
      %mul3A_124 = arith.muli %scan3A_121, %mul3A_123 : i32
      %swap3A = arith.index_cast %mul3A_124 : i32 to index
      %swap3A_125 = tpu.vector_load %arg9[%swap3A] {strides = array<i32>} : memref<6272xf32, #tpu.memory_space<vmem>>, vector<16xf32>,
      tpu.vector_store %arg9[%swap3A], %broadcast_in_dim3A_18 {strides = array<i32>} : memref<6272xf32, #tpu.memory_space<vmem>>, vector<16xf32>,
      %scan3A_126 = arith.constant 0 : i32
      scf.yield %scan3A_126 : i32
    }
    %scan3A_24 = arith.constant 392 : i32
    %mul3A_25 = arith.constant 6272 : i32
    %mul3A_26 = arith.muli %arg1, %mul3A_25 : i32
    "tpu.region"() ({
      %run_scoped3A = tpu.sem_alloc : memref<!tpu.dma_semaphore, #tpu.memory_space<semaphore_mem>>
      %dma_start3A_121 = tpu.memref_slice %arg13[%mul3A_26] : memref<100352xf32, #tpu.memory_space<vmem_shared>> -> memref<6272xf32, #tpu.memory_space<vmem_shared>>
      %dma_start3A_122 = tpu.memref_slice %arg13[%mul3A_26] : memref<100352xf32, #tpu.memory_space<vmem_shared>> -> memref<6272xf32, #tpu.memory_space<vmem_shared>>
      tpu.enqueue_dma source(%arg9 : memref<6272xf32, #tpu.memory_space<vmem>>) target(%dma_start3A_122 : memref<6272xf32, #tpu.memory_space<vmem_shared>>) target_semaphore(%run_scoped3A : memref<!tpu.dma_semaphore, #tpu.memory_space<semaphore_mem>>)
      %dma_wait3A = tpu.memref_slice %arg13[%mul3A_26] : memref<100352xf32, #tpu.memory_space<vmem_shared>> -> memref<6272xf32, #tpu.memory_space<vmem_shared>>
      %dma_wait3A_123 = tpu.memref_slice %arg13[%mul3A_26] : memref<100352xf32, #tpu.memory_space<vmem_shared>> -> memref<6272xf32, #tpu.memory_space<vmem_shared>>
      tpu.wait_dma2 semaphore(%run_scoped3A : memref<!tpu.dma_semaphore, #tpu.memory_space<semaphore_mem>>) src(%arg9 : memref<6272xf32, #tpu.memory_space<vmem>>) dst(%dma_wait3A_123 : memref<6272xf32, #tpu.memory_space<vmem_shared>>)
      tpu.yield
    }) : () -> ()
    "tpu.region"() ({
      %run_scoped3A = tpu.sem_alloc : memref<!tpu.dma_semaphore, #tpu.memory_space<semaphore_mem>>
      %dma_start3A_121 = tpu.memref_slice %arg14[%mul3A_26] : memref<100352xf32, #tpu.memory_space<vmem_shared>> -> memref<6272xf32, #tpu.memory_space<vmem_shared>>
      %dma_start3A_122 = tpu.memref_slice %arg14[%mul3A_26] : memref<100352xf32, #tpu.memory_space<vmem_shared>> -> memref<6272xf32, #tpu.memory_space<vmem_shared>>
      tpu.enqueue_dma source(%arg9 : memref<6272xf32, #tpu.memory_space<vmem>>) target(%dma_start3A_122 : memref<6272xf32, #tpu.memory_space<vmem_shared>>) target_semaphore(%run_scoped3A : memref<!tpu.dma_semaphore, #tpu.memory_space<semaphore_mem>>)
      %dma_wait3A = tpu.memref_slice %arg14[%mul3A_26] : memref<100352xf32, #tpu.memory_space<vmem_shared>> -> memref<6272xf32, #tpu.memory_space<vmem_shared>>
      %dma_wait3A_123 = tpu.memref_slice %arg14[%mul3A_26] : memref<100352xf32, #tpu.memory_space<vmem_shared>> -> memref<6272xf32, #tpu.memory_space<vmem_shared>>
      tpu.wait_dma2 semaphore(%run_scoped3A : memref<!tpu.dma_semaphore, #tpu.memory_space<semaphore_mem>>) src(%arg9 : memref<6272xf32, #tpu.memory_space<vmem>>) dst(%dma_wait3A_123 : memref<6272xf32, #tpu.memory_space<vmem_shared>>)
      tpu.yield
    }) : () -> ()
    %scan3A_27 = arith.constant 0 : i32
    %scan3A_28 = arith.constant 0 : i32
    %scan3A_29 = arith.constant 8 : i32
    %scan3A_30 = arith.addi %scan3A_28, %scan3A_29 : i32
    %scan3A_31 = arith.constant 1 : i32
    %scan3A_32 = scf.for %scan3A_121 = %scan3A_28 to %scan3A_30 step %scan3A_31 iter_args(%scan3A_122 = %scan3A_27) -> (i32)  : i32 {
      %mul3A_123 = arith.constant 16 : i32
      %mul3A_124 = arith.muli %mul3A_123, %scan3A_121 : i32
      %swap3A = arith.constant 0 : i32
      %swap3A_125 = arith.constant 0 : i32
      %swap3A_126 = arith.index_cast %swap3A : i32 to index
      %swap3A_127 = arith.index_cast %swap3A_125 : i32 to index
      %swap3A_128 = arith.index_cast %mul3A_124 : i32 to index
      %swap3A_129 = tpu.vector_load %arg10[%swap3A_126, %swap3A_127, %swap3A_128] {strides = array<i32>} : memref<2x2x128xi32, #tpu.memory_space<vmem>>, vector<16xi32>,
      tpu.vector_store %arg10[%swap3A_126, %swap3A_127, %swap3A_128], %add3A_16 {strides = array<i32>} : memref<2x2x128xi32, #tpu.memory_space<vmem>>, vector<16xi32>,
      %mul3A_130 = arith.constant 16 : i32
      %mul3A_131 = arith.muli %mul3A_130, %scan3A_121 : i32
      %swap3A_132 = arith.constant 0 : i32
      %swap3A_133 = arith.constant 0 : i32
      %swap3A_134 = arith.index_cast %swap3A_132 : i32 to index
      %swap3A_135 = arith.index_cast %swap3A_133 : i32 to index
      %swap3A_136 = arith.index_cast %mul3A_131 : i32 to index
      %swap3A_137 = tpu.vector_load %arg11[%swap3A_134, %swap3A_135, %swap3A_136] {strides = array<i32>} : memref<2x2x128xf32, #tpu.memory_space<vmem>>, vector<16xf32>,
      tpu.vector_store %arg11[%swap3A_134, %swap3A_135, %swap3A_136], %broadcast_in_dim3A_18 {strides = array<i32>} : memref<2x2x128xf32, #tpu.memory_space<vmem>>, vector<16xf32>,
      %mul3A_138 = arith.constant 16 : i32
      %mul3A_139 = arith.muli %mul3A_138, %scan3A_121 : i32
      %swap3A_140 = arith.constant 0 : i32
      %swap3A_141 = arith.constant 0 : i32
      %swap3A_142 = arith.index_cast %swap3A_140 : i32 to index
      %swap3A_143 = arith.index_cast %swap3A_141 : i32 to index
      %swap3A_144 = arith.index_cast %mul3A_139 : i32 to index
      %swap3A_145 = tpu.vector_load %arg12[%swap3A_142, %swap3A_143, %swap3A_144] {strides = array<i32>} : memref<2x2x128xf32, #tpu.memory_space<vmem>>, vector<16xf32>,
      tpu.vector_store %arg12[%swap3A_142, %swap3A_143, %swap3A_144], %broadcast_in_dim3A_18 {strides = array<i32>} : memref<2x2x128xf32, #tpu.memory_space<vmem>>, vector<16xf32>,
      %mul3A_146 = arith.constant 16 : i32
      %mul3A_147 = arith.muli %mul3A_146, %scan3A_121 : i32
      %swap3A_148 = arith.constant 0 : i32
      %swap3A_149 = arith.constant 1 : i32
      %swap3A_150 = arith.index_cast %swap3A_148 : i32 to index
      %swap3A_151 = arith.index_cast %swap3A_149 : i32 to index
      %swap3A_152 = arith.index_cast %mul3A_147 : i32 to index
      %swap3A_153 = tpu.vector_load %arg10[%swap3A_150, %swap3A_151, %swap3A_152] {strides = array<i32>} : memref<2x2x128xi32, #tpu.memory_space<vmem>>, vector<16xi32>,
      tpu.vector_store %arg10[%swap3A_150, %swap3A_151, %swap3A_152], %add3A_16 {strides = array<i32>} : memref<2x2x128xi32, #tpu.memory_space<vmem>>, vector<16xi32>,
      %mul3A_154 = arith.constant 16 : i32
      %mul3A_155 = arith.muli %mul3A_154, %scan3A_121 : i32
      %swap3A_156 = arith.constant 0 : i32
      %swap3A_157 = arith.constant 1 : i32
      %swap3A_158 = arith.index_cast %swap3A_156 : i32 to index
      %swap3A_159 = arith.index_cast %swap3A_157 : i32 to index
      %swap3A_160 = arith.index_cast %mul3A_155 : i32 to index
      %swap3A_161 = tpu.vector_load %arg11[%swap3A_158, %swap3A_159, %swap3A_160] {strides = array<i32>} : memref<2x2x128xf32, #tpu.memory_space<vmem>>, vector<16xf32>,
      tpu.vector_store %arg11[%swap3A_158, %swap3A_159, %swap3A_160], %broadcast_in_dim3A_18 {strides = array<i32>} : memref<2x2x128xf32, #tpu.memory_space<vmem>>, vector<16xf32>,
      %mul3A_162 = arith.constant 16 : i32
      %mul3A_163 = arith.muli %mul3A_162, %scan3A_121 : i32
      %swap3A_164 = arith.constant 0 : i32
      %swap3A_165 = arith.constant 1 : i32
      %swap3A_166 = arith.index_cast %swap3A_164 : i32 to index
      %swap3A_167 = arith.index_cast %swap3A_165 : i32 to index
      %swap3A_168 = arith.index_cast %mul3A_163 : i32 to index
      %swap3A_169 = tpu.vector_load %arg12[%swap3A_166, %swap3A_167, %swap3A_168] {strides = array<i32>} : memref<2x2x128xf32, #tpu.memory_space<vmem>>, vector<16xf32>,
      tpu.vector_store %arg12[%swap3A_166, %swap3A_167, %swap3A_168], %broadcast_in_dim3A_18 {strides = array<i32>} : memref<2x2x128xf32, #tpu.memory_space<vmem>>, vector<16xf32>,
      %scan3A_170 = arith.constant 0 : i32
      scf.yield %scan3A_170 : i32
    }
    %scan3A_33 = arith.constant 8 : i32
    %scan3A_34 = arith.constant 0 : i32
    %scan3A_35 = arith.constant 0 : i32
    %scan3A_36 = arith.constant 8 : i32
    %scan3A_37 = arith.addi %scan3A_35, %scan3A_36 : i32
    %scan3A_38 = arith.constant 1 : i32
    %scan3A_39 = scf.for %scan3A_121 = %scan3A_35 to %scan3A_37 step %scan3A_38 iter_args(%scan3A_122 = %scan3A_34) -> (i32)  : i32 {
      %mul3A_123 = arith.constant 16 : i32
      %mul3A_124 = arith.muli %mul3A_123, %scan3A_121 : i32
      %swap3A = arith.constant 1 : i32
      %swap3A_125 = arith.constant 0 : i32
      %swap3A_126 = arith.index_cast %swap3A : i32 to index
      %swap3A_127 = arith.index_cast %swap3A_125 : i32 to index
      %swap3A_128 = arith.index_cast %mul3A_124 : i32 to index
      %swap3A_129 = tpu.vector_load %arg10[%swap3A_126, %swap3A_127, %swap3A_128] {strides = array<i32>} : memref<2x2x128xi32, #tpu.memory_space<vmem>>, vector<16xi32>,
      tpu.vector_store %arg10[%swap3A_126, %swap3A_127, %swap3A_128], %add3A_16 {strides = array<i32>} : memref<2x2x128xi32, #tpu.memory_space<vmem>>, vector<16xi32>,
      %mul3A_130 = arith.constant 16 : i32
      %mul3A_131 = arith.muli %mul3A_130, %scan3A_121 : i32
      %swap3A_132 = arith.constant 1 : i32
      %swap3A_133 = arith.constant 0 : i32
      %swap3A_134 = arith.index_cast %swap3A_132 : i32 to index
      %swap3A_135 = arith.index_cast %swap3A_133 : i32 to index
      %swap3A_136 = arith.index_cast %mul3A_131 : i32 to index
      %swap3A_137 = tpu.vector_load %arg11[%swap3A_134, %swap3A_135, %swap3A_136] {strides = array<i32>} : memref<2x2x128xf32, #tpu.memory_space<vmem>>, vector<16xf32>,
      tpu.vector_store %arg11[%swap3A_134, %swap3A_135, %swap3A_136], %broadcast_in_dim3A_18 {strides = array<i32>} : memref<2x2x128xf32, #tpu.memory_space<vmem>>, vector<16xf32>,
      %mul3A_138 = arith.constant 16 : i32
      %mul3A_139 = arith.muli %mul3A_138, %scan3A_121 : i32
      %swap3A_140 = arith.constant 1 : i32
      %swap3A_141 = arith.constant 0 : i32
      %swap3A_142 = arith.index_cast %swap3A_140 : i32 to index
      %swap3A_143 = arith.index_cast %swap3A_141 : i32 to index
      %swap3A_144 = arith.index_cast %mul3A_139 : i32 to index
      %swap3A_145 = tpu.vector_load %arg12[%swap3A_142, %swap3A_143, %swap3A_144] {strides = array<i32>} : memref<2x2x128xf32, #tpu.memory_space<vmem>>, vector<16xf32>,
      tpu.vector_store %arg12[%swap3A_142, %swap3A_143, %swap3A_144], %broadcast_in_dim3A_18 {strides = array<i32>} : memref<2x2x128xf32, #tpu.memory_space<vmem>>, vector<16xf32>,
      %mul3A_146 = arith.constant 16 : i32
      %mul3A_147 = arith.muli %mul3A_146, %scan3A_121 : i32
      %swap3A_148 = arith.constant 1 : i32
      %swap3A_149 = arith.constant 1 : i32
      %swap3A_150 = arith.index_cast %swap3A_148 : i32 to index
      %swap3A_151 = arith.index_cast %swap3A_149 : i32 to index
      %swap3A_152 = arith.index_cast %mul3A_147 : i32 to index
      %swap3A_153 = tpu.vector_load %arg10[%swap3A_150, %swap3A_151, %swap3A_152] {strides = array<i32>} : memref<2x2x128xi32, #tpu.memory_space<vmem>>, vector<16xi32>,
      tpu.vector_store %arg10[%swap3A_150, %swap3A_151, %swap3A_152], %add3A_16 {strides = array<i32>} : memref<2x2x128xi32, #tpu.memory_space<vmem>>, vector<16xi32>,
      %mul3A_154 = arith.constant 16 : i32
      %mul3A_155 = arith.muli %mul3A_154, %scan3A_121 : i32
      %swap3A_156 = arith.constant 1 : i32
      %swap3A_157 = arith.constant 1 : i32
      %swap3A_158 = arith.index_cast %swap3A_156 : i32 to index
      %swap3A_159 = arith.index_cast %swap3A_157 : i32 to index
      %swap3A_160 = arith.index_cast %mul3A_155 : i32 to index
      %swap3A_161 = tpu.vector_load %arg11[%swap3A_158, %swap3A_159, %swap3A_160] {strides = array<i32>} : memref<2x2x128xf32, #tpu.memory_space<vmem>>, vector<16xf32>,
      tpu.vector_store %arg11[%swap3A_158, %swap3A_159, %swap3A_160], %broadcast_in_dim3A_18 {strides = array<i32>} : memref<2x2x128xf32, #tpu.memory_space<vmem>>, vector<16xf32>,
      %mul3A_162 = arith.constant 16 : i32
      %mul3A_163 = arith.muli %mul3A_162, %scan3A_121 : i32
      %swap3A_164 = arith.constant 1 : i32
      %swap3A_165 = arith.constant 1 : i32
      %swap3A_166 = arith.index_cast %swap3A_164 : i32 to index
      %swap3A_167 = arith.index_cast %swap3A_165 : i32 to index
      %swap3A_168 = arith.index_cast %mul3A_163 : i32 to index
      %swap3A_169 = tpu.vector_load %arg12[%swap3A_166, %swap3A_167, %swap3A_168] {strides = array<i32>} : memref<2x2x128xf32, #tpu.memory_space<vmem>>, vector<16xf32>,
      tpu.vector_store %arg12[%swap3A_166, %swap3A_167, %swap3A_168], %broadcast_in_dim3A_18 {strides = array<i32>} : memref<2x2x128xf32, #tpu.memory_space<vmem>>, vector<16xf32>,
      %scan3A_170 = arith.constant 0 : i32
      scf.yield %scan3A_170 : i32
    }
    %scan3A_40 = arith.constant 8 : i32
    %gt3A_41 = arith.constant 0 : i32
    %gt3A_42 = arith.cmpi sgt, %add3A, %gt3A_41 : i32
    %convert_element_type3A = arith.extui %gt3A_42 : i1 to i32
    %cond3A = arith.constant 0 : i32
    %cond3A_43 = arith.cmpi ne, %convert_element_type3A, %cond3A : i32
    scf.if %cond3A_43 {
      %sub3A = arith.constant 16 : i32
      %sub3A_121 = arith.subi %mul3A_2, %sub3A : i32
      %dma_start3A_122 = arith.constant 0 : i32
      %dma_start3A_123 = tpu.memref_slice %arg8[%dma_start3A_122] : memref<8064xi32, #tpu.memory_space<vmem>> -> memref<4016xi32, #tpu.memory_space<vmem>>
      %dma_start3A_124 = tpu.memref_slice %arg4[%sub3A_121] : memref<6400000xi32, #tpu.memory_space<hbm>> -> memref<4016xi32, #tpu.memory_space<hbm>>
      %dma_start3A_125 = arith.constant 0 : i32
      %dma_start3A_126 = tpu.memref_slice %arg8[%dma_start3A_125] : memref<8064xi32, #tpu.memory_space<vmem>> -> memref<4016xi32, #tpu.memory_space<vmem>>
      %dma_start3A_127 = tpu.memref_slice %arg4[%sub3A_121] : memref<6400000xi32, #tpu.memory_space<hbm>> -> memref<4016xi32, #tpu.memory_space<hbm>>
      tpu.enqueue_dma source(%dma_start3A_127 : memref<4016xi32, #tpu.memory_space<hbm>>) target(%dma_start3A_126 : memref<4016xi32, #tpu.memory_space<vmem>>) target_semaphore(%arg15 : memref<!tpu.dma_semaphore, #tpu.memory_space<semaphore_mem>>)
    } else {
    }
    %eq3A_44 = arith.constant 0 : i32
    %eq3A_45 = arith.cmpi eq, %add3A, %eq3A_44 : i32
    %convert_element_type3A_46 = arith.extui %eq3A_45 : i1 to i32
    %cond3A_47 = arith.constant 0 : i32
    %cond3A_48 = arith.cmpi ne, %convert_element_type3A_46, %cond3A_47 : i32
    scf.if %cond3A_48 {
      %broadcast_in_dim3A_121 = arith.constant -1 : i32
      %broadcast_in_dim3A_122 = vector.broadcast %broadcast_in_dim3A_121 : i32 to vector<16xi32>
      %swap3A = arith.constant 0 : index
      %swap3A_123 = tpu.vector_load %arg8[%swap3A] {strides = array<i32>} : memref<8064xi32, #tpu.memory_space<vmem>>, vector<16xi32>,
      tpu.vector_store %arg8[%swap3A], %broadcast_in_dim3A_122 {strides = array<i32>} : memref<8064xi32, #tpu.memory_space<vmem>>, vector<16xi32>,
      %dma_start3A_124 = arith.constant 16 : i32
      %dma_start3A_125 = tpu.memref_slice %arg8[%dma_start3A_124] : memref<8064xi32, #tpu.memory_space<vmem>> -> memref<4016xi32, #tpu.memory_space<vmem>>
      %dma_start3A_126 = arith.constant 0 : i32
      %dma_start3A_127 = tpu.memref_slice %arg4[%dma_start3A_126] : memref<6400000xi32, #tpu.memory_space<hbm>> -> memref<4016xi32, #tpu.memory_space<hbm>>
      %dma_start3A_128 = arith.constant 16 : i32
      %dma_start3A_129 = tpu.memref_slice %arg8[%dma_start3A_128] : memref<8064xi32, #tpu.memory_space<vmem>> -> memref<4016xi32, #tpu.memory_space<vmem>>
      %dma_start3A_130 = arith.constant 0 : i32
      %dma_start3A_131 = tpu.memref_slice %arg4[%dma_start3A_130] : memref<6400000xi32, #tpu.memory_space<hbm>> -> memref<4016xi32, #tpu.memory_space<hbm>>
      tpu.enqueue_dma source(%dma_start3A_131 : memref<4016xi32, #tpu.memory_space<hbm>>) target(%dma_start3A_129 : memref<4016xi32, #tpu.memory_space<vmem>>) target_semaphore(%arg15 : memref<!tpu.dma_semaphore, #tpu.memory_space<semaphore_mem>>)
    } else {
    }
    %dma_start3A = arith.constant 0 : i32
    %dma_start3A_49 = tpu.memref_slice %arg6[%dma_start3A] : memref<8000xf32, #tpu.memory_space<vmem>> -> memref<4000xf32, #tpu.memory_space<vmem>>
    %dma_start3A_50 = tpu.memref_slice %arg2[%mul3A_2] : memref<6400000xf32, #tpu.memory_space<hbm>> -> memref<4000xf32, #tpu.memory_space<hbm>>
    %dma_start3A_51 = arith.constant 0 : i32
    %dma_start3A_52 = tpu.memref_slice %arg6[%dma_start3A_51] : memref<8000xf32, #tpu.memory_space<vmem>> -> memref<4000xf32, #tpu.memory_space<vmem>>
    %dma_start3A_53 = tpu.memref_slice %arg2[%mul3A_2] : memref<6400000xf32, #tpu.memory_space<hbm>> -> memref<4000xf32, #tpu.memory_space<hbm>>
    tpu.enqueue_dma source(%dma_start3A_53 : memref<4000xf32, #tpu.memory_space<hbm>>) target(%dma_start3A_52 : memref<4000xf32, #tpu.memory_space<vmem>>) target_semaphore(%arg15 : memref<!tpu.dma_semaphore, #tpu.memory_space<semaphore_mem>>)
    %dma_start3A_54 = arith.constant 0 : i32
    %dma_start3A_55 = tpu.memref_slice %arg7[%dma_start3A_54] : memref<8000xf32, #tpu.memory_space<vmem>> -> memref<4000xf32, #tpu.memory_space<vmem>>
    %dma_start3A_56 = tpu.memref_slice %arg3[%mul3A_2] : memref<6400000xf32, #tpu.memory_space<hbm>> -> memref<4000xf32, #tpu.memory_space<hbm>>
    %dma_start3A_57 = arith.constant 0 : i32
    %dma_start3A_58 = tpu.memref_slice %arg7[%dma_start3A_57] : memref<8000xf32, #tpu.memory_space<vmem>> -> memref<4000xf32, #tpu.memory_space<vmem>>
    %dma_start3A_59 = tpu.memref_slice %arg3[%mul3A_2] : memref<6400000xf32, #tpu.memory_space<hbm>> -> memref<4000xf32, #tpu.memory_space<hbm>>
    tpu.enqueue_dma source(%dma_start3A_59 : memref<4000xf32, #tpu.memory_space<hbm>>) target(%dma_start3A_58 : memref<4000xf32, #tpu.memory_space<vmem>>) target_semaphore(%arg15 : memref<!tpu.dma_semaphore, #tpu.memory_space<semaphore_mem>>)
    %broadcast_in_dim3A_60 = arith.constant 0 : i32
    %broadcast_in_dim3A_61 = vector.broadcast %broadcast_in_dim3A_60 : i32 to vector<16xi32>
    %scan3A_62 = arith.constant 0 : i32
    %scan3A_63 = arith.constant 0 : i32
    %scan3A_64 = arith.constant 0 : i32
    %scan3A_65 = arith.constant 25 : i32
    %scan3A_66 = arith.addi %scan3A_64, %scan3A_65 : i32
    %scan3A_67 = arith.constant 1 : i32
    %scan3A_68:3 = scf.for %scan3A_121 = %scan3A_64 to %scan3A_66 step %scan3A_67 iter_args(%scan3A_122 = %broadcast_in_dim3A_61, %scan3A_123 = %scan3A_62, %scan3A_124 = %scan3A_63) -> (vector<16xi32>, i32, i32)  : i32 {
      %mul3A_125 = arith.constant 2 : i32
      %mul3A_126 = arith.muli %mul3A_125, %scan3A_121 : i32
      %add3A_127 = arith.constant 0 : i32
      %add3A_128 = arith.addi %mul3A_126, %add3A_127 : i32
      %dma_wait3A = arith.constant 0 : i32
      %dma_wait3A_129 = tpu.memref_slice %arg6[%dma_wait3A] : memref<8000xf32, #tpu.memory_space<vmem>> -> memref<4000xf32, #tpu.memory_space<vmem>>
      %dma_wait3A_130 = arith.constant 0 : i32
      %dma_wait3A_131 = tpu.memref_slice %arg2[%dma_wait3A_130] : memref<6400000xf32, #tpu.memory_space<hbm>> -> memref<4000xf32, #tpu.memory_space<hbm>>
      %dma_wait3A_132 = arith.constant 0 : i32
      %dma_wait3A_133 = tpu.memref_slice %arg6[%dma_wait3A_132] : memref<8000xf32, #tpu.memory_space<vmem>> -> memref<4000xf32, #tpu.memory_space<vmem>>
      %dma_wait3A_134 = arith.constant 0 : i32
      %dma_wait3A_135 = tpu.memref_slice %arg2[%dma_wait3A_134] : memref<6400000xf32, #tpu.memory_space<hbm>> -> memref<4000xf32, #tpu.memory_space<hbm>>
      tpu.wait_dma2 semaphore(%arg15 : memref<!tpu.dma_semaphore, #tpu.memory_space<semaphore_mem>>) src(%dma_wait3A_135 : memref<4000xf32, #tpu.memory_space<hbm>>) dst(%dma_wait3A_133 : memref<4000xf32, #tpu.memory_space<vmem>>)
      %dma_wait3A_136 = arith.constant 0 : i32
      %dma_wait3A_137 = tpu.memref_slice %arg7[%dma_wait3A_136] : memref<8000xf32, #tpu.memory_space<vmem>> -> memref<4000xf32, #tpu.memory_space<vmem>>
      %dma_wait3A_138 = arith.constant 0 : i32
      %dma_wait3A_139 = tpu.memref_slice %arg3[%dma_wait3A_138] : memref<6400000xf32, #tpu.memory_space<hbm>> -> memref<4000xf32, #tpu.memory_space<hbm>>
      %dma_wait3A_140 = arith.constant 0 : i32
      %dma_wait3A_141 = tpu.memref_slice %arg7[%dma_wait3A_140] : memref<8000xf32, #tpu.memory_space<vmem>> -> memref<4000xf32, #tpu.memory_space<vmem>>
      %dma_wait3A_142 = arith.constant 0 : i32
      %dma_wait3A_143 = tpu.memref_slice %arg3[%dma_wait3A_142] : memref<6400000xf32, #tpu.memory_space<hbm>> -> memref<4000xf32, #tpu.memory_space<hbm>>
      tpu.wait_dma2 semaphore(%arg15 : memref<!tpu.dma_semaphore, #tpu.memory_space<semaphore_mem>>) src(%dma_wait3A_143 : memref<4000xf32, #tpu.memory_space<hbm>>) dst(%dma_wait3A_141 : memref<4000xf32, #tpu.memory_space<vmem>>)
      %dma_wait3A_144 = arith.constant 0 : i32
      %dma_wait3A_145 = tpu.memref_slice %arg8[%dma_wait3A_144] : memref<8064xi32, #tpu.memory_space<vmem>> -> memref<4016xi32, #tpu.memory_space<vmem>>
      %dma_wait3A_146 = arith.constant 0 : i32
      %dma_wait3A_147 = tpu.memref_slice %arg4[%dma_wait3A_146] : memref<6400000xi32, #tpu.memory_space<hbm>> -> memref<4016xi32, #tpu.memory_space<hbm>>
      %dma_wait3A_148 = arith.constant 0 : i32
      %dma_wait3A_149 = tpu.memref_slice %arg8[%dma_wait3A_148] : memref<8064xi32, #tpu.memory_space<vmem>> -> memref<4016xi32, #tpu.memory_space<vmem>>
      %dma_wait3A_150 = arith.constant 0 : i32
      %dma_wait3A_151 = tpu.memref_slice %arg4[%dma_wait3A_150] : memref<6400000xi32, #tpu.memory_space<hbm>> -> memref<4016xi32, #tpu.memory_space<hbm>>
      tpu.wait_dma2 semaphore(%arg15 : memref<!tpu.dma_semaphore, #tpu.memory_space<semaphore_mem>>) src(%dma_wait3A_151 : memref<4016xi32, #tpu.memory_space<hbm>>) dst(%dma_wait3A_149 : memref<4016xi32, #tpu.memory_space<vmem>>)
      %add3A_152 = arith.constant 1 : i32
      %add3A_153 = arith.addi %add3A_128, %add3A_152 : i32
      %lt3A = arith.constant 50 : i32
      %lt3A_154 = arith.cmpi slt, %add3A_153, %lt3A : i32
      %convert_element_type3A_155 = arith.extui %lt3A_154 : i1 to i32
      %cond3A_156 = arith.constant 0 : i32
      %cond3A_157 = arith.cmpi ne, %convert_element_type3A_155, %cond3A_156 : i32
      scf.if %cond3A_157 {
        %add3A_205 = arith.constant 1 : i32
        %add3A_206 = arith.addi %add3A_128, %add3A_205 : i32
        %mul3A_207 = arith.constant 4000 : i32
        %mul3A_208 = arith.muli %add3A_206, %mul3A_207 : i32
        %add3A_209 = arith.addi %mul3A_2, %mul3A_208 : i32
        %dma_start3A_210 = arith.constant 4000 : i32
        %dma_start3A_211 = tpu.memref_slice %arg6[%dma_start3A_210] : memref<8000xf32, #tpu.memory_space<vmem>> -> memref<4000xf32, #tpu.memory_space<vmem>>
        %dma_start3A_212 = tpu.memref_slice %arg2[%add3A_209] : memref<6400000xf32, #tpu.memory_space<hbm>> -> memref<4000xf32, #tpu.memory_space<hbm>>
        %dma_start3A_213 = arith.constant 4000 : i32
        %dma_start3A_214 = tpu.memref_slice %arg6[%dma_start3A_213] : memref<8000xf32, #tpu.memory_space<vmem>> -> memref<4000xf32, #tpu.memory_space<vmem>>
        %dma_start3A_215 = tpu.memref_slice %arg2[%add3A_209] : memref<6400000xf32, #tpu.memory_space<hbm>> -> memref<4000xf32, #tpu.memory_space<hbm>>
        tpu.enqueue_dma source(%dma_start3A_215 : memref<4000xf32, #tpu.memory_space<hbm>>) target(%dma_start3A_214 : memref<4000xf32, #tpu.memory_space<vmem>>) target_semaphore(%arg15 : memref<!tpu.dma_semaphore, #tpu.memory_space<semaphore_mem>>)
        %dma_start3A_216 = arith.constant 4000 : i32
        %dma_start3A_217 = tpu.memref_slice %arg7[%dma_start3A_216] : memref<8000xf32, #tpu.memory_space<vmem>> -> memref<4000xf32, #tpu.memory_space<vmem>>
        %dma_start3A_218 = tpu.memref_slice %arg3[%add3A_209] : memref<6400000xf32, #tpu.memory_space<hbm>> -> memref<4000xf32, #tpu.memory_space<hbm>>
        %dma_start3A_219 = arith.constant 4000 : i32
        %dma_start3A_220 = tpu.memref_slice %arg7[%dma_start3A_219] : memref<8000xf32, #tpu.memory_space<vmem>> -> memref<4000xf32, #tpu.memory_space<vmem>>
        %dma_start3A_221 = tpu.memref_slice %arg3[%add3A_209] : memref<6400000xf32, #tpu.memory_space<hbm>> -> memref<4000xf32, #tpu.memory_space<hbm>>
        tpu.enqueue_dma source(%dma_start3A_221 : memref<4000xf32, #tpu.memory_space<hbm>>) target(%dma_start3A_220 : memref<4000xf32, #tpu.memory_space<vmem>>) target_semaphore(%arg15 : memref<!tpu.dma_semaphore, #tpu.memory_space<semaphore_mem>>)
        %sub3A = arith.constant 16 : i32
        %sub3A_222 = arith.subi %add3A_209, %sub3A : i32
        %dma_start3A_223 = arith.constant 4032 : i32
        %dma_start3A_224 = tpu.memref_slice %arg8[%dma_start3A_223] : memref<8064xi32, #tpu.memory_space<vmem>> -> memref<4016xi32, #tpu.memory_space<vmem>>
        %dma_start3A_225 = tpu.memref_slice %arg4[%sub3A_222] : memref<6400000xi32, #tpu.memory_space<hbm>> -> memref<4016xi32, #tpu.memory_space<hbm>>
        %dma_start3A_226 = arith.constant 4032 : i32
        %dma_start3A_227 = tpu.memref_slice %arg8[%dma_start3A_226] : memref<8064xi32, #tpu.memory_space<vmem>> -> memref<4016xi32, #tpu.memory_space<vmem>>
        %dma_start3A_228 = tpu.memref_slice %arg4[%sub3A_222] : memref<6400000xi32, #tpu.memory_space<hbm>> -> memref<4016xi32, #tpu.memory_space<hbm>>
        tpu.enqueue_dma source(%dma_start3A_228 : memref<4016xi32, #tpu.memory_space<hbm>>) target(%dma_start3A_227 : memref<4016xi32, #tpu.memory_space<vmem>>) target_semaphore(%arg15 : memref<!tpu.dma_semaphore, #tpu.memory_space<semaphore_mem>>)
      } else {
      }
      %scan3A_158 = arith.constant 0 : i32
      %scan3A_159 = arith.constant 25 : i32
      %scan3A_160 = arith.addi %scan3A_158, %scan3A_159 : i32
      %scan3A_161 = arith.constant 1 : i32
      %scan3A_162:3 = scf.for %scan3A_205 = %scan3A_158 to %scan3A_160 step %scan3A_161 iter_args(%scan3A_206 = %scan3A_122, %scan3A_207 = %scan3A_123, %scan3A_208 = %scan3A_124) -> (vector<16xi32>, i32, i32)  : i32 {
        %mul3A_209 = arith.constant 160 : i32
        %mul3A_210 = arith.muli %scan3A_205, %mul3A_209 : i32
        %add3A_211 = arith.constant 16 : i32
        %add3A_212 = arith.addi %add3A_211, %mul3A_210 : i32
        %mul3A_213 = arith.constant 160 : i32
        %mul3A_214 = arith.muli %scan3A_205, %mul3A_213 : i32
        %add3A_215 = arith.constant 0 : i32
        %add3A_216 = arith.addi %add3A_215, %mul3A_214 : i32
        %broadcast_in_dim3A_217 = vector.broadcast %scan3A_207 : i32 to vector<16xi32>
        %add3A_218 = arith.constant 0 : i32
        %add3A_219 = arith.addi %add3A_212, %add3A_218 : i32
        %add3A_220 = arith.constant 16 : i32
        %add3A_221 = arith.addi %add3A_212, %add3A_220 : i32
        %add3A_222 = arith.constant 32 : i32
        %add3A_223 = arith.addi %add3A_212, %add3A_222 : i32
        %add3A_224 = arith.constant 48 : i32
        %add3A_225 = arith.addi %add3A_212, %add3A_224 : i32
        %add3A_226 = arith.constant 64 : i32
        %add3A_227 = arith.addi %add3A_212, %add3A_226 : i32
        %add3A_228 = arith.constant 80 : i32
        %add3A_229 = arith.addi %add3A_212, %add3A_228 : i32
        %add3A_230 = arith.constant 96 : i32
        %add3A_231 = arith.addi %add3A_212, %add3A_230 : i32
        %add3A_232 = arith.constant 112 : i32
        %add3A_233 = arith.addi %add3A_212, %add3A_232 : i32
        %add3A_234 = arith.constant 128 : i32
        %add3A_235 = arith.addi %add3A_212, %add3A_234 : i32
        %add3A_236 = arith.constant 144 : i32
        %add3A_237 = arith.addi %add3A_212, %add3A_236 : i32
        %add3A_238 = arith.constant 0 : i32
        %add3A_239 = arith.addi %add3A_216, %add3A_238 : i32
        %add3A_240 = arith.constant 16 : i32
        %add3A_241 = arith.addi %add3A_216, %add3A_240 : i32
        %add3A_242 = arith.constant 32 : i32
        %add3A_243 = arith.addi %add3A_216, %add3A_242 : i32
        %add3A_244 = arith.constant 48 : i32
        %add3A_245 = arith.addi %add3A_216, %add3A_244 : i32
        %add3A_246 = arith.constant 64 : i32
        %add3A_247 = arith.addi %add3A_216, %add3A_246 : i32
        %add3A_248 = arith.constant 80 : i32
        %add3A_249 = arith.addi %add3A_216, %add3A_248 : i32
        %add3A_250 = arith.constant 96 : i32
        %add3A_251 = arith.addi %add3A_216, %add3A_250 : i32
        %add3A_252 = arith.constant 112 : i32
        %add3A_253 = arith.addi %add3A_216, %add3A_252 : i32
        %add3A_254 = arith.constant 128 : i32
        %add3A_255 = arith.addi %add3A_216, %add3A_254 : i32
        %add3A_256 = arith.constant 144 : i32
        %add3A_257 = arith.addi %add3A_216, %add3A_256 : i32
        %get3A = arith.index_cast %add3A_219 : i32 to index
        %get3A_258 = tpu.vector_load %arg8[%get3A] {strides = array<i32>} : memref<8064xi32, #tpu.memory_space<vmem>>, vector<16xi32>,
        %get3A_259 = arith.index_cast %add3A_221 : i32 to index
        %get3A_260 = tpu.vector_load %arg8[%get3A_259] {strides = array<i32>} : memref<8064xi32, #tpu.memory_space<vmem>>, vector<16xi32>,
        %get3A_261 = arith.index_cast %add3A_223 : i32 to index
        %get3A_262 = tpu.vector_load %arg8[%get3A_261] {strides = array<i32>} : memref<8064xi32, #tpu.memory_space<vmem>>, vector<16xi32>,
        %get3A_263 = arith.index_cast %add3A_225 : i32 to index
        %get3A_264 = tpu.vector_load %arg8[%get3A_263] {strides = array<i32>} : memref<8064xi32, #tpu.memory_space<vmem>>, vector<16xi32>,
        %get3A_265 = arith.index_cast %add3A_227 : i32 to index
        %get3A_266 = tpu.vector_load %arg8[%get3A_265] {strides = array<i32>} : memref<8064xi32, #tpu.memory_space<vmem>>, vector<16xi32>,
        %get3A_267 = arith.index_cast %add3A_229 : i32 to index
        %get3A_268 = tpu.vector_load %arg8[%get3A_267] {strides = array<i32>} : memref<8064xi32, #tpu.memory_space<vmem>>, vector<16xi32>,
        %get3A_269 = arith.index_cast %add3A_231 : i32 to index
        %get3A_270 = tpu.vector_load %arg8[%get3A_269] {strides = array<i32>} : memref<8064xi32, #tpu.memory_space<vmem>>, vector<16xi32>,
        %get3A_271 = arith.index_cast %add3A_233 : i32 to index
        %get3A_272 = tpu.vector_load %arg8[%get3A_271] {strides = array<i32>} : memref<8064xi32, #tpu.memory_space<vmem>>, vector<16xi32>,
        %get3A_273 = arith.index_cast %add3A_235 : i32 to index
        %get3A_274 = tpu.vector_load %arg8[%get3A_273] {strides = array<i32>} : memref<8064xi32, #tpu.memory_space<vmem>>, vector<16xi32>,
        %get3A_275 = arith.index_cast %add3A_237 : i32 to index
        %get3A_276 = tpu.vector_load %arg8[%get3A_275] {strides = array<i32>} : memref<8064xi32, #tpu.memory_space<vmem>>, vector<16xi32>,
        %sub3A = arith.constant 1 : i32
        %sub3A_277 = arith.subi %add3A_219, %sub3A : i32
        %get3A_278 = arith.index_cast %sub3A_277 : i32 to index
        %get3A_279 = tpu.vector_load %arg8[%get3A_278] {strides = array<i32>} : memref<8064xi32, #tpu.memory_space<vmem>>, vector<16xi32>,
        %sub3A_280 = arith.constant 1 : i32
        %sub3A_281 = arith.subi %add3A_221, %sub3A_280 : i32
        %get3A_282 = arith.index_cast %sub3A_281 : i32 to index
        %get3A_283 = tpu.vector_load %arg8[%get3A_282] {strides = array<i32>} : memref<8064xi32, #tpu.memory_space<vmem>>, vector<16xi32>,
        %sub3A_284 = arith.constant 1 : i32
        %sub3A_285 = arith.subi %add3A_223, %sub3A_284 : i32
        %get3A_286 = arith.index_cast %sub3A_285 : i32 to index
        %get3A_287 = tpu.vector_load %arg8[%get3A_286] {strides = array<i32>} : memref<8064xi32, #tpu.memory_space<vmem>>, vector<16xi32>,
        %sub3A_288 = arith.constant 1 : i32
        %sub3A_289 = arith.subi %add3A_225, %sub3A_288 : i32
        %get3A_290 = arith.index_cast %sub3A_289 : i32 to index
        %get3A_291 = tpu.vector_load %arg8[%get3A_290] {strides = array<i32>} : memref<8064xi32, #tpu.memory_space<vmem>>, vector<16xi32>,
        %sub3A_292 = arith.constant 1 : i32
        %sub3A_293 = arith.subi %add3A_227, %sub3A_292 : i32
        %get3A_294 = arith.index_cast %sub3A_293 : i32 to index
        %get3A_295 = tpu.vector_load %arg8[%get3A_294] {strides = array<i32>} : memref<8064xi32, #tpu.memory_space<vmem>>, vector<16xi32>,
        %sub3A_296 = arith.constant 1 : i32
        %sub3A_297 = arith.subi %add3A_229, %sub3A_296 : i32
        %get3A_298 = arith.index_cast %sub3A_297 : i32 to index
        %get3A_299 = tpu.vector_load %arg8[%get3A_298] {strides = array<i32>} : memref<8064xi32, #tpu.memory_space<vmem>>, vector<16xi32>,
        %sub3A_300 = arith.constant 1 : i32
        %sub3A_301 = arith.subi %add3A_231, %sub3A_300 : i32
        %get3A_302 = arith.index_cast %sub3A_301 : i32 to index
        %get3A_303 = tpu.vector_load %arg8[%get3A_302] {strides = array<i32>} : memref<8064xi32, #tpu.memory_space<vmem>>, vector<16xi32>,
        %sub3A_304 = arith.constant 1 : i32
        %sub3A_305 = arith.subi %add3A_233, %sub3A_304 : i32
        %get3A_306 = arith.index_cast %sub3A_305 : i32 to index
        %get3A_307 = tpu.vector_load %arg8[%get3A_306] {strides = array<i32>} : memref<8064xi32, #tpu.memory_space<vmem>>, vector<16xi32>,
        %sub3A_308 = arith.constant 1 : i32
        %sub3A_309 = arith.subi %add3A_235, %sub3A_308 : i32
        %get3A_310 = arith.index_cast %sub3A_309 : i32 to index
        %get3A_311 = tpu.vector_load %arg8[%get3A_310] {strides = array<i32>} : memref<8064xi32, #tpu.memory_space<vmem>>, vector<16xi32>,
        %sub3A_312 = arith.constant 1 : i32
        %sub3A_313 = arith.subi %add3A_237, %sub3A_312 : i32
        %get3A_314 = arith.index_cast %sub3A_313 : i32 to index
        %get3A_315 = tpu.vector_load %arg8[%get3A_314] {strides = array<i32>} : memref<8064xi32, #tpu.memory_space<vmem>>, vector<16xi32>,
        %add3A_316 = arith.constant 1 : i32
        %add3A_317 = arith.addi %add3A_219, %add3A_316 : i32
        %get3A_318 = arith.index_cast %add3A_317 : i32 to index
        %get3A_319 = tpu.vector_load %arg8[%get3A_318] {strides = array<i32>} : memref<8064xi32, #tpu.memory_space<vmem>>, vector<16xi32>,
        %add3A_320 = arith.constant 1 : i32
        %add3A_321 = arith.addi %add3A_221, %add3A_320 : i32
        %get3A_322 = arith.index_cast %add3A_321 : i32 to index
        %get3A_323 = tpu.vector_load %arg8[%get3A_322] {strides = array<i32>} : memref<8064xi32, #tpu.memory_space<vmem>>, vector<16xi32>,
        %add3A_324 = arith.constant 1 : i32
        %add3A_325 = arith.addi %add3A_223, %add3A_324 : i32
        %get3A_326 = arith.index_cast %add3A_325 : i32 to index
        %get3A_327 = tpu.vector_load %arg8[%get3A_326] {strides = array<i32>} : memref<8064xi32, #tpu.memory_space<vmem>>, vector<16xi32>,
        %add3A_328 = arith.constant 1 : i32
        %add3A_329 = arith.addi %add3A_225, %add3A_328 : i32
        %get3A_330 = arith.index_cast %add3A_329 : i32 to index
        %get3A_331 = tpu.vector_load %arg8[%get3A_330] {strides = array<i32>} : memref<8064xi32, #tpu.memory_space<vmem>>, vector<16xi32>,
        %add3A_332 = arith.constant 1 : i32
        %add3A_333 = arith.addi %add3A_227, %add3A_332 : i32
        %get3A_334 = arith.index_cast %add3A_333 : i32 to index
        %get3A_335 = tpu.vector_load %arg8[%get3A_334] {strides = array<i32>} : memref<8064xi32, #tpu.memory_space<vmem>>, vector<16xi32>,
        %add3A_336 = arith.constant 1 : i32
        %add3A_337 = arith.addi %add3A_229, %add3A_336 : i32
        %get3A_338 = arith.index_cast %add3A_337 : i32 to index
        %get3A_339 = tpu.vector_load %arg8[%get3A_338] {strides = array<i32>} : memref<8064xi32, #tpu.memory_space<vmem>>, vector<16xi32>,
        %add3A_340 = arith.constant 1 : i32
        %add3A_341 = arith.addi %add3A_231, %add3A_340 : i32
        %get3A_342 = arith.index_cast %add3A_341 : i32 to index
        %get3A_343 = tpu.vector_load %arg8[%get3A_342] {strides = array<i32>} : memref<8064xi32, #tpu.memory_space<vmem>>, vector<16xi32>,
        %add3A_344 = arith.constant 1 : i32
        %add3A_345 = arith.addi %add3A_233, %add3A_344 : i32
        %get3A_346 = arith.index_cast %add3A_345 : i32 to index
        %get3A_347 = tpu.vector_load %arg8[%get3A_346] {strides = array<i32>} : memref<8064xi32, #tpu.memory_space<vmem>>, vector<16xi32>,
        %add3A_348 = arith.constant 1 : i32
        %add3A_349 = arith.addi %add3A_235, %add3A_348 : i32
        %get3A_350 = arith.index_cast %add3A_349 : i32 to index
        %get3A_351 = tpu.vector_load %arg8[%get3A_350] {strides = array<i32>} : memref<8064xi32, #tpu.memory_space<vmem>>, vector<16xi32>,
        %add3A_352 = arith.constant 1 : i32
        %add3A_353 = arith.addi %add3A_237, %add3A_352 : i32
        %get3A_354 = arith.index_cast %add3A_353 : i32 to index
        %get3A_355 = tpu.vector_load %arg8[%get3A_354] {strides = array<i32>} : memref<8064xi32, #tpu.memory_space<vmem>>, vector<16xi32>,
        %get3A_356 = arith.index_cast %add3A_239 : i32 to index
        %get3A_357 = tpu.vector_load %arg6[%get3A_356] {strides = array<i32>} : memref<8000xf32, #tpu.memory_space<vmem>>, vector<16xf32>,
        %get3A_358 = arith.index_cast %add3A_241 : i32 to index
        %get3A_359 = tpu.vector_load %arg6[%get3A_358] {strides = array<i32>} : memref<8000xf32, #tpu.memory_space<vmem>>, vector<16xf32>,
        %get3A_360 = arith.index_cast %add3A_243 : i32 to index
        %get3A_361 = tpu.vector_load %arg6[%get3A_360] {strides = array<i32>} : memref<8000xf32, #tpu.memory_space<vmem>>, vector<16xf32>,
        %get3A_362 = arith.index_cast %add3A_245 : i32 to index
        %get3A_363 = tpu.vector_load %arg6[%get3A_362] {strides = array<i32>} : memref<8000xf32, #tpu.memory_space<vmem>>, vector<16xf32>,
        %get3A_364 = arith.index_cast %add3A_247 : i32 to index
        %get3A_365 = tpu.vector_load %arg6[%get3A_364] {strides = array<i32>} : memref<8000xf32, #tpu.memory_space<vmem>>, vector<16xf32>,
        %get3A_366 = arith.index_cast %add3A_249 : i32 to index
        %get3A_367 = tpu.vector_load %arg6[%get3A_366] {strides = array<i32>} : memref<8000xf32, #tpu.memory_space<vmem>>, vector<16xf32>,
        %get3A_368 = arith.index_cast %add3A_251 : i32 to index
        %get3A_369 = tpu.vector_load %arg6[%get3A_368] {strides = array<i32>} : memref<8000xf32, #tpu.memory_space<vmem>>, vector<16xf32>,
        %get3A_370 = arith.index_cast %add3A_253 : i32 to index
        %get3A_371 = tpu.vector_load %arg6[%get3A_370] {strides = array<i32>} : memref<8000xf32, #tpu.memory_space<vmem>>, vector<16xf32>,
        %get3A_372 = arith.index_cast %add3A_255 : i32 to index
        %get3A_373 = tpu.vector_load %arg6[%get3A_372] {strides = array<i32>} : memref<8000xf32, #tpu.memory_space<vmem>>, vector<16xf32>,
        %get3A_374 = arith.index_cast %add3A_257 : i32 to index
        %get3A_375 = tpu.vector_load %arg6[%get3A_374] {strides = array<i32>} : memref<8000xf32, #tpu.memory_space<vmem>>, vector<16xf32>,
        %get3A_376 = arith.index_cast %add3A_239 : i32 to index
        %get3A_377 = tpu.vector_load %arg7[%get3A_376] {strides = array<i32>} : memref<8000xf32, #tpu.memory_space<vmem>>, vector<16xf32>,
        %get3A_378 = arith.index_cast %add3A_241 : i32 to index
        %get3A_379 = tpu.vector_load %arg7[%get3A_378] {strides = array<i32>} : memref<8000xf32, #tpu.memory_space<vmem>>, vector<16xf32>,
        %get3A_380 = arith.index_cast %add3A_243 : i32 to index
        %get3A_381 = tpu.vector_load %arg7[%get3A_380] {strides = array<i32>} : memref<8000xf32, #tpu.memory_space<vmem>>, vector<16xf32>,
        %get3A_382 = arith.index_cast %add3A_245 : i32 to index
        %get3A_383 = tpu.vector_load %arg7[%get3A_382] {strides = array<i32>} : memref<8000xf32, #tpu.memory_space<vmem>>, vector<16xf32>,
        %get3A_384 = arith.index_cast %add3A_247 : i32 to index
        %get3A_385 = tpu.vector_load %arg7[%get3A_384] {strides = array<i32>} : memref<8000xf32, #tpu.memory_space<vmem>>, vector<16xf32>,
        %get3A_386 = arith.index_cast %add3A_249 : i32 to index
        %get3A_387 = tpu.vector_load %arg7[%get3A_386] {strides = array<i32>} : memref<8000xf32, #tpu.memory_space<vmem>>, vector<16xf32>,
        %get3A_388 = arith.index_cast %add3A_251 : i32 to index
        %get3A_389 = tpu.vector_load %arg7[%get3A_388] {strides = array<i32>} : memref<8000xf32, #tpu.memory_space<vmem>>, vector<16xf32>,
        %get3A_390 = arith.index_cast %add3A_253 : i32 to index
        %get3A_391 = tpu.vector_load %arg7[%get3A_390] {strides = array<i32>} : memref<8000xf32, #tpu.memory_space<vmem>>, vector<16xf32>,
        %get3A_392 = arith.index_cast %add3A_255 : i32 to index
        %get3A_393 = tpu.vector_load %arg7[%get3A_392] {strides = array<i32>} : memref<8000xf32, #tpu.memory_space<vmem>>, vector<16xf32>,
        %get3A_394 = arith.index_cast %add3A_257 : i32 to index
        %get3A_395 = tpu.vector_load %arg7[%get3A_394] {strides = array<i32>} : memref<8000xf32, #tpu.memory_space<vmem>>, vector<16xf32>,
        %neg3A = arith.constant 0.000000e+00 : f32
        %neg3A_396 = vector.broadcast %neg3A : f32 to vector<16xf32>
        %neg3A_397 = arith.subf %neg3A_396, %get3A_357 : vector<16xf32>
        %exp3A = math.exp %neg3A_397 : vector<16xf32>
        %add3A_398 = arith.constant 1.000000e+00 : f32
        %add3A_399 = vector.broadcast %add3A_398 : f32 to vector<16xf32>
        %add3A_400 = arith.addf %add3A_399, %exp3A : vector<16xf32>
        %div3A = arith.constant 1.000000e+00 : f32
        %div3A_401 = vector.broadcast %div3A : f32 to vector<16xf32>
        %div3A_402 = arith.divf %div3A_401, %add3A_400 : vector<16xf32>
        %neg3A_403 = arith.constant 0.000000e+00 : f32
        %neg3A_404 = vector.broadcast %neg3A_403 : f32 to vector<16xf32>
        %neg3A_405 = arith.subf %neg3A_404, %get3A_359 : vector<16xf32>
        %exp3A_406 = math.exp %neg3A_405 : vector<16xf32>
        %add3A_407 = arith.constant 1.000000e+00 : f32
        %add3A_408 = vector.broadcast %add3A_407 : f32 to vector<16xf32>
        %add3A_409 = arith.addf %add3A_408, %exp3A_406 : vector<16xf32>
        %div3A_410 = arith.constant 1.000000e+00 : f32
        %div3A_411 = vector.broadcast %div3A_410 : f32 to vector<16xf32>
        %div3A_412 = arith.divf %div3A_411, %add3A_409 : vector<16xf32>
        %neg3A_413 = arith.constant 0.000000e+00 : f32
        %neg3A_414 = vector.broadcast %neg3A_413 : f32 to vector<16xf32>
        %neg3A_415 = arith.subf %neg3A_414, %get3A_361 : vector<16xf32>
        %exp3A_416 = math.exp %neg3A_415 : vector<16xf32>
        %add3A_417 = arith.constant 1.000000e+00 : f32
        %add3A_418 = vector.broadcast %add3A_417 : f32 to vector<16xf32>
        %add3A_419 = arith.addf %add3A_418, %exp3A_416 : vector<16xf32>
        %div3A_420 = arith.constant 1.000000e+00 : f32
        %div3A_421 = vector.broadcast %div3A_420 : f32 to vector<16xf32>
        %div3A_422 = arith.divf %div3A_421, %add3A_419 : vector<16xf32>
        %neg3A_423 = arith.constant 0.000000e+00 : f32
        %neg3A_424 = vector.broadcast %neg3A_423 : f32 to vector<16xf32>
        %neg3A_425 = arith.subf %neg3A_424, %get3A_363 : vector<16xf32>
        %exp3A_426 = math.exp %neg3A_425 : vector<16xf32>
        %add3A_427 = arith.constant 1.000000e+00 : f32
        %add3A_428 = vector.broadcast %add3A_427 : f32 to vector<16xf32>
        %add3A_429 = arith.addf %add3A_428, %exp3A_426 : vector<16xf32>
        %div3A_430 = arith.constant 1.000000e+00 : f32
        %div3A_431 = vector.broadcast %div3A_430 : f32 to vector<16xf32>
        %div3A_432 = arith.divf %div3A_431, %add3A_429 : vector<16xf32>
        %neg3A_433 = arith.constant 0.000000e+00 : f32
        %neg3A_434 = vector.broadcast %neg3A_433 : f32 to vector<16xf32>
        %neg3A_435 = arith.subf %neg3A_434, %get3A_365 : vector<16xf32>
        %exp3A_436 = math.exp %neg3A_435 : vector<16xf32>
        %add3A_437 = arith.constant 1.000000e+00 : f32
        %add3A_438 = vector.broadcast %add3A_437 : f32 to vector<16xf32>
        %add3A_439 = arith.addf %add3A_438, %exp3A_436 : vector<16xf32>
        %div3A_440 = arith.constant 1.000000e+00 : f32
        %div3A_441 = vector.broadcast %div3A_440 : f32 to vector<16xf32>
        %div3A_442 = arith.divf %div3A_441, %add3A_439 : vector<16xf32>
        %neg3A_443 = arith.constant 0.000000e+00 : f32
        %neg3A_444 = vector.broadcast %neg3A_443 : f32 to vector<16xf32>
        %neg3A_445 = arith.subf %neg3A_444, %get3A_367 : vector<16xf32>
        %exp3A_446 = math.exp %neg3A_445 : vector<16xf32>
        %add3A_447 = arith.constant 1.000000e+00 : f32
        %add3A_448 = vector.broadcast %add3A_447 : f32 to vector<16xf32>
        %add3A_449 = arith.addf %add3A_448, %exp3A_446 : vector<16xf32>
        %div3A_450 = arith.constant 1.000000e+00 : f32
        %div3A_451 = vector.broadcast %div3A_450 : f32 to vector<16xf32>
        %div3A_452 = arith.divf %div3A_451, %add3A_449 : vector<16xf32>
        %neg3A_453 = arith.constant 0.000000e+00 : f32
        %neg3A_454 = vector.broadcast %neg3A_453 : f32 to vector<16xf32>
        %neg3A_455 = arith.subf %neg3A_454, %get3A_369 : vector<16xf32>
        %exp3A_456 = math.exp %neg3A_455 : vector<16xf32>
        %add3A_457 = arith.constant 1.000000e+00 : f32
        %add3A_458 = vector.broadcast %add3A_457 : f32 to vector<16xf32>
        %add3A_459 = arith.addf %add3A_458, %exp3A_456 : vector<16xf32>
        %div3A_460 = arith.constant 1.000000e+00 : f32
        %div3A_461 = vector.broadcast %div3A_460 : f32 to vector<16xf32>
        %div3A_462 = arith.divf %div3A_461, %add3A_459 : vector<16xf32>
        %neg3A_463 = arith.constant 0.000000e+00 : f32
        %neg3A_464 = vector.broadcast %neg3A_463 : f32 to vector<16xf32>
        %neg3A_465 = arith.subf %neg3A_464, %get3A_371 : vector<16xf32>
        %exp3A_466 = math.exp %neg3A_465 : vector<16xf32>
        %add3A_467 = arith.constant 1.000000e+00 : f32
        %add3A_468 = vector.broadcast %add3A_467 : f32 to vector<16xf32>
        %add3A_469 = arith.addf %add3A_468, %exp3A_466 : vector<16xf32>
        %div3A_470 = arith.constant 1.000000e+00 : f32
        %div3A_471 = vector.broadcast %div3A_470 : f32 to vector<16xf32>
        %div3A_472 = arith.divf %div3A_471, %add3A_469 : vector<16xf32>
        %neg3A_473 = arith.constant 0.000000e+00 : f32
        %neg3A_474 = vector.broadcast %neg3A_473 : f32 to vector<16xf32>
        %neg3A_475 = arith.subf %neg3A_474, %get3A_373 : vector<16xf32>
        %exp3A_476 = math.exp %neg3A_475 : vector<16xf32>
        %add3A_477 = arith.constant 1.000000e+00 : f32
        %add3A_478 = vector.broadcast %add3A_477 : f32 to vector<16xf32>
        %add3A_479 = arith.addf %add3A_478, %exp3A_476 : vector<16xf32>
        %div3A_480 = arith.constant 1.000000e+00 : f32
        %div3A_481 = vector.broadcast %div3A_480 : f32 to vector<16xf32>
        %div3A_482 = arith.divf %div3A_481, %add3A_479 : vector<16xf32>
        %neg3A_483 = arith.constant 0.000000e+00 : f32
        %neg3A_484 = vector.broadcast %neg3A_483 : f32 to vector<16xf32>
        %neg3A_485 = arith.subf %neg3A_484, %get3A_375 : vector<16xf32>
        %exp3A_486 = math.exp %neg3A_485 : vector<16xf32>
        %add3A_487 = arith.constant 1.000000e+00 : f32
        %add3A_488 = vector.broadcast %add3A_487 : f32 to vector<16xf32>
        %add3A_489 = arith.addf %add3A_488, %exp3A_486 : vector<16xf32>
        %div3A_490 = arith.constant 1.000000e+00 : f32
        %div3A_491 = vector.broadcast %div3A_490 : f32 to vector<16xf32>
        %div3A_492 = arith.divf %div3A_491, %add3A_489 : vector<16xf32>
        %ne3A = arith.cmpi ne, %get3A_258, %get3A_279 : vector<16xi32>
        %ne3A_493 = arith.cmpi ne, %get3A_260, %get3A_283 : vector<16xi32>
        %ne3A_494 = arith.cmpi ne, %get3A_262, %get3A_287 : vector<16xi32>
        %ne3A_495 = arith.cmpi ne, %get3A_264, %get3A_291 : vector<16xi32>
        %ne3A_496 = arith.cmpi ne, %get3A_266, %get3A_295 : vector<16xi32>
        %ne3A_497 = arith.cmpi ne, %get3A_268, %get3A_299 : vector<16xi32>
        %ne3A_498 = arith.cmpi ne, %get3A_270, %get3A_303 : vector<16xi32>
        %ne3A_499 = arith.cmpi ne, %get3A_272, %get3A_307 : vector<16xi32>
        %ne3A_500 = arith.cmpi ne, %get3A_274, %get3A_311 : vector<16xi32>
        %ne3A_501 = arith.cmpi ne, %get3A_276, %get3A_315 : vector<16xi32>
        %and3A_502 = arith.andi %ne3A, %gt3A_9 : vector<16xi1>
        %and3A_503 = arith.andi %ne3A_493, %gt3A_9 : vector<16xi1>
        %and3A_504 = arith.andi %ne3A_494, %gt3A_9 : vector<16xi1>
        %and3A_505 = arith.andi %ne3A_495, %gt3A_9 : vector<16xi1>
        %and3A_506 = arith.andi %ne3A_496, %gt3A_9 : vector<16xi1>
        %and3A_507 = arith.andi %ne3A_497, %gt3A_9 : vector<16xi1>
        %and3A_508 = arith.andi %ne3A_498, %gt3A_9 : vector<16xi1>
        %and3A_509 = arith.andi %ne3A_499, %gt3A_9 : vector<16xi1>
        %and3A_510 = arith.andi %ne3A_500, %gt3A_9 : vector<16xi1>
        %and3A_511 = arith.andi %ne3A_501, %gt3A_9 : vector<16xi1>
        %jit3A = arith.constant 1 : i32
        %jit3A_512 = arith.constant 0 : i32
        %broadcast_in_dim3A_513 = vector.broadcast %jit3A : i32 to vector<16xi32>
        %broadcast_in_dim3A_514 = vector.broadcast %jit3A_512 : i32 to vector<16xi32>
        %select_n3A = arith.select %and3A_502, %broadcast_in_dim3A_513, %broadcast_in_dim3A_514 : vector<16xi1>, vector<16xi32>
        %broadcast_in_dim3A_515 = arith.constant true
        %broadcast_in_dim3A_516 = vector.broadcast %broadcast_in_dim3A_515 : i1 to vector<16xi1>
        %masked_cumsum3A = tpu.scan <sum>, %select_n3A masked %broadcast_in_dim3A_516 : vector<16xi32>, vector<16xi1> -> vector<16xi32>
        %jit3A_517 = arith.constant 1 : i32
        %jit3A_518 = arith.constant 0 : i32
        %broadcast_in_dim3A_519 = vector.broadcast %jit3A_517 : i32 to vector<16xi32>
        %broadcast_in_dim3A_520 = vector.broadcast %jit3A_518 : i32 to vector<16xi32>
        %select_n3A_521 = arith.select %and3A_503, %broadcast_in_dim3A_519, %broadcast_in_dim3A_520 : vector<16xi1>, vector<16xi32>
        %broadcast_in_dim3A_522 = arith.constant true
        %broadcast_in_dim3A_523 = vector.broadcast %broadcast_in_dim3A_522 : i1 to vector<16xi1>
        %masked_cumsum3A_524 = tpu.scan <sum>, %select_n3A_521 masked %broadcast_in_dim3A_523 : vector<16xi32>, vector<16xi1> -> vector<16xi32>
        %jit3A_525 = arith.constant 1 : i32
        %jit3A_526 = arith.constant 0 : i32
        %broadcast_in_dim3A_527 = vector.broadcast %jit3A_525 : i32 to vector<16xi32>
        %broadcast_in_dim3A_528 = vector.broadcast %jit3A_526 : i32 to vector<16xi32>
        %select_n3A_529 = arith.select %and3A_504, %broadcast_in_dim3A_527, %broadcast_in_dim3A_528 : vector<16xi1>, vector<16xi32>
        %broadcast_in_dim3A_530 = arith.constant true
        %broadcast_in_dim3A_531 = vector.broadcast %broadcast_in_dim3A_530 : i1 to vector<16xi1>
        %masked_cumsum3A_532 = tpu.scan <sum>, %select_n3A_529 masked %broadcast_in_dim3A_531 : vector<16xi32>, vector<16xi1> -> vector<16xi32>
        %jit3A_533 = arith.constant 1 : i32
        %jit3A_534 = arith.constant 0 : i32
        %broadcast_in_dim3A_535 = vector.broadcast %jit3A_533 : i32 to vector<16xi32>
        %broadcast_in_dim3A_536 = vector.broadcast %jit3A_534 : i32 to vector<16xi32>
        %select_n3A_537 = arith.select %and3A_505, %broadcast_in_dim3A_535, %broadcast_in_dim3A_536 : vector<16xi1>, vector<16xi32>
        %broadcast_in_dim3A_538 = arith.constant true
        %broadcast_in_dim3A_539 = vector.broadcast %broadcast_in_dim3A_538 : i1 to vector<16xi1>
        %masked_cumsum3A_540 = tpu.scan <sum>, %select_n3A_537 masked %broadcast_in_dim3A_539 : vector<16xi32>, vector<16xi1> -> vector<16xi32>
        %jit3A_541 = arith.constant 1 : i32
        %jit3A_542 = arith.constant 0 : i32
        %broadcast_in_dim3A_543 = vector.broadcast %jit3A_541 : i32 to vector<16xi32>
        %broadcast_in_dim3A_544 = vector.broadcast %jit3A_542 : i32 to vector<16xi32>
        %select_n3A_545 = arith.select %and3A_506, %broadcast_in_dim3A_543, %broadcast_in_dim3A_544 : vector<16xi1>, vector<16xi32>
        %broadcast_in_dim3A_546 = arith.constant true
        %broadcast_in_dim3A_547 = vector.broadcast %broadcast_in_dim3A_546 : i1 to vector<16xi1>
        %masked_cumsum3A_548 = tpu.scan <sum>, %select_n3A_545 masked %broadcast_in_dim3A_547 : vector<16xi32>, vector<16xi1> -> vector<16xi32>
        %jit3A_549 = arith.constant 1 : i32
        %jit3A_550 = arith.constant 0 : i32
        %broadcast_in_dim3A_551 = vector.broadcast %jit3A_549 : i32 to vector<16xi32>
        %broadcast_in_dim3A_552 = vector.broadcast %jit3A_550 : i32 to vector<16xi32>
        %select_n3A_553 = arith.select %and3A_507, %broadcast_in_dim3A_551, %broadcast_in_dim3A_552 : vector<16xi1>, vector<16xi32>
        %broadcast_in_dim3A_554 = arith.constant true
        %broadcast_in_dim3A_555 = vector.broadcast %broadcast_in_dim3A_554 : i1 to vector<16xi1>
        %masked_cumsum3A_556 = tpu.scan <sum>, %select_n3A_553 masked %broadcast_in_dim3A_555 : vector<16xi32>, vector<16xi1> -> vector<16xi32>
        %jit3A_557 = arith.constant 1 : i32
        %jit3A_558 = arith.constant 0 : i32
        %broadcast_in_dim3A_559 = vector.broadcast %jit3A_557 : i32 to vector<16xi32>
        %broadcast_in_dim3A_560 = vector.broadcast %jit3A_558 : i32 to vector<16xi32>
        %select_n3A_561 = arith.select %and3A_508, %broadcast_in_dim3A_559, %broadcast_in_dim3A_560 : vector<16xi1>, vector<16xi32>
        %broadcast_in_dim3A_562 = arith.constant true
        %broadcast_in_dim3A_563 = vector.broadcast %broadcast_in_dim3A_562 : i1 to vector<16xi1>
        %masked_cumsum3A_564 = tpu.scan <sum>, %select_n3A_561 masked %broadcast_in_dim3A_563 : vector<16xi32>, vector<16xi1> -> vector<16xi32>
        %jit3A_565 = arith.constant 1 : i32
        %jit3A_566 = arith.constant 0 : i32
        %broadcast_in_dim3A_567 = vector.broadcast %jit3A_565 : i32 to vector<16xi32>
        %broadcast_in_dim3A_568 = vector.broadcast %jit3A_566 : i32 to vector<16xi32>
        %select_n3A_569 = arith.select %and3A_509, %broadcast_in_dim3A_567, %broadcast_in_dim3A_568 : vector<16xi1>, vector<16xi32>
        %broadcast_in_dim3A_570 = arith.constant true
        %broadcast_in_dim3A_571 = vector.broadcast %broadcast_in_dim3A_570 : i1 to vector<16xi1>
        %masked_cumsum3A_572 = tpu.scan <sum>, %select_n3A_569 masked %broadcast_in_dim3A_571 : vector<16xi32>, vector<16xi1> -> vector<16xi32>
        %jit3A_573 = arith.constant 1 : i32
        %jit3A_574 = arith.constant 0 : i32
        %broadcast_in_dim3A_575 = vector.broadcast %jit3A_573 : i32 to vector<16xi32>
        %broadcast_in_dim3A_576 = vector.broadcast %jit3A_574 : i32 to vector<16xi32>
        %select_n3A_577 = arith.select %and3A_510, %broadcast_in_dim3A_575, %broadcast_in_dim3A_576 : vector<16xi1>, vector<16xi32>
        %broadcast_in_dim3A_578 = arith.constant true
        %broadcast_in_dim3A_579 = vector.broadcast %broadcast_in_dim3A_578 : i1 to vector<16xi1>
        %masked_cumsum3A_580 = tpu.scan <sum>, %select_n3A_577 masked %broadcast_in_dim3A_579 : vector<16xi32>, vector<16xi1> -> vector<16xi32>
        %jit3A_581 = arith.constant 1 : i32
        %jit3A_582 = arith.constant 0 : i32
        %broadcast_in_dim3A_583 = vector.broadcast %jit3A_581 : i32 to vector<16xi32>
        %broadcast_in_dim3A_584 = vector.broadcast %jit3A_582 : i32 to vector<16xi32>
        %select_n3A_585 = arith.select %and3A_511, %broadcast_in_dim3A_583, %broadcast_in_dim3A_584 : vector<16xi1>, vector<16xi32>
        %broadcast_in_dim3A_586 = arith.constant true
        %broadcast_in_dim3A_587 = vector.broadcast %broadcast_in_dim3A_586 : i1 to vector<16xi1>
        %masked_cumsum3A_588 = tpu.scan <sum>, %select_n3A_585 masked %broadcast_in_dim3A_587 : vector<16xi32>, vector<16xi1> -> vector<16xi32>
        %jit3A_589 = arith.constant 0 : i32
        %broadcast_in_dim3A_590 = vector.broadcast %jit3A_589 : i32 to vector<16xi32>
        %select_n3A_591 = arith.select %ne3A, %iota3A, %broadcast_in_dim3A_590 : vector<16xi1>, vector<16xi32>
        %broadcast_in_dim3A_592 = arith.constant true
        %broadcast_in_dim3A_593 = vector.broadcast %broadcast_in_dim3A_592 : i1 to vector<16xi1>
        %masked_cummax3A = arith.constant -2147483648 : i32
        %masked_cummax3A_594 = vector.broadcast %masked_cummax3A : i32 to vector<16xi32>
        %masked_cummax3A_595 = arith.xori %select_n3A_591, %masked_cummax3A_594 : vector<16xi32>
        %masked_cummax3A_596 = tpu.scan <max>, %masked_cummax3A_595 masked %broadcast_in_dim3A_593 : vector<16xi32>, vector<16xi1> -> vector<16xi32>
        %masked_cummax3A_597 = arith.xori %masked_cummax3A_596, %masked_cummax3A_594 : vector<16xi32>
        %jit3A_598 = arith.constant 0 : i32
        %broadcast_in_dim3A_599 = vector.broadcast %jit3A_598 : i32 to vector<16xi32>
        %select_n3A_600 = arith.select %ne3A_493, %iota3A, %broadcast_in_dim3A_599 : vector<16xi1>, vector<16xi32>
        %broadcast_in_dim3A_601 = arith.constant true
        %broadcast_in_dim3A_602 = vector.broadcast %broadcast_in_dim3A_601 : i1 to vector<16xi1>
        %masked_cummax3A_603 = arith.constant -2147483648 : i32
        %masked_cummax3A_604 = vector.broadcast %masked_cummax3A_603 : i32 to vector<16xi32>
        %masked_cummax3A_605 = arith.xori %select_n3A_600, %masked_cummax3A_604 : vector<16xi32>
        %masked_cummax3A_606 = tpu.scan <max>, %masked_cummax3A_605 masked %broadcast_in_dim3A_602 : vector<16xi32>, vector<16xi1> -> vector<16xi32>
        %masked_cummax3A_607 = arith.xori %masked_cummax3A_606, %masked_cummax3A_604 : vector<16xi32>
        %jit3A_608 = arith.constant 0 : i32
        %broadcast_in_dim3A_609 = vector.broadcast %jit3A_608 : i32 to vector<16xi32>
        %select_n3A_610 = arith.select %ne3A_494, %iota3A, %broadcast_in_dim3A_609 : vector<16xi1>, vector<16xi32>
        %broadcast_in_dim3A_611 = arith.constant true
        %broadcast_in_dim3A_612 = vector.broadcast %broadcast_in_dim3A_611 : i1 to vector<16xi1>
        %masked_cummax3A_613 = arith.constant -2147483648 : i32
        %masked_cummax3A_614 = vector.broadcast %masked_cummax3A_613 : i32 to vector<16xi32>
        %masked_cummax3A_615 = arith.xori %select_n3A_610, %masked_cummax3A_614 : vector<16xi32>
        %masked_cummax3A_616 = tpu.scan <max>, %masked_cummax3A_615 masked %broadcast_in_dim3A_612 : vector<16xi32>, vector<16xi1> -> vector<16xi32>
        %masked_cummax3A_617 = arith.xori %masked_cummax3A_616, %masked_cummax3A_614 : vector<16xi32>
        %jit3A_618 = arith.constant 0 : i32
        %broadcast_in_dim3A_619 = vector.broadcast %jit3A_618 : i32 to vector<16xi32>
        %select_n3A_620 = arith.select %ne3A_495, %iota3A, %broadcast_in_dim3A_619 : vector<16xi1>, vector<16xi32>
        %broadcast_in_dim3A_621 = arith.constant true
        %broadcast_in_dim3A_622 = vector.broadcast %broadcast_in_dim3A_621 : i1 to vector<16xi1>
        %masked_cummax3A_623 = arith.constant -2147483648 : i32
        %masked_cummax3A_624 = vector.broadcast %masked_cummax3A_623 : i32 to vector<16xi32>
        %masked_cummax3A_625 = arith.xori %select_n3A_620, %masked_cummax3A_624 : vector<16xi32>
        %masked_cummax3A_626 = tpu.scan <max>, %masked_cummax3A_625 masked %broadcast_in_dim3A_622 : vector<16xi32>, vector<16xi1> -> vector<16xi32>
        %masked_cummax3A_627 = arith.xori %masked_cummax3A_626, %masked_cummax3A_624 : vector<16xi32>
        %jit3A_628 = arith.constant 0 : i32
        %broadcast_in_dim3A_629 = vector.broadcast %jit3A_628 : i32 to vector<16xi32>
        %select_n3A_630 = arith.select %ne3A_496, %iota3A, %broadcast_in_dim3A_629 : vector<16xi1>, vector<16xi32>
        %broadcast_in_dim3A_631 = arith.constant true
        %broadcast_in_dim3A_632 = vector.broadcast %broadcast_in_dim3A_631 : i1 to vector<16xi1>
        %masked_cummax3A_633 = arith.constant -2147483648 : i32
        %masked_cummax3A_634 = vector.broadcast %masked_cummax3A_633 : i32 to vector<16xi32>
        %masked_cummax3A_635 = arith.xori %select_n3A_630, %masked_cummax3A_634 : vector<16xi32>
        %masked_cummax3A_636 = tpu.scan <max>, %masked_cummax3A_635 masked %broadcast_in_dim3A_632 : vector<16xi32>, vector<16xi1> -> vector<16xi32>
        %masked_cummax3A_637 = arith.xori %masked_cummax3A_636, %masked_cummax3A_634 : vector<16xi32>
        %jit3A_638 = arith.constant 0 : i32
        %broadcast_in_dim3A_639 = vector.broadcast %jit3A_638 : i32 to vector<16xi32>
        %select_n3A_640 = arith.select %ne3A_497, %iota3A, %broadcast_in_dim3A_639 : vector<16xi1>, vector<16xi32>
        %broadcast_in_dim3A_641 = arith.constant true
        %broadcast_in_dim3A_642 = vector.broadcast %broadcast_in_dim3A_641 : i1 to vector<16xi1>
        %masked_cummax3A_643 = arith.constant -2147483648 : i32
        %masked_cummax3A_644 = vector.broadcast %masked_cummax3A_643 : i32 to vector<16xi32>
        %masked_cummax3A_645 = arith.xori %select_n3A_640, %masked_cummax3A_644 : vector<16xi32>
        %masked_cummax3A_646 = tpu.scan <max>, %masked_cummax3A_645 masked %broadcast_in_dim3A_642 : vector<16xi32>, vector<16xi1> -> vector<16xi32>
        %masked_cummax3A_647 = arith.xori %masked_cummax3A_646, %masked_cummax3A_644 : vector<16xi32>
        %jit3A_648 = arith.constant 0 : i32
        %broadcast_in_dim3A_649 = vector.broadcast %jit3A_648 : i32 to vector<16xi32>
        %select_n3A_650 = arith.select %ne3A_498, %iota3A, %broadcast_in_dim3A_649 : vector<16xi1>, vector<16xi32>
        %broadcast_in_dim3A_651 = arith.constant true
        %broadcast_in_dim3A_652 = vector.broadcast %broadcast_in_dim3A_651 : i1 to vector<16xi1>
        %masked_cummax3A_653 = arith.constant -2147483648 : i32
        %masked_cummax3A_654 = vector.broadcast %masked_cummax3A_653 : i32 to vector<16xi32>
        %masked_cummax3A_655 = arith.xori %select_n3A_650, %masked_cummax3A_654 : vector<16xi32>
        %masked_cummax3A_656 = tpu.scan <max>, %masked_cummax3A_655 masked %broadcast_in_dim3A_652 : vector<16xi32>, vector<16xi1> -> vector<16xi32>
        %masked_cummax3A_657 = arith.xori %masked_cummax3A_656, %masked_cummax3A_654 : vector<16xi32>
        %jit3A_658 = arith.constant 0 : i32
        %broadcast_in_dim3A_659 = vector.broadcast %jit3A_658 : i32 to vector<16xi32>
        %select_n3A_660 = arith.select %ne3A_499, %iota3A, %broadcast_in_dim3A_659 : vector<16xi1>, vector<16xi32>
        %broadcast_in_dim3A_661 = arith.constant true
        %broadcast_in_dim3A_662 = vector.broadcast %broadcast_in_dim3A_661 : i1 to vector<16xi1>
        %masked_cummax3A_663 = arith.constant -2147483648 : i32
        %masked_cummax3A_664 = vector.broadcast %masked_cummax3A_663 : i32 to vector<16xi32>
        %masked_cummax3A_665 = arith.xori %select_n3A_660, %masked_cummax3A_664 : vector<16xi32>
        %masked_cummax3A_666 = tpu.scan <max>, %masked_cummax3A_665 masked %broadcast_in_dim3A_662 : vector<16xi32>, vector<16xi1> -> vector<16xi32>
        %masked_cummax3A_667 = arith.xori %masked_cummax3A_666, %masked_cummax3A_664 : vector<16xi32>
        %jit3A_668 = arith.constant 0 : i32
        %broadcast_in_dim3A_669 = vector.broadcast %jit3A_668 : i32 to vector<16xi32>
        %select_n3A_670 = arith.select %ne3A_500, %iota3A, %broadcast_in_dim3A_669 : vector<16xi1>, vector<16xi32>
        %broadcast_in_dim3A_671 = arith.constant true
        %broadcast_in_dim3A_672 = vector.broadcast %broadcast_in_dim3A_671 : i1 to vector<16xi1>
        %masked_cummax3A_673 = arith.constant -2147483648 : i32
        %masked_cummax3A_674 = vector.broadcast %masked_cummax3A_673 : i32 to vector<16xi32>
        %masked_cummax3A_675 = arith.xori %select_n3A_670, %masked_cummax3A_674 : vector<16xi32>
        %masked_cummax3A_676 = tpu.scan <max>, %masked_cummax3A_675 masked %broadcast_in_dim3A_672 : vector<16xi32>, vector<16xi1> -> vector<16xi32>
        %masked_cummax3A_677 = arith.xori %masked_cummax3A_676, %masked_cummax3A_674 : vector<16xi32>
        %jit3A_678 = arith.constant 0 : i32
        %broadcast_in_dim3A_679 = vector.broadcast %jit3A_678 : i32 to vector<16xi32>
        %select_n3A_680 = arith.select %ne3A_501, %iota3A, %broadcast_in_dim3A_679 : vector<16xi1>, vector<16xi32>
        %broadcast_in_dim3A_681 = arith.constant true
        %broadcast_in_dim3A_682 = vector.broadcast %broadcast_in_dim3A_681 : i1 to vector<16xi1>
        %masked_cummax3A_683 = arith.constant -2147483648 : i32
        %masked_cummax3A_684 = vector.broadcast %masked_cummax3A_683 : i32 to vector<16xi32>
        %masked_cummax3A_685 = arith.xori %select_n3A_680, %masked_cummax3A_684 : vector<16xi32>
        %masked_cummax3A_686 = tpu.scan <max>, %masked_cummax3A_685 masked %broadcast_in_dim3A_682 : vector<16xi32>, vector<16xi1> -> vector<16xi32>
        %masked_cummax3A_687 = arith.xori %masked_cummax3A_686, %masked_cummax3A_684 : vector<16xi32>
        %broadcast_in_dim3A_688 = arith.constant true
        %broadcast_in_dim3A_689 = vector.broadcast %broadcast_in_dim3A_688 : i1 to vector<16xi1>
        %masked_cumsum3A_690 = tpu.scan <sum>, %div3A_402 masked %broadcast_in_dim3A_689 : vector<16xf32>, vector<16xi1> -> vector<16xf32>
        %broadcast_in_dim3A_691 = arith.constant true
        %broadcast_in_dim3A_692 = vector.broadcast %broadcast_in_dim3A_691 : i1 to vector<16xi1>
        %masked_cumsum3A_693 = tpu.scan <sum>, %div3A_412 masked %broadcast_in_dim3A_692 : vector<16xf32>, vector<16xi1> -> vector<16xf32>
        %broadcast_in_dim3A_694 = arith.constant true
        %broadcast_in_dim3A_695 = vector.broadcast %broadcast_in_dim3A_694 : i1 to vector<16xi1>
        %masked_cumsum3A_696 = tpu.scan <sum>, %div3A_422 masked %broadcast_in_dim3A_695 : vector<16xf32>, vector<16xi1> -> vector<16xf32>
        %broadcast_in_dim3A_697 = arith.constant true
        %broadcast_in_dim3A_698 = vector.broadcast %broadcast_in_dim3A_697 : i1 to vector<16xi1>
        %masked_cumsum3A_699 = tpu.scan <sum>, %div3A_432 masked %broadcast_in_dim3A_698 : vector<16xf32>, vector<16xi1> -> vector<16xf32>
        %broadcast_in_dim3A_700 = arith.constant true
        %broadcast_in_dim3A_701 = vector.broadcast %broadcast_in_dim3A_700 : i1 to vector<16xi1>
        %masked_cumsum3A_702 = tpu.scan <sum>, %div3A_442 masked %broadcast_in_dim3A_701 : vector<16xf32>, vector<16xi1> -> vector<16xf32>
        %broadcast_in_dim3A_703 = arith.constant true
        %broadcast_in_dim3A_704 = vector.broadcast %broadcast_in_dim3A_703 : i1 to vector<16xi1>
        %masked_cumsum3A_705 = tpu.scan <sum>, %div3A_452 masked %broadcast_in_dim3A_704 : vector<16xf32>, vector<16xi1> -> vector<16xf32>
        %broadcast_in_dim3A_706 = arith.constant true
        %broadcast_in_dim3A_707 = vector.broadcast %broadcast_in_dim3A_706 : i1 to vector<16xi1>
        %masked_cumsum3A_708 = tpu.scan <sum>, %div3A_462 masked %broadcast_in_dim3A_707 : vector<16xf32>, vector<16xi1> -> vector<16xf32>
        %broadcast_in_dim3A_709 = arith.constant true
        %broadcast_in_dim3A_710 = vector.broadcast %broadcast_in_dim3A_709 : i1 to vector<16xi1>
        %masked_cumsum3A_711 = tpu.scan <sum>, %div3A_472 masked %broadcast_in_dim3A_710 : vector<16xf32>, vector<16xi1> -> vector<16xf32>
        %broadcast_in_dim3A_712 = arith.constant true
        %broadcast_in_dim3A_713 = vector.broadcast %broadcast_in_dim3A_712 : i1 to vector<16xi1>
        %masked_cumsum3A_714 = tpu.scan <sum>, %div3A_482 masked %broadcast_in_dim3A_713 : vector<16xf32>, vector<16xi1> -> vector<16xf32>
        %broadcast_in_dim3A_715 = arith.constant true
        %broadcast_in_dim3A_716 = vector.broadcast %broadcast_in_dim3A_715 : i1 to vector<16xi1>
        %masked_cumsum3A_717 = tpu.scan <sum>, %div3A_492 masked %broadcast_in_dim3A_716 : vector<16xf32>, vector<16xi1> -> vector<16xf32>
        %sub3A_718 = arith.subf %masked_cumsum3A_690, %div3A_402 : vector<16xf32>
        %sub3A_719 = arith.subf %masked_cumsum3A_693, %div3A_412 : vector<16xf32>
        %sub3A_720 = arith.subf %masked_cumsum3A_696, %div3A_422 : vector<16xf32>
        %sub3A_721 = arith.subf %masked_cumsum3A_699, %div3A_432 : vector<16xf32>
        %sub3A_722 = arith.subf %masked_cumsum3A_702, %div3A_442 : vector<16xf32>
        %sub3A_723 = arith.subf %masked_cumsum3A_705, %div3A_452 : vector<16xf32>
        %sub3A_724 = arith.subf %masked_cumsum3A_708, %div3A_462 : vector<16xf32>
        %sub3A_725 = arith.subf %masked_cumsum3A_711, %div3A_472 : vector<16xf32>
        %sub3A_726 = arith.subf %masked_cumsum3A_714, %div3A_482 : vector<16xf32>
        %sub3A_727 = arith.subf %masked_cumsum3A_717, %div3A_492 : vector<16xf32>
        %lt3A_728 = arith.constant 0 : i32
        %lt3A_729 = vector.broadcast %lt3A_728 : i32 to vector<16xi32>
        %lt3A_730 = arith.cmpi slt, %masked_cummax3A_597, %lt3A_729 : vector<16xi32>
        %add3A_731 = arith.constant 16 : i32
        %add3A_732 = vector.broadcast %add3A_731 : i32 to vector<16xi32>
        %add3A_733 = arith.addi %masked_cummax3A_597, %add3A_732 : vector<16xi32>
        %select_n3A_734 = arith.select %lt3A_730, %add3A_733, %masked_cummax3A_597 : vector<16xi1>, vector<16xi32>
        %broadcast_in_dim3A_735 = vector.shape_cast %select_n3A_734 : vector<16xi32> to vector<16x1xi32>
        %gather3A = vector.shape_cast %broadcast_in_dim3A_735 : vector<16x1xi32> to vector<16xi32>
        %gather3A_736 = tpu.dynamic_gather %sub3A_718[%gather3A] in [0] : vector<16xf32>, vector<16xi32> -> vector<16xf32>
        %lt3A_737 = arith.constant 0 : i32
        %lt3A_738 = vector.broadcast %lt3A_737 : i32 to vector<16xi32>
        %lt3A_739 = arith.cmpi slt, %masked_cummax3A_607, %lt3A_738 : vector<16xi32>
        %add3A_740 = arith.constant 16 : i32
        %add3A_741 = vector.broadcast %add3A_740 : i32 to vector<16xi32>
        %add3A_742 = arith.addi %masked_cummax3A_607, %add3A_741 : vector<16xi32>
        %select_n3A_743 = arith.select %lt3A_739, %add3A_742, %masked_cummax3A_607 : vector<16xi1>, vector<16xi32>
        %broadcast_in_dim3A_744 = vector.shape_cast %select_n3A_743 : vector<16xi32> to vector<16x1xi32>
        %gather3A_745 = vector.shape_cast %broadcast_in_dim3A_744 : vector<16x1xi32> to vector<16xi32>
        %gather3A_746 = tpu.dynamic_gather %sub3A_719[%gather3A_745] in [0] : vector<16xf32>, vector<16xi32> -> vector<16xf32>
        %lt3A_747 = arith.constant 0 : i32
        %lt3A_748 = vector.broadcast %lt3A_747 : i32 to vector<16xi32>
        %lt3A_749 = arith.cmpi slt, %masked_cummax3A_617, %lt3A_748 : vector<16xi32>
        %add3A_750 = arith.constant 16 : i32
        %add3A_751 = vector.broadcast %add3A_750 : i32 to vector<16xi32>
        %add3A_752 = arith.addi %masked_cummax3A_617, %add3A_751 : vector<16xi32>
        %select_n3A_753 = arith.select %lt3A_749, %add3A_752, %masked_cummax3A_617 : vector<16xi1>, vector<16xi32>
        %broadcast_in_dim3A_754 = vector.shape_cast %select_n3A_753 : vector<16xi32> to vector<16x1xi32>
        %gather3A_755 = vector.shape_cast %broadcast_in_dim3A_754 : vector<16x1xi32> to vector<16xi32>
        %gather3A_756 = tpu.dynamic_gather %sub3A_720[%gather3A_755] in [0] : vector<16xf32>, vector<16xi32> -> vector<16xf32>
        %lt3A_757 = arith.constant 0 : i32
        %lt3A_758 = vector.broadcast %lt3A_757 : i32 to vector<16xi32>
        %lt3A_759 = arith.cmpi slt, %masked_cummax3A_627, %lt3A_758 : vector<16xi32>
        %add3A_760 = arith.constant 16 : i32
        %add3A_761 = vector.broadcast %add3A_760 : i32 to vector<16xi32>
        %add3A_762 = arith.addi %masked_cummax3A_627, %add3A_761 : vector<16xi32>
        %select_n3A_763 = arith.select %lt3A_759, %add3A_762, %masked_cummax3A_627 : vector<16xi1>, vector<16xi32>
        %broadcast_in_dim3A_764 = vector.shape_cast %select_n3A_763 : vector<16xi32> to vector<16x1xi32>
        %gather3A_765 = vector.shape_cast %broadcast_in_dim3A_764 : vector<16x1xi32> to vector<16xi32>
        %gather3A_766 = tpu.dynamic_gather %sub3A_721[%gather3A_765] in [0] : vector<16xf32>, vector<16xi32> -> vector<16xf32>
        %lt3A_767 = arith.constant 0 : i32
        %lt3A_768 = vector.broadcast %lt3A_767 : i32 to vector<16xi32>
        %lt3A_769 = arith.cmpi slt, %masked_cummax3A_637, %lt3A_768 : vector<16xi32>
        %add3A_770 = arith.constant 16 : i32
        %add3A_771 = vector.broadcast %add3A_770 : i32 to vector<16xi32>
        %add3A_772 = arith.addi %masked_cummax3A_637, %add3A_771 : vector<16xi32>
        %select_n3A_773 = arith.select %lt3A_769, %add3A_772, %masked_cummax3A_637 : vector<16xi1>, vector<16xi32>
        %broadcast_in_dim3A_774 = vector.shape_cast %select_n3A_773 : vector<16xi32> to vector<16x1xi32>
        %gather3A_775 = vector.shape_cast %broadcast_in_dim3A_774 : vector<16x1xi32> to vector<16xi32>
        %gather3A_776 = tpu.dynamic_gather %sub3A_722[%gather3A_775] in [0] : vector<16xf32>, vector<16xi32> -> vector<16xf32>
        %lt3A_777 = arith.constant 0 : i32
        %lt3A_778 = vector.broadcast %lt3A_777 : i32 to vector<16xi32>
        %lt3A_779 = arith.cmpi slt, %masked_cummax3A_647, %lt3A_778 : vector<16xi32>
        %add3A_780 = arith.constant 16 : i32
        %add3A_781 = vector.broadcast %add3A_780 : i32 to vector<16xi32>
        %add3A_782 = arith.addi %masked_cummax3A_647, %add3A_781 : vector<16xi32>
        %select_n3A_783 = arith.select %lt3A_779, %add3A_782, %masked_cummax3A_647 : vector<16xi1>, vector<16xi32>
        %broadcast_in_dim3A_784 = vector.shape_cast %select_n3A_783 : vector<16xi32> to vector<16x1xi32>
        %gather3A_785 = vector.shape_cast %broadcast_in_dim3A_784 : vector<16x1xi32> to vector<16xi32>
        %gather3A_786 = tpu.dynamic_gather %sub3A_723[%gather3A_785] in [0] : vector<16xf32>, vector<16xi32> -> vector<16xf32>
        %lt3A_787 = arith.constant 0 : i32
        %lt3A_788 = vector.broadcast %lt3A_787 : i32 to vector<16xi32>
        %lt3A_789 = arith.cmpi slt, %masked_cummax3A_657, %lt3A_788 : vector<16xi32>
        %add3A_790 = arith.constant 16 : i32
        %add3A_791 = vector.broadcast %add3A_790 : i32 to vector<16xi32>
        %add3A_792 = arith.addi %masked_cummax3A_657, %add3A_791 : vector<16xi32>
        %select_n3A_793 = arith.select %lt3A_789, %add3A_792, %masked_cummax3A_657 : vector<16xi1>, vector<16xi32>
        %broadcast_in_dim3A_794 = vector.shape_cast %select_n3A_793 : vector<16xi32> to vector<16x1xi32>
        %gather3A_795 = vector.shape_cast %broadcast_in_dim3A_794 : vector<16x1xi32> to vector<16xi32>
        %gather3A_796 = tpu.dynamic_gather %sub3A_724[%gather3A_795] in [0] : vector<16xf32>, vector<16xi32> -> vector<16xf32>
        %lt3A_797 = arith.constant 0 : i32
        %lt3A_798 = vector.broadcast %lt3A_797 : i32 to vector<16xi32>
        %lt3A_799 = arith.cmpi slt, %masked_cummax3A_667, %lt3A_798 : vector<16xi32>
        %add3A_800 = arith.constant 16 : i32
        %add3A_801 = vector.broadcast %add3A_800 : i32 to vector<16xi32>
        %add3A_802 = arith.addi %masked_cummax3A_667, %add3A_801 : vector<16xi32>
        %select_n3A_803 = arith.select %lt3A_799, %add3A_802, %masked_cummax3A_667 : vector<16xi1>, vector<16xi32>
        %broadcast_in_dim3A_804 = vector.shape_cast %select_n3A_803 : vector<16xi32> to vector<16x1xi32>
        %gather3A_805 = vector.shape_cast %broadcast_in_dim3A_804 : vector<16x1xi32> to vector<16xi32>
        %gather3A_806 = tpu.dynamic_gather %sub3A_725[%gather3A_805] in [0] : vector<16xf32>, vector<16xi32> -> vector<16xf32>
        %lt3A_807 = arith.constant 0 : i32
        %lt3A_808 = vector.broadcast %lt3A_807 : i32 to vector<16xi32>
        %lt3A_809 = arith.cmpi slt, %masked_cummax3A_677, %lt3A_808 : vector<16xi32>
        %add3A_810 = arith.constant 16 : i32
        %add3A_811 = vector.broadcast %add3A_810 : i32 to vector<16xi32>
        %add3A_812 = arith.addi %masked_cummax3A_677, %add3A_811 : vector<16xi32>
        %select_n3A_813 = arith.select %lt3A_809, %add3A_812, %masked_cummax3A_677 : vector<16xi1>, vector<16xi32>
        %broadcast_in_dim3A_814 = vector.shape_cast %select_n3A_813 : vector<16xi32> to vector<16x1xi32>
        %gather3A_815 = vector.shape_cast %broadcast_in_dim3A_814 : vector<16x1xi32> to vector<16xi32>
        %gather3A_816 = tpu.dynamic_gather %sub3A_726[%gather3A_815] in [0] : vector<16xf32>, vector<16xi32> -> vector<16xf32>
        %lt3A_817 = arith.constant 0 : i32
        %lt3A_818 = vector.broadcast %lt3A_817 : i32 to vector<16xi32>
        %lt3A_819 = arith.cmpi slt, %masked_cummax3A_687, %lt3A_818 : vector<16xi32>
        %add3A_820 = arith.constant 16 : i32
        %add3A_821 = vector.broadcast %add3A_820 : i32 to vector<16xi32>
        %add3A_822 = arith.addi %masked_cummax3A_687, %add3A_821 : vector<16xi32>
        %select_n3A_823 = arith.select %lt3A_819, %add3A_822, %masked_cummax3A_687 : vector<16xi1>, vector<16xi32>
        %broadcast_in_dim3A_824 = vector.shape_cast %select_n3A_823 : vector<16xi32> to vector<16x1xi32>
        %gather3A_825 = vector.shape_cast %broadcast_in_dim3A_824 : vector<16x1xi32> to vector<16xi32>
        %gather3A_826 = tpu.dynamic_gather %sub3A_727[%gather3A_825] in [0] : vector<16xf32>, vector<16xi32> -> vector<16xf32>
        %sub3A_827 = arith.subf %masked_cumsum3A_690, %gather3A_736 : vector<16xf32>
        %sub3A_828 = arith.subf %masked_cumsum3A_693, %gather3A_746 : vector<16xf32>
        %sub3A_829 = arith.subf %masked_cumsum3A_696, %gather3A_756 : vector<16xf32>
        %sub3A_830 = arith.subf %masked_cumsum3A_699, %gather3A_766 : vector<16xf32>
        %sub3A_831 = arith.subf %masked_cumsum3A_702, %gather3A_776 : vector<16xf32>
        %sub3A_832 = arith.subf %masked_cumsum3A_705, %gather3A_786 : vector<16xf32>
        %sub3A_833 = arith.subf %masked_cumsum3A_708, %gather3A_796 : vector<16xf32>
        %sub3A_834 = arith.subf %masked_cumsum3A_711, %gather3A_806 : vector<16xf32>
        %sub3A_835 = arith.subf %masked_cumsum3A_714, %gather3A_816 : vector<16xf32>
        %sub3A_836 = arith.subf %masked_cumsum3A_717, %gather3A_826 : vector<16xf32>
        %sub3A_837 = arith.subi %add3A_5, %masked_cummax3A_597 : vector<16xi32>
        %convert_element_type3A_838 = arith.sitofp %sub3A_837 : vector<16xi32> to vector<16xf32>
        %sub3A_839 = arith.subi %add3A_5, %masked_cummax3A_607 : vector<16xi32>
        %convert_element_type3A_840 = arith.sitofp %sub3A_839 : vector<16xi32> to vector<16xf32>
        %sub3A_841 = arith.subi %add3A_5, %masked_cummax3A_617 : vector<16xi32>
        %convert_element_type3A_842 = arith.sitofp %sub3A_841 : vector<16xi32> to vector<16xf32>
        %sub3A_843 = arith.subi %add3A_5, %masked_cummax3A_627 : vector<16xi32>
        %convert_element_type3A_844 = arith.sitofp %sub3A_843 : vector<16xi32> to vector<16xf32>
        %sub3A_845 = arith.subi %add3A_5, %masked_cummax3A_637 : vector<16xi32>
        %convert_element_type3A_846 = arith.sitofp %sub3A_845 : vector<16xi32> to vector<16xf32>
        %sub3A_847 = arith.subi %add3A_5, %masked_cummax3A_647 : vector<16xi32>
        %convert_element_type3A_848 = arith.sitofp %sub3A_847 : vector<16xi32> to vector<16xf32>
        %sub3A_849 = arith.subi %add3A_5, %masked_cummax3A_657 : vector<16xi32>
        %convert_element_type3A_850 = arith.sitofp %sub3A_849 : vector<16xi32> to vector<16xf32>
        %sub3A_851 = arith.subi %add3A_5, %masked_cummax3A_667 : vector<16xi32>
        %convert_element_type3A_852 = arith.sitofp %sub3A_851 : vector<16xi32> to vector<16xf32>
        %sub3A_853 = arith.subi %add3A_5, %masked_cummax3A_677 : vector<16xi32>
        %convert_element_type3A_854 = arith.sitofp %sub3A_853 : vector<16xi32> to vector<16xf32>
        %sub3A_855 = arith.subi %add3A_5, %masked_cummax3A_687 : vector<16xi32>
        %convert_element_type3A_856 = arith.sitofp %sub3A_855 : vector<16xi32> to vector<16xf32>
        %jit3A_857 = arith.constant 0.000000e+00 : f32
        %broadcast_in_dim3A_858 = vector.broadcast %jit3A_857 : f32 to vector<16xf32>
        %select_n3A_859 = arith.select %ne3A, %get3A_377, %broadcast_in_dim3A_858 : vector<16xi1>, vector<16xf32>
        %jit3A_860 = arith.constant 0.000000e+00 : f32
        %broadcast_in_dim3A_861 = vector.broadcast %jit3A_860 : f32 to vector<16xf32>
        %select_n3A_862 = arith.select %ne3A_493, %get3A_379, %broadcast_in_dim3A_861 : vector<16xi1>, vector<16xf32>
        %jit3A_863 = arith.constant 0.000000e+00 : f32
        %broadcast_in_dim3A_864 = vector.broadcast %jit3A_863 : f32 to vector<16xf32>
        %select_n3A_865 = arith.select %ne3A_494, %get3A_381, %broadcast_in_dim3A_864 : vector<16xi1>, vector<16xf32>
        %jit3A_866 = arith.constant 0.000000e+00 : f32
        %broadcast_in_dim3A_867 = vector.broadcast %jit3A_866 : f32 to vector<16xf32>
        %select_n3A_868 = arith.select %ne3A_495, %get3A_383, %broadcast_in_dim3A_867 : vector<16xi1>, vector<16xf32>
        %jit3A_869 = arith.constant 0.000000e+00 : f32
        %broadcast_in_dim3A_870 = vector.broadcast %jit3A_869 : f32 to vector<16xf32>
        %select_n3A_871 = arith.select %ne3A_496, %get3A_385, %broadcast_in_dim3A_870 : vector<16xi1>, vector<16xf32>
        %jit3A_872 = arith.constant 0.000000e+00 : f32
        %broadcast_in_dim3A_873 = vector.broadcast %jit3A_872 : f32 to vector<16xf32>
        %select_n3A_874 = arith.select %ne3A_497, %get3A_387, %broadcast_in_dim3A_873 : vector<16xi1>, vector<16xf32>
        %jit3A_875 = arith.constant 0.000000e+00 : f32
        %broadcast_in_dim3A_876 = vector.broadcast %jit3A_875 : f32 to vector<16xf32>
        %select_n3A_877 = arith.select %ne3A_498, %get3A_389, %broadcast_in_dim3A_876 : vector<16xi1>, vector<16xf32>
        %jit3A_878 = arith.constant 0.000000e+00 : f32
        %broadcast_in_dim3A_879 = vector.broadcast %jit3A_878 : f32 to vector<16xf32>
        %select_n3A_880 = arith.select %ne3A_499, %get3A_391, %broadcast_in_dim3A_879 : vector<16xi1>, vector<16xf32>
        %jit3A_881 = arith.constant 0.000000e+00 : f32
        %broadcast_in_dim3A_882 = vector.broadcast %jit3A_881 : f32 to vector<16xf32>
        %select_n3A_883 = arith.select %ne3A_500, %get3A_393, %broadcast_in_dim3A_882 : vector<16xi1>, vector<16xf32>
        %jit3A_884 = arith.constant 0.000000e+00 : f32
        %broadcast_in_dim3A_885 = vector.broadcast %jit3A_884 : f32 to vector<16xf32>
        %select_n3A_886 = arith.select %ne3A_501, %get3A_395, %broadcast_in_dim3A_885 : vector<16xi1>, vector<16xf32>
        %lt3A_887 = arith.constant 0 : i32
        %lt3A_888 = vector.broadcast %lt3A_887 : i32 to vector<16xi32>
        %lt3A_889 = arith.cmpi slt, %masked_cummax3A_597, %lt3A_888 : vector<16xi32>
        %add3A_890 = arith.constant 16 : i32
        %add3A_891 = vector.broadcast %add3A_890 : i32 to vector<16xi32>
        %add3A_892 = arith.addi %masked_cummax3A_597, %add3A_891 : vector<16xi32>
        %select_n3A_893 = arith.select %lt3A_889, %add3A_892, %masked_cummax3A_597 : vector<16xi1>, vector<16xi32>
        %broadcast_in_dim3A_894 = vector.shape_cast %select_n3A_893 : vector<16xi32> to vector<16x1xi32>
        %gather3A_895 = vector.shape_cast %broadcast_in_dim3A_894 : vector<16x1xi32> to vector<16xi32>
        %gather3A_896 = tpu.dynamic_gather %select_n3A_859[%gather3A_895] in [0] : vector<16xf32>, vector<16xi32> -> vector<16xf32>
        %lt3A_897 = arith.constant 0 : i32
        %lt3A_898 = vector.broadcast %lt3A_897 : i32 to vector<16xi32>
        %lt3A_899 = arith.cmpi slt, %masked_cummax3A_607, %lt3A_898 : vector<16xi32>
        %add3A_900 = arith.constant 16 : i32
        %add3A_901 = vector.broadcast %add3A_900 : i32 to vector<16xi32>
        %add3A_902 = arith.addi %masked_cummax3A_607, %add3A_901 : vector<16xi32>
        %select_n3A_903 = arith.select %lt3A_899, %add3A_902, %masked_cummax3A_607 : vector<16xi1>, vector<16xi32>
        %broadcast_in_dim3A_904 = vector.shape_cast %select_n3A_903 : vector<16xi32> to vector<16x1xi32>
        %gather3A_905 = vector.shape_cast %broadcast_in_dim3A_904 : vector<16x1xi32> to vector<16xi32>
        %gather3A_906 = tpu.dynamic_gather %select_n3A_862[%gather3A_905] in [0] : vector<16xf32>, vector<16xi32> -> vector<16xf32>
        %lt3A_907 = arith.constant 0 : i32
        %lt3A_908 = vector.broadcast %lt3A_907 : i32 to vector<16xi32>
        %lt3A_909 = arith.cmpi slt, %masked_cummax3A_617, %lt3A_908 : vector<16xi32>
        %add3A_910 = arith.constant 16 : i32
        %add3A_911 = vector.broadcast %add3A_910 : i32 to vector<16xi32>
        %add3A_912 = arith.addi %masked_cummax3A_617, %add3A_911 : vector<16xi32>
        %select_n3A_913 = arith.select %lt3A_909, %add3A_912, %masked_cummax3A_617 : vector<16xi1>, vector<16xi32>
        %broadcast_in_dim3A_914 = vector.shape_cast %select_n3A_913 : vector<16xi32> to vector<16x1xi32>
        %gather3A_915 = vector.shape_cast %broadcast_in_dim3A_914 : vector<16x1xi32> to vector<16xi32>
        %gather3A_916 = tpu.dynamic_gather %select_n3A_865[%gather3A_915] in [0] : vector<16xf32>, vector<16xi32> -> vector<16xf32>
        %lt3A_917 = arith.constant 0 : i32
        %lt3A_918 = vector.broadcast %lt3A_917 : i32 to vector<16xi32>
        %lt3A_919 = arith.cmpi slt, %masked_cummax3A_627, %lt3A_918 : vector<16xi32>
        %add3A_920 = arith.constant 16 : i32
        %add3A_921 = vector.broadcast %add3A_920 : i32 to vector<16xi32>
        %add3A_922 = arith.addi %masked_cummax3A_627, %add3A_921 : vector<16xi32>
        %select_n3A_923 = arith.select %lt3A_919, %add3A_922, %masked_cummax3A_627 : vector<16xi1>, vector<16xi32>
        %broadcast_in_dim3A_924 = vector.shape_cast %select_n3A_923 : vector<16xi32> to vector<16x1xi32>
        %gather3A_925 = vector.shape_cast %broadcast_in_dim3A_924 : vector<16x1xi32> to vector<16xi32>
        %gather3A_926 = tpu.dynamic_gather %select_n3A_868[%gather3A_925] in [0] : vector<16xf32>, vector<16xi32> -> vector<16xf32>
        %lt3A_927 = arith.constant 0 : i32
        %lt3A_928 = vector.broadcast %lt3A_927 : i32 to vector<16xi32>
        %lt3A_929 = arith.cmpi slt, %masked_cummax3A_637, %lt3A_928 : vector<16xi32>
        %add3A_930 = arith.constant 16 : i32
        %add3A_931 = vector.broadcast %add3A_930 : i32 to vector<16xi32>
        %add3A_932 = arith.addi %masked_cummax3A_637, %add3A_931 : vector<16xi32>
        %select_n3A_933 = arith.select %lt3A_929, %add3A_932, %masked_cummax3A_637 : vector<16xi1>, vector<16xi32>
        %broadcast_in_dim3A_934 = vector.shape_cast %select_n3A_933 : vector<16xi32> to vector<16x1xi32>
        %gather3A_935 = vector.shape_cast %broadcast_in_dim3A_934 : vector<16x1xi32> to vector<16xi32>
        %gather3A_936 = tpu.dynamic_gather %select_n3A_871[%gather3A_935] in [0] : vector<16xf32>, vector<16xi32> -> vector<16xf32>
        %lt3A_937 = arith.constant 0 : i32
        %lt3A_938 = vector.broadcast %lt3A_937 : i32 to vector<16xi32>
        %lt3A_939 = arith.cmpi slt, %masked_cummax3A_647, %lt3A_938 : vector<16xi32>
        %add3A_940 = arith.constant 16 : i32
        %add3A_941 = vector.broadcast %add3A_940 : i32 to vector<16xi32>
        %add3A_942 = arith.addi %masked_cummax3A_647, %add3A_941 : vector<16xi32>
        %select_n3A_943 = arith.select %lt3A_939, %add3A_942, %masked_cummax3A_647 : vector<16xi1>, vector<16xi32>
        %broadcast_in_dim3A_944 = vector.shape_cast %select_n3A_943 : vector<16xi32> to vector<16x1xi32>
        %gather3A_945 = vector.shape_cast %broadcast_in_dim3A_944 : vector<16x1xi32> to vector<16xi32>
        %gather3A_946 = tpu.dynamic_gather %select_n3A_874[%gather3A_945] in [0] : vector<16xf32>, vector<16xi32> -> vector<16xf32>
        %lt3A_947 = arith.constant 0 : i32
        %lt3A_948 = vector.broadcast %lt3A_947 : i32 to vector<16xi32>
        %lt3A_949 = arith.cmpi slt, %masked_cummax3A_657, %lt3A_948 : vector<16xi32>
        %add3A_950 = arith.constant 16 : i32
        %add3A_951 = vector.broadcast %add3A_950 : i32 to vector<16xi32>
        %add3A_952 = arith.addi %masked_cummax3A_657, %add3A_951 : vector<16xi32>
        %select_n3A_953 = arith.select %lt3A_949, %add3A_952, %masked_cummax3A_657 : vector<16xi1>, vector<16xi32>
        %broadcast_in_dim3A_954 = vector.shape_cast %select_n3A_953 : vector<16xi32> to vector<16x1xi32>
        %gather3A_955 = vector.shape_cast %broadcast_in_dim3A_954 : vector<16x1xi32> to vector<16xi32>
        %gather3A_956 = tpu.dynamic_gather %select_n3A_877[%gather3A_955] in [0] : vector<16xf32>, vector<16xi32> -> vector<16xf32>
        %lt3A_957 = arith.constant 0 : i32
        %lt3A_958 = vector.broadcast %lt3A_957 : i32 to vector<16xi32>
        %lt3A_959 = arith.cmpi slt, %masked_cummax3A_667, %lt3A_958 : vector<16xi32>
        %add3A_960 = arith.constant 16 : i32
        %add3A_961 = vector.broadcast %add3A_960 : i32 to vector<16xi32>
        %add3A_962 = arith.addi %masked_cummax3A_667, %add3A_961 : vector<16xi32>
        %select_n3A_963 = arith.select %lt3A_959, %add3A_962, %masked_cummax3A_667 : vector<16xi1>, vector<16xi32>
        %broadcast_in_dim3A_964 = vector.shape_cast %select_n3A_963 : vector<16xi32> to vector<16x1xi32>
        %gather3A_965 = vector.shape_cast %broadcast_in_dim3A_964 : vector<16x1xi32> to vector<16xi32>
        %gather3A_966 = tpu.dynamic_gather %select_n3A_880[%gather3A_965] in [0] : vector<16xf32>, vector<16xi32> -> vector<16xf32>
        %lt3A_967 = arith.constant 0 : i32
        %lt3A_968 = vector.broadcast %lt3A_967 : i32 to vector<16xi32>
        %lt3A_969 = arith.cmpi slt, %masked_cummax3A_677, %lt3A_968 : vector<16xi32>
        %add3A_970 = arith.constant 16 : i32
        %add3A_971 = vector.broadcast %add3A_970 : i32 to vector<16xi32>
        %add3A_972 = arith.addi %masked_cummax3A_677, %add3A_971 : vector<16xi32>
        %select_n3A_973 = arith.select %lt3A_969, %add3A_972, %masked_cummax3A_677 : vector<16xi1>, vector<16xi32>
        %broadcast_in_dim3A_974 = vector.shape_cast %select_n3A_973 : vector<16xi32> to vector<16x1xi32>
        %gather3A_975 = vector.shape_cast %broadcast_in_dim3A_974 : vector<16x1xi32> to vector<16xi32>
        %gather3A_976 = tpu.dynamic_gather %select_n3A_883[%gather3A_975] in [0] : vector<16xf32>, vector<16xi32> -> vector<16xf32>
        %lt3A_977 = arith.constant 0 : i32
        %lt3A_978 = vector.broadcast %lt3A_977 : i32 to vector<16xi32>
        %lt3A_979 = arith.cmpi slt, %masked_cummax3A_687, %lt3A_978 : vector<16xi32>
        %add3A_980 = arith.constant 16 : i32
        %add3A_981 = vector.broadcast %add3A_980 : i32 to vector<16xi32>
        %add3A_982 = arith.addi %masked_cummax3A_687, %add3A_981 : vector<16xi32>
        %select_n3A_983 = arith.select %lt3A_979, %add3A_982, %masked_cummax3A_687 : vector<16xi1>, vector<16xi32>
        %broadcast_in_dim3A_984 = vector.shape_cast %select_n3A_983 : vector<16xi32> to vector<16x1xi32>
        %gather3A_985 = vector.shape_cast %broadcast_in_dim3A_984 : vector<16x1xi32> to vector<16xi32>
        %gather3A_986 = tpu.dynamic_gather %select_n3A_886[%gather3A_985] in [0] : vector<16xf32>, vector<16xi32> -> vector<16xf32>
        %mul3A_987 = arith.constant 2.000000e+00 : f32
        %mul3A_988 = vector.broadcast %mul3A_987 : f32 to vector<16xf32>
        %mul3A_989 = arith.mulf %mul3A_988, %convert_element_type3A_838 : vector<16xf32>
        %add3A_990 = arith.addf %mul3A_989, %gather3A_896 : vector<16xf32>
        %mul3A_991 = arith.constant 2.000000e+00 : f32
        %mul3A_992 = vector.broadcast %mul3A_991 : f32 to vector<16xf32>
        %mul3A_993 = arith.mulf %mul3A_992, %convert_element_type3A_840 : vector<16xf32>
        %add3A_994 = arith.addf %mul3A_993, %gather3A_906 : vector<16xf32>
        %mul3A_995 = arith.constant 2.000000e+00 : f32
        %mul3A_996 = vector.broadcast %mul3A_995 : f32 to vector<16xf32>
        %mul3A_997 = arith.mulf %mul3A_996, %convert_element_type3A_842 : vector<16xf32>
        %add3A_998 = arith.addf %mul3A_997, %gather3A_916 : vector<16xf32>
        %mul3A_999 = arith.constant 2.000000e+00 : f32
        %mul3A_1000 = vector.broadcast %mul3A_999 : f32 to vector<16xf32>
        %mul3A_1001 = arith.mulf %mul3A_1000, %convert_element_type3A_844 : vector<16xf32>
        %add3A_1002 = arith.addf %mul3A_1001, %gather3A_926 : vector<16xf32>
        %mul3A_1003 = arith.constant 2.000000e+00 : f32
        %mul3A_1004 = vector.broadcast %mul3A_1003 : f32 to vector<16xf32>
        %mul3A_1005 = arith.mulf %mul3A_1004, %convert_element_type3A_846 : vector<16xf32>
        %add3A_1006 = arith.addf %mul3A_1005, %gather3A_936 : vector<16xf32>
        %mul3A_1007 = arith.constant 2.000000e+00 : f32
        %mul3A_1008 = vector.broadcast %mul3A_1007 : f32 to vector<16xf32>
        %mul3A_1009 = arith.mulf %mul3A_1008, %convert_element_type3A_848 : vector<16xf32>
        %add3A_1010 = arith.addf %mul3A_1009, %gather3A_946 : vector<16xf32>
        %mul3A_1011 = arith.constant 2.000000e+00 : f32
        %mul3A_1012 = vector.broadcast %mul3A_1011 : f32 to vector<16xf32>
        %mul3A_1013 = arith.mulf %mul3A_1012, %convert_element_type3A_850 : vector<16xf32>
        %add3A_1014 = arith.addf %mul3A_1013, %gather3A_956 : vector<16xf32>
        %mul3A_1015 = arith.constant 2.000000e+00 : f32
        %mul3A_1016 = vector.broadcast %mul3A_1015 : f32 to vector<16xf32>
        %mul3A_1017 = arith.mulf %mul3A_1016, %convert_element_type3A_852 : vector<16xf32>
        %add3A_1018 = arith.addf %mul3A_1017, %gather3A_966 : vector<16xf32>
        %mul3A_1019 = arith.constant 2.000000e+00 : f32
        %mul3A_1020 = vector.broadcast %mul3A_1019 : f32 to vector<16xf32>
        %mul3A_1021 = arith.mulf %mul3A_1020, %convert_element_type3A_854 : vector<16xf32>
        %add3A_1022 = arith.addf %mul3A_1021, %gather3A_976 : vector<16xf32>
        %mul3A_1023 = arith.constant 2.000000e+00 : f32
        %mul3A_1024 = vector.broadcast %mul3A_1023 : f32 to vector<16xf32>
        %mul3A_1025 = arith.mulf %mul3A_1024, %convert_element_type3A_856 : vector<16xf32>
        %add3A_1026 = arith.addf %mul3A_1025, %gather3A_986 : vector<16xf32>
        %ne3A_1027 = arith.cmpi ne, %get3A_258, %get3A_319 : vector<16xi32>
        %or3A = arith.ori %ne3A_1027, %eq3A_7 : vector<16xi1>
        %ne3A_1028 = arith.cmpi ne, %get3A_260, %get3A_323 : vector<16xi32>
        %or3A_1029 = arith.ori %ne3A_1028, %eq3A_7 : vector<16xi1>
        %ne3A_1030 = arith.cmpi ne, %get3A_262, %get3A_327 : vector<16xi32>
        %or3A_1031 = arith.ori %ne3A_1030, %eq3A_7 : vector<16xi1>
        %ne3A_1032 = arith.cmpi ne, %get3A_264, %get3A_331 : vector<16xi32>
        %or3A_1033 = arith.ori %ne3A_1032, %eq3A_7 : vector<16xi1>
        %ne3A_1034 = arith.cmpi ne, %get3A_266, %get3A_335 : vector<16xi32>
        %or3A_1035 = arith.ori %ne3A_1034, %eq3A_7 : vector<16xi1>
        %ne3A_1036 = arith.cmpi ne, %get3A_268, %get3A_339 : vector<16xi32>
        %or3A_1037 = arith.ori %ne3A_1036, %eq3A_7 : vector<16xi1>
        %ne3A_1038 = arith.cmpi ne, %get3A_270, %get3A_343 : vector<16xi32>
        %or3A_1039 = arith.ori %ne3A_1038, %eq3A_7 : vector<16xi1>
        %ne3A_1040 = arith.cmpi ne, %get3A_272, %get3A_347 : vector<16xi32>
        %or3A_1041 = arith.ori %ne3A_1040, %eq3A_7 : vector<16xi1>
        %ne3A_1042 = arith.cmpi ne, %get3A_274, %get3A_351 : vector<16xi32>
        %or3A_1043 = arith.ori %ne3A_1042, %eq3A_7 : vector<16xi1>
        %ne3A_1044 = arith.cmpi ne, %get3A_276, %get3A_355 : vector<16xi32>
        %or3A_1045 = arith.ori %ne3A_1044, %eq3A_7 : vector<16xi1>
        %add3A_1046 = arith.addi %scan3A_206, %masked_cumsum3A : vector<16xi32>
        %lt3A_1047 = arith.constant 0 : i32
        %lt3A_1048 = vector.broadcast %lt3A_1047 : i32 to vector<16xi32>
        %lt3A_1049 = arith.cmpi slt, %broadcast_in_dim3A_10, %lt3A_1048 : vector<16xi32>
        %add3A_1050 = arith.constant 16 : i32
        %add3A_1051 = vector.broadcast %add3A_1050 : i32 to vector<16xi32>
        %add3A_1052 = arith.addi %broadcast_in_dim3A_10, %add3A_1051 : vector<16xi32>
        %select_n3A_1053 = arith.select %lt3A_1049, %add3A_1052, %broadcast_in_dim3A_10 : vector<16xi1>, vector<16xi32>
        %broadcast_in_dim3A_1054 = vector.shape_cast %select_n3A_1053 : vector<16xi32> to vector<16x1xi32>
        %gather3A_1055 = vector.shape_cast %broadcast_in_dim3A_1054 : vector<16x1xi32> to vector<16xi32>
        %gather3A_1056 = tpu.dynamic_gather %add3A_1046[%gather3A_1055] in [0] : vector<16xi32>, vector<16xi32> -> vector<16xi32>
        %add3A_1057 = arith.constant 1 : i32
        %add3A_1058 = vector.broadcast %add3A_1057 : i32 to vector<16xi32>
        %add3A_1059 = arith.addi %gather3A_1056, %add3A_1058 : vector<16xi32>
        %add3A_1060 = arith.addi %add3A_1059, %masked_cumsum3A_524 : vector<16xi32>
        %lt3A_1061 = arith.constant 0 : i32
        %lt3A_1062 = vector.broadcast %lt3A_1061 : i32 to vector<16xi32>
        %lt3A_1063 = arith.cmpi slt, %broadcast_in_dim3A_10, %lt3A_1062 : vector<16xi32>
        %add3A_1064 = arith.constant 16 : i32
        %add3A_1065 = vector.broadcast %add3A_1064 : i32 to vector<16xi32>
        %add3A_1066 = arith.addi %broadcast_in_dim3A_10, %add3A_1065 : vector<16xi32>
        %select_n3A_1067 = arith.select %lt3A_1063, %add3A_1066, %broadcast_in_dim3A_10 : vector<16xi1>, vector<16xi32>
        %broadcast_in_dim3A_1068 = vector.shape_cast %select_n3A_1067 : vector<16xi32> to vector<16x1xi32>
        %gather3A_1069 = vector.shape_cast %broadcast_in_dim3A_1068 : vector<16x1xi32> to vector<16xi32>
        %gather3A_1070 = tpu.dynamic_gather %add3A_1060[%gather3A_1069] in [0] : vector<16xi32>, vector<16xi32> -> vector<16xi32>
        %add3A_1071 = arith.constant 1 : i32
        %add3A_1072 = vector.broadcast %add3A_1071 : i32 to vector<16xi32>
        %add3A_1073 = arith.addi %gather3A_1070, %add3A_1072 : vector<16xi32>
        %add3A_1074 = arith.addi %add3A_1073, %masked_cumsum3A_532 : vector<16xi32>
        %lt3A_1075 = arith.constant 0 : i32
        %lt3A_1076 = vector.broadcast %lt3A_1075 : i32 to vector<16xi32>
        %lt3A_1077 = arith.cmpi slt, %broadcast_in_dim3A_10, %lt3A_1076 : vector<16xi32>
        %add3A_1078 = arith.constant 16 : i32
        %add3A_1079 = vector.broadcast %add3A_1078 : i32 to vector<16xi32>
        %add3A_1080 = arith.addi %broadcast_in_dim3A_10, %add3A_1079 : vector<16xi32>
        %select_n3A_1081 = arith.select %lt3A_1077, %add3A_1080, %broadcast_in_dim3A_10 : vector<16xi1>, vector<16xi32>
        %broadcast_in_dim3A_1082 = vector.shape_cast %select_n3A_1081 : vector<16xi32> to vector<16x1xi32>
        %gather3A_1083 = vector.shape_cast %broadcast_in_dim3A_1082 : vector<16x1xi32> to vector<16xi32>
        %gather3A_1084 = tpu.dynamic_gather %add3A_1074[%gather3A_1083] in [0] : vector<16xi32>, vector<16xi32> -> vector<16xi32>
        %add3A_1085 = arith.constant 1 : i32
        %add3A_1086 = vector.broadcast %add3A_1085 : i32 to vector<16xi32>
        %add3A_1087 = arith.addi %gather3A_1084, %add3A_1086 : vector<16xi32>
        %add3A_1088 = arith.addi %add3A_1087, %masked_cumsum3A_540 : vector<16xi32>
        %lt3A_1089 = arith.constant 0 : i32
        %lt3A_1090 = vector.broadcast %lt3A_1089 : i32 to vector<16xi32>
        %lt3A_1091 = arith.cmpi slt, %broadcast_in_dim3A_10, %lt3A_1090 : vector<16xi32>
        %add3A_1092 = arith.constant 16 : i32
        %add3A_1093 = vector.broadcast %add3A_1092 : i32 to vector<16xi32>
        %add3A_1094 = arith.addi %broadcast_in_dim3A_10, %add3A_1093 : vector<16xi32>
        %select_n3A_1095 = arith.select %lt3A_1091, %add3A_1094, %broadcast_in_dim3A_10 : vector<16xi1>, vector<16xi32>
        %broadcast_in_dim3A_1096 = vector.shape_cast %select_n3A_1095 : vector<16xi32> to vector<16x1xi32>
        %gather3A_1097 = vector.shape_cast %broadcast_in_dim3A_1096 : vector<16x1xi32> to vector<16xi32>
        %gather3A_1098 = tpu.dynamic_gather %add3A_1088[%gather3A_1097] in [0] : vector<16xi32>, vector<16xi32> -> vector<16xi32>
        %add3A_1099 = arith.constant 1 : i32
        %add3A_1100 = vector.broadcast %add3A_1099 : i32 to vector<16xi32>
        %add3A_1101 = arith.addi %gather3A_1098, %add3A_1100 : vector<16xi32>
        %add3A_1102 = arith.addi %add3A_1101, %masked_cumsum3A_548 : vector<16xi32>
        %lt3A_1103 = arith.constant 0 : i32
        %lt3A_1104 = vector.broadcast %lt3A_1103 : i32 to vector<16xi32>
        %lt3A_1105 = arith.cmpi slt, %broadcast_in_dim3A_10, %lt3A_1104 : vector<16xi32>
        %add3A_1106 = arith.constant 16 : i32
        %add3A_1107 = vector.broadcast %add3A_1106 : i32 to vector<16xi32>
        %add3A_1108 = arith.addi %broadcast_in_dim3A_10, %add3A_1107 : vector<16xi32>
        %select_n3A_1109 = arith.select %lt3A_1105, %add3A_1108, %broadcast_in_dim3A_10 : vector<16xi1>, vector<16xi32>
        %broadcast_in_dim3A_1110 = vector.shape_cast %select_n3A_1109 : vector<16xi32> to vector<16x1xi32>
        %gather3A_1111 = vector.shape_cast %broadcast_in_dim3A_1110 : vector<16x1xi32> to vector<16xi32>
        %gather3A_1112 = tpu.dynamic_gather %add3A_1102[%gather3A_1111] in [0] : vector<16xi32>, vector<16xi32> -> vector<16xi32>
        %add3A_1113 = arith.constant 1 : i32
        %add3A_1114 = vector.broadcast %add3A_1113 : i32 to vector<16xi32>
        %add3A_1115 = arith.addi %gather3A_1112, %add3A_1114 : vector<16xi32>
        %add3A_1116 = arith.addi %add3A_1115, %masked_cumsum3A_556 : vector<16xi32>
        %lt3A_1117 = arith.constant 0 : i32
        %lt3A_1118 = vector.broadcast %lt3A_1117 : i32 to vector<16xi32>
        %lt3A_1119 = arith.cmpi slt, %broadcast_in_dim3A_10, %lt3A_1118 : vector<16xi32>
        %add3A_1120 = arith.constant 16 : i32
        %add3A_1121 = vector.broadcast %add3A_1120 : i32 to vector<16xi32>
        %add3A_1122 = arith.addi %broadcast_in_dim3A_10, %add3A_1121 : vector<16xi32>
        %select_n3A_1123 = arith.select %lt3A_1119, %add3A_1122, %broadcast_in_dim3A_10 : vector<16xi1>, vector<16xi32>
        %broadcast_in_dim3A_1124 = vector.shape_cast %select_n3A_1123 : vector<16xi32> to vector<16x1xi32>
        %gather3A_1125 = vector.shape_cast %broadcast_in_dim3A_1124 : vector<16x1xi32> to vector<16xi32>
        %gather3A_1126 = tpu.dynamic_gather %add3A_1116[%gather3A_1125] in [0] : vector<16xi32>, vector<16xi32> -> vector<16xi32>
        %add3A_1127 = arith.constant 1 : i32
        %add3A_1128 = vector.broadcast %add3A_1127 : i32 to vector<16xi32>
        %add3A_1129 = arith.addi %gather3A_1126, %add3A_1128 : vector<16xi32>
        %add3A_1130 = arith.addi %add3A_1129, %masked_cumsum3A_564 : vector<16xi32>
        %lt3A_1131 = arith.constant 0 : i32
        %lt3A_1132 = vector.broadcast %lt3A_1131 : i32 to vector<16xi32>
        %lt3A_1133 = arith.cmpi slt, %broadcast_in_dim3A_10, %lt3A_1132 : vector<16xi32>
        %add3A_1134 = arith.constant 16 : i32
        %add3A_1135 = vector.broadcast %add3A_1134 : i32 to vector<16xi32>
        %add3A_1136 = arith.addi %broadcast_in_dim3A_10, %add3A_1135 : vector<16xi32>
        %select_n3A_1137 = arith.select %lt3A_1133, %add3A_1136, %broadcast_in_dim3A_10 : vector<16xi1>, vector<16xi32>
        %broadcast_in_dim3A_1138 = vector.shape_cast %select_n3A_1137 : vector<16xi32> to vector<16x1xi32>
        %gather3A_1139 = vector.shape_cast %broadcast_in_dim3A_1138 : vector<16x1xi32> to vector<16xi32>
        %gather3A_1140 = tpu.dynamic_gather %add3A_1130[%gather3A_1139] in [0] : vector<16xi32>, vector<16xi32> -> vector<16xi32>
        %add3A_1141 = arith.constant 1 : i32
        %add3A_1142 = vector.broadcast %add3A_1141 : i32 to vector<16xi32>
        %add3A_1143 = arith.addi %gather3A_1140, %add3A_1142 : vector<16xi32>
        %add3A_1144 = arith.addi %add3A_1143, %masked_cumsum3A_572 : vector<16xi32>
        %lt3A_1145 = arith.constant 0 : i32
        %lt3A_1146 = vector.broadcast %lt3A_1145 : i32 to vector<16xi32>
        %lt3A_1147 = arith.cmpi slt, %broadcast_in_dim3A_10, %lt3A_1146 : vector<16xi32>
        %add3A_1148 = arith.constant 16 : i32
        %add3A_1149 = vector.broadcast %add3A_1148 : i32 to vector<16xi32>
        %add3A_1150 = arith.addi %broadcast_in_dim3A_10, %add3A_1149 : vector<16xi32>
        %select_n3A_1151 = arith.select %lt3A_1147, %add3A_1150, %broadcast_in_dim3A_10 : vector<16xi1>, vector<16xi32>
        %broadcast_in_dim3A_1152 = vector.shape_cast %select_n3A_1151 : vector<16xi32> to vector<16x1xi32>
        %gather3A_1153 = vector.shape_cast %broadcast_in_dim3A_1152 : vector<16x1xi32> to vector<16xi32>
        %gather3A_1154 = tpu.dynamic_gather %add3A_1144[%gather3A_1153] in [0] : vector<16xi32>, vector<16xi32> -> vector<16xi32>
        %add3A_1155 = arith.constant 1 : i32
        %add3A_1156 = vector.broadcast %add3A_1155 : i32 to vector<16xi32>
        %add3A_1157 = arith.addi %gather3A_1154, %add3A_1156 : vector<16xi32>
        %add3A_1158 = arith.addi %add3A_1157, %masked_cumsum3A_580 : vector<16xi32>
        %lt3A_1159 = arith.constant 0 : i32
        %lt3A_1160 = vector.broadcast %lt3A_1159 : i32 to vector<16xi32>
        %lt3A_1161 = arith.cmpi slt, %broadcast_in_dim3A_10, %lt3A_1160 : vector<16xi32>
        %add3A_1162 = arith.constant 16 : i32
        %add3A_1163 = vector.broadcast %add3A_1162 : i32 to vector<16xi32>
        %add3A_1164 = arith.addi %broadcast_in_dim3A_10, %add3A_1163 : vector<16xi32>
        %select_n3A_1165 = arith.select %lt3A_1161, %add3A_1164, %broadcast_in_dim3A_10 : vector<16xi1>, vector<16xi32>
        %broadcast_in_dim3A_1166 = vector.shape_cast %select_n3A_1165 : vector<16xi32> to vector<16x1xi32>
        %gather3A_1167 = vector.shape_cast %broadcast_in_dim3A_1166 : vector<16x1xi32> to vector<16xi32>
        %gather3A_1168 = tpu.dynamic_gather %add3A_1158[%gather3A_1167] in [0] : vector<16xi32>, vector<16xi32> -> vector<16xi32>
        %add3A_1169 = arith.constant 1 : i32
        %add3A_1170 = vector.broadcast %add3A_1169 : i32 to vector<16xi32>
        %add3A_1171 = arith.addi %gather3A_1168, %add3A_1170 : vector<16xi32>
        %add3A_1172 = arith.addi %add3A_1171, %masked_cumsum3A_588 : vector<16xi32>
        %lt3A_1173 = arith.constant 0 : i32
        %lt3A_1174 = vector.broadcast %lt3A_1173 : i32 to vector<16xi32>
        %lt3A_1175 = arith.cmpi slt, %broadcast_in_dim3A_10, %lt3A_1174 : vector<16xi32>
        %add3A_1176 = arith.constant 16 : i32
        %add3A_1177 = vector.broadcast %add3A_1176 : i32 to vector<16xi32>
        %add3A_1178 = arith.addi %broadcast_in_dim3A_10, %add3A_1177 : vector<16xi32>
        %select_n3A_1179 = arith.select %lt3A_1175, %add3A_1178, %broadcast_in_dim3A_10 : vector<16xi1>, vector<16xi32>
        %broadcast_in_dim3A_1180 = vector.shape_cast %select_n3A_1179 : vector<16xi32> to vector<16x1xi32>
        %gather3A_1181 = vector.shape_cast %broadcast_in_dim3A_1180 : vector<16x1xi32> to vector<16xi32>
        %gather3A_1182 = tpu.dynamic_gather %add3A_1172[%gather3A_1181] in [0] : vector<16xi32>, vector<16xi32> -> vector<16xi32>
        %add3A_1183 = arith.constant 1 : i32
        %add3A_1184 = vector.broadcast %add3A_1183 : i32 to vector<16xi32>
        %add3A_1185 = arith.addi %gather3A_1182, %add3A_1184 : vector<16xi32>
        %shift_right_arithmetic3A = arith.constant 7 : i32
        %shift_right_arithmetic3A_1186 = vector.broadcast %shift_right_arithmetic3A : i32 to vector<16xi32>
        %shift_right_arithmetic3A_1187 = arith.shrsi %add3A_1046, %shift_right_arithmetic3A_1186 : vector<16xi32>
        %and3A_1188 = arith.constant 127 : i32
        %and3A_1189 = vector.broadcast %and3A_1188 : i32 to vector<16xi32>
        %and3A_1190 = arith.andi %add3A_1046, %and3A_1189 : vector<16xi32>
        tpu.vector_store_idx %arg10[%broadcast_in_dim3A_217, %shift_right_arithmetic3A_1187, %and3A_1190], %get3A_258 masked %or3A : memref<2x2x128xi32, #tpu.memory_space<vmem>>[vector<16xi32>, vector<16xi32>, vector<16xi32>], vector<16xi32>, vector<16xi1>
        tpu.vector_store_idx %arg11[%broadcast_in_dim3A_217, %shift_right_arithmetic3A_1187, %and3A_1190], %sub3A_827 masked %or3A : memref<2x2x128xf32, #tpu.memory_space<vmem>>[vector<16xi32>, vector<16xi32>, vector<16xi32>], vector<16xf32>, vector<16xi1>
        tpu.vector_store_idx %arg12[%broadcast_in_dim3A_217, %shift_right_arithmetic3A_1187, %and3A_1190], %add3A_990 masked %or3A : memref<2x2x128xf32, #tpu.memory_space<vmem>>[vector<16xi32>, vector<16xi32>, vector<16xi32>], vector<16xf32>, vector<16xi1>
        %shift_right_arithmetic3A_1191 = arith.constant 7 : i32
        %shift_right_arithmetic3A_1192 = vector.broadcast %shift_right_arithmetic3A_1191 : i32 to vector<16xi32>
        %shift_right_arithmetic3A_1193 = arith.shrsi %add3A_1060, %shift_right_arithmetic3A_1192 : vector<16xi32>
        %and3A_1194 = arith.constant 127 : i32
        %and3A_1195 = vector.broadcast %and3A_1194 : i32 to vector<16xi32>
        %and3A_1196 = arith.andi %add3A_1060, %and3A_1195 : vector<16xi32>
        tpu.vector_store_idx %arg10[%broadcast_in_dim3A_217, %shift_right_arithmetic3A_1193, %and3A_1196], %get3A_260 masked %or3A_1029 : memref<2x2x128xi32, #tpu.memory_space<vmem>>[vector<16xi32>, vector<16xi32>, vector<16xi32>], vector<16xi32>, vector<16xi1>
        tpu.vector_store_idx %arg11[%broadcast_in_dim3A_217, %shift_right_arithmetic3A_1193, %and3A_1196], %sub3A_828 masked %or3A_1029 : memref<2x2x128xf32, #tpu.memory_space<vmem>>[vector<16xi32>, vector<16xi32>, vector<16xi32>], vector<16xf32>, vector<16xi1>
        tpu.vector_store_idx %arg12[%broadcast_in_dim3A_217, %shift_right_arithmetic3A_1193, %and3A_1196], %add3A_994 masked %or3A_1029 : memref<2x2x128xf32, #tpu.memory_space<vmem>>[vector<16xi32>, vector<16xi32>, vector<16xi32>], vector<16xf32>, vector<16xi1>
        %shift_right_arithmetic3A_1197 = arith.constant 7 : i32
        %shift_right_arithmetic3A_1198 = vector.broadcast %shift_right_arithmetic3A_1197 : i32 to vector<16xi32>
        %shift_right_arithmetic3A_1199 = arith.shrsi %add3A_1074, %shift_right_arithmetic3A_1198 : vector<16xi32>
        %and3A_1200 = arith.constant 127 : i32
        %and3A_1201 = vector.broadcast %and3A_1200 : i32 to vector<16xi32>
        %and3A_1202 = arith.andi %add3A_1074, %and3A_1201 : vector<16xi32>
        tpu.vector_store_idx %arg10[%broadcast_in_dim3A_217, %shift_right_arithmetic3A_1199, %and3A_1202], %get3A_262 masked %or3A_1031 : memref<2x2x128xi32, #tpu.memory_space<vmem>>[vector<16xi32>, vector<16xi32>, vector<16xi32>], vector<16xi32>, vector<16xi1>
        tpu.vector_store_idx %arg11[%broadcast_in_dim3A_217, %shift_right_arithmetic3A_1199, %and3A_1202], %sub3A_829 masked %or3A_1031 : memref<2x2x128xf32, #tpu.memory_space<vmem>>[vector<16xi32>, vector<16xi32>, vector<16xi32>], vector<16xf32>, vector<16xi1>
        tpu.vector_store_idx %arg12[%broadcast_in_dim3A_217, %shift_right_arithmetic3A_1199, %and3A_1202], %add3A_998 masked %or3A_1031 : memref<2x2x128xf32, #tpu.memory_space<vmem>>[vector<16xi32>, vector<16xi32>, vector<16xi32>], vector<16xf32>, vector<16xi1>
        %shift_right_arithmetic3A_1203 = arith.constant 7 : i32
        %shift_right_arithmetic3A_1204 = vector.broadcast %shift_right_arithmetic3A_1203 : i32 to vector<16xi32>
        %shift_right_arithmetic3A_1205 = arith.shrsi %add3A_1088, %shift_right_arithmetic3A_1204 : vector<16xi32>
        %and3A_1206 = arith.constant 127 : i32
        %and3A_1207 = vector.broadcast %and3A_1206 : i32 to vector<16xi32>
        %and3A_1208 = arith.andi %add3A_1088, %and3A_1207 : vector<16xi32>
        tpu.vector_store_idx %arg10[%broadcast_in_dim3A_217, %shift_right_arithmetic3A_1205, %and3A_1208], %get3A_264 masked %or3A_1033 : memref<2x2x128xi32, #tpu.memory_space<vmem>>[vector<16xi32>, vector<16xi32>, vector<16xi32>], vector<16xi32>, vector<16xi1>
        tpu.vector_store_idx %arg11[%broadcast_in_dim3A_217, %shift_right_arithmetic3A_1205, %and3A_1208], %sub3A_830 masked %or3A_1033 : memref<2x2x128xf32, #tpu.memory_space<vmem>>[vector<16xi32>, vector<16xi32>, vector<16xi32>], vector<16xf32>, vector<16xi1>
        tpu.vector_store_idx %arg12[%broadcast_in_dim3A_217, %shift_right_arithmetic3A_1205, %and3A_1208], %add3A_1002 masked %or3A_1033 : memref<2x2x128xf32, #tpu.memory_space<vmem>>[vector<16xi32>, vector<16xi32>, vector<16xi32>], vector<16xf32>, vector<16xi1>
        %shift_right_arithmetic3A_1209 = arith.constant 7 : i32
        %shift_right_arithmetic3A_1210 = vector.broadcast %shift_right_arithmetic3A_1209 : i32 to vector<16xi32>
        %shift_right_arithmetic3A_1211 = arith.shrsi %add3A_1102, %shift_right_arithmetic3A_1210 : vector<16xi32>
        %and3A_1212 = arith.constant 127 : i32
        %and3A_1213 = vector.broadcast %and3A_1212 : i32 to vector<16xi32>
        %and3A_1214 = arith.andi %add3A_1102, %and3A_1213 : vector<16xi32>
        tpu.vector_store_idx %arg10[%broadcast_in_dim3A_217, %shift_right_arithmetic3A_1211, %and3A_1214], %get3A_266 masked %or3A_1035 : memref<2x2x128xi32, #tpu.memory_space<vmem>>[vector<16xi32>, vector<16xi32>, vector<16xi32>], vector<16xi32>, vector<16xi1>
        tpu.vector_store_idx %arg11[%broadcast_in_dim3A_217, %shift_right_arithmetic3A_1211, %and3A_1214], %sub3A_831 masked %or3A_1035 : memref<2x2x128xf32, #tpu.memory_space<vmem>>[vector<16xi32>, vector<16xi32>, vector<16xi32>], vector<16xf32>, vector<16xi1>
        tpu.vector_store_idx %arg12[%broadcast_in_dim3A_217, %shift_right_arithmetic3A_1211, %and3A_1214], %add3A_1006 masked %or3A_1035 : memref<2x2x128xf32, #tpu.memory_space<vmem>>[vector<16xi32>, vector<16xi32>, vector<16xi32>], vector<16xf32>, vector<16xi1>
        %shift_right_arithmetic3A_1215 = arith.constant 7 : i32
        %shift_right_arithmetic3A_1216 = vector.broadcast %shift_right_arithmetic3A_1215 : i32 to vector<16xi32>
        %shift_right_arithmetic3A_1217 = arith.shrsi %add3A_1116, %shift_right_arithmetic3A_1216 : vector<16xi32>
        %and3A_1218 = arith.constant 127 : i32
        %and3A_1219 = vector.broadcast %and3A_1218 : i32 to vector<16xi32>
        %and3A_1220 = arith.andi %add3A_1116, %and3A_1219 : vector<16xi32>
        tpu.vector_store_idx %arg10[%broadcast_in_dim3A_217, %shift_right_arithmetic3A_1217, %and3A_1220], %get3A_268 masked %or3A_1037 : memref<2x2x128xi32, #tpu.memory_space<vmem>>[vector<16xi32>, vector<16xi32>, vector<16xi32>], vector<16xi32>, vector<16xi1>
        tpu.vector_store_idx %arg11[%broadcast_in_dim3A_217, %shift_right_arithmetic3A_1217, %and3A_1220], %sub3A_832 masked %or3A_1037 : memref<2x2x128xf32, #tpu.memory_space<vmem>>[vector<16xi32>, vector<16xi32>, vector<16xi32>], vector<16xf32>, vector<16xi1>
        tpu.vector_store_idx %arg12[%broadcast_in_dim3A_217, %shift_right_arithmetic3A_1217, %and3A_1220], %add3A_1010 masked %or3A_1037 : memref<2x2x128xf32, #tpu.memory_space<vmem>>[vector<16xi32>, vector<16xi32>, vector<16xi32>], vector<16xf32>, vector<16xi1>
        %shift_right_arithmetic3A_1221 = arith.constant 7 : i32
        %shift_right_arithmetic3A_1222 = vector.broadcast %shift_right_arithmetic3A_1221 : i32 to vector<16xi32>
        %shift_right_arithmetic3A_1223 = arith.shrsi %add3A_1130, %shift_right_arithmetic3A_1222 : vector<16xi32>
        %and3A_1224 = arith.constant 127 : i32
        %and3A_1225 = vector.broadcast %and3A_1224 : i32 to vector<16xi32>
        %and3A_1226 = arith.andi %add3A_1130, %and3A_1225 : vector<16xi32>
        tpu.vector_store_idx %arg10[%broadcast_in_dim3A_217, %shift_right_arithmetic3A_1223, %and3A_1226], %get3A_270 masked %or3A_1039 : memref<2x2x128xi32, #tpu.memory_space<vmem>>[vector<16xi32>, vector<16xi32>, vector<16xi32>], vector<16xi32>, vector<16xi1>
        tpu.vector_store_idx %arg11[%broadcast_in_dim3A_217, %shift_right_arithmetic3A_1223, %and3A_1226], %sub3A_833 masked %or3A_1039 : memref<2x2x128xf32, #tpu.memory_space<vmem>>[vector<16xi32>, vector<16xi32>, vector<16xi32>], vector<16xf32>, vector<16xi1>
        tpu.vector_store_idx %arg12[%broadcast_in_dim3A_217, %shift_right_arithmetic3A_1223, %and3A_1226], %add3A_1014 masked %or3A_1039 : memref<2x2x128xf32, #tpu.memory_space<vmem>>[vector<16xi32>, vector<16xi32>, vector<16xi32>], vector<16xf32>, vector<16xi1>
        %shift_right_arithmetic3A_1227 = arith.constant 7 : i32
        %shift_right_arithmetic3A_1228 = vector.broadcast %shift_right_arithmetic3A_1227 : i32 to vector<16xi32>
        %shift_right_arithmetic3A_1229 = arith.shrsi %add3A_1144, %shift_right_arithmetic3A_1228 : vector<16xi32>
        %and3A_1230 = arith.constant 127 : i32
        %and3A_1231 = vector.broadcast %and3A_1230 : i32 to vector<16xi32>
        %and3A_1232 = arith.andi %add3A_1144, %and3A_1231 : vector<16xi32>
        tpu.vector_store_idx %arg10[%broadcast_in_dim3A_217, %shift_right_arithmetic3A_1229, %and3A_1232], %get3A_272 masked %or3A_1041 : memref<2x2x128xi32, #tpu.memory_space<vmem>>[vector<16xi32>, vector<16xi32>, vector<16xi32>], vector<16xi32>, vector<16xi1>
        tpu.vector_store_idx %arg11[%broadcast_in_dim3A_217, %shift_right_arithmetic3A_1229, %and3A_1232], %sub3A_834 masked %or3A_1041 : memref<2x2x128xf32, #tpu.memory_space<vmem>>[vector<16xi32>, vector<16xi32>, vector<16xi32>], vector<16xf32>, vector<16xi1>
        tpu.vector_store_idx %arg12[%broadcast_in_dim3A_217, %shift_right_arithmetic3A_1229, %and3A_1232], %add3A_1018 masked %or3A_1041 : memref<2x2x128xf32, #tpu.memory_space<vmem>>[vector<16xi32>, vector<16xi32>, vector<16xi32>], vector<16xf32>, vector<16xi1>
        %shift_right_arithmetic3A_1233 = arith.constant 7 : i32
        %shift_right_arithmetic3A_1234 = vector.broadcast %shift_right_arithmetic3A_1233 : i32 to vector<16xi32>
        %shift_right_arithmetic3A_1235 = arith.shrsi %add3A_1158, %shift_right_arithmetic3A_1234 : vector<16xi32>
        %and3A_1236 = arith.constant 127 : i32
        %and3A_1237 = vector.broadcast %and3A_1236 : i32 to vector<16xi32>
        %and3A_1238 = arith.andi %add3A_1158, %and3A_1237 : vector<16xi32>
        tpu.vector_store_idx %arg10[%broadcast_in_dim3A_217, %shift_right_arithmetic3A_1235, %and3A_1238], %get3A_274 masked %or3A_1043 : memref<2x2x128xi32, #tpu.memory_space<vmem>>[vector<16xi32>, vector<16xi32>, vector<16xi32>], vector<16xi32>, vector<16xi1>
        tpu.vector_store_idx %arg11[%broadcast_in_dim3A_217, %shift_right_arithmetic3A_1235, %and3A_1238], %sub3A_835 masked %or3A_1043 : memref<2x2x128xf32, #tpu.memory_space<vmem>>[vector<16xi32>, vector<16xi32>, vector<16xi32>], vector<16xf32>, vector<16xi1>
        tpu.vector_store_idx %arg12[%broadcast_in_dim3A_217, %shift_right_arithmetic3A_1235, %and3A_1238], %add3A_1022 masked %or3A_1043 : memref<2x2x128xf32, #tpu.memory_space<vmem>>[vector<16xi32>, vector<16xi32>, vector<16xi32>], vector<16xf32>, vector<16xi1>
        %shift_right_arithmetic3A_1239 = arith.constant 7 : i32
        %shift_right_arithmetic3A_1240 = vector.broadcast %shift_right_arithmetic3A_1239 : i32 to vector<16xi32>
        %shift_right_arithmetic3A_1241 = arith.shrsi %add3A_1172, %shift_right_arithmetic3A_1240 : vector<16xi32>
        %and3A_1242 = arith.constant 127 : i32
        %and3A_1243 = vector.broadcast %and3A_1242 : i32 to vector<16xi32>
        %and3A_1244 = arith.andi %add3A_1172, %and3A_1243 : vector<16xi32>
        tpu.vector_store_idx %arg10[%broadcast_in_dim3A_217, %shift_right_arithmetic3A_1241, %and3A_1244], %get3A_276 masked %or3A_1045 : memref<2x2x128xi32, #tpu.memory_space<vmem>>[vector<16xi32>, vector<16xi32>, vector<16xi32>], vector<16xi32>, vector<16xi1>
        tpu.vector_store_idx %arg11[%broadcast_in_dim3A_217, %shift_right_arithmetic3A_1241, %and3A_1244], %sub3A_836 masked %or3A_1045 : memref<2x2x128xf32, #tpu.memory_space<vmem>>[vector<16xi32>, vector<16xi32>, vector<16xi32>], vector<16xf32>, vector<16xi1>
        tpu.vector_store_idx %arg12[%broadcast_in_dim3A_217, %shift_right_arithmetic3A_1241, %and3A_1244], %add3A_1026 masked %or3A_1045 : memref<2x2x128xf32, #tpu.memory_space<vmem>>[vector<16xi32>, vector<16xi32>, vector<16xi32>], vector<16xf32>, vector<16xi1>
        %reduce_max3A_1245 = arith.constant true
        %reduce_max3A_1246 = vector.broadcast %reduce_max3A_1245 : i1 to vector<16xi1>
        %reduce_max3A_1247 = arith.constant -2147483648 : i32
        %reduce_max3A_1248 = vector.broadcast %reduce_max3A_1247 : i32 to vector<16xi32>
        %reduce_max3A_1249 = arith.xori %add3A_1185, %reduce_max3A_1248 : vector<16xi32>
        %reduce_max3A_1250 = tpu.scan <max>, %reduce_max3A_1249 masked %reduce_max3A_1246 : vector<16xi32>, vector<16xi1> -> vector<16xi32>
        %reduce_max3A_1251 = arith.xori %reduce_max3A_1250, %reduce_max3A_1248 : vector<16xi32>
        %reduce_max3A_1252 = vector.extract %reduce_max3A_1251[15] : i32 from vector<16xi32>
        %ge3A_1253 = arith.constant 96 : i32
        %ge3A_1254 = arith.cmpi sge, %reduce_max3A_1252, %ge3A_1253 : i32
        %convert_element_type3A_1255 = arith.extui %ge3A_1254 : i1 to i32
        %cond3A_1256 = arith.constant 0 : i32
        %cond3A_1257 = arith.cmpi ne, %convert_element_type3A_1255, %cond3A_1256 : i32
        scf.if %cond3A_1257 {
          %eq3A_1267 = arith.constant 0 : i32
          %eq3A_1268 = arith.cmpi eq, %scan3A_207, %eq3A_1267 : i32
          %convert_element_type3A_1269 = arith.extui %eq3A_1268 : i1 to i32
          %cond3A_1270 = arith.constant 0 : i32
          %cond3A_1271 = arith.cmpi ne, %convert_element_type3A_1269, %cond3A_1270 : i32
          scf.if %cond3A_1271 {
            %dma_start3A_1277 = arith.constant 0 : i32
            %dma_start3A_1278 = arith.constant 0 : i32
            %dma_start3A_1279 = arith.constant 0 : i32
            %dma_start3A_1280 = arith.constant 0 : i32
            %dma_start3A_1281 = arith.constant 0 : i32
            %dma_start3A_1282 = tpu.memref_slice %arg11[%dma_start3A_1277, %dma_start3A_1278, %dma_start3A_1281] : memref<2x2x128xf32, #tpu.memory_space<vmem>> -> memref<1x1x128xf32, #tpu.memory_space<vmem>>
            %dma_start3A_1283 = tpu.memref_squeeze %dma_start3A_1282 : memref<1x1x128xf32, #tpu.memory_space<vmem>> -> memref<128xf32, #tpu.memory_space<vmem>>
            %dma_start3A_1284 = arith.constant 0 : i32
            %dma_start3A_1285 = tpu.memref_slice %arg10[%dma_start3A_1279, %dma_start3A_1280, %dma_start3A_1284] : memref<2x2x128xi32, #tpu.memory_space<vmem>> -> memref<1x1x128xi32, #tpu.memory_space<vmem>>
            %dma_start3A_1286 = tpu.memref_squeeze %dma_start3A_1285 : memref<1x1x128xi32, #tpu.memory_space<vmem>> -> memref<128xi32, #tpu.memory_space<vmem>>
            %dma_start3A_1287 = arith.constant 0 : i32
            %dma_start3A_1288 = tpu.memref_slice %arg13[%dma_start3A_1287] : memref<100352xf32, #tpu.memory_space<vmem_shared>> -> memref<100352xf32, #tpu.memory_space<vmem_shared>>
            tpu.enqueue_indirect_dma source(%dma_start3A_1283 : memref<128xf32, #tpu.memory_space<vmem>>) target(%dma_start3A_1288 : memref<100352xf32, #tpu.memory_space<vmem_shared>>) offsets(%dma_start3A_1286 : memref<128xi32, #tpu.memory_space<vmem>>) semaphore(%arg16 : memref<!tpu.dma_semaphore, #tpu.memory_space<semaphore_mem>>) {add = true}
            %dma_start3A_1289 = arith.constant 0 : i32
            %dma_start3A_1290 = arith.constant 0 : i32
            %dma_start3A_1291 = arith.constant 0 : i32
            %dma_start3A_1292 = arith.constant 0 : i32
            %dma_start3A_1293 = arith.constant 0 : i32
            %dma_start3A_1294 = tpu.memref_slice %arg12[%dma_start3A_1289, %dma_start3A_1290, %dma_start3A_1293] : memref<2x2x128xf32, #tpu.memory_space<vmem>> -> memref<1x1x128xf32, #tpu.memory_space<vmem>>
            %dma_start3A_1295 = tpu.memref_squeeze %dma_start3A_1294 : memref<1x1x128xf32, #tpu.memory_space<vmem>> -> memref<128xf32, #tpu.memory_space<vmem>>
            %dma_start3A_1296 = arith.constant 0 : i32
            %dma_start3A_1297 = tpu.memref_slice %arg10[%dma_start3A_1291, %dma_start3A_1292, %dma_start3A_1296] : memref<2x2x128xi32, #tpu.memory_space<vmem>> -> memref<1x1x128xi32, #tpu.memory_space<vmem>>
            %dma_start3A_1298 = tpu.memref_squeeze %dma_start3A_1297 : memref<1x1x128xi32, #tpu.memory_space<vmem>> -> memref<128xi32, #tpu.memory_space<vmem>>
            %dma_start3A_1299 = arith.constant 0 : i32
            %dma_start3A_1300 = tpu.memref_slice %arg14[%dma_start3A_1299] : memref<100352xf32, #tpu.memory_space<vmem_shared>> -> memref<100352xf32, #tpu.memory_space<vmem_shared>>
            tpu.enqueue_indirect_dma source(%dma_start3A_1295 : memref<128xf32, #tpu.memory_space<vmem>>) target(%dma_start3A_1300 : memref<100352xf32, #tpu.memory_space<vmem_shared>>) offsets(%dma_start3A_1298 : memref<128xi32, #tpu.memory_space<vmem>>) semaphore(%arg16 : memref<!tpu.dma_semaphore, #tpu.memory_space<semaphore_mem>>) {add = true}
            %dma_start3A_1301 = arith.constant 0 : i32
            %dma_start3A_1302 = arith.constant 1 : i32
            %dma_start3A_1303 = arith.constant 0 : i32
            %dma_start3A_1304 = arith.constant 1 : i32
            %dma_start3A_1305 = arith.constant 0 : i32
            %dma_start3A_1306 = tpu.memref_slice %arg11[%dma_start3A_1301, %dma_start3A_1302, %dma_start3A_1305] : memref<2x2x128xf32, #tpu.memory_space<vmem>> -> memref<1x1x128xf32, #tpu.memory_space<vmem>>
            %dma_start3A_1307 = tpu.memref_squeeze %dma_start3A_1306 : memref<1x1x128xf32, #tpu.memory_space<vmem>> -> memref<128xf32, #tpu.memory_space<vmem>>
            %dma_start3A_1308 = arith.constant 0 : i32
            %dma_start3A_1309 = tpu.memref_slice %arg10[%dma_start3A_1303, %dma_start3A_1304, %dma_start3A_1308] : memref<2x2x128xi32, #tpu.memory_space<vmem>> -> memref<1x1x128xi32, #tpu.memory_space<vmem>>
            %dma_start3A_1310 = tpu.memref_squeeze %dma_start3A_1309 : memref<1x1x128xi32, #tpu.memory_space<vmem>> -> memref<128xi32, #tpu.memory_space<vmem>>
            %dma_start3A_1311 = arith.constant 0 : i32
            %dma_start3A_1312 = tpu.memref_slice %arg13[%dma_start3A_1311] : memref<100352xf32, #tpu.memory_space<vmem_shared>> -> memref<100352xf32, #tpu.memory_space<vmem_shared>>
            tpu.enqueue_indirect_dma source(%dma_start3A_1307 : memref<128xf32, #tpu.memory_space<vmem>>) target(%dma_start3A_1312 : memref<100352xf32, #tpu.memory_space<vmem_shared>>) offsets(%dma_start3A_1310 : memref<128xi32, #tpu.memory_space<vmem>>) semaphore(%arg16 : memref<!tpu.dma_semaphore, #tpu.memory_space<semaphore_mem>>) {add = true}
            %dma_start3A_1313 = arith.constant 0 : i32
            %dma_start3A_1314 = arith.constant 1 : i32
            %dma_start3A_1315 = arith.constant 0 : i32
            %dma_start3A_1316 = arith.constant 1 : i32
            %dma_start3A_1317 = arith.constant 0 : i32
            %dma_start3A_1318 = tpu.memref_slice %arg12[%dma_start3A_1313, %dma_start3A_1314, %dma_start3A_1317] : memref<2x2x128xf32, #tpu.memory_space<vmem>> -> memref<1x1x128xf32, #tpu.memory_space<vmem>>
            %dma_start3A_1319 = tpu.memref_squeeze %dma_start3A_1318 : memref<1x1x128xf32, #tpu.memory_space<vmem>> -> memref<128xf32, #tpu.memory_space<vmem>>
            %dma_start3A_1320 = arith.constant 0 : i32
            %dma_start3A_1321 = tpu.memref_slice %arg10[%dma_start3A_1315, %dma_start3A_1316, %dma_start3A_1320] : memref<2x2x128xi32, #tpu.memory_space<vmem>> -> memref<1x1x128xi32, #tpu.memory_space<vmem>>
            %dma_start3A_1322 = tpu.memref_squeeze %dma_start3A_1321 : memref<1x1x128xi32, #tpu.memory_space<vmem>> -> memref<128xi32, #tpu.memory_space<vmem>>
            %dma_start3A_1323 = arith.constant 0 : i32
            %dma_start3A_1324 = tpu.memref_slice %arg14[%dma_start3A_1323] : memref<100352xf32, #tpu.memory_space<vmem_shared>> -> memref<100352xf32, #tpu.memory_space<vmem_shared>>
            tpu.enqueue_indirect_dma source(%dma_start3A_1319 : memref<128xf32, #tpu.memory_space<vmem>>) target(%dma_start3A_1324 : memref<100352xf32, #tpu.memory_space<vmem_shared>>) offsets(%dma_start3A_1322 : memref<128xi32, #tpu.memory_space<vmem>>) semaphore(%arg16 : memref<!tpu.dma_semaphore, #tpu.memory_space<semaphore_mem>>) {add = true}
            %ge3A_1325 = arith.constant 1 : i32
            %ge3A_1326 = arith.cmpi sge, %scan3A_208, %ge3A_1325 : i32
            %convert_element_type3A_1327 = arith.extui %ge3A_1326 : i1 to i32
            %cond3A_1328 = arith.constant 0 : i32
            %cond3A_1329 = arith.cmpi ne, %convert_element_type3A_1327, %cond3A_1328 : i32
            scf.if %cond3A_1329 {
              %dma_wait3A_1330 = arith.constant 1 : i32
              %dma_wait3A_1331 = arith.constant 0 : i32
              %dma_wait3A_1332 = arith.constant 1 : i32
              %dma_wait3A_1333 = arith.constant 0 : i32
              %dma_wait3A_1334 = arith.constant 0 : i32
              %dma_wait3A_1335 = tpu.memref_slice %arg11[%dma_wait3A_1330, %dma_wait3A_1331, %dma_wait3A_1334] : memref<2x2x128xf32, #tpu.memory_space<vmem>> -> memref<1x1x128xf32, #tpu.memory_space<vmem>>
              %dma_wait3A_1336 = tpu.memref_squeeze %dma_wait3A_1335 : memref<1x1x128xf32, #tpu.memory_space<vmem>> -> memref<128xf32, #tpu.memory_space<vmem>>
              %dma_wait3A_1337 = arith.constant 0 : i32
              %dma_wait3A_1338 = tpu.memref_slice %arg10[%dma_wait3A_1332, %dma_wait3A_1333, %dma_wait3A_1337] : memref<2x2x128xi32, #tpu.memory_space<vmem>> -> memref<1x1x128xi32, #tpu.memory_space<vmem>>
              %dma_wait3A_1339 = tpu.memref_squeeze %dma_wait3A_1338 : memref<1x1x128xi32, #tpu.memory_space<vmem>> -> memref<128xi32, #tpu.memory_space<vmem>>
              %dma_wait3A_1340 = arith.constant 0 : i32
              %dma_wait3A_1341 = tpu.memref_slice %arg13[%dma_wait3A_1340] : memref<100352xf32, #tpu.memory_space<vmem_shared>> -> memref<100352xf32, #tpu.memory_space<vmem_shared>>
              tpu.wait_indirect_dma semaphore(%arg17 : memref<!tpu.dma_semaphore, #tpu.memory_space<semaphore_mem>>) src(%dma_wait3A_1336 : memref<128xf32, #tpu.memory_space<vmem>>) dst(%dma_wait3A_1341 : memref<100352xf32, #tpu.memory_space<vmem_shared>>)
              %dma_wait3A_1342 = arith.constant 1 : i32
              %dma_wait3A_1343 = arith.constant 0 : i32
              %dma_wait3A_1344 = arith.constant 1 : i32
              %dma_wait3A_1345 = arith.constant 0 : i32
              %dma_wait3A_1346 = arith.constant 0 : i32
              %dma_wait3A_1347 = tpu.memref_slice %arg12[%dma_wait3A_1342, %dma_wait3A_1343, %dma_wait3A_1346] : memref<2x2x128xf32, #tpu.memory_space<vmem>> -> memref<1x1x128xf32, #tpu.memory_space<vmem>>
              %dma_wait3A_1348 = tpu.memref_squeeze %dma_wait3A_1347 : memref<1x1x128xf32, #tpu.memory_space<vmem>> -> memref<128xf32, #tpu.memory_space<vmem>>
              %dma_wait3A_1349 = arith.constant 0 : i32
              %dma_wait3A_1350 = tpu.memref_slice %arg10[%dma_wait3A_1344, %dma_wait3A_1345, %dma_wait3A_1349] : memref<2x2x128xi32, #tpu.memory_space<vmem>> -> memref<1x1x128xi32, #tpu.memory_space<vmem>>
              %dma_wait3A_1351 = tpu.memref_squeeze %dma_wait3A_1350 : memref<1x1x128xi32, #tpu.memory_space<vmem>> -> memref<128xi32, #tpu.memory_space<vmem>>
              %dma_wait3A_1352 = arith.constant 0 : i32
              %dma_wait3A_1353 = tpu.memref_slice %arg14[%dma_wait3A_1352] : memref<100352xf32, #tpu.memory_space<vmem_shared>> -> memref<100352xf32, #tpu.memory_space<vmem_shared>>
              tpu.wait_indirect_dma semaphore(%arg17 : memref<!tpu.dma_semaphore, #tpu.memory_space<semaphore_mem>>) src(%dma_wait3A_1348 : memref<128xf32, #tpu.memory_space<vmem>>) dst(%dma_wait3A_1353 : memref<100352xf32, #tpu.memory_space<vmem_shared>>)
              %dma_wait3A_1354 = arith.constant 1 : i32
              %dma_wait3A_1355 = arith.constant 1 : i32
              %dma_wait3A_1356 = arith.constant 1 : i32
              %dma_wait3A_1357 = arith.constant 1 : i32
              %dma_wait3A_1358 = arith.constant 0 : i32
              %dma_wait3A_1359 = tpu.memref_slice %arg11[%dma_wait3A_1354, %dma_wait3A_1355, %dma_wait3A_1358] : memref<2x2x128xf32, #tpu.memory_space<vmem>> -> memref<1x1x128xf32, #tpu.memory_space<vmem>>
              %dma_wait3A_1360 = tpu.memref_squeeze %dma_wait3A_1359 : memref<1x1x128xf32, #tpu.memory_space<vmem>> -> memref<128xf32, #tpu.memory_space<vmem>>
              %dma_wait3A_1361 = arith.constant 0 : i32
              %dma_wait3A_1362 = tpu.memref_slice %arg10[%dma_wait3A_1356, %dma_wait3A_1357, %dma_wait3A_1361] : memref<2x2x128xi32, #tpu.memory_space<vmem>> -> memref<1x1x128xi32, #tpu.memory_space<vmem>>
              %dma_wait3A_1363 = tpu.memref_squeeze %dma_wait3A_1362 : memref<1x1x128xi32, #tpu.memory_space<vmem>> -> memref<128xi32, #tpu.memory_space<vmem>>
              %dma_wait3A_1364 = arith.constant 0 : i32
              %dma_wait3A_1365 = tpu.memref_slice %arg13[%dma_wait3A_1364] : memref<100352xf32, #tpu.memory_space<vmem_shared>> -> memref<100352xf32, #tpu.memory_space<vmem_shared>>
              tpu.wait_indirect_dma semaphore(%arg17 : memref<!tpu.dma_semaphore, #tpu.memory_space<semaphore_mem>>) src(%dma_wait3A_1360 : memref<128xf32, #tpu.memory_space<vmem>>) dst(%dma_wait3A_1365 : memref<100352xf32, #tpu.memory_space<vmem_shared>>)
              %dma_wait3A_1366 = arith.constant 1 : i32
              %dma_wait3A_1367 = arith.constant 1 : i32
              %dma_wait3A_1368 = arith.constant 1 : i32
              %dma_wait3A_1369 = arith.constant 1 : i32
              %dma_wait3A_1370 = arith.constant 0 : i32
              %dma_wait3A_1371 = tpu.memref_slice %arg12[%dma_wait3A_1366, %dma_wait3A_1367, %dma_wait3A_1370] : memref<2x2x128xf32, #tpu.memory_space<vmem>> -> memref<1x1x128xf32, #tpu.memory_space<vmem>>
              %dma_wait3A_1372 = tpu.memref_squeeze %dma_wait3A_1371 : memref<1x1x128xf32, #tpu.memory_space<vmem>> -> memref<128xf32, #tpu.memory_space<vmem>>
              %dma_wait3A_1373 = arith.constant 0 : i32
              %dma_wait3A_1374 = tpu.memref_slice %arg10[%dma_wait3A_1368, %dma_wait3A_1369, %dma_wait3A_1373] : memref<2x2x128xi32, #tpu.memory_space<vmem>> -> memref<1x1x128xi32, #tpu.memory_space<vmem>>
              %dma_wait3A_1375 = tpu.memref_squeeze %dma_wait3A_1374 : memref<1x1x128xi32, #tpu.memory_space<vmem>> -> memref<128xi32, #tpu.memory_space<vmem>>
              %dma_wait3A_1376 = arith.constant 0 : i32
              %dma_wait3A_1377 = tpu.memref_slice %arg14[%dma_wait3A_1376] : memref<100352xf32, #tpu.memory_space<vmem_shared>> -> memref<100352xf32, #tpu.memory_space<vmem_shared>>
              tpu.wait_indirect_dma semaphore(%arg17 : memref<!tpu.dma_semaphore, #tpu.memory_space<semaphore_mem>>) src(%dma_wait3A_1372 : memref<128xf32, #tpu.memory_space<vmem>>) dst(%dma_wait3A_1377 : memref<100352xf32, #tpu.memory_space<vmem_shared>>)
              %scan3A_1378 = arith.constant 0 : i32
              %scan3A_1379 = arith.constant 0 : i32
              %scan3A_1380 = arith.constant 8 : i32
              %scan3A_1381 = arith.addi %scan3A_1379, %scan3A_1380 : i32
              %scan3A_1382 = arith.constant 1 : i32
              %scan3A_1383 = scf.for %scan3A_1385 = %scan3A_1379 to %scan3A_1381 step %scan3A_1382 iter_args(%scan3A_1386 = %scan3A_1378) -> (i32)  : i32 {
                %mul3A_1387 = arith.constant 16 : i32
                %mul3A_1388 = arith.muli %mul3A_1387, %scan3A_1385 : i32
                %swap3A = arith.constant 1 : i32
                %swap3A_1389 = arith.constant 0 : i32
                %swap3A_1390 = arith.index_cast %swap3A : i32 to index
                %swap3A_1391 = arith.index_cast %swap3A_1389 : i32 to index
                %swap3A_1392 = arith.index_cast %mul3A_1388 : i32 to index
                %swap3A_1393 = tpu.vector_load %arg10[%swap3A_1390, %swap3A_1391, %swap3A_1392] {strides = array<i32>} : memref<2x2x128xi32, #tpu.memory_space<vmem>>, vector<16xi32>,
                tpu.vector_store %arg10[%swap3A_1390, %swap3A_1391, %swap3A_1392], %add3A_16 {strides = array<i32>} : memref<2x2x128xi32, #tpu.memory_space<vmem>>, vector<16xi32>,
                %mul3A_1394 = arith.constant 16 : i32
                %mul3A_1395 = arith.muli %mul3A_1394, %scan3A_1385 : i32
                %swap3A_1396 = arith.constant 1 : i32
                %swap3A_1397 = arith.constant 0 : i32
                %swap3A_1398 = arith.index_cast %swap3A_1396 : i32 to index
                %swap3A_1399 = arith.index_cast %swap3A_1397 : i32 to index
                %swap3A_1400 = arith.index_cast %mul3A_1395 : i32 to index
                %swap3A_1401 = tpu.vector_load %arg11[%swap3A_1398, %swap3A_1399, %swap3A_1400] {strides = array<i32>} : memref<2x2x128xf32, #tpu.memory_space<vmem>>, vector<16xf32>,
                tpu.vector_store %arg11[%swap3A_1398, %swap3A_1399, %swap3A_1400], %broadcast_in_dim3A_18 {strides = array<i32>} : memref<2x2x128xf32, #tpu.memory_space<vmem>>, vector<16xf32>,
                %mul3A_1402 = arith.constant 16 : i32
                %mul3A_1403 = arith.muli %mul3A_1402, %scan3A_1385 : i32
                %swap3A_1404 = arith.constant 1 : i32
                %swap3A_1405 = arith.constant 0 : i32
                %swap3A_1406 = arith.index_cast %swap3A_1404 : i32 to index
                %swap3A_1407 = arith.index_cast %swap3A_1405 : i32 to index
                %swap3A_1408 = arith.index_cast %mul3A_1403 : i32 to index
                %swap3A_1409 = tpu.vector_load %arg12[%swap3A_1406, %swap3A_1407, %swap3A_1408] {strides = array<i32>} : memref<2x2x128xf32, #tpu.memory_space<vmem>>, vector<16xf32>,
                tpu.vector_store %arg12[%swap3A_1406, %swap3A_1407, %swap3A_1408], %broadcast_in_dim3A_18 {strides = array<i32>} : memref<2x2x128xf32, #tpu.memory_space<vmem>>, vector<16xf32>,
                %mul3A_1410 = arith.constant 16 : i32
                %mul3A_1411 = arith.muli %mul3A_1410, %scan3A_1385 : i32
                %swap3A_1412 = arith.constant 1 : i32
                %swap3A_1413 = arith.constant 1 : i32
                %swap3A_1414 = arith.index_cast %swap3A_1412 : i32 to index
                %swap3A_1415 = arith.index_cast %swap3A_1413 : i32 to index
                %swap3A_1416 = arith.index_cast %mul3A_1411 : i32 to index
                %swap3A_1417 = tpu.vector_load %arg10[%swap3A_1414, %swap3A_1415, %swap3A_1416] {strides = array<i32>} : memref<2x2x128xi32, #tpu.memory_space<vmem>>, vector<16xi32>,
                tpu.vector_store %arg10[%swap3A_1414, %swap3A_1415, %swap3A_1416], %add3A_16 {strides = array<i32>} : memref<2x2x128xi32, #tpu.memory_space<vmem>>, vector<16xi32>,
                %mul3A_1418 = arith.constant 16 : i32
                %mul3A_1419 = arith.muli %mul3A_1418, %scan3A_1385 : i32
                %swap3A_1420 = arith.constant 1 : i32
                %swap3A_1421 = arith.constant 1 : i32
                %swap3A_1422 = arith.index_cast %swap3A_1420 : i32 to index
                %swap3A_1423 = arith.index_cast %swap3A_1421 : i32 to index
                %swap3A_1424 = arith.index_cast %mul3A_1419 : i32 to index
                %swap3A_1425 = tpu.vector_load %arg11[%swap3A_1422, %swap3A_1423, %swap3A_1424] {strides = array<i32>} : memref<2x2x128xf32, #tpu.memory_space<vmem>>, vector<16xf32>,
                tpu.vector_store %arg11[%swap3A_1422, %swap3A_1423, %swap3A_1424], %broadcast_in_dim3A_18 {strides = array<i32>} : memref<2x2x128xf32, #tpu.memory_space<vmem>>, vector<16xf32>,
                %mul3A_1426 = arith.constant 16 : i32
                %mul3A_1427 = arith.muli %mul3A_1426, %scan3A_1385 : i32
                %swap3A_1428 = arith.constant 1 : i32
                %swap3A_1429 = arith.constant 1 : i32
                %swap3A_1430 = arith.index_cast %swap3A_1428 : i32 to index
                %swap3A_1431 = arith.index_cast %swap3A_1429 : i32 to index
                %swap3A_1432 = arith.index_cast %mul3A_1427 : i32 to index
                %swap3A_1433 = tpu.vector_load %arg12[%swap3A_1430, %swap3A_1431, %swap3A_1432] {strides = array<i32>} : memref<2x2x128xf32, #tpu.memory_space<vmem>>, vector<16xf32>,
                tpu.vector_store %arg12[%swap3A_1430, %swap3A_1431, %swap3A_1432], %broadcast_in_dim3A_18 {strides = array<i32>} : memref<2x2x128xf32, #tpu.memory_space<vmem>>, vector<16xf32>,
                %scan3A_1434 = arith.constant 0 : i32
                scf.yield %scan3A_1434 : i32
              }
              %scan3A_1384 = arith.constant 8 : i32
            } else {
            }
          } else {
          }
          %eq3A_1272 = arith.constant 1 : i32
          %eq3A_1273 = arith.cmpi eq, %scan3A_207, %eq3A_1272 : i32
          %convert_element_type3A_1274 = arith.extui %eq3A_1273 : i1 to i32
          %cond3A_1275 = arith.constant 0 : i32
          %cond3A_1276 = arith.cmpi ne, %convert_element_type3A_1274, %cond3A_1275 : i32
          scf.if %cond3A_1276 {
            %dma_start3A_1277 = arith.constant 1 : i32
            %dma_start3A_1278 = arith.constant 0 : i32
            %dma_start3A_1279 = arith.constant 1 : i32
            %dma_start3A_1280 = arith.constant 0 : i32
            %dma_start3A_1281 = arith.constant 0 : i32
            %dma_start3A_1282 = tpu.memref_slice %arg11[%dma_start3A_1277, %dma_start3A_1278, %dma_start3A_1281] : memref<2x2x128xf32, #tpu.memory_space<vmem>> -> memref<1x1x128xf32, #tpu.memory_space<vmem>>
            %dma_start3A_1283 = tpu.memref_squeeze %dma_start3A_1282 : memref<1x1x128xf32, #tpu.memory_space<vmem>> -> memref<128xf32, #tpu.memory_space<vmem>>
            %dma_start3A_1284 = arith.constant 0 : i32
            %dma_start3A_1285 = tpu.memref_slice %arg10[%dma_start3A_1279, %dma_start3A_1280, %dma_start3A_1284] : memref<2x2x128xi32, #tpu.memory_space<vmem>> -> memref<1x1x128xi32, #tpu.memory_space<vmem>>
            %dma_start3A_1286 = tpu.memref_squeeze %dma_start3A_1285 : memref<1x1x128xi32, #tpu.memory_space<vmem>> -> memref<128xi32, #tpu.memory_space<vmem>>
            %dma_start3A_1287 = arith.constant 0 : i32
            %dma_start3A_1288 = tpu.memref_slice %arg13[%dma_start3A_1287] : memref<100352xf32, #tpu.memory_space<vmem_shared>> -> memref<100352xf32, #tpu.memory_space<vmem_shared>>
            tpu.enqueue_indirect_dma source(%dma_start3A_1283 : memref<128xf32, #tpu.memory_space<vmem>>) target(%dma_start3A_1288 : memref<100352xf32, #tpu.memory_space<vmem_shared>>) offsets(%dma_start3A_1286 : memref<128xi32, #tpu.memory_space<vmem>>) semaphore(%arg17 : memref<!tpu.dma_semaphore, #tpu.memory_space<semaphore_mem>>) {add = true}
            %dma_start3A_1289 = arith.constant 1 : i32
            %dma_start3A_1290 = arith.constant 0 : i32
            %dma_start3A_1291 = arith.constant 1 : i32
            %dma_start3A_1292 = arith.constant 0 : i32
            %dma_start3A_1293 = arith.constant 0 : i32
            %dma_start3A_1294 = tpu.memref_slice %arg12[%dma_start3A_1289, %dma_start3A_1290, %dma_start3A_1293] : memref<2x2x128xf32, #tpu.memory_space<vmem>> -> memref<1x1x128xf32, #tpu.memory_space<vmem>>
            %dma_start3A_1295 = tpu.memref_squeeze %dma_start3A_1294 : memref<1x1x128xf32, #tpu.memory_space<vmem>> -> memref<128xf32, #tpu.memory_space<vmem>>
            %dma_start3A_1296 = arith.constant 0 : i32
            %dma_start3A_1297 = tpu.memref_slice %arg10[%dma_start3A_1291, %dma_start3A_1292, %dma_start3A_1296] : memref<2x2x128xi32, #tpu.memory_space<vmem>> -> memref<1x1x128xi32, #tpu.memory_space<vmem>>
            %dma_start3A_1298 = tpu.memref_squeeze %dma_start3A_1297 : memref<1x1x128xi32, #tpu.memory_space<vmem>> -> memref<128xi32, #tpu.memory_space<vmem>>
            %dma_start3A_1299 = arith.constant 0 : i32
            %dma_start3A_1300 = tpu.memref_slice %arg14[%dma_start3A_1299] : memref<100352xf32, #tpu.memory_space<vmem_shared>> -> memref<100352xf32, #tpu.memory_space<vmem_shared>>
            tpu.enqueue_indirect_dma source(%dma_start3A_1295 : memref<128xf32, #tpu.memory_space<vmem>>) target(%dma_start3A_1300 : memref<100352xf32, #tpu.memory_space<vmem_shared>>) offsets(%dma_start3A_1298 : memref<128xi32, #tpu.memory_space<vmem>>) semaphore(%arg17 : memref<!tpu.dma_semaphore, #tpu.memory_space<semaphore_mem>>) {add = true}
            %dma_start3A_1301 = arith.constant 1 : i32
            %dma_start3A_1302 = arith.constant 1 : i32
            %dma_start3A_1303 = arith.constant 1 : i32
            %dma_start3A_1304 = arith.constant 1 : i32
            %dma_start3A_1305 = arith.constant 0 : i32
            %dma_start3A_1306 = tpu.memref_slice %arg11[%dma_start3A_1301, %dma_start3A_1302, %dma_start3A_1305] : memref<2x2x128xf32, #tpu.memory_space<vmem>> -> memref<1x1x128xf32, #tpu.memory_space<vmem>>
            %dma_start3A_1307 = tpu.memref_squeeze %dma_start3A_1306 : memref<1x1x128xf32, #tpu.memory_space<vmem>> -> memref<128xf32, #tpu.memory_space<vmem>>
            %dma_start3A_1308 = arith.constant 0 : i32
            %dma_start3A_1309 = tpu.memref_slice %arg10[%dma_start3A_1303, %dma_start3A_1304, %dma_start3A_1308] : memref<2x2x128xi32, #tpu.memory_space<vmem>> -> memref<1x1x128xi32, #tpu.memory_space<vmem>>
            %dma_start3A_1310 = tpu.memref_squeeze %dma_start3A_1309 : memref<1x1x128xi32, #tpu.memory_space<vmem>> -> memref<128xi32, #tpu.memory_space<vmem>>
            %dma_start3A_1311 = arith.constant 0 : i32
            %dma_start3A_1312 = tpu.memref_slice %arg13[%dma_start3A_1311] : memref<100352xf32, #tpu.memory_space<vmem_shared>> -> memref<100352xf32, #tpu.memory_space<vmem_shared>>
            tpu.enqueue_indirect_dma source(%dma_start3A_1307 : memref<128xf32, #tpu.memory_space<vmem>>) target(%dma_start3A_1312 : memref<100352xf32, #tpu.memory_space<vmem_shared>>) offsets(%dma_start3A_1310 : memref<128xi32, #tpu.memory_space<vmem>>) semaphore(%arg17 : memref<!tpu.dma_semaphore, #tpu.memory_space<semaphore_mem>>) {add = true}
            %dma_start3A_1313 = arith.constant 1 : i32
            %dma_start3A_1314 = arith.constant 1 : i32
            %dma_start3A_1315 = arith.constant 1 : i32
            %dma_start3A_1316 = arith.constant 1 : i32
            %dma_start3A_1317 = arith.constant 0 : i32
            %dma_start3A_1318 = tpu.memref_slice %arg12[%dma_start3A_1313, %dma_start3A_1314, %dma_start3A_1317] : memref<2x2x128xf32, #tpu.memory_space<vmem>> -> memref<1x1x128xf32, #tpu.memory_space<vmem>>
            %dma_start3A_1319 = tpu.memref_squeeze %dma_start3A_1318 : memref<1x1x128xf32, #tpu.memory_space<vmem>> -> memref<128xf32, #tpu.memory_space<vmem>>
            %dma_start3A_1320 = arith.constant 0 : i32
            %dma_start3A_1321 = tpu.memref_slice %arg10[%dma_start3A_1315, %dma_start3A_1316, %dma_start3A_1320] : memref<2x2x128xi32, #tpu.memory_space<vmem>> -> memref<1x1x128xi32, #tpu.memory_space<vmem>>
            %dma_start3A_1322 = tpu.memref_squeeze %dma_start3A_1321 : memref<1x1x128xi32, #tpu.memory_space<vmem>> -> memref<128xi32, #tpu.memory_space<vmem>>
            %dma_start3A_1323 = arith.constant 0 : i32
            %dma_start3A_1324 = tpu.memref_slice %arg14[%dma_start3A_1323] : memref<100352xf32, #tpu.memory_space<vmem_shared>> -> memref<100352xf32, #tpu.memory_space<vmem_shared>>
            tpu.enqueue_indirect_dma source(%dma_start3A_1319 : memref<128xf32, #tpu.memory_space<vmem>>) target(%dma_start3A_1324 : memref<100352xf32, #tpu.memory_space<vmem_shared>>) offsets(%dma_start3A_1322 : memref<128xi32, #tpu.memory_space<vmem>>) semaphore(%arg17 : memref<!tpu.dma_semaphore, #tpu.memory_space<semaphore_mem>>) {add = true}
            %ge3A_1325 = arith.constant 1 : i32
            %ge3A_1326 = arith.cmpi sge, %scan3A_208, %ge3A_1325 : i32
            %convert_element_type3A_1327 = arith.extui %ge3A_1326 : i1 to i32
            %cond3A_1328 = arith.constant 0 : i32
            %cond3A_1329 = arith.cmpi ne, %convert_element_type3A_1327, %cond3A_1328 : i32
            scf.if %cond3A_1329 {
              %dma_wait3A_1330 = arith.constant 0 : i32
              %dma_wait3A_1331 = arith.constant 0 : i32
              %dma_wait3A_1332 = arith.constant 0 : i32
              %dma_wait3A_1333 = arith.constant 0 : i32
              %dma_wait3A_1334 = arith.constant 0 : i32
              %dma_wait3A_1335 = tpu.memref_slice %arg11[%dma_wait3A_1330, %dma_wait3A_1331, %dma_wait3A_1334] : memref<2x2x128xf32, #tpu.memory_space<vmem>> -> memref<1x1x128xf32, #tpu.memory_space<vmem>>
              %dma_wait3A_1336 = tpu.memref_squeeze %dma_wait3A_1335 : memref<1x1x128xf32, #tpu.memory_space<vmem>> -> memref<128xf32, #tpu.memory_space<vmem>>
              %dma_wait3A_1337 = arith.constant 0 : i32
              %dma_wait3A_1338 = tpu.memref_slice %arg10[%dma_wait3A_1332, %dma_wait3A_1333, %dma_wait3A_1337] : memref<2x2x128xi32, #tpu.memory_space<vmem>> -> memref<1x1x128xi32, #tpu.memory_space<vmem>>
              %dma_wait3A_1339 = tpu.memref_squeeze %dma_wait3A_1338 : memref<1x1x128xi32, #tpu.memory_space<vmem>> -> memref<128xi32, #tpu.memory_space<vmem>>
              %dma_wait3A_1340 = arith.constant 0 : i32
              %dma_wait3A_1341 = tpu.memref_slice %arg13[%dma_wait3A_1340] : memref<100352xf32, #tpu.memory_space<vmem_shared>> -> memref<100352xf32, #tpu.memory_space<vmem_shared>>
              tpu.wait_indirect_dma semaphore(%arg16 : memref<!tpu.dma_semaphore, #tpu.memory_space<semaphore_mem>>) src(%dma_wait3A_1336 : memref<128xf32, #tpu.memory_space<vmem>>) dst(%dma_wait3A_1341 : memref<100352xf32, #tpu.memory_space<vmem_shared>>)
              %dma_wait3A_1342 = arith.constant 0 : i32
              %dma_wait3A_1343 = arith.constant 0 : i32
              %dma_wait3A_1344 = arith.constant 0 : i32
              %dma_wait3A_1345 = arith.constant 0 : i32
              %dma_wait3A_1346 = arith.constant 0 : i32
              %dma_wait3A_1347 = tpu.memref_slice %arg12[%dma_wait3A_1342, %dma_wait3A_1343, %dma_wait3A_1346] : memref<2x2x128xf32, #tpu.memory_space<vmem>> -> memref<1x1x128xf32, #tpu.memory_space<vmem>>
              %dma_wait3A_1348 = tpu.memref_squeeze %dma_wait3A_1347 : memref<1x1x128xf32, #tpu.memory_space<vmem>> -> memref<128xf32, #tpu.memory_space<vmem>>
              %dma_wait3A_1349 = arith.constant 0 : i32
              %dma_wait3A_1350 = tpu.memref_slice %arg10[%dma_wait3A_1344, %dma_wait3A_1345, %dma_wait3A_1349] : memref<2x2x128xi32, #tpu.memory_space<vmem>> -> memref<1x1x128xi32, #tpu.memory_space<vmem>>
              %dma_wait3A_1351 = tpu.memref_squeeze %dma_wait3A_1350 : memref<1x1x128xi32, #tpu.memory_space<vmem>> -> memref<128xi32, #tpu.memory_space<vmem>>
              %dma_wait3A_1352 = arith.constant 0 : i32
              %dma_wait3A_1353 = tpu.memref_slice %arg14[%dma_wait3A_1352] : memref<100352xf32, #tpu.memory_space<vmem_shared>> -> memref<100352xf32, #tpu.memory_space<vmem_shared>>
              tpu.wait_indirect_dma semaphore(%arg16 : memref<!tpu.dma_semaphore, #tpu.memory_space<semaphore_mem>>) src(%dma_wait3A_1348 : memref<128xf32, #tpu.memory_space<vmem>>) dst(%dma_wait3A_1353 : memref<100352xf32, #tpu.memory_space<vmem_shared>>)
              %dma_wait3A_1354 = arith.constant 0 : i32
              %dma_wait3A_1355 = arith.constant 1 : i32
              %dma_wait3A_1356 = arith.constant 0 : i32
              %dma_wait3A_1357 = arith.constant 1 : i32
              %dma_wait3A_1358 = arith.constant 0 : i32
              %dma_wait3A_1359 = tpu.memref_slice %arg11[%dma_wait3A_1354, %dma_wait3A_1355, %dma_wait3A_1358] : memref<2x2x128xf32, #tpu.memory_space<vmem>> -> memref<1x1x128xf32, #tpu.memory_space<vmem>>
              %dma_wait3A_1360 = tpu.memref_squeeze %dma_wait3A_1359 : memref<1x1x128xf32, #tpu.memory_space<vmem>> -> memref<128xf32, #tpu.memory_space<vmem>>
              %dma_wait3A_1361 = arith.constant 0 : i32
              %dma_wait3A_1362 = tpu.memref_slice %arg10[%dma_wait3A_1356, %dma_wait3A_1357, %dma_wait3A_1361] : memref<2x2x128xi32, #tpu.memory_space<vmem>> -> memref<1x1x128xi32, #tpu.memory_space<vmem>>
              %dma_wait3A_1363 = tpu.memref_squeeze %dma_wait3A_1362 : memref<1x1x128xi32, #tpu.memory_space<vmem>> -> memref<128xi32, #tpu.memory_space<vmem>>
              %dma_wait3A_1364 = arith.constant 0 : i32
              %dma_wait3A_1365 = tpu.memref_slice %arg13[%dma_wait3A_1364] : memref<100352xf32, #tpu.memory_space<vmem_shared>> -> memref<100352xf32, #tpu.memory_space<vmem_shared>>
              tpu.wait_indirect_dma semaphore(%arg16 : memref<!tpu.dma_semaphore, #tpu.memory_space<semaphore_mem>>) src(%dma_wait3A_1360 : memref<128xf32, #tpu.memory_space<vmem>>) dst(%dma_wait3A_1365 : memref<100352xf32, #tpu.memory_space<vmem_shared>>)
              %dma_wait3A_1366 = arith.constant 0 : i32
              %dma_wait3A_1367 = arith.constant 1 : i32
              %dma_wait3A_1368 = arith.constant 0 : i32
              %dma_wait3A_1369 = arith.constant 1 : i32
              %dma_wait3A_1370 = arith.constant 0 : i32
              %dma_wait3A_1371 = tpu.memref_slice %arg12[%dma_wait3A_1366, %dma_wait3A_1367, %dma_wait3A_1370] : memref<2x2x128xf32, #tpu.memory_space<vmem>> -> memref<1x1x128xf32, #tpu.memory_space<vmem>>
              %dma_wait3A_1372 = tpu.memref_squeeze %dma_wait3A_1371 : memref<1x1x128xf32, #tpu.memory_space<vmem>> -> memref<128xf32, #tpu.memory_space<vmem>>
              %dma_wait3A_1373 = arith.constant 0 : i32
              %dma_wait3A_1374 = tpu.memref_slice %arg10[%dma_wait3A_1368, %dma_wait3A_1369, %dma_wait3A_1373] : memref<2x2x128xi32, #tpu.memory_space<vmem>> -> memref<1x1x128xi32, #tpu.memory_space<vmem>>
              %dma_wait3A_1375 = tpu.memref_squeeze %dma_wait3A_1374 : memref<1x1x128xi32, #tpu.memory_space<vmem>> -> memref<128xi32, #tpu.memory_space<vmem>>
              %dma_wait3A_1376 = arith.constant 0 : i32
              %dma_wait3A_1377 = tpu.memref_slice %arg14[%dma_wait3A_1376] : memref<100352xf32, #tpu.memory_space<vmem_shared>> -> memref<100352xf32, #tpu.memory_space<vmem_shared>>
              tpu.wait_indirect_dma semaphore(%arg16 : memref<!tpu.dma_semaphore, #tpu.memory_space<semaphore_mem>>) src(%dma_wait3A_1372 : memref<128xf32, #tpu.memory_space<vmem>>) dst(%dma_wait3A_1377 : memref<100352xf32, #tpu.memory_space<vmem_shared>>)
              %scan3A_1378 = arith.constant 0 : i32
              %scan3A_1379 = arith.constant 0 : i32
              %scan3A_1380 = arith.constant 8 : i32
              %scan3A_1381 = arith.addi %scan3A_1379, %scan3A_1380 : i32
              %scan3A_1382 = arith.constant 1 : i32
              %scan3A_1383 = scf.for %scan3A_1385 = %scan3A_1379 to %scan3A_1381 step %scan3A_1382 iter_args(%scan3A_1386 = %scan3A_1378) -> (i32)  : i32 {
                %mul3A_1387 = arith.constant 16 : i32
                %mul3A_1388 = arith.muli %mul3A_1387, %scan3A_1385 : i32
                %swap3A = arith.constant 0 : i32
                %swap3A_1389 = arith.constant 0 : i32
                %swap3A_1390 = arith.index_cast %swap3A : i32 to index
                %swap3A_1391 = arith.index_cast %swap3A_1389 : i32 to index
                %swap3A_1392 = arith.index_cast %mul3A_1388 : i32 to index
                %swap3A_1393 = tpu.vector_load %arg10[%swap3A_1390, %swap3A_1391, %swap3A_1392] {strides = array<i32>} : memref<2x2x128xi32, #tpu.memory_space<vmem>>, vector<16xi32>,
                tpu.vector_store %arg10[%swap3A_1390, %swap3A_1391, %swap3A_1392], %add3A_16 {strides = array<i32>} : memref<2x2x128xi32, #tpu.memory_space<vmem>>, vector<16xi32>,
                %mul3A_1394 = arith.constant 16 : i32
                %mul3A_1395 = arith.muli %mul3A_1394, %scan3A_1385 : i32
                %swap3A_1396 = arith.constant 0 : i32
                %swap3A_1397 = arith.constant 0 : i32
                %swap3A_1398 = arith.index_cast %swap3A_1396 : i32 to index
                %swap3A_1399 = arith.index_cast %swap3A_1397 : i32 to index
                %swap3A_1400 = arith.index_cast %mul3A_1395 : i32 to index
                %swap3A_1401 = tpu.vector_load %arg11[%swap3A_1398, %swap3A_1399, %swap3A_1400] {strides = array<i32>} : memref<2x2x128xf32, #tpu.memory_space<vmem>>, vector<16xf32>,
                tpu.vector_store %arg11[%swap3A_1398, %swap3A_1399, %swap3A_1400], %broadcast_in_dim3A_18 {strides = array<i32>} : memref<2x2x128xf32, #tpu.memory_space<vmem>>, vector<16xf32>,
                %mul3A_1402 = arith.constant 16 : i32
                %mul3A_1403 = arith.muli %mul3A_1402, %scan3A_1385 : i32
                %swap3A_1404 = arith.constant 0 : i32
                %swap3A_1405 = arith.constant 0 : i32
                %swap3A_1406 = arith.index_cast %swap3A_1404 : i32 to index
                %swap3A_1407 = arith.index_cast %swap3A_1405 : i32 to index
                %swap3A_1408 = arith.index_cast %mul3A_1403 : i32 to index
                %swap3A_1409 = tpu.vector_load %arg12[%swap3A_1406, %swap3A_1407, %swap3A_1408] {strides = array<i32>} : memref<2x2x128xf32, #tpu.memory_space<vmem>>, vector<16xf32>,
                tpu.vector_store %arg12[%swap3A_1406, %swap3A_1407, %swap3A_1408], %broadcast_in_dim3A_18 {strides = array<i32>} : memref<2x2x128xf32, #tpu.memory_space<vmem>>, vector<16xf32>,
                %mul3A_1410 = arith.constant 16 : i32
                %mul3A_1411 = arith.muli %mul3A_1410, %scan3A_1385 : i32
                %swap3A_1412 = arith.constant 0 : i32
                %swap3A_1413 = arith.constant 1 : i32
                %swap3A_1414 = arith.index_cast %swap3A_1412 : i32 to index
                %swap3A_1415 = arith.index_cast %swap3A_1413 : i32 to index
                %swap3A_1416 = arith.index_cast %mul3A_1411 : i32 to index
                %swap3A_1417 = tpu.vector_load %arg10[%swap3A_1414, %swap3A_1415, %swap3A_1416] {strides = array<i32>} : memref<2x2x128xi32, #tpu.memory_space<vmem>>, vector<16xi32>,
                tpu.vector_store %arg10[%swap3A_1414, %swap3A_1415, %swap3A_1416], %add3A_16 {strides = array<i32>} : memref<2x2x128xi32, #tpu.memory_space<vmem>>, vector<16xi32>,
                %mul3A_1418 = arith.constant 16 : i32
                %mul3A_1419 = arith.muli %mul3A_1418, %scan3A_1385 : i32
                %swap3A_1420 = arith.constant 0 : i32
                %swap3A_1421 = arith.constant 1 : i32
                %swap3A_1422 = arith.index_cast %swap3A_1420 : i32 to index
                %swap3A_1423 = arith.index_cast %swap3A_1421 : i32 to index
                %swap3A_1424 = arith.index_cast %mul3A_1419 : i32 to index
                %swap3A_1425 = tpu.vector_load %arg11[%swap3A_1422, %swap3A_1423, %swap3A_1424] {strides = array<i32>} : memref<2x2x128xf32, #tpu.memory_space<vmem>>, vector<16xf32>,
                tpu.vector_store %arg11[%swap3A_1422, %swap3A_1423, %swap3A_1424], %broadcast_in_dim3A_18 {strides = array<i32>} : memref<2x2x128xf32, #tpu.memory_space<vmem>>, vector<16xf32>,
                %mul3A_1426 = arith.constant 16 : i32
                %mul3A_1427 = arith.muli %mul3A_1426, %scan3A_1385 : i32
                %swap3A_1428 = arith.constant 0 : i32
                %swap3A_1429 = arith.constant 1 : i32
                %swap3A_1430 = arith.index_cast %swap3A_1428 : i32 to index
                %swap3A_1431 = arith.index_cast %swap3A_1429 : i32 to index
                %swap3A_1432 = arith.index_cast %mul3A_1427 : i32 to index
                %swap3A_1433 = tpu.vector_load %arg12[%swap3A_1430, %swap3A_1431, %swap3A_1432] {strides = array<i32>} : memref<2x2x128xf32, #tpu.memory_space<vmem>>, vector<16xf32>,
                tpu.vector_store %arg12[%swap3A_1430, %swap3A_1431, %swap3A_1432], %broadcast_in_dim3A_18 {strides = array<i32>} : memref<2x2x128xf32, #tpu.memory_space<vmem>>, vector<16xf32>,
                %scan3A_1434 = arith.constant 0 : i32
                scf.yield %scan3A_1434 : i32
              }
              %scan3A_1384 = arith.constant 8 : i32
            } else {
            }
          } else {
          }
        } else {
        }
        %jit3A_1258 = arith.constant 0 : i32
        %broadcast_in_dim3A_1259 = vector.broadcast %jit3A_1258 : i32 to vector<16xi32>
        %select_n3A_1260 = arith.select %ge3A_1254, %broadcast_in_dim3A_1259, %add3A_1185 : vector<16xi32>
        %sub3A_1261 = arith.constant 1 : i32
        %sub3A_1262 = arith.subi %sub3A_1261, %scan3A_207 : i32
        %select_n3A_1263 = arith.select %ge3A_1254, %sub3A_1262, %scan3A_207 : i32
        %add3A_1264 = arith.constant 1 : i32
        %add3A_1265 = arith.addi %scan3A_208, %add3A_1264 : i32
        %select_n3A_1266 = arith.select %ge3A_1254, %add3A_1265, %scan3A_208 : i32
        scf.yield %select_n3A_1260, %select_n3A_1263, %select_n3A_1266 : vector<16xi32>, i32, i32
      }
      %scan3A_163 = arith.constant 25 : i32
      %mul3A_164 = arith.constant 2 : i32
      %mul3A_165 = arith.muli %mul3A_164, %scan3A_121 : i32
      %add3A_166 = arith.constant 1 : i32
      %add3A_167 = arith.addi %mul3A_165, %add3A_166 : i32
      %dma_wait3A_168 = arith.constant 0 : i32
      %dma_wait3A_169 = tpu.memref_slice %arg6[%dma_wait3A_168] : memref<8000xf32, #tpu.memory_space<vmem>> -> memref<4000xf32, #tpu.memory_space<vmem>>
      %dma_wait3A_170 = arith.constant 0 : i32
      %dma_wait3A_171 = tpu.memref_slice %arg2[%dma_wait3A_170] : memref<6400000xf32, #tpu.memory_space<hbm>> -> memref<4000xf32, #tpu.memory_space<hbm>>
      %dma_wait3A_172 = arith.constant 0 : i32
      %dma_wait3A_173 = tpu.memref_slice %arg6[%dma_wait3A_172] : memref<8000xf32, #tpu.memory_space<vmem>> -> memref<4000xf32, #tpu.memory_space<vmem>>
      %dma_wait3A_174 = arith.constant 0 : i32
      %dma_wait3A_175 = tpu.memref_slice %arg2[%dma_wait3A_174] : memref<6400000xf32, #tpu.memory_space<hbm>> -> memref<4000xf32, #tpu.memory_space<hbm>>
      tpu.wait_dma2 semaphore(%arg15 : memref<!tpu.dma_semaphore, #tpu.memory_space<semaphore_mem>>) src(%dma_wait3A_175 : memref<4000xf32, #tpu.memory_space<hbm>>) dst(%dma_wait3A_173 : memref<4000xf32, #tpu.memory_space<vmem>>)
      %dma_wait3A_176 = arith.constant 0 : i32
      %dma_wait3A_177 = tpu.memref_slice %arg7[%dma_wait3A_176] : memref<8000xf32, #tpu.memory_space<vmem>> -> memref<4000xf32, #tpu.memory_space<vmem>>
      %dma_wait3A_178 = arith.constant 0 : i32
      %dma_wait3A_179 = tpu.memref_slice %arg3[%dma_wait3A_178] : memref<6400000xf32, #tpu.memory_space<hbm>> -> memref<4000xf32, #tpu.memory_space<hbm>>
      %dma_wait3A_180 = arith.constant 0 : i32
      %dma_wait3A_181 = tpu.memref_slice %arg7[%dma_wait3A_180] : memref<8000xf32, #tpu.memory_space<vmem>> -> memref<4000xf32, #tpu.memory_space<vmem>>
      %dma_wait3A_182 = arith.constant 0 : i32
      %dma_wait3A_183 = tpu.memref_slice %arg3[%dma_wait3A_182] : memref<6400000xf32, #tpu.memory_space<hbm>> -> memref<4000xf32, #tpu.memory_space<hbm>>
      tpu.wait_dma2 semaphore(%arg15 : memref<!tpu.dma_semaphore, #tpu.memory_space<semaphore_mem>>) src(%dma_wait3A_183 : memref<4000xf32, #tpu.memory_space<hbm>>) dst(%dma_wait3A_181 : memref<4000xf32, #tpu.memory_space<vmem>>)
      %dma_wait3A_184 = arith.constant 0 : i32
      %dma_wait3A_185 = tpu.memref_slice %arg8[%dma_wait3A_184] : memref<8064xi32, #tpu.memory_space<vmem>> -> memref<4016xi32, #tpu.memory_space<vmem>>
      %dma_wait3A_186 = arith.constant 0 : i32
      %dma_wait3A_187 = tpu.memref_slice %arg4[%dma_wait3A_186] : memref<6400000xi32, #tpu.memory_space<hbm>> -> memref<4016xi32, #tpu.memory_space<hbm>>
      %dma_wait3A_188 = arith.constant 0 : i32
      %dma_wait3A_189 = tpu.memref_slice %arg8[%dma_wait3A_188] : memref<8064xi32, #tpu.memory_space<vmem>> -> memref<4016xi32, #tpu.memory_space<vmem>>
      %dma_wait3A_190 = arith.constant 0 : i32
      %dma_wait3A_191 = tpu.memref_slice %arg4[%dma_wait3A_190] : memref<6400000xi32, #tpu.memory_space<hbm>> -> memref<4016xi32, #tpu.memory_space<hbm>>
      tpu.wait_dma2 semaphore(%arg15 : memref<!tpu.dma_semaphore, #tpu.memory_space<semaphore_mem>>) src(%dma_wait3A_191 : memref<4016xi32, #tpu.memory_space<hbm>>) dst(%dma_wait3A_189 : memref<4016xi32, #tpu.memory_space<vmem>>)
      %add3A_192 = arith.constant 1 : i32
      %add3A_193 = arith.addi %add3A_167, %add3A_192 : i32
      %lt3A_194 = arith.constant 50 : i32
      %lt3A_195 = arith.cmpi slt, %add3A_193, %lt3A_194 : i32
      %convert_element_type3A_196 = arith.extui %lt3A_195 : i1 to i32
      %cond3A_197 = arith.constant 0 : i32
      %cond3A_198 = arith.cmpi ne, %convert_element_type3A_196, %cond3A_197 : i32
      scf.if %cond3A_198 {
        %add3A_205 = arith.constant 1 : i32
        %add3A_206 = arith.addi %add3A_167, %add3A_205 : i32
        %mul3A_207 = arith.constant 4000 : i32
        %mul3A_208 = arith.muli %add3A_206, %mul3A_207 : i32
        %add3A_209 = arith.addi %mul3A_2, %mul3A_208 : i32
        %dma_start3A_210 = arith.constant 0 : i32
        %dma_start3A_211 = tpu.memref_slice %arg6[%dma_start3A_210] : memref<8000xf32, #tpu.memory_space<vmem>> -> memref<4000xf32, #tpu.memory_space<vmem>>
        %dma_start3A_212 = tpu.memref_slice %arg2[%add3A_209] : memref<6400000xf32, #tpu.memory_space<hbm>> -> memref<4000xf32, #tpu.memory_space<hbm>>
        %dma_start3A_213 = arith.constant 0 : i32
        %dma_start3A_214 = tpu.memref_slice %arg6[%dma_start3A_213] : memref<8000xf32, #tpu.memory_space<vmem>> -> memref<4000xf32, #tpu.memory_space<vmem>>
        %dma_start3A_215 = tpu.memref_slice %arg2[%add3A_209] : memref<6400000xf32, #tpu.memory_space<hbm>> -> memref<4000xf32, #tpu.memory_space<hbm>>
        tpu.enqueue_dma source(%dma_start3A_215 : memref<4000xf32, #tpu.memory_space<hbm>>) target(%dma_start3A_214 : memref<4000xf32, #tpu.memory_space<vmem>>) target_semaphore(%arg15 : memref<!tpu.dma_semaphore, #tpu.memory_space<semaphore_mem>>)
        %dma_start3A_216 = arith.constant 0 : i32
        %dma_start3A_217 = tpu.memref_slice %arg7[%dma_start3A_216] : memref<8000xf32, #tpu.memory_space<vmem>> -> memref<4000xf32, #tpu.memory_space<vmem>>
        %dma_start3A_218 = tpu.memref_slice %arg3[%add3A_209] : memref<6400000xf32, #tpu.memory_space<hbm>> -> memref<4000xf32, #tpu.memory_space<hbm>>
        %dma_start3A_219 = arith.constant 0 : i32
        %dma_start3A_220 = tpu.memref_slice %arg7[%dma_start3A_219] : memref<8000xf32, #tpu.memory_space<vmem>> -> memref<4000xf32, #tpu.memory_space<vmem>>
        %dma_start3A_221 = tpu.memref_slice %arg3[%add3A_209] : memref<6400000xf32, #tpu.memory_space<hbm>> -> memref<4000xf32, #tpu.memory_space<hbm>>
        tpu.enqueue_dma source(%dma_start3A_221 : memref<4000xf32, #tpu.memory_space<hbm>>) target(%dma_start3A_220 : memref<4000xf32, #tpu.memory_space<vmem>>) target_semaphore(%arg15 : memref<!tpu.dma_semaphore, #tpu.memory_space<semaphore_mem>>)
        %sub3A = arith.constant 16 : i32
        %sub3A_222 = arith.subi %add3A_209, %sub3A : i32
        %dma_start3A_223 = arith.constant 0 : i32
        %dma_start3A_224 = tpu.memref_slice %arg8[%dma_start3A_223] : memref<8064xi32, #tpu.memory_space<vmem>> -> memref<4016xi32, #tpu.memory_space<vmem>>
        %dma_start3A_225 = tpu.memref_slice %arg4[%sub3A_222] : memref<6400000xi32, #tpu.memory_space<hbm>> -> memref<4016xi32, #tpu.memory_space<hbm>>
        %dma_start3A_226 = arith.constant 0 : i32
        %dma_start3A_227 = tpu.memref_slice %arg8[%dma_start3A_226] : memref<8064xi32, #tpu.memory_space<vmem>> -> memref<4016xi32, #tpu.memory_space<vmem>>
        %dma_start3A_228 = tpu.memref_slice %arg4[%sub3A_222] : memref<6400000xi32, #tpu.memory_space<hbm>> -> memref<4016xi32, #tpu.memory_space<hbm>>
        tpu.enqueue_dma source(%dma_start3A_228 : memref<4016xi32, #tpu.memory_space<hbm>>) target(%dma_start3A_227 : memref<4016xi32, #tpu.memory_space<vmem>>) target_semaphore(%arg15 : memref<!tpu.dma_semaphore, #tpu.memory_space<semaphore_mem>>)
      } else {
      }
      %scan3A_199 = arith.constant 0 : i32
      %scan3A_200 = arith.constant 25 : i32
      %scan3A_201 = arith.addi %scan3A_199, %scan3A_200 : i32
      %scan3A_202 = arith.constant 1 : i32
      %scan3A_203:3 = scf.for %scan3A_205 = %scan3A_199 to %scan3A_201 step %scan3A_202 iter_args(%scan3A_206 = %scan3A_162#0, %scan3A_207 = %scan3A_162#1, %scan3A_208 = %scan3A_162#2) -> (vector<16xi32>, i32, i32)  : i32 {
        %mul3A_209 = arith.constant 160 : i32
        %mul3A_210 = arith.muli %scan3A_205, %mul3A_209 : i32
        %add3A_211 = arith.constant 4048 : i32
        %add3A_212 = arith.addi %add3A_211, %mul3A_210 : i32
        %mul3A_213 = arith.constant 160 : i32
        %mul3A_214 = arith.muli %scan3A_205, %mul3A_213 : i32
        %add3A_215 = arith.constant 4000 : i32
        %add3A_216 = arith.addi %add3A_215, %mul3A_214 : i32
        %broadcast_in_dim3A_217 = vector.broadcast %scan3A_207 : i32 to vector<16xi32>
        %add3A_218 = arith.constant 0 : i32
        %add3A_219 = arith.addi %add3A_212, %add3A_218 : i32
        %add3A_220 = arith.constant 16 : i32
        %add3A_221 = arith.addi %add3A_212, %add3A_220 : i32
        %add3A_222 = arith.constant 32 : i32
        %add3A_223 = arith.addi %add3A_212, %add3A_222 : i32
        %add3A_224 = arith.constant 48 : i32
        %add3A_225 = arith.addi %add3A_212, %add3A_224 : i32
        %add3A_226 = arith.constant 64 : i32
        %add3A_227 = arith.addi %add3A_212, %add3A_226 : i32
        %add3A_228 = arith.constant 80 : i32
        %add3A_229 = arith.addi %add3A_212, %add3A_228 : i32
        %add3A_230 = arith.constant 96 : i32
        %add3A_231 = arith.addi %add3A_212, %add3A_230 : i32
        %add3A_232 = arith.constant 112 : i32
        %add3A_233 = arith.addi %add3A_212, %add3A_232 : i32
        %add3A_234 = arith.constant 128 : i32
        %add3A_235 = arith.addi %add3A_212, %add3A_234 : i32
        %add3A_236 = arith.constant 144 : i32
        %add3A_237 = arith.addi %add3A_212, %add3A_236 : i32
        %add3A_238 = arith.constant 0 : i32
        %add3A_239 = arith.addi %add3A_216, %add3A_238 : i32
        %add3A_240 = arith.constant 16 : i32
        %add3A_241 = arith.addi %add3A_216, %add3A_240 : i32
        %add3A_242 = arith.constant 32 : i32
        %add3A_243 = arith.addi %add3A_216, %add3A_242 : i32
        %add3A_244 = arith.constant 48 : i32
        %add3A_245 = arith.addi %add3A_216, %add3A_244 : i32
        %add3A_246 = arith.constant 64 : i32
        %add3A_247 = arith.addi %add3A_216, %add3A_246 : i32
        %add3A_248 = arith.constant 80 : i32
        %add3A_249 = arith.addi %add3A_216, %add3A_248 : i32
        %add3A_250 = arith.constant 96 : i32
        %add3A_251 = arith.addi %add3A_216, %add3A_250 : i32
        %add3A_252 = arith.constant 112 : i32
        %add3A_253 = arith.addi %add3A_216, %add3A_252 : i32
        %add3A_254 = arith.constant 128 : i32
        %add3A_255 = arith.addi %add3A_216, %add3A_254 : i32
        %add3A_256 = arith.constant 144 : i32
        %add3A_257 = arith.addi %add3A_216, %add3A_256 : i32
        %get3A = arith.index_cast %add3A_219 : i32 to index
        %get3A_258 = tpu.vector_load %arg8[%get3A] {strides = array<i32>} : memref<8064xi32, #tpu.memory_space<vmem>>, vector<16xi32>,
        %get3A_259 = arith.index_cast %add3A_221 : i32 to index
        %get3A_260 = tpu.vector_load %arg8[%get3A_259] {strides = array<i32>} : memref<8064xi32, #tpu.memory_space<vmem>>, vector<16xi32>,
        %get3A_261 = arith.index_cast %add3A_223 : i32 to index
        %get3A_262 = tpu.vector_load %arg8[%get3A_261] {strides = array<i32>} : memref<8064xi32, #tpu.memory_space<vmem>>, vector<16xi32>,
        %get3A_263 = arith.index_cast %add3A_225 : i32 to index
        %get3A_264 = tpu.vector_load %arg8[%get3A_263] {strides = array<i32>} : memref<8064xi32, #tpu.memory_space<vmem>>, vector<16xi32>,
        %get3A_265 = arith.index_cast %add3A_227 : i32 to index
        %get3A_266 = tpu.vector_load %arg8[%get3A_265] {strides = array<i32>} : memref<8064xi32, #tpu.memory_space<vmem>>, vector<16xi32>,
        %get3A_267 = arith.index_cast %add3A_229 : i32 to index
        %get3A_268 = tpu.vector_load %arg8[%get3A_267] {strides = array<i32>} : memref<8064xi32, #tpu.memory_space<vmem>>, vector<16xi32>,
        %get3A_269 = arith.index_cast %add3A_231 : i32 to index
        %get3A_270 = tpu.vector_load %arg8[%get3A_269] {strides = array<i32>} : memref<8064xi32, #tpu.memory_space<vmem>>, vector<16xi32>,
        %get3A_271 = arith.index_cast %add3A_233 : i32 to index
        %get3A_272 = tpu.vector_load %arg8[%get3A_271] {strides = array<i32>} : memref<8064xi32, #tpu.memory_space<vmem>>, vector<16xi32>,
        %get3A_273 = arith.index_cast %add3A_235 : i32 to index
        %get3A_274 = tpu.vector_load %arg8[%get3A_273] {strides = array<i32>} : memref<8064xi32, #tpu.memory_space<vmem>>, vector<16xi32>,
        %get3A_275 = arith.index_cast %add3A_237 : i32 to index
        %get3A_276 = tpu.vector_load %arg8[%get3A_275] {strides = array<i32>} : memref<8064xi32, #tpu.memory_space<vmem>>, vector<16xi32>,
        %sub3A = arith.constant 1 : i32
        %sub3A_277 = arith.subi %add3A_219, %sub3A : i32
        %get3A_278 = arith.index_cast %sub3A_277 : i32 to index
        %get3A_279 = tpu.vector_load %arg8[%get3A_278] {strides = array<i32>} : memref<8064xi32, #tpu.memory_space<vmem>>, vector<16xi32>,
        %sub3A_280 = arith.constant 1 : i32
        %sub3A_281 = arith.subi %add3A_221, %sub3A_280 : i32
        %get3A_282 = arith.index_cast %sub3A_281 : i32 to index
        %get3A_283 = tpu.vector_load %arg8[%get3A_282] {strides = array<i32>} : memref<8064xi32, #tpu.memory_space<vmem>>, vector<16xi32>,
        %sub3A_284 = arith.constant 1 : i32
        %sub3A_285 = arith.subi %add3A_223, %sub3A_284 : i32
        %get3A_286 = arith.index_cast %sub3A_285 : i32 to index
        %get3A_287 = tpu.vector_load %arg8[%get3A_286] {strides = array<i32>} : memref<8064xi32, #tpu.memory_space<vmem>>, vector<16xi32>,
        %sub3A_288 = arith.constant 1 : i32
        %sub3A_289 = arith.subi %add3A_225, %sub3A_288 : i32
        %get3A_290 = arith.index_cast %sub3A_289 : i32 to index
        %get3A_291 = tpu.vector_load %arg8[%get3A_290] {strides = array<i32>} : memref<8064xi32, #tpu.memory_space<vmem>>, vector<16xi32>,
        %sub3A_292 = arith.constant 1 : i32
        %sub3A_293 = arith.subi %add3A_227, %sub3A_292 : i32
        %get3A_294 = arith.index_cast %sub3A_293 : i32 to index
        %get3A_295 = tpu.vector_load %arg8[%get3A_294] {strides = array<i32>} : memref<8064xi32, #tpu.memory_space<vmem>>, vector<16xi32>,
        %sub3A_296 = arith.constant 1 : i32
        %sub3A_297 = arith.subi %add3A_229, %sub3A_296 : i32
        %get3A_298 = arith.index_cast %sub3A_297 : i32 to index
        %get3A_299 = tpu.vector_load %arg8[%get3A_298] {strides = array<i32>} : memref<8064xi32, #tpu.memory_space<vmem>>, vector<16xi32>,
        %sub3A_300 = arith.constant 1 : i32
        %sub3A_301 = arith.subi %add3A_231, %sub3A_300 : i32
        %get3A_302 = arith.index_cast %sub3A_301 : i32 to index
        %get3A_303 = tpu.vector_load %arg8[%get3A_302] {strides = array<i32>} : memref<8064xi32, #tpu.memory_space<vmem>>, vector<16xi32>,
        %sub3A_304 = arith.constant 1 : i32
        %sub3A_305 = arith.subi %add3A_233, %sub3A_304 : i32
        %get3A_306 = arith.index_cast %sub3A_305 : i32 to index
        %get3A_307 = tpu.vector_load %arg8[%get3A_306] {strides = array<i32>} : memref<8064xi32, #tpu.memory_space<vmem>>, vector<16xi32>,
        %sub3A_308 = arith.constant 1 : i32
        %sub3A_309 = arith.subi %add3A_235, %sub3A_308 : i32
        %get3A_310 = arith.index_cast %sub3A_309 : i32 to index
        %get3A_311 = tpu.vector_load %arg8[%get3A_310] {strides = array<i32>} : memref<8064xi32, #tpu.memory_space<vmem>>, vector<16xi32>,
        %sub3A_312 = arith.constant 1 : i32
        %sub3A_313 = arith.subi %add3A_237, %sub3A_312 : i32
        %get3A_314 = arith.index_cast %sub3A_313 : i32 to index
        %get3A_315 = tpu.vector_load %arg8[%get3A_314] {strides = array<i32>} : memref<8064xi32, #tpu.memory_space<vmem>>, vector<16xi32>,
        %add3A_316 = arith.constant 1 : i32
        %add3A_317 = arith.addi %add3A_219, %add3A_316 : i32
        %get3A_318 = arith.index_cast %add3A_317 : i32 to index
        %get3A_319 = tpu.vector_load %arg8[%get3A_318] {strides = array<i32>} : memref<8064xi32, #tpu.memory_space<vmem>>, vector<16xi32>,
        %add3A_320 = arith.constant 1 : i32
        %add3A_321 = arith.addi %add3A_221, %add3A_320 : i32
        %get3A_322 = arith.index_cast %add3A_321 : i32 to index
        %get3A_323 = tpu.vector_load %arg8[%get3A_322] {strides = array<i32>} : memref<8064xi32, #tpu.memory_space<vmem>>, vector<16xi32>,
        %add3A_324 = arith.constant 1 : i32
        %add3A_325 = arith.addi %add3A_223, %add3A_324 : i32
        %get3A_326 = arith.index_cast %add3A_325 : i32 to index
        %get3A_327 = tpu.vector_load %arg8[%get3A_326] {strides = array<i32>} : memref<8064xi32, #tpu.memory_space<vmem>>, vector<16xi32>,
        %add3A_328 = arith.constant 1 : i32
        %add3A_329 = arith.addi %add3A_225, %add3A_328 : i32
        %get3A_330 = arith.index_cast %add3A_329 : i32 to index
        %get3A_331 = tpu.vector_load %arg8[%get3A_330] {strides = array<i32>} : memref<8064xi32, #tpu.memory_space<vmem>>, vector<16xi32>,
        %add3A_332 = arith.constant 1 : i32
        %add3A_333 = arith.addi %add3A_227, %add3A_332 : i32
        %get3A_334 = arith.index_cast %add3A_333 : i32 to index
        %get3A_335 = tpu.vector_load %arg8[%get3A_334] {strides = array<i32>} : memref<8064xi32, #tpu.memory_space<vmem>>, vector<16xi32>,
        %add3A_336 = arith.constant 1 : i32
        %add3A_337 = arith.addi %add3A_229, %add3A_336 : i32
        %get3A_338 = arith.index_cast %add3A_337 : i32 to index
        %get3A_339 = tpu.vector_load %arg8[%get3A_338] {strides = array<i32>} : memref<8064xi32, #tpu.memory_space<vmem>>, vector<16xi32>,
        %add3A_340 = arith.constant 1 : i32
        %add3A_341 = arith.addi %add3A_231, %add3A_340 : i32
        %get3A_342 = arith.index_cast %add3A_341 : i32 to index
        %get3A_343 = tpu.vector_load %arg8[%get3A_342] {strides = array<i32>} : memref<8064xi32, #tpu.memory_space<vmem>>, vector<16xi32>,
        %add3A_344 = arith.constant 1 : i32
        %add3A_345 = arith.addi %add3A_233, %add3A_344 : i32
        %get3A_346 = arith.index_cast %add3A_345 : i32 to index
        %get3A_347 = tpu.vector_load %arg8[%get3A_346] {strides = array<i32>} : memref<8064xi32, #tpu.memory_space<vmem>>, vector<16xi32>,
        %add3A_348 = arith.constant 1 : i32
        %add3A_349 = arith.addi %add3A_235, %add3A_348 : i32
        %get3A_350 = arith.index_cast %add3A_349 : i32 to index
        %get3A_351 = tpu.vector_load %arg8[%get3A_350] {strides = array<i32>} : memref<8064xi32, #tpu.memory_space<vmem>>, vector<16xi32>,
        %add3A_352 = arith.constant 1 : i32
        %add3A_353 = arith.addi %add3A_237, %add3A_352 : i32
        %get3A_354 = arith.index_cast %add3A_353 : i32 to index
        %get3A_355 = tpu.vector_load %arg8[%get3A_354] {strides = array<i32>} : memref<8064xi32, #tpu.memory_space<vmem>>, vector<16xi32>,
        %get3A_356 = arith.index_cast %add3A_239 : i32 to index
        %get3A_357 = tpu.vector_load %arg6[%get3A_356] {strides = array<i32>} : memref<8000xf32, #tpu.memory_space<vmem>>, vector<16xf32>,
        %get3A_358 = arith.index_cast %add3A_241 : i32 to index
        %get3A_359 = tpu.vector_load %arg6[%get3A_358] {strides = array<i32>} : memref<8000xf32, #tpu.memory_space<vmem>>, vector<16xf32>,
        %get3A_360 = arith.index_cast %add3A_243 : i32 to index
        %get3A_361 = tpu.vector_load %arg6[%get3A_360] {strides = array<i32>} : memref<8000xf32, #tpu.memory_space<vmem>>, vector<16xf32>,
        %get3A_362 = arith.index_cast %add3A_245 : i32 to index
        %get3A_363 = tpu.vector_load %arg6[%get3A_362] {strides = array<i32>} : memref<8000xf32, #tpu.memory_space<vmem>>, vector<16xf32>,
        %get3A_364 = arith.index_cast %add3A_247 : i32 to index
        %get3A_365 = tpu.vector_load %arg6[%get3A_364] {strides = array<i32>} : memref<8000xf32, #tpu.memory_space<vmem>>, vector<16xf32>,
        %get3A_366 = arith.index_cast %add3A_249 : i32 to index
        %get3A_367 = tpu.vector_load %arg6[%get3A_366] {strides = array<i32>} : memref<8000xf32, #tpu.memory_space<vmem>>, vector<16xf32>,
        %get3A_368 = arith.index_cast %add3A_251 : i32 to index
        %get3A_369 = tpu.vector_load %arg6[%get3A_368] {strides = array<i32>} : memref<8000xf32, #tpu.memory_space<vmem>>, vector<16xf32>,
        %get3A_370 = arith.index_cast %add3A_253 : i32 to index
        %get3A_371 = tpu.vector_load %arg6[%get3A_370] {strides = array<i32>} : memref<8000xf32, #tpu.memory_space<vmem>>, vector<16xf32>,
        %get3A_372 = arith.index_cast %add3A_255 : i32 to index
        %get3A_373 = tpu.vector_load %arg6[%get3A_372] {strides = array<i32>} : memref<8000xf32, #tpu.memory_space<vmem>>, vector<16xf32>,
        %get3A_374 = arith.index_cast %add3A_257 : i32 to index
        %get3A_375 = tpu.vector_load %arg6[%get3A_374] {strides = array<i32>} : memref<8000xf32, #tpu.memory_space<vmem>>, vector<16xf32>,
        %get3A_376 = arith.index_cast %add3A_239 : i32 to index
        %get3A_377 = tpu.vector_load %arg7[%get3A_376] {strides = array<i32>} : memref<8000xf32, #tpu.memory_space<vmem>>, vector<16xf32>,
        %get3A_378 = arith.index_cast %add3A_241 : i32 to index
        %get3A_379 = tpu.vector_load %arg7[%get3A_378] {strides = array<i32>} : memref<8000xf32, #tpu.memory_space<vmem>>, vector<16xf32>,
        %get3A_380 = arith.index_cast %add3A_243 : i32 to index
        %get3A_381 = tpu.vector_load %arg7[%get3A_380] {strides = array<i32>} : memref<8000xf32, #tpu.memory_space<vmem>>, vector<16xf32>,
        %get3A_382 = arith.index_cast %add3A_245 : i32 to index
        %get3A_383 = tpu.vector_load %arg7[%get3A_382] {strides = array<i32>} : memref<8000xf32, #tpu.memory_space<vmem>>, vector<16xf32>,
        %get3A_384 = arith.index_cast %add3A_247 : i32 to index
        %get3A_385 = tpu.vector_load %arg7[%get3A_384] {strides = array<i32>} : memref<8000xf32, #tpu.memory_space<vmem>>, vector<16xf32>,
        %get3A_386 = arith.index_cast %add3A_249 : i32 to index
        %get3A_387 = tpu.vector_load %arg7[%get3A_386] {strides = array<i32>} : memref<8000xf32, #tpu.memory_space<vmem>>, vector<16xf32>,
        %get3A_388 = arith.index_cast %add3A_251 : i32 to index
        %get3A_389 = tpu.vector_load %arg7[%get3A_388] {strides = array<i32>} : memref<8000xf32, #tpu.memory_space<vmem>>, vector<16xf32>,
        %get3A_390 = arith.index_cast %add3A_253 : i32 to index
        %get3A_391 = tpu.vector_load %arg7[%get3A_390] {strides = array<i32>} : memref<8000xf32, #tpu.memory_space<vmem>>, vector<16xf32>,
        %get3A_392 = arith.index_cast %add3A_255 : i32 to index
        %get3A_393 = tpu.vector_load %arg7[%get3A_392] {strides = array<i32>} : memref<8000xf32, #tpu.memory_space<vmem>>, vector<16xf32>,
        %get3A_394 = arith.index_cast %add3A_257 : i32 to index
        %get3A_395 = tpu.vector_load %arg7[%get3A_394] {strides = array<i32>} : memref<8000xf32, #tpu.memory_space<vmem>>, vector<16xf32>,
        %neg3A = arith.constant 0.000000e+00 : f32
        %neg3A_396 = vector.broadcast %neg3A : f32 to vector<16xf32>
        %neg3A_397 = arith.subf %neg3A_396, %get3A_357 : vector<16xf32>
        %exp3A = math.exp %neg3A_397 : vector<16xf32>
        %add3A_398 = arith.constant 1.000000e+00 : f32
        %add3A_399 = vector.broadcast %add3A_398 : f32 to vector<16xf32>
        %add3A_400 = arith.addf %add3A_399, %exp3A : vector<16xf32>
        %div3A = arith.constant 1.000000e+00 : f32
        %div3A_401 = vector.broadcast %div3A : f32 to vector<16xf32>
        %div3A_402 = arith.divf %div3A_401, %add3A_400 : vector<16xf32>
        %neg3A_403 = arith.constant 0.000000e+00 : f32
        %neg3A_404 = vector.broadcast %neg3A_403 : f32 to vector<16xf32>
        %neg3A_405 = arith.subf %neg3A_404, %get3A_359 : vector<16xf32>
        %exp3A_406 = math.exp %neg3A_405 : vector<16xf32>
        %add3A_407 = arith.constant 1.000000e+00 : f32
        %add3A_408 = vector.broadcast %add3A_407 : f32 to vector<16xf32>
        %add3A_409 = arith.addf %add3A_408, %exp3A_406 : vector<16xf32>
        %div3A_410 = arith.constant 1.000000e+00 : f32
        %div3A_411 = vector.broadcast %div3A_410 : f32 to vector<16xf32>
        %div3A_412 = arith.divf %div3A_411, %add3A_409 : vector<16xf32>
        %neg3A_413 = arith.constant 0.000000e+00 : f32
        %neg3A_414 = vector.broadcast %neg3A_413 : f32 to vector<16xf32>
        %neg3A_415 = arith.subf %neg3A_414, %get3A_361 : vector<16xf32>
        %exp3A_416 = math.exp %neg3A_415 : vector<16xf32>
        %add3A_417 = arith.constant 1.000000e+00 : f32
        %add3A_418 = vector.broadcast %add3A_417 : f32 to vector<16xf32>
        %add3A_419 = arith.addf %add3A_418, %exp3A_416 : vector<16xf32>
        %div3A_420 = arith.constant 1.000000e+00 : f32
        %div3A_421 = vector.broadcast %div3A_420 : f32 to vector<16xf32>
        %div3A_422 = arith.divf %div3A_421, %add3A_419 : vector<16xf32>
        %neg3A_423 = arith.constant 0.000000e+00 : f32
        %neg3A_424 = vector.broadcast %neg3A_423 : f32 to vector<16xf32>
        %neg3A_425 = arith.subf %neg3A_424, %get3A_363 : vector<16xf32>
        %exp3A_426 = math.exp %neg3A_425 : vector<16xf32>
        %add3A_427 = arith.constant 1.000000e+00 : f32
        %add3A_428 = vector.broadcast %add3A_427 : f32 to vector<16xf32>
        %add3A_429 = arith.addf %add3A_428, %exp3A_426 : vector<16xf32>
        %div3A_430 = arith.constant 1.000000e+00 : f32
        %div3A_431 = vector.broadcast %div3A_430 : f32 to vector<16xf32>
        %div3A_432 = arith.divf %div3A_431, %add3A_429 : vector<16xf32>
        %neg3A_433 = arith.constant 0.000000e+00 : f32
        %neg3A_434 = vector.broadcast %neg3A_433 : f32 to vector<16xf32>
        %neg3A_435 = arith.subf %neg3A_434, %get3A_365 : vector<16xf32>
        %exp3A_436 = math.exp %neg3A_435 : vector<16xf32>
        %add3A_437 = arith.constant 1.000000e+00 : f32
        %add3A_438 = vector.broadcast %add3A_437 : f32 to vector<16xf32>
        %add3A_439 = arith.addf %add3A_438, %exp3A_436 : vector<16xf32>
        %div3A_440 = arith.constant 1.000000e+00 : f32
        %div3A_441 = vector.broadcast %div3A_440 : f32 to vector<16xf32>
        %div3A_442 = arith.divf %div3A_441, %add3A_439 : vector<16xf32>
        %neg3A_443 = arith.constant 0.000000e+00 : f32
        %neg3A_444 = vector.broadcast %neg3A_443 : f32 to vector<16xf32>
        %neg3A_445 = arith.subf %neg3A_444, %get3A_367 : vector<16xf32>
        %exp3A_446 = math.exp %neg3A_445 : vector<16xf32>
        %add3A_447 = arith.constant 1.000000e+00 : f32
        %add3A_448 = vector.broadcast %add3A_447 : f32 to vector<16xf32>
        %add3A_449 = arith.addf %add3A_448, %exp3A_446 : vector<16xf32>
        %div3A_450 = arith.constant 1.000000e+00 : f32
        %div3A_451 = vector.broadcast %div3A_450 : f32 to vector<16xf32>
        %div3A_452 = arith.divf %div3A_451, %add3A_449 : vector<16xf32>
        %neg3A_453 = arith.constant 0.000000e+00 : f32
        %neg3A_454 = vector.broadcast %neg3A_453 : f32 to vector<16xf32>
        %neg3A_455 = arith.subf %neg3A_454, %get3A_369 : vector<16xf32>
        %exp3A_456 = math.exp %neg3A_455 : vector<16xf32>
        %add3A_457 = arith.constant 1.000000e+00 : f32
        %add3A_458 = vector.broadcast %add3A_457 : f32 to vector<16xf32>
        %add3A_459 = arith.addf %add3A_458, %exp3A_456 : vector<16xf32>
        %div3A_460 = arith.constant 1.000000e+00 : f32
        %div3A_461 = vector.broadcast %div3A_460 : f32 to vector<16xf32>
        %div3A_462 = arith.divf %div3A_461, %add3A_459 : vector<16xf32>
        %neg3A_463 = arith.constant 0.000000e+00 : f32
        %neg3A_464 = vector.broadcast %neg3A_463 : f32 to vector<16xf32>
        %neg3A_465 = arith.subf %neg3A_464, %get3A_371 : vector<16xf32>
        %exp3A_466 = math.exp %neg3A_465 : vector<16xf32>
        %add3A_467 = arith.constant 1.000000e+00 : f32
        %add3A_468 = vector.broadcast %add3A_467 : f32 to vector<16xf32>
        %add3A_469 = arith.addf %add3A_468, %exp3A_466 : vector<16xf32>
        %div3A_470 = arith.constant 1.000000e+00 : f32
        %div3A_471 = vector.broadcast %div3A_470 : f32 to vector<16xf32>
        %div3A_472 = arith.divf %div3A_471, %add3A_469 : vector<16xf32>
        %neg3A_473 = arith.constant 0.000000e+00 : f32
        %neg3A_474 = vector.broadcast %neg3A_473 : f32 to vector<16xf32>
        %neg3A_475 = arith.subf %neg3A_474, %get3A_373 : vector<16xf32>
        %exp3A_476 = math.exp %neg3A_475 : vector<16xf32>
        %add3A_477 = arith.constant 1.000000e+00 : f32
        %add3A_478 = vector.broadcast %add3A_477 : f32 to vector<16xf32>
        %add3A_479 = arith.addf %add3A_478, %exp3A_476 : vector<16xf32>
        %div3A_480 = arith.constant 1.000000e+00 : f32
        %div3A_481 = vector.broadcast %div3A_480 : f32 to vector<16xf32>
        %div3A_482 = arith.divf %div3A_481, %add3A_479 : vector<16xf32>
        %neg3A_483 = arith.constant 0.000000e+00 : f32
        %neg3A_484 = vector.broadcast %neg3A_483 : f32 to vector<16xf32>
        %neg3A_485 = arith.subf %neg3A_484, %get3A_375 : vector<16xf32>
        %exp3A_486 = math.exp %neg3A_485 : vector<16xf32>
        %add3A_487 = arith.constant 1.000000e+00 : f32
        %add3A_488 = vector.broadcast %add3A_487 : f32 to vector<16xf32>
        %add3A_489 = arith.addf %add3A_488, %exp3A_486 : vector<16xf32>
        %div3A_490 = arith.constant 1.000000e+00 : f32
        %div3A_491 = vector.broadcast %div3A_490 : f32 to vector<16xf32>
        %div3A_492 = arith.divf %div3A_491, %add3A_489 : vector<16xf32>
        %ne3A = arith.cmpi ne, %get3A_258, %get3A_279 : vector<16xi32>
        %ne3A_493 = arith.cmpi ne, %get3A_260, %get3A_283 : vector<16xi32>
        %ne3A_494 = arith.cmpi ne, %get3A_262, %get3A_287 : vector<16xi32>
        %ne3A_495 = arith.cmpi ne, %get3A_264, %get3A_291 : vector<16xi32>
        %ne3A_496 = arith.cmpi ne, %get3A_266, %get3A_295 : vector<16xi32>
        %ne3A_497 = arith.cmpi ne, %get3A_268, %get3A_299 : vector<16xi32>
        %ne3A_498 = arith.cmpi ne, %get3A_270, %get3A_303 : vector<16xi32>
        %ne3A_499 = arith.cmpi ne, %get3A_272, %get3A_307 : vector<16xi32>
        %ne3A_500 = arith.cmpi ne, %get3A_274, %get3A_311 : vector<16xi32>
        %ne3A_501 = arith.cmpi ne, %get3A_276, %get3A_315 : vector<16xi32>
        %and3A_502 = arith.andi %ne3A, %gt3A_9 : vector<16xi1>
        %and3A_503 = arith.andi %ne3A_493, %gt3A_9 : vector<16xi1>
        %and3A_504 = arith.andi %ne3A_494, %gt3A_9 : vector<16xi1>
        %and3A_505 = arith.andi %ne3A_495, %gt3A_9 : vector<16xi1>
        %and3A_506 = arith.andi %ne3A_496, %gt3A_9 : vector<16xi1>
        %and3A_507 = arith.andi %ne3A_497, %gt3A_9 : vector<16xi1>
        %and3A_508 = arith.andi %ne3A_498, %gt3A_9 : vector<16xi1>
        %and3A_509 = arith.andi %ne3A_499, %gt3A_9 : vector<16xi1>
        %and3A_510 = arith.andi %ne3A_500, %gt3A_9 : vector<16xi1>
        %and3A_511 = arith.andi %ne3A_501, %gt3A_9 : vector<16xi1>
        %jit3A = arith.constant 1 : i32
        %jit3A_512 = arith.constant 0 : i32
        %broadcast_in_dim3A_513 = vector.broadcast %jit3A : i32 to vector<16xi32>
        %broadcast_in_dim3A_514 = vector.broadcast %jit3A_512 : i32 to vector<16xi32>
        %select_n3A = arith.select %and3A_502, %broadcast_in_dim3A_513, %broadcast_in_dim3A_514 : vector<16xi1>, vector<16xi32>
        %broadcast_in_dim3A_515 = arith.constant true
        %broadcast_in_dim3A_516 = vector.broadcast %broadcast_in_dim3A_515 : i1 to vector<16xi1>
        %masked_cumsum3A = tpu.scan <sum>, %select_n3A masked %broadcast_in_dim3A_516 : vector<16xi32>, vector<16xi1> -> vector<16xi32>
        %jit3A_517 = arith.constant 1 : i32
        %jit3A_518 = arith.constant 0 : i32
        %broadcast_in_dim3A_519 = vector.broadcast %jit3A_517 : i32 to vector<16xi32>
        %broadcast_in_dim3A_520 = vector.broadcast %jit3A_518 : i32 to vector<16xi32>
        %select_n3A_521 = arith.select %and3A_503, %broadcast_in_dim3A_519, %broadcast_in_dim3A_520 : vector<16xi1>, vector<16xi32>
        %broadcast_in_dim3A_522 = arith.constant true
        %broadcast_in_dim3A_523 = vector.broadcast %broadcast_in_dim3A_522 : i1 to vector<16xi1>
        %masked_cumsum3A_524 = tpu.scan <sum>, %select_n3A_521 masked %broadcast_in_dim3A_523 : vector<16xi32>, vector<16xi1> -> vector<16xi32>
        %jit3A_525 = arith.constant 1 : i32
        %jit3A_526 = arith.constant 0 : i32
        %broadcast_in_dim3A_527 = vector.broadcast %jit3A_525 : i32 to vector<16xi32>
        %broadcast_in_dim3A_528 = vector.broadcast %jit3A_526 : i32 to vector<16xi32>
        %select_n3A_529 = arith.select %and3A_504, %broadcast_in_dim3A_527, %broadcast_in_dim3A_528 : vector<16xi1>, vector<16xi32>
        %broadcast_in_dim3A_530 = arith.constant true
        %broadcast_in_dim3A_531 = vector.broadcast %broadcast_in_dim3A_530 : i1 to vector<16xi1>
        %masked_cumsum3A_532 = tpu.scan <sum>, %select_n3A_529 masked %broadcast_in_dim3A_531 : vector<16xi32>, vector<16xi1> -> vector<16xi32>
        %jit3A_533 = arith.constant 1 : i32
        %jit3A_534 = arith.constant 0 : i32
        %broadcast_in_dim3A_535 = vector.broadcast %jit3A_533 : i32 to vector<16xi32>
        %broadcast_in_dim3A_536 = vector.broadcast %jit3A_534 : i32 to vector<16xi32>
        %select_n3A_537 = arith.select %and3A_505, %broadcast_in_dim3A_535, %broadcast_in_dim3A_536 : vector<16xi1>, vector<16xi32>
        %broadcast_in_dim3A_538 = arith.constant true
        %broadcast_in_dim3A_539 = vector.broadcast %broadcast_in_dim3A_538 : i1 to vector<16xi1>
        %masked_cumsum3A_540 = tpu.scan <sum>, %select_n3A_537 masked %broadcast_in_dim3A_539 : vector<16xi32>, vector<16xi1> -> vector<16xi32>
        %jit3A_541 = arith.constant 1 : i32
        %jit3A_542 = arith.constant 0 : i32
        %broadcast_in_dim3A_543 = vector.broadcast %jit3A_541 : i32 to vector<16xi32>
        %broadcast_in_dim3A_544 = vector.broadcast %jit3A_542 : i32 to vector<16xi32>
        %select_n3A_545 = arith.select %and3A_506, %broadcast_in_dim3A_543, %broadcast_in_dim3A_544 : vector<16xi1>, vector<16xi32>
        %broadcast_in_dim3A_546 = arith.constant true
        %broadcast_in_dim3A_547 = vector.broadcast %broadcast_in_dim3A_546 : i1 to vector<16xi1>
        %masked_cumsum3A_548 = tpu.scan <sum>, %select_n3A_545 masked %broadcast_in_dim3A_547 : vector<16xi32>, vector<16xi1> -> vector<16xi32>
        %jit3A_549 = arith.constant 1 : i32
        %jit3A_550 = arith.constant 0 : i32
        %broadcast_in_dim3A_551 = vector.broadcast %jit3A_549 : i32 to vector<16xi32>
        %broadcast_in_dim3A_552 = vector.broadcast %jit3A_550 : i32 to vector<16xi32>
        %select_n3A_553 = arith.select %and3A_507, %broadcast_in_dim3A_551, %broadcast_in_dim3A_552 : vector<16xi1>, vector<16xi32>
        %broadcast_in_dim3A_554 = arith.constant true
        %broadcast_in_dim3A_555 = vector.broadcast %broadcast_in_dim3A_554 : i1 to vector<16xi1>
        %masked_cumsum3A_556 = tpu.scan <sum>, %select_n3A_553 masked %broadcast_in_dim3A_555 : vector<16xi32>, vector<16xi1> -> vector<16xi32>
        %jit3A_557 = arith.constant 1 : i32
        %jit3A_558 = arith.constant 0 : i32
        %broadcast_in_dim3A_559 = vector.broadcast %jit3A_557 : i32 to vector<16xi32>
        %broadcast_in_dim3A_560 = vector.broadcast %jit3A_558 : i32 to vector<16xi32>
        %select_n3A_561 = arith.select %and3A_508, %broadcast_in_dim3A_559, %broadcast_in_dim3A_560 : vector<16xi1>, vector<16xi32>
        %broadcast_in_dim3A_562 = arith.constant true
        %broadcast_in_dim3A_563 = vector.broadcast %broadcast_in_dim3A_562 : i1 to vector<16xi1>
        %masked_cumsum3A_564 = tpu.scan <sum>, %select_n3A_561 masked %broadcast_in_dim3A_563 : vector<16xi32>, vector<16xi1> -> vector<16xi32>
        %jit3A_565 = arith.constant 1 : i32
        %jit3A_566 = arith.constant 0 : i32
        %broadcast_in_dim3A_567 = vector.broadcast %jit3A_565 : i32 to vector<16xi32>
        %broadcast_in_dim3A_568 = vector.broadcast %jit3A_566 : i32 to vector<16xi32>
        %select_n3A_569 = arith.select %and3A_509, %broadcast_in_dim3A_567, %broadcast_in_dim3A_568 : vector<16xi1>, vector<16xi32>
        %broadcast_in_dim3A_570 = arith.constant true
        %broadcast_in_dim3A_571 = vector.broadcast %broadcast_in_dim3A_570 : i1 to vector<16xi1>
        %masked_cumsum3A_572 = tpu.scan <sum>, %select_n3A_569 masked %broadcast_in_dim3A_571 : vector<16xi32>, vector<16xi1> -> vector<16xi32>
        %jit3A_573 = arith.constant 1 : i32
        %jit3A_574 = arith.constant 0 : i32
        %broadcast_in_dim3A_575 = vector.broadcast %jit3A_573 : i32 to vector<16xi32>
        %broadcast_in_dim3A_576 = vector.broadcast %jit3A_574 : i32 to vector<16xi32>
        %select_n3A_577 = arith.select %and3A_510, %broadcast_in_dim3A_575, %broadcast_in_dim3A_576 : vector<16xi1>, vector<16xi32>
        %broadcast_in_dim3A_578 = arith.constant true
        %broadcast_in_dim3A_579 = vector.broadcast %broadcast_in_dim3A_578 : i1 to vector<16xi1>
        %masked_cumsum3A_580 = tpu.scan <sum>, %select_n3A_577 masked %broadcast_in_dim3A_579 : vector<16xi32>, vector<16xi1> -> vector<16xi32>
        %jit3A_581 = arith.constant 1 : i32
        %jit3A_582 = arith.constant 0 : i32
        %broadcast_in_dim3A_583 = vector.broadcast %jit3A_581 : i32 to vector<16xi32>
        %broadcast_in_dim3A_584 = vector.broadcast %jit3A_582 : i32 to vector<16xi32>
        %select_n3A_585 = arith.select %and3A_511, %broadcast_in_dim3A_583, %broadcast_in_dim3A_584 : vector<16xi1>, vector<16xi32>
        %broadcast_in_dim3A_586 = arith.constant true
        %broadcast_in_dim3A_587 = vector.broadcast %broadcast_in_dim3A_586 : i1 to vector<16xi1>
        %masked_cumsum3A_588 = tpu.scan <sum>, %select_n3A_585 masked %broadcast_in_dim3A_587 : vector<16xi32>, vector<16xi1> -> vector<16xi32>
        %jit3A_589 = arith.constant 0 : i32
        %broadcast_in_dim3A_590 = vector.broadcast %jit3A_589 : i32 to vector<16xi32>
        %select_n3A_591 = arith.select %ne3A, %iota3A, %broadcast_in_dim3A_590 : vector<16xi1>, vector<16xi32>
        %broadcast_in_dim3A_592 = arith.constant true
        %broadcast_in_dim3A_593 = vector.broadcast %broadcast_in_dim3A_592 : i1 to vector<16xi1>
        %masked_cummax3A = arith.constant -2147483648 : i32
        %masked_cummax3A_594 = vector.broadcast %masked_cummax3A : i32 to vector<16xi32>
        %masked_cummax3A_595 = arith.xori %select_n3A_591, %masked_cummax3A_594 : vector<16xi32>
        %masked_cummax3A_596 = tpu.scan <max>, %masked_cummax3A_595 masked %broadcast_in_dim3A_593 : vector<16xi32>, vector<16xi1> -> vector<16xi32>
        %masked_cummax3A_597 = arith.xori %masked_cummax3A_596, %masked_cummax3A_594 : vector<16xi32>
        %jit3A_598 = arith.constant 0 : i32
        %broadcast_in_dim3A_599 = vector.broadcast %jit3A_598 : i32 to vector<16xi32>
        %select_n3A_600 = arith.select %ne3A_493, %iota3A, %broadcast_in_dim3A_599 : vector<16xi1>, vector<16xi32>
        %broadcast_in_dim3A_601 = arith.constant true
        %broadcast_in_dim3A_602 = vector.broadcast %broadcast_in_dim3A_601 : i1 to vector<16xi1>
        %masked_cummax3A_603 = arith.constant -2147483648 : i32
        %masked_cummax3A_604 = vector.broadcast %masked_cummax3A_603 : i32 to vector<16xi32>
        %masked_cummax3A_605 = arith.xori %select_n3A_600, %masked_cummax3A_604 : vector<16xi32>
        %masked_cummax3A_606 = tpu.scan <max>, %masked_cummax3A_605 masked %broadcast_in_dim3A_602 : vector<16xi32>, vector<16xi1> -> vector<16xi32>
        %masked_cummax3A_607 = arith.xori %masked_cummax3A_606, %masked_cummax3A_604 : vector<16xi32>
        %jit3A_608 = arith.constant 0 : i32
        %broadcast_in_dim3A_609 = vector.broadcast %jit3A_608 : i32 to vector<16xi32>
        %select_n3A_610 = arith.select %ne3A_494, %iota3A, %broadcast_in_dim3A_609 : vector<16xi1>, vector<16xi32>
        %broadcast_in_dim3A_611 = arith.constant true
        %broadcast_in_dim3A_612 = vector.broadcast %broadcast_in_dim3A_611 : i1 to vector<16xi1>
        %masked_cummax3A_613 = arith.constant -2147483648 : i32
        %masked_cummax3A_614 = vector.broadcast %masked_cummax3A_613 : i32 to vector<16xi32>
        %masked_cummax3A_615 = arith.xori %select_n3A_610, %masked_cummax3A_614 : vector<16xi32>
        %masked_cummax3A_616 = tpu.scan <max>, %masked_cummax3A_615 masked %broadcast_in_dim3A_612 : vector<16xi32>, vector<16xi1> -> vector<16xi32>
        %masked_cummax3A_617 = arith.xori %masked_cummax3A_616, %masked_cummax3A_614 : vector<16xi32>
        %jit3A_618 = arith.constant 0 : i32
        %broadcast_in_dim3A_619 = vector.broadcast %jit3A_618 : i32 to vector<16xi32>
        %select_n3A_620 = arith.select %ne3A_495, %iota3A, %broadcast_in_dim3A_619 : vector<16xi1>, vector<16xi32>
        %broadcast_in_dim3A_621 = arith.constant true
        %broadcast_in_dim3A_622 = vector.broadcast %broadcast_in_dim3A_621 : i1 to vector<16xi1>
        %masked_cummax3A_623 = arith.constant -2147483648 : i32
        %masked_cummax3A_624 = vector.broadcast %masked_cummax3A_623 : i32 to vector<16xi32>
        %masked_cummax3A_625 = arith.xori %select_n3A_620, %masked_cummax3A_624 : vector<16xi32>
        %masked_cummax3A_626 = tpu.scan <max>, %masked_cummax3A_625 masked %broadcast_in_dim3A_622 : vector<16xi32>, vector<16xi1> -> vector<16xi32>
        %masked_cummax3A_627 = arith.xori %masked_cummax3A_626, %masked_cummax3A_624 : vector<16xi32>
        %jit3A_628 = arith.constant 0 : i32
        %broadcast_in_dim3A_629 = vector.broadcast %jit3A_628 : i32 to vector<16xi32>
        %select_n3A_630 = arith.select %ne3A_496, %iota3A, %broadcast_in_dim3A_629 : vector<16xi1>, vector<16xi32>
        %broadcast_in_dim3A_631 = arith.constant true
        %broadcast_in_dim3A_632 = vector.broadcast %broadcast_in_dim3A_631 : i1 to vector<16xi1>
        %masked_cummax3A_633 = arith.constant -2147483648 : i32
        %masked_cummax3A_634 = vector.broadcast %masked_cummax3A_633 : i32 to vector<16xi32>
        %masked_cummax3A_635 = arith.xori %select_n3A_630, %masked_cummax3A_634 : vector<16xi32>
        %masked_cummax3A_636 = tpu.scan <max>, %masked_cummax3A_635 masked %broadcast_in_dim3A_632 : vector<16xi32>, vector<16xi1> -> vector<16xi32>
        %masked_cummax3A_637 = arith.xori %masked_cummax3A_636, %masked_cummax3A_634 : vector<16xi32>
        %jit3A_638 = arith.constant 0 : i32
        %broadcast_in_dim3A_639 = vector.broadcast %jit3A_638 : i32 to vector<16xi32>
        %select_n3A_640 = arith.select %ne3A_497, %iota3A, %broadcast_in_dim3A_639 : vector<16xi1>, vector<16xi32>
        %broadcast_in_dim3A_641 = arith.constant true
        %broadcast_in_dim3A_642 = vector.broadcast %broadcast_in_dim3A_641 : i1 to vector<16xi1>
        %masked_cummax3A_643 = arith.constant -2147483648 : i32
        %masked_cummax3A_644 = vector.broadcast %masked_cummax3A_643 : i32 to vector<16xi32>
        %masked_cummax3A_645 = arith.xori %select_n3A_640, %masked_cummax3A_644 : vector<16xi32>
        %masked_cummax3A_646 = tpu.scan <max>, %masked_cummax3A_645 masked %broadcast_in_dim3A_642 : vector<16xi32>, vector<16xi1> -> vector<16xi32>
        %masked_cummax3A_647 = arith.xori %masked_cummax3A_646, %masked_cummax3A_644 : vector<16xi32>
        %jit3A_648 = arith.constant 0 : i32
        %broadcast_in_dim3A_649 = vector.broadcast %jit3A_648 : i32 to vector<16xi32>
        %select_n3A_650 = arith.select %ne3A_498, %iota3A, %broadcast_in_dim3A_649 : vector<16xi1>, vector<16xi32>
        %broadcast_in_dim3A_651 = arith.constant true
        %broadcast_in_dim3A_652 = vector.broadcast %broadcast_in_dim3A_651 : i1 to vector<16xi1>
        %masked_cummax3A_653 = arith.constant -2147483648 : i32
        %masked_cummax3A_654 = vector.broadcast %masked_cummax3A_653 : i32 to vector<16xi32>
        %masked_cummax3A_655 = arith.xori %select_n3A_650, %masked_cummax3A_654 : vector<16xi32>
        %masked_cummax3A_656 = tpu.scan <max>, %masked_cummax3A_655 masked %broadcast_in_dim3A_652 : vector<16xi32>, vector<16xi1> -> vector<16xi32>
        %masked_cummax3A_657 = arith.xori %masked_cummax3A_656, %masked_cummax3A_654 : vector<16xi32>
        %jit3A_658 = arith.constant 0 : i32
        %broadcast_in_dim3A_659 = vector.broadcast %jit3A_658 : i32 to vector<16xi32>
        %select_n3A_660 = arith.select %ne3A_499, %iota3A, %broadcast_in_dim3A_659 : vector<16xi1>, vector<16xi32>
        %broadcast_in_dim3A_661 = arith.constant true
        %broadcast_in_dim3A_662 = vector.broadcast %broadcast_in_dim3A_661 : i1 to vector<16xi1>
        %masked_cummax3A_663 = arith.constant -2147483648 : i32
        %masked_cummax3A_664 = vector.broadcast %masked_cummax3A_663 : i32 to vector<16xi32>
        %masked_cummax3A_665 = arith.xori %select_n3A_660, %masked_cummax3A_664 : vector<16xi32>
        %masked_cummax3A_666 = tpu.scan <max>, %masked_cummax3A_665 masked %broadcast_in_dim3A_662 : vector<16xi32>, vector<16xi1> -> vector<16xi32>
        %masked_cummax3A_667 = arith.xori %masked_cummax3A_666, %masked_cummax3A_664 : vector<16xi32>
        %jit3A_668 = arith.constant 0 : i32
        %broadcast_in_dim3A_669 = vector.broadcast %jit3A_668 : i32 to vector<16xi32>
        %select_n3A_670 = arith.select %ne3A_500, %iota3A, %broadcast_in_dim3A_669 : vector<16xi1>, vector<16xi32>
        %broadcast_in_dim3A_671 = arith.constant true
        %broadcast_in_dim3A_672 = vector.broadcast %broadcast_in_dim3A_671 : i1 to vector<16xi1>
        %masked_cummax3A_673 = arith.constant -2147483648 : i32
        %masked_cummax3A_674 = vector.broadcast %masked_cummax3A_673 : i32 to vector<16xi32>
        %masked_cummax3A_675 = arith.xori %select_n3A_670, %masked_cummax3A_674 : vector<16xi32>
        %masked_cummax3A_676 = tpu.scan <max>, %masked_cummax3A_675 masked %broadcast_in_dim3A_672 : vector<16xi32>, vector<16xi1> -> vector<16xi32>
        %masked_cummax3A_677 = arith.xori %masked_cummax3A_676, %masked_cummax3A_674 : vector<16xi32>
        %jit3A_678 = arith.constant 0 : i32
        %broadcast_in_dim3A_679 = vector.broadcast %jit3A_678 : i32 to vector<16xi32>
        %select_n3A_680 = arith.select %ne3A_501, %iota3A, %broadcast_in_dim3A_679 : vector<16xi1>, vector<16xi32>
        %broadcast_in_dim3A_681 = arith.constant true
        %broadcast_in_dim3A_682 = vector.broadcast %broadcast_in_dim3A_681 : i1 to vector<16xi1>
        %masked_cummax3A_683 = arith.constant -2147483648 : i32
        %masked_cummax3A_684 = vector.broadcast %masked_cummax3A_683 : i32 to vector<16xi32>
        %masked_cummax3A_685 = arith.xori %select_n3A_680, %masked_cummax3A_684 : vector<16xi32>
        %masked_cummax3A_686 = tpu.scan <max>, %masked_cummax3A_685 masked %broadcast_in_dim3A_682 : vector<16xi32>, vector<16xi1> -> vector<16xi32>
        %masked_cummax3A_687 = arith.xori %masked_cummax3A_686, %masked_cummax3A_684 : vector<16xi32>
        %broadcast_in_dim3A_688 = arith.constant true
        %broadcast_in_dim3A_689 = vector.broadcast %broadcast_in_dim3A_688 : i1 to vector<16xi1>
        %masked_cumsum3A_690 = tpu.scan <sum>, %div3A_402 masked %broadcast_in_dim3A_689 : vector<16xf32>, vector<16xi1> -> vector<16xf32>
        %broadcast_in_dim3A_691 = arith.constant true
        %broadcast_in_dim3A_692 = vector.broadcast %broadcast_in_dim3A_691 : i1 to vector<16xi1>
        %masked_cumsum3A_693 = tpu.scan <sum>, %div3A_412 masked %broadcast_in_dim3A_692 : vector<16xf32>, vector<16xi1> -> vector<16xf32>
        %broadcast_in_dim3A_694 = arith.constant true
        %broadcast_in_dim3A_695 = vector.broadcast %broadcast_in_dim3A_694 : i1 to vector<16xi1>
        %masked_cumsum3A_696 = tpu.scan <sum>, %div3A_422 masked %broadcast_in_dim3A_695 : vector<16xf32>, vector<16xi1> -> vector<16xf32>
        %broadcast_in_dim3A_697 = arith.constant true
        %broadcast_in_dim3A_698 = vector.broadcast %broadcast_in_dim3A_697 : i1 to vector<16xi1>
        %masked_cumsum3A_699 = tpu.scan <sum>, %div3A_432 masked %broadcast_in_dim3A_698 : vector<16xf32>, vector<16xi1> -> vector<16xf32>
        %broadcast_in_dim3A_700 = arith.constant true
        %broadcast_in_dim3A_701 = vector.broadcast %broadcast_in_dim3A_700 : i1 to vector<16xi1>
        %masked_cumsum3A_702 = tpu.scan <sum>, %div3A_442 masked %broadcast_in_dim3A_701 : vector<16xf32>, vector<16xi1> -> vector<16xf32>
        %broadcast_in_dim3A_703 = arith.constant true
        %broadcast_in_dim3A_704 = vector.broadcast %broadcast_in_dim3A_703 : i1 to vector<16xi1>
        %masked_cumsum3A_705 = tpu.scan <sum>, %div3A_452 masked %broadcast_in_dim3A_704 : vector<16xf32>, vector<16xi1> -> vector<16xf32>
        %broadcast_in_dim3A_706 = arith.constant true
        %broadcast_in_dim3A_707 = vector.broadcast %broadcast_in_dim3A_706 : i1 to vector<16xi1>
        %masked_cumsum3A_708 = tpu.scan <sum>, %div3A_462 masked %broadcast_in_dim3A_707 : vector<16xf32>, vector<16xi1> -> vector<16xf32>
        %broadcast_in_dim3A_709 = arith.constant true
        %broadcast_in_dim3A_710 = vector.broadcast %broadcast_in_dim3A_709 : i1 to vector<16xi1>
        %masked_cumsum3A_711 = tpu.scan <sum>, %div3A_472 masked %broadcast_in_dim3A_710 : vector<16xf32>, vector<16xi1> -> vector<16xf32>
        %broadcast_in_dim3A_712 = arith.constant true
        %broadcast_in_dim3A_713 = vector.broadcast %broadcast_in_dim3A_712 : i1 to vector<16xi1>
        %masked_cumsum3A_714 = tpu.scan <sum>, %div3A_482 masked %broadcast_in_dim3A_713 : vector<16xf32>, vector<16xi1> -> vector<16xf32>
        %broadcast_in_dim3A_715 = arith.constant true
        %broadcast_in_dim3A_716 = vector.broadcast %broadcast_in_dim3A_715 : i1 to vector<16xi1>
        %masked_cumsum3A_717 = tpu.scan <sum>, %div3A_492 masked %broadcast_in_dim3A_716 : vector<16xf32>, vector<16xi1> -> vector<16xf32>
        %sub3A_718 = arith.subf %masked_cumsum3A_690, %div3A_402 : vector<16xf32>
        %sub3A_719 = arith.subf %masked_cumsum3A_693, %div3A_412 : vector<16xf32>
        %sub3A_720 = arith.subf %masked_cumsum3A_696, %div3A_422 : vector<16xf32>
        %sub3A_721 = arith.subf %masked_cumsum3A_699, %div3A_432 : vector<16xf32>
        %sub3A_722 = arith.subf %masked_cumsum3A_702, %div3A_442 : vector<16xf32>
        %sub3A_723 = arith.subf %masked_cumsum3A_705, %div3A_452 : vector<16xf32>
        %sub3A_724 = arith.subf %masked_cumsum3A_708, %div3A_462 : vector<16xf32>
        %sub3A_725 = arith.subf %masked_cumsum3A_711, %div3A_472 : vector<16xf32>
        %sub3A_726 = arith.subf %masked_cumsum3A_714, %div3A_482 : vector<16xf32>
        %sub3A_727 = arith.subf %masked_cumsum3A_717, %div3A_492 : vector<16xf32>
        %lt3A_728 = arith.constant 0 : i32
        %lt3A_729 = vector.broadcast %lt3A_728 : i32 to vector<16xi32>
        %lt3A_730 = arith.cmpi slt, %masked_cummax3A_597, %lt3A_729 : vector<16xi32>
        %add3A_731 = arith.constant 16 : i32
        %add3A_732 = vector.broadcast %add3A_731 : i32 to vector<16xi32>
        %add3A_733 = arith.addi %masked_cummax3A_597, %add3A_732 : vector<16xi32>
        %select_n3A_734 = arith.select %lt3A_730, %add3A_733, %masked_cummax3A_597 : vector<16xi1>, vector<16xi32>
        %broadcast_in_dim3A_735 = vector.shape_cast %select_n3A_734 : vector<16xi32> to vector<16x1xi32>
        %gather3A = vector.shape_cast %broadcast_in_dim3A_735 : vector<16x1xi32> to vector<16xi32>
        %gather3A_736 = tpu.dynamic_gather %sub3A_718[%gather3A] in [0] : vector<16xf32>, vector<16xi32> -> vector<16xf32>
        %lt3A_737 = arith.constant 0 : i32
        %lt3A_738 = vector.broadcast %lt3A_737 : i32 to vector<16xi32>
        %lt3A_739 = arith.cmpi slt, %masked_cummax3A_607, %lt3A_738 : vector<16xi32>
        %add3A_740 = arith.constant 16 : i32
        %add3A_741 = vector.broadcast %add3A_740 : i32 to vector<16xi32>
        %add3A_742 = arith.addi %masked_cummax3A_607, %add3A_741 : vector<16xi32>
        %select_n3A_743 = arith.select %lt3A_739, %add3A_742, %masked_cummax3A_607 : vector<16xi1>, vector<16xi32>
        %broadcast_in_dim3A_744 = vector.shape_cast %select_n3A_743 : vector<16xi32> to vector<16x1xi32>
        %gather3A_745 = vector.shape_cast %broadcast_in_dim3A_744 : vector<16x1xi32> to vector<16xi32>
        %gather3A_746 = tpu.dynamic_gather %sub3A_719[%gather3A_745] in [0] : vector<16xf32>, vector<16xi32> -> vector<16xf32>
        %lt3A_747 = arith.constant 0 : i32
        %lt3A_748 = vector.broadcast %lt3A_747 : i32 to vector<16xi32>
        %lt3A_749 = arith.cmpi slt, %masked_cummax3A_617, %lt3A_748 : vector<16xi32>
        %add3A_750 = arith.constant 16 : i32
        %add3A_751 = vector.broadcast %add3A_750 : i32 to vector<16xi32>
        %add3A_752 = arith.addi %masked_cummax3A_617, %add3A_751 : vector<16xi32>
        %select_n3A_753 = arith.select %lt3A_749, %add3A_752, %masked_cummax3A_617 : vector<16xi1>, vector<16xi32>
        %broadcast_in_dim3A_754 = vector.shape_cast %select_n3A_753 : vector<16xi32> to vector<16x1xi32>
        %gather3A_755 = vector.shape_cast %broadcast_in_dim3A_754 : vector<16x1xi32> to vector<16xi32>
        %gather3A_756 = tpu.dynamic_gather %sub3A_720[%gather3A_755] in [0] : vector<16xf32>, vector<16xi32> -> vector<16xf32>
        %lt3A_757 = arith.constant 0 : i32
        %lt3A_758 = vector.broadcast %lt3A_757 : i32 to vector<16xi32>
        %lt3A_759 = arith.cmpi slt, %masked_cummax3A_627, %lt3A_758 : vector<16xi32>
        %add3A_760 = arith.constant 16 : i32
        %add3A_761 = vector.broadcast %add3A_760 : i32 to vector<16xi32>
        %add3A_762 = arith.addi %masked_cummax3A_627, %add3A_761 : vector<16xi32>
        %select_n3A_763 = arith.select %lt3A_759, %add3A_762, %masked_cummax3A_627 : vector<16xi1>, vector<16xi32>
        %broadcast_in_dim3A_764 = vector.shape_cast %select_n3A_763 : vector<16xi32> to vector<16x1xi32>
        %gather3A_765 = vector.shape_cast %broadcast_in_dim3A_764 : vector<16x1xi32> to vector<16xi32>
        %gather3A_766 = tpu.dynamic_gather %sub3A_721[%gather3A_765] in [0] : vector<16xf32>, vector<16xi32> -> vector<16xf32>
        %lt3A_767 = arith.constant 0 : i32
        %lt3A_768 = vector.broadcast %lt3A_767 : i32 to vector<16xi32>
        %lt3A_769 = arith.cmpi slt, %masked_cummax3A_637, %lt3A_768 : vector<16xi32>
        %add3A_770 = arith.constant 16 : i32
        %add3A_771 = vector.broadcast %add3A_770 : i32 to vector<16xi32>
        %add3A_772 = arith.addi %masked_cummax3A_637, %add3A_771 : vector<16xi32>
        %select_n3A_773 = arith.select %lt3A_769, %add3A_772, %masked_cummax3A_637 : vector<16xi1>, vector<16xi32>
        %broadcast_in_dim3A_774 = vector.shape_cast %select_n3A_773 : vector<16xi32> to vector<16x1xi32>
        %gather3A_775 = vector.shape_cast %broadcast_in_dim3A_774 : vector<16x1xi32> to vector<16xi32>
        %gather3A_776 = tpu.dynamic_gather %sub3A_722[%gather3A_775] in [0] : vector<16xf32>, vector<16xi32> -> vector<16xf32>
        %lt3A_777 = arith.constant 0 : i32
        %lt3A_778 = vector.broadcast %lt3A_777 : i32 to vector<16xi32>
        %lt3A_779 = arith.cmpi slt, %masked_cummax3A_647, %lt3A_778 : vector<16xi32>
        %add3A_780 = arith.constant 16 : i32
        %add3A_781 = vector.broadcast %add3A_780 : i32 to vector<16xi32>
        %add3A_782 = arith.addi %masked_cummax3A_647, %add3A_781 : vector<16xi32>
        %select_n3A_783 = arith.select %lt3A_779, %add3A_782, %masked_cummax3A_647 : vector<16xi1>, vector<16xi32>
        %broadcast_in_dim3A_784 = vector.shape_cast %select_n3A_783 : vector<16xi32> to vector<16x1xi32>
        %gather3A_785 = vector.shape_cast %broadcast_in_dim3A_784 : vector<16x1xi32> to vector<16xi32>
        %gather3A_786 = tpu.dynamic_gather %sub3A_723[%gather3A_785] in [0] : vector<16xf32>, vector<16xi32> -> vector<16xf32>
        %lt3A_787 = arith.constant 0 : i32
        %lt3A_788 = vector.broadcast %lt3A_787 : i32 to vector<16xi32>
        %lt3A_789 = arith.cmpi slt, %masked_cummax3A_657, %lt3A_788 : vector<16xi32>
        %add3A_790 = arith.constant 16 : i32
        %add3A_791 = vector.broadcast %add3A_790 : i32 to vector<16xi32>
        %add3A_792 = arith.addi %masked_cummax3A_657, %add3A_791 : vector<16xi32>
        %select_n3A_793 = arith.select %lt3A_789, %add3A_792, %masked_cummax3A_657 : vector<16xi1>, vector<16xi32>
        %broadcast_in_dim3A_794 = vector.shape_cast %select_n3A_793 : vector<16xi32> to vector<16x1xi32>
        %gather3A_795 = vector.shape_cast %broadcast_in_dim3A_794 : vector<16x1xi32> to vector<16xi32>
        %gather3A_796 = tpu.dynamic_gather %sub3A_724[%gather3A_795] in [0] : vector<16xf32>, vector<16xi32> -> vector<16xf32>
        %lt3A_797 = arith.constant 0 : i32
        %lt3A_798 = vector.broadcast %lt3A_797 : i32 to vector<16xi32>
        %lt3A_799 = arith.cmpi slt, %masked_cummax3A_667, %lt3A_798 : vector<16xi32>
        %add3A_800 = arith.constant 16 : i32
        %add3A_801 = vector.broadcast %add3A_800 : i32 to vector<16xi32>
        %add3A_802 = arith.addi %masked_cummax3A_667, %add3A_801 : vector<16xi32>
        %select_n3A_803 = arith.select %lt3A_799, %add3A_802, %masked_cummax3A_667 : vector<16xi1>, vector<16xi32>
        %broadcast_in_dim3A_804 = vector.shape_cast %select_n3A_803 : vector<16xi32> to vector<16x1xi32>
        %gather3A_805 = vector.shape_cast %broadcast_in_dim3A_804 : vector<16x1xi32> to vector<16xi32>
        %gather3A_806 = tpu.dynamic_gather %sub3A_725[%gather3A_805] in [0] : vector<16xf32>, vector<16xi32> -> vector<16xf32>
        %lt3A_807 = arith.constant 0 : i32
        %lt3A_808 = vector.broadcast %lt3A_807 : i32 to vector<16xi32>
        %lt3A_809 = arith.cmpi slt, %masked_cummax3A_677, %lt3A_808 : vector<16xi32>
        %add3A_810 = arith.constant 16 : i32
        %add3A_811 = vector.broadcast %add3A_810 : i32 to vector<16xi32>
        %add3A_812 = arith.addi %masked_cummax3A_677, %add3A_811 : vector<16xi32>
        %select_n3A_813 = arith.select %lt3A_809, %add3A_812, %masked_cummax3A_677 : vector<16xi1>, vector<16xi32>
        %broadcast_in_dim3A_814 = vector.shape_cast %select_n3A_813 : vector<16xi32> to vector<16x1xi32>
        %gather3A_815 = vector.shape_cast %broadcast_in_dim3A_814 : vector<16x1xi32> to vector<16xi32>
        %gather3A_816 = tpu.dynamic_gather %sub3A_726[%gather3A_815] in [0] : vector<16xf32>, vector<16xi32> -> vector<16xf32>
        %lt3A_817 = arith.constant 0 : i32
        %lt3A_818 = vector.broadcast %lt3A_817 : i32 to vector<16xi32>
        %lt3A_819 = arith.cmpi slt, %masked_cummax3A_687, %lt3A_818 : vector<16xi32>
        %add3A_820 = arith.constant 16 : i32
        %add3A_821 = vector.broadcast %add3A_820 : i32 to vector<16xi32>
        %add3A_822 = arith.addi %masked_cummax3A_687, %add3A_821 : vector<16xi32>
        %select_n3A_823 = arith.select %lt3A_819, %add3A_822, %masked_cummax3A_687 : vector<16xi1>, vector<16xi32>
        %broadcast_in_dim3A_824 = vector.shape_cast %select_n3A_823 : vector<16xi32> to vector<16x1xi32>
        %gather3A_825 = vector.shape_cast %broadcast_in_dim3A_824 : vector<16x1xi32> to vector<16xi32>
        %gather3A_826 = tpu.dynamic_gather %sub3A_727[%gather3A_825] in [0] : vector<16xf32>, vector<16xi32> -> vector<16xf32>
        %sub3A_827 = arith.subf %masked_cumsum3A_690, %gather3A_736 : vector<16xf32>
        %sub3A_828 = arith.subf %masked_cumsum3A_693, %gather3A_746 : vector<16xf32>
        %sub3A_829 = arith.subf %masked_cumsum3A_696, %gather3A_756 : vector<16xf32>
        %sub3A_830 = arith.subf %masked_cumsum3A_699, %gather3A_766 : vector<16xf32>
        %sub3A_831 = arith.subf %masked_cumsum3A_702, %gather3A_776 : vector<16xf32>
        %sub3A_832 = arith.subf %masked_cumsum3A_705, %gather3A_786 : vector<16xf32>
        %sub3A_833 = arith.subf %masked_cumsum3A_708, %gather3A_796 : vector<16xf32>
        %sub3A_834 = arith.subf %masked_cumsum3A_711, %gather3A_806 : vector<16xf32>
        %sub3A_835 = arith.subf %masked_cumsum3A_714, %gather3A_816 : vector<16xf32>
        %sub3A_836 = arith.subf %masked_cumsum3A_717, %gather3A_826 : vector<16xf32>
        %sub3A_837 = arith.subi %add3A_5, %masked_cummax3A_597 : vector<16xi32>
        %convert_element_type3A_838 = arith.sitofp %sub3A_837 : vector<16xi32> to vector<16xf32>
        %sub3A_839 = arith.subi %add3A_5, %masked_cummax3A_607 : vector<16xi32>
        %convert_element_type3A_840 = arith.sitofp %sub3A_839 : vector<16xi32> to vector<16xf32>
        %sub3A_841 = arith.subi %add3A_5, %masked_cummax3A_617 : vector<16xi32>
        %convert_element_type3A_842 = arith.sitofp %sub3A_841 : vector<16xi32> to vector<16xf32>
        %sub3A_843 = arith.subi %add3A_5, %masked_cummax3A_627 : vector<16xi32>
        %convert_element_type3A_844 = arith.sitofp %sub3A_843 : vector<16xi32> to vector<16xf32>
        %sub3A_845 = arith.subi %add3A_5, %masked_cummax3A_637 : vector<16xi32>
        %convert_element_type3A_846 = arith.sitofp %sub3A_845 : vector<16xi32> to vector<16xf32>
        %sub3A_847 = arith.subi %add3A_5, %masked_cummax3A_647 : vector<16xi32>
        %convert_element_type3A_848 = arith.sitofp %sub3A_847 : vector<16xi32> to vector<16xf32>
        %sub3A_849 = arith.subi %add3A_5, %masked_cummax3A_657 : vector<16xi32>
        %convert_element_type3A_850 = arith.sitofp %sub3A_849 : vector<16xi32> to vector<16xf32>
        %sub3A_851 = arith.subi %add3A_5, %masked_cummax3A_667 : vector<16xi32>
        %convert_element_type3A_852 = arith.sitofp %sub3A_851 : vector<16xi32> to vector<16xf32>
        %sub3A_853 = arith.subi %add3A_5, %masked_cummax3A_677 : vector<16xi32>
        %convert_element_type3A_854 = arith.sitofp %sub3A_853 : vector<16xi32> to vector<16xf32>
        %sub3A_855 = arith.subi %add3A_5, %masked_cummax3A_687 : vector<16xi32>
        %convert_element_type3A_856 = arith.sitofp %sub3A_855 : vector<16xi32> to vector<16xf32>
        %jit3A_857 = arith.constant 0.000000e+00 : f32
        %broadcast_in_dim3A_858 = vector.broadcast %jit3A_857 : f32 to vector<16xf32>
        %select_n3A_859 = arith.select %ne3A, %get3A_377, %broadcast_in_dim3A_858 : vector<16xi1>, vector<16xf32>
        %jit3A_860 = arith.constant 0.000000e+00 : f32
        %broadcast_in_dim3A_861 = vector.broadcast %jit3A_860 : f32 to vector<16xf32>
        %select_n3A_862 = arith.select %ne3A_493, %get3A_379, %broadcast_in_dim3A_861 : vector<16xi1>, vector<16xf32>
        %jit3A_863 = arith.constant 0.000000e+00 : f32
        %broadcast_in_dim3A_864 = vector.broadcast %jit3A_863 : f32 to vector<16xf32>
        %select_n3A_865 = arith.select %ne3A_494, %get3A_381, %broadcast_in_dim3A_864 : vector<16xi1>, vector<16xf32>
        %jit3A_866 = arith.constant 0.000000e+00 : f32
        %broadcast_in_dim3A_867 = vector.broadcast %jit3A_866 : f32 to vector<16xf32>
        %select_n3A_868 = arith.select %ne3A_495, %get3A_383, %broadcast_in_dim3A_867 : vector<16xi1>, vector<16xf32>
        %jit3A_869 = arith.constant 0.000000e+00 : f32
        %broadcast_in_dim3A_870 = vector.broadcast %jit3A_869 : f32 to vector<16xf32>
        %select_n3A_871 = arith.select %ne3A_496, %get3A_385, %broadcast_in_dim3A_870 : vector<16xi1>, vector<16xf32>
        %jit3A_872 = arith.constant 0.000000e+00 : f32
        %broadcast_in_dim3A_873 = vector.broadcast %jit3A_872 : f32 to vector<16xf32>
        %select_n3A_874 = arith.select %ne3A_497, %get3A_387, %broadcast_in_dim3A_873 : vector<16xi1>, vector<16xf32>
        %jit3A_875 = arith.constant 0.000000e+00 : f32
        %broadcast_in_dim3A_876 = vector.broadcast %jit3A_875 : f32 to vector<16xf32>
        %select_n3A_877 = arith.select %ne3A_498, %get3A_389, %broadcast_in_dim3A_876 : vector<16xi1>, vector<16xf32>
        %jit3A_878 = arith.constant 0.000000e+00 : f32
        %broadcast_in_dim3A_879 = vector.broadcast %jit3A_878 : f32 to vector<16xf32>
        %select_n3A_880 = arith.select %ne3A_499, %get3A_391, %broadcast_in_dim3A_879 : vector<16xi1>, vector<16xf32>
        %jit3A_881 = arith.constant 0.000000e+00 : f32
        %broadcast_in_dim3A_882 = vector.broadcast %jit3A_881 : f32 to vector<16xf32>
        %select_n3A_883 = arith.select %ne3A_500, %get3A_393, %broadcast_in_dim3A_882 : vector<16xi1>, vector<16xf32>
        %jit3A_884 = arith.constant 0.000000e+00 : f32
        %broadcast_in_dim3A_885 = vector.broadcast %jit3A_884 : f32 to vector<16xf32>
        %select_n3A_886 = arith.select %ne3A_501, %get3A_395, %broadcast_in_dim3A_885 : vector<16xi1>, vector<16xf32>
        %lt3A_887 = arith.constant 0 : i32
        %lt3A_888 = vector.broadcast %lt3A_887 : i32 to vector<16xi32>
        %lt3A_889 = arith.cmpi slt, %masked_cummax3A_597, %lt3A_888 : vector<16xi32>
        %add3A_890 = arith.constant 16 : i32
        %add3A_891 = vector.broadcast %add3A_890 : i32 to vector<16xi32>
        %add3A_892 = arith.addi %masked_cummax3A_597, %add3A_891 : vector<16xi32>
        %select_n3A_893 = arith.select %lt3A_889, %add3A_892, %masked_cummax3A_597 : vector<16xi1>, vector<16xi32>
        %broadcast_in_dim3A_894 = vector.shape_cast %select_n3A_893 : vector<16xi32> to vector<16x1xi32>
        %gather3A_895 = vector.shape_cast %broadcast_in_dim3A_894 : vector<16x1xi32> to vector<16xi32>
        %gather3A_896 = tpu.dynamic_gather %select_n3A_859[%gather3A_895] in [0] : vector<16xf32>, vector<16xi32> -> vector<16xf32>
        %lt3A_897 = arith.constant 0 : i32
        %lt3A_898 = vector.broadcast %lt3A_897 : i32 to vector<16xi32>
        %lt3A_899 = arith.cmpi slt, %masked_cummax3A_607, %lt3A_898 : vector<16xi32>
        %add3A_900 = arith.constant 16 : i32
        %add3A_901 = vector.broadcast %add3A_900 : i32 to vector<16xi32>
        %add3A_902 = arith.addi %masked_cummax3A_607, %add3A_901 : vector<16xi32>
        %select_n3A_903 = arith.select %lt3A_899, %add3A_902, %masked_cummax3A_607 : vector<16xi1>, vector<16xi32>
        %broadcast_in_dim3A_904 = vector.shape_cast %select_n3A_903 : vector<16xi32> to vector<16x1xi32>
        %gather3A_905 = vector.shape_cast %broadcast_in_dim3A_904 : vector<16x1xi32> to vector<16xi32>
        %gather3A_906 = tpu.dynamic_gather %select_n3A_862[%gather3A_905] in [0] : vector<16xf32>, vector<16xi32> -> vector<16xf32>
        %lt3A_907 = arith.constant 0 : i32
        %lt3A_908 = vector.broadcast %lt3A_907 : i32 to vector<16xi32>
        %lt3A_909 = arith.cmpi slt, %masked_cummax3A_617, %lt3A_908 : vector<16xi32>
        %add3A_910 = arith.constant 16 : i32
        %add3A_911 = vector.broadcast %add3A_910 : i32 to vector<16xi32>
        %add3A_912 = arith.addi %masked_cummax3A_617, %add3A_911 : vector<16xi32>
        %select_n3A_913 = arith.select %lt3A_909, %add3A_912, %masked_cummax3A_617 : vector<16xi1>, vector<16xi32>
        %broadcast_in_dim3A_914 = vector.shape_cast %select_n3A_913 : vector<16xi32> to vector<16x1xi32>
        %gather3A_915 = vector.shape_cast %broadcast_in_dim3A_914 : vector<16x1xi32> to vector<16xi32>
        %gather3A_916 = tpu.dynamic_gather %select_n3A_865[%gather3A_915] in [0] : vector<16xf32>, vector<16xi32> -> vector<16xf32>
        %lt3A_917 = arith.constant 0 : i32
        %lt3A_918 = vector.broadcast %lt3A_917 : i32 to vector<16xi32>
        %lt3A_919 = arith.cmpi slt, %masked_cummax3A_627, %lt3A_918 : vector<16xi32>
        %add3A_920 = arith.constant 16 : i32
        %add3A_921 = vector.broadcast %add3A_920 : i32 to vector<16xi32>
        %add3A_922 = arith.addi %masked_cummax3A_627, %add3A_921 : vector<16xi32>
        %select_n3A_923 = arith.select %lt3A_919, %add3A_922, %masked_cummax3A_627 : vector<16xi1>, vector<16xi32>
        %broadcast_in_dim3A_924 = vector.shape_cast %select_n3A_923 : vector<16xi32> to vector<16x1xi32>
        %gather3A_925 = vector.shape_cast %broadcast_in_dim3A_924 : vector<16x1xi32> to vector<16xi32>
        %gather3A_926 = tpu.dynamic_gather %select_n3A_868[%gather3A_925] in [0] : vector<16xf32>, vector<16xi32> -> vector<16xf32>
        %lt3A_927 = arith.constant 0 : i32
        %lt3A_928 = vector.broadcast %lt3A_927 : i32 to vector<16xi32>
        %lt3A_929 = arith.cmpi slt, %masked_cummax3A_637, %lt3A_928 : vector<16xi32>
        %add3A_930 = arith.constant 16 : i32
        %add3A_931 = vector.broadcast %add3A_930 : i32 to vector<16xi32>
        %add3A_932 = arith.addi %masked_cummax3A_637, %add3A_931 : vector<16xi32>
        %select_n3A_933 = arith.select %lt3A_929, %add3A_932, %masked_cummax3A_637 : vector<16xi1>, vector<16xi32>
        %broadcast_in_dim3A_934 = vector.shape_cast %select_n3A_933 : vector<16xi32> to vector<16x1xi32>
        %gather3A_935 = vector.shape_cast %broadcast_in_dim3A_934 : vector<16x1xi32> to vector<16xi32>
        %gather3A_936 = tpu.dynamic_gather %select_n3A_871[%gather3A_935] in [0] : vector<16xf32>, vector<16xi32> -> vector<16xf32>
        %lt3A_937 = arith.constant 0 : i32
        %lt3A_938 = vector.broadcast %lt3A_937 : i32 to vector<16xi32>
        %lt3A_939 = arith.cmpi slt, %masked_cummax3A_647, %lt3A_938 : vector<16xi32>
        %add3A_940 = arith.constant 16 : i32
        %add3A_941 = vector.broadcast %add3A_940 : i32 to vector<16xi32>
        %add3A_942 = arith.addi %masked_cummax3A_647, %add3A_941 : vector<16xi32>
        %select_n3A_943 = arith.select %lt3A_939, %add3A_942, %masked_cummax3A_647 : vector<16xi1>, vector<16xi32>
        %broadcast_in_dim3A_944 = vector.shape_cast %select_n3A_943 : vector<16xi32> to vector<16x1xi32>
        %gather3A_945 = vector.shape_cast %broadcast_in_dim3A_944 : vector<16x1xi32> to vector<16xi32>
        %gather3A_946 = tpu.dynamic_gather %select_n3A_874[%gather3A_945] in [0] : vector<16xf32>, vector<16xi32> -> vector<16xf32>
        %lt3A_947 = arith.constant 0 : i32
        %lt3A_948 = vector.broadcast %lt3A_947 : i32 to vector<16xi32>
        %lt3A_949 = arith.cmpi slt, %masked_cummax3A_657, %lt3A_948 : vector<16xi32>
        %add3A_950 = arith.constant 16 : i32
        %add3A_951 = vector.broadcast %add3A_950 : i32 to vector<16xi32>
        %add3A_952 = arith.addi %masked_cummax3A_657, %add3A_951 : vector<16xi32>
        %select_n3A_953 = arith.select %lt3A_949, %add3A_952, %masked_cummax3A_657 : vector<16xi1>, vector<16xi32>
        %broadcast_in_dim3A_954 = vector.shape_cast %select_n3A_953 : vector<16xi32> to vector<16x1xi32>
        %gather3A_955 = vector.shape_cast %broadcast_in_dim3A_954 : vector<16x1xi32> to vector<16xi32>
        %gather3A_956 = tpu.dynamic_gather %select_n3A_877[%gather3A_955] in [0] : vector<16xf32>, vector<16xi32> -> vector<16xf32>
        %lt3A_957 = arith.constant 0 : i32
        %lt3A_958 = vector.broadcast %lt3A_957 : i32 to vector<16xi32>
        %lt3A_959 = arith.cmpi slt, %masked_cummax3A_667, %lt3A_958 : vector<16xi32>
        %add3A_960 = arith.constant 16 : i32
        %add3A_961 = vector.broadcast %add3A_960 : i32 to vector<16xi32>
        %add3A_962 = arith.addi %masked_cummax3A_667, %add3A_961 : vector<16xi32>
        %select_n3A_963 = arith.select %lt3A_959, %add3A_962, %masked_cummax3A_667 : vector<16xi1>, vector<16xi32>
        %broadcast_in_dim3A_964 = vector.shape_cast %select_n3A_963 : vector<16xi32> to vector<16x1xi32>
        %gather3A_965 = vector.shape_cast %broadcast_in_dim3A_964 : vector<16x1xi32> to vector<16xi32>
        %gather3A_966 = tpu.dynamic_gather %select_n3A_880[%gather3A_965] in [0] : vector<16xf32>, vector<16xi32> -> vector<16xf32>
        %lt3A_967 = arith.constant 0 : i32
        %lt3A_968 = vector.broadcast %lt3A_967 : i32 to vector<16xi32>
        %lt3A_969 = arith.cmpi slt, %masked_cummax3A_677, %lt3A_968 : vector<16xi32>
        %add3A_970 = arith.constant 16 : i32
        %add3A_971 = vector.broadcast %add3A_970 : i32 to vector<16xi32>
        %add3A_972 = arith.addi %masked_cummax3A_677, %add3A_971 : vector<16xi32>
        %select_n3A_973 = arith.select %lt3A_969, %add3A_972, %masked_cummax3A_677 : vector<16xi1>, vector<16xi32>
        %broadcast_in_dim3A_974 = vector.shape_cast %select_n3A_973 : vector<16xi32> to vector<16x1xi32>
        %gather3A_975 = vector.shape_cast %broadcast_in_dim3A_974 : vector<16x1xi32> to vector<16xi32>
        %gather3A_976 = tpu.dynamic_gather %select_n3A_883[%gather3A_975] in [0] : vector<16xf32>, vector<16xi32> -> vector<16xf32>
        %lt3A_977 = arith.constant 0 : i32
        %lt3A_978 = vector.broadcast %lt3A_977 : i32 to vector<16xi32>
        %lt3A_979 = arith.cmpi slt, %masked_cummax3A_687, %lt3A_978 : vector<16xi32>
        %add3A_980 = arith.constant 16 : i32
        %add3A_981 = vector.broadcast %add3A_980 : i32 to vector<16xi32>
        %add3A_982 = arith.addi %masked_cummax3A_687, %add3A_981 : vector<16xi32>
        %select_n3A_983 = arith.select %lt3A_979, %add3A_982, %masked_cummax3A_687 : vector<16xi1>, vector<16xi32>
        %broadcast_in_dim3A_984 = vector.shape_cast %select_n3A_983 : vector<16xi32> to vector<16x1xi32>
        %gather3A_985 = vector.shape_cast %broadcast_in_dim3A_984 : vector<16x1xi32> to vector<16xi32>
        %gather3A_986 = tpu.dynamic_gather %select_n3A_886[%gather3A_985] in [0] : vector<16xf32>, vector<16xi32> -> vector<16xf32>
        %mul3A_987 = arith.constant 2.000000e+00 : f32
        %mul3A_988 = vector.broadcast %mul3A_987 : f32 to vector<16xf32>
        %mul3A_989 = arith.mulf %mul3A_988, %convert_element_type3A_838 : vector<16xf32>
        %add3A_990 = arith.addf %mul3A_989, %gather3A_896 : vector<16xf32>
        %mul3A_991 = arith.constant 2.000000e+00 : f32
        %mul3A_992 = vector.broadcast %mul3A_991 : f32 to vector<16xf32>
        %mul3A_993 = arith.mulf %mul3A_992, %convert_element_type3A_840 : vector<16xf32>
        %add3A_994 = arith.addf %mul3A_993, %gather3A_906 : vector<16xf32>
        %mul3A_995 = arith.constant 2.000000e+00 : f32
        %mul3A_996 = vector.broadcast %mul3A_995 : f32 to vector<16xf32>
        %mul3A_997 = arith.mulf %mul3A_996, %convert_element_type3A_842 : vector<16xf32>
        %add3A_998 = arith.addf %mul3A_997, %gather3A_916 : vector<16xf32>
        %mul3A_999 = arith.constant 2.000000e+00 : f32
        %mul3A_1000 = vector.broadcast %mul3A_999 : f32 to vector<16xf32>
        %mul3A_1001 = arith.mulf %mul3A_1000, %convert_element_type3A_844 : vector<16xf32>
        %add3A_1002 = arith.addf %mul3A_1001, %gather3A_926 : vector<16xf32>
        %mul3A_1003 = arith.constant 2.000000e+00 : f32
        %mul3A_1004 = vector.broadcast %mul3A_1003 : f32 to vector<16xf32>
        %mul3A_1005 = arith.mulf %mul3A_1004, %convert_element_type3A_846 : vector<16xf32>
        %add3A_1006 = arith.addf %mul3A_1005, %gather3A_936 : vector<16xf32>
        %mul3A_1007 = arith.constant 2.000000e+00 : f32
        %mul3A_1008 = vector.broadcast %mul3A_1007 : f32 to vector<16xf32>
        %mul3A_1009 = arith.mulf %mul3A_1008, %convert_element_type3A_848 : vector<16xf32>
        %add3A_1010 = arith.addf %mul3A_1009, %gather3A_946 : vector<16xf32>
        %mul3A_1011 = arith.constant 2.000000e+00 : f32
        %mul3A_1012 = vector.broadcast %mul3A_1011 : f32 to vector<16xf32>
        %mul3A_1013 = arith.mulf %mul3A_1012, %convert_element_type3A_850 : vector<16xf32>
        %add3A_1014 = arith.addf %mul3A_1013, %gather3A_956 : vector<16xf32>
        %mul3A_1015 = arith.constant 2.000000e+00 : f32
        %mul3A_1016 = vector.broadcast %mul3A_1015 : f32 to vector<16xf32>
        %mul3A_1017 = arith.mulf %mul3A_1016, %convert_element_type3A_852 : vector<16xf32>
        %add3A_1018 = arith.addf %mul3A_1017, %gather3A_966 : vector<16xf32>
        %mul3A_1019 = arith.constant 2.000000e+00 : f32
        %mul3A_1020 = vector.broadcast %mul3A_1019 : f32 to vector<16xf32>
        %mul3A_1021 = arith.mulf %mul3A_1020, %convert_element_type3A_854 : vector<16xf32>
        %add3A_1022 = arith.addf %mul3A_1021, %gather3A_976 : vector<16xf32>
        %mul3A_1023 = arith.constant 2.000000e+00 : f32
        %mul3A_1024 = vector.broadcast %mul3A_1023 : f32 to vector<16xf32>
        %mul3A_1025 = arith.mulf %mul3A_1024, %convert_element_type3A_856 : vector<16xf32>
        %add3A_1026 = arith.addf %mul3A_1025, %gather3A_986 : vector<16xf32>
        %ne3A_1027 = arith.cmpi ne, %get3A_258, %get3A_319 : vector<16xi32>
        %or3A = arith.ori %ne3A_1027, %eq3A_7 : vector<16xi1>
        %ne3A_1028 = arith.cmpi ne, %get3A_260, %get3A_323 : vector<16xi32>
        %or3A_1029 = arith.ori %ne3A_1028, %eq3A_7 : vector<16xi1>
        %ne3A_1030 = arith.cmpi ne, %get3A_262, %get3A_327 : vector<16xi32>
        %or3A_1031 = arith.ori %ne3A_1030, %eq3A_7 : vector<16xi1>
        %ne3A_1032 = arith.cmpi ne, %get3A_264, %get3A_331 : vector<16xi32>
        %or3A_1033 = arith.ori %ne3A_1032, %eq3A_7 : vector<16xi1>
        %ne3A_1034 = arith.cmpi ne, %get3A_266, %get3A_335 : vector<16xi32>
        %or3A_1035 = arith.ori %ne3A_1034, %eq3A_7 : vector<16xi1>
        %ne3A_1036 = arith.cmpi ne, %get3A_268, %get3A_339 : vector<16xi32>
        %or3A_1037 = arith.ori %ne3A_1036, %eq3A_7 : vector<16xi1>
        %ne3A_1038 = arith.cmpi ne, %get3A_270, %get3A_343 : vector<16xi32>
        %or3A_1039 = arith.ori %ne3A_1038, %eq3A_7 : vector<16xi1>
        %ne3A_1040 = arith.cmpi ne, %get3A_272, %get3A_347 : vector<16xi32>
        %or3A_1041 = arith.ori %ne3A_1040, %eq3A_7 : vector<16xi1>
        %ne3A_1042 = arith.cmpi ne, %get3A_274, %get3A_351 : vector<16xi32>
        %or3A_1043 = arith.ori %ne3A_1042, %eq3A_7 : vector<16xi1>
        %ne3A_1044 = arith.cmpi ne, %get3A_276, %get3A_355 : vector<16xi32>
        %or3A_1045 = arith.ori %ne3A_1044, %eq3A_7 : vector<16xi1>
        %add3A_1046 = arith.addi %scan3A_206, %masked_cumsum3A : vector<16xi32>
        %lt3A_1047 = arith.constant 0 : i32
        %lt3A_1048 = vector.broadcast %lt3A_1047 : i32 to vector<16xi32>
        %lt3A_1049 = arith.cmpi slt, %broadcast_in_dim3A_10, %lt3A_1048 : vector<16xi32>
        %add3A_1050 = arith.constant 16 : i32
        %add3A_1051 = vector.broadcast %add3A_1050 : i32 to vector<16xi32>
        %add3A_1052 = arith.addi %broadcast_in_dim3A_10, %add3A_1051 : vector<16xi32>
        %select_n3A_1053 = arith.select %lt3A_1049, %add3A_1052, %broadcast_in_dim3A_10 : vector<16xi1>, vector<16xi32>
        %broadcast_in_dim3A_1054 = vector.shape_cast %select_n3A_1053 : vector<16xi32> to vector<16x1xi32>
        %gather3A_1055 = vector.shape_cast %broadcast_in_dim3A_1054 : vector<16x1xi32> to vector<16xi32>
        %gather3A_1056 = tpu.dynamic_gather %add3A_1046[%gather3A_1055] in [0] : vector<16xi32>, vector<16xi32> -> vector<16xi32>
        %add3A_1057 = arith.constant 1 : i32
        %add3A_1058 = vector.broadcast %add3A_1057 : i32 to vector<16xi32>
        %add3A_1059 = arith.addi %gather3A_1056, %add3A_1058 : vector<16xi32>
        %add3A_1060 = arith.addi %add3A_1059, %masked_cumsum3A_524 : vector<16xi32>
        %lt3A_1061 = arith.constant 0 : i32
        %lt3A_1062 = vector.broadcast %lt3A_1061 : i32 to vector<16xi32>
        %lt3A_1063 = arith.cmpi slt, %broadcast_in_dim3A_10, %lt3A_1062 : vector<16xi32>
        %add3A_1064 = arith.constant 16 : i32
        %add3A_1065 = vector.broadcast %add3A_1064 : i32 to vector<16xi32>
        %add3A_1066 = arith.addi %broadcast_in_dim3A_10, %add3A_1065 : vector<16xi32>
        %select_n3A_1067 = arith.select %lt3A_1063, %add3A_1066, %broadcast_in_dim3A_10 : vector<16xi1>, vector<16xi32>
        %broadcast_in_dim3A_1068 = vector.shape_cast %select_n3A_1067 : vector<16xi32> to vector<16x1xi32>
        %gather3A_1069 = vector.shape_cast %broadcast_in_dim3A_1068 : vector<16x1xi32> to vector<16xi32>
        %gather3A_1070 = tpu.dynamic_gather %add3A_1060[%gather3A_1069] in [0] : vector<16xi32>, vector<16xi32> -> vector<16xi32>
        %add3A_1071 = arith.constant 1 : i32
        %add3A_1072 = vector.broadcast %add3A_1071 : i32 to vector<16xi32>
        %add3A_1073 = arith.addi %gather3A_1070, %add3A_1072 : vector<16xi32>
        %add3A_1074 = arith.addi %add3A_1073, %masked_cumsum3A_532 : vector<16xi32>
        %lt3A_1075 = arith.constant 0 : i32
        %lt3A_1076 = vector.broadcast %lt3A_1075 : i32 to vector<16xi32>
        %lt3A_1077 = arith.cmpi slt, %broadcast_in_dim3A_10, %lt3A_1076 : vector<16xi32>
        %add3A_1078 = arith.constant 16 : i32
        %add3A_1079 = vector.broadcast %add3A_1078 : i32 to vector<16xi32>
        %add3A_1080 = arith.addi %broadcast_in_dim3A_10, %add3A_1079 : vector<16xi32>
        %select_n3A_1081 = arith.select %lt3A_1077, %add3A_1080, %broadcast_in_dim3A_10 : vector<16xi1>, vector<16xi32>
        %broadcast_in_dim3A_1082 = vector.shape_cast %select_n3A_1081 : vector<16xi32> to vector<16x1xi32>
        %gather3A_1083 = vector.shape_cast %broadcast_in_dim3A_1082 : vector<16x1xi32> to vector<16xi32>
        %gather3A_1084 = tpu.dynamic_gather %add3A_1074[%gather3A_1083] in [0] : vector<16xi32>, vector<16xi32> -> vector<16xi32>
        %add3A_1085 = arith.constant 1 : i32
        %add3A_1086 = vector.broadcast %add3A_1085 : i32 to vector<16xi32>
        %add3A_1087 = arith.addi %gather3A_1084, %add3A_1086 : vector<16xi32>
        %add3A_1088 = arith.addi %add3A_1087, %masked_cumsum3A_540 : vector<16xi32>
        %lt3A_1089 = arith.constant 0 : i32
        %lt3A_1090 = vector.broadcast %lt3A_1089 : i32 to vector<16xi32>
        %lt3A_1091 = arith.cmpi slt, %broadcast_in_dim3A_10, %lt3A_1090 : vector<16xi32>
        %add3A_1092 = arith.constant 16 : i32
        %add3A_1093 = vector.broadcast %add3A_1092 : i32 to vector<16xi32>
        %add3A_1094 = arith.addi %broadcast_in_dim3A_10, %add3A_1093 : vector<16xi32>
        %select_n3A_1095 = arith.select %lt3A_1091, %add3A_1094, %broadcast_in_dim3A_10 : vector<16xi1>, vector<16xi32>
        %broadcast_in_dim3A_1096 = vector.shape_cast %select_n3A_1095 : vector<16xi32> to vector<16x1xi32>
        %gather3A_1097 = vector.shape_cast %broadcast_in_dim3A_1096 : vector<16x1xi32> to vector<16xi32>
        %gather3A_1098 = tpu.dynamic_gather %add3A_1088[%gather3A_1097] in [0] : vector<16xi32>, vector<16xi32> -> vector<16xi32>
        %add3A_1099 = arith.constant 1 : i32
        %add3A_1100 = vector.broadcast %add3A_1099 : i32 to vector<16xi32>
        %add3A_1101 = arith.addi %gather3A_1098, %add3A_1100 : vector<16xi32>
        %add3A_1102 = arith.addi %add3A_1101, %masked_cumsum3A_548 : vector<16xi32>
        %lt3A_1103 = arith.constant 0 : i32
        %lt3A_1104 = vector.broadcast %lt3A_1103 : i32 to vector<16xi32>
        %lt3A_1105 = arith.cmpi slt, %broadcast_in_dim3A_10, %lt3A_1104 : vector<16xi32>
        %add3A_1106 = arith.constant 16 : i32
        %add3A_1107 = vector.broadcast %add3A_1106 : i32 to vector<16xi32>
        %add3A_1108 = arith.addi %broadcast_in_dim3A_10, %add3A_1107 : vector<16xi32>
        %select_n3A_1109 = arith.select %lt3A_1105, %add3A_1108, %broadcast_in_dim3A_10 : vector<16xi1>, vector<16xi32>
        %broadcast_in_dim3A_1110 = vector.shape_cast %select_n3A_1109 : vector<16xi32> to vector<16x1xi32>
        %gather3A_1111 = vector.shape_cast %broadcast_in_dim3A_1110 : vector<16x1xi32> to vector<16xi32>
        %gather3A_1112 = tpu.dynamic_gather %add3A_1102[%gather3A_1111] in [0] : vector<16xi32>, vector<16xi32> -> vector<16xi32>
        %add3A_1113 = arith.constant 1 : i32
        %add3A_1114 = vector.broadcast %add3A_1113 : i32 to vector<16xi32>
        %add3A_1115 = arith.addi %gather3A_1112, %add3A_1114 : vector<16xi32>
        %add3A_1116 = arith.addi %add3A_1115, %masked_cumsum3A_556 : vector<16xi32>
        %lt3A_1117 = arith.constant 0 : i32
        %lt3A_1118 = vector.broadcast %lt3A_1117 : i32 to vector<16xi32>
        %lt3A_1119 = arith.cmpi slt, %broadcast_in_dim3A_10, %lt3A_1118 : vector<16xi32>
        %add3A_1120 = arith.constant 16 : i32
        %add3A_1121 = vector.broadcast %add3A_1120 : i32 to vector<16xi32>
        %add3A_1122 = arith.addi %broadcast_in_dim3A_10, %add3A_1121 : vector<16xi32>
        %select_n3A_1123 = arith.select %lt3A_1119, %add3A_1122, %broadcast_in_dim3A_10 : vector<16xi1>, vector<16xi32>
        %broadcast_in_dim3A_1124 = vector.shape_cast %select_n3A_1123 : vector<16xi32> to vector<16x1xi32>
        %gather3A_1125 = vector.shape_cast %broadcast_in_dim3A_1124 : vector<16x1xi32> to vector<16xi32>
        %gather3A_1126 = tpu.dynamic_gather %add3A_1116[%gather3A_1125] in [0] : vector<16xi32>, vector<16xi32> -> vector<16xi32>
        %add3A_1127 = arith.constant 1 : i32
        %add3A_1128 = vector.broadcast %add3A_1127 : i32 to vector<16xi32>
        %add3A_1129 = arith.addi %gather3A_1126, %add3A_1128 : vector<16xi32>
        %add3A_1130 = arith.addi %add3A_1129, %masked_cumsum3A_564 : vector<16xi32>
        %lt3A_1131 = arith.constant 0 : i32
        %lt3A_1132 = vector.broadcast %lt3A_1131 : i32 to vector<16xi32>
        %lt3A_1133 = arith.cmpi slt, %broadcast_in_dim3A_10, %lt3A_1132 : vector<16xi32>
        %add3A_1134 = arith.constant 16 : i32
        %add3A_1135 = vector.broadcast %add3A_1134 : i32 to vector<16xi32>
        %add3A_1136 = arith.addi %broadcast_in_dim3A_10, %add3A_1135 : vector<16xi32>
        %select_n3A_1137 = arith.select %lt3A_1133, %add3A_1136, %broadcast_in_dim3A_10 : vector<16xi1>, vector<16xi32>
        %broadcast_in_dim3A_1138 = vector.shape_cast %select_n3A_1137 : vector<16xi32> to vector<16x1xi32>
        %gather3A_1139 = vector.shape_cast %broadcast_in_dim3A_1138 : vector<16x1xi32> to vector<16xi32>
        %gather3A_1140 = tpu.dynamic_gather %add3A_1130[%gather3A_1139] in [0] : vector<16xi32>, vector<16xi32> -> vector<16xi32>
        %add3A_1141 = arith.constant 1 : i32
        %add3A_1142 = vector.broadcast %add3A_1141 : i32 to vector<16xi32>
        %add3A_1143 = arith.addi %gather3A_1140, %add3A_1142 : vector<16xi32>
        %add3A_1144 = arith.addi %add3A_1143, %masked_cumsum3A_572 : vector<16xi32>
        %lt3A_1145 = arith.constant 0 : i32
        %lt3A_1146 = vector.broadcast %lt3A_1145 : i32 to vector<16xi32>
        %lt3A_1147 = arith.cmpi slt, %broadcast_in_dim3A_10, %lt3A_1146 : vector<16xi32>
        %add3A_1148 = arith.constant 16 : i32
        %add3A_1149 = vector.broadcast %add3A_1148 : i32 to vector<16xi32>
        %add3A_1150 = arith.addi %broadcast_in_dim3A_10, %add3A_1149 : vector<16xi32>
        %select_n3A_1151 = arith.select %lt3A_1147, %add3A_1150, %broadcast_in_dim3A_10 : vector<16xi1>, vector<16xi32>
        %broadcast_in_dim3A_1152 = vector.shape_cast %select_n3A_1151 : vector<16xi32> to vector<16x1xi32>
        %gather3A_1153 = vector.shape_cast %broadcast_in_dim3A_1152 : vector<16x1xi32> to vector<16xi32>
        %gather3A_1154 = tpu.dynamic_gather %add3A_1144[%gather3A_1153] in [0] : vector<16xi32>, vector<16xi32> -> vector<16xi32>
        %add3A_1155 = arith.constant 1 : i32
        %add3A_1156 = vector.broadcast %add3A_1155 : i32 to vector<16xi32>
        %add3A_1157 = arith.addi %gather3A_1154, %add3A_1156 : vector<16xi32>
        %add3A_1158 = arith.addi %add3A_1157, %masked_cumsum3A_580 : vector<16xi32>
        %lt3A_1159 = arith.constant 0 : i32
        %lt3A_1160 = vector.broadcast %lt3A_1159 : i32 to vector<16xi32>
        %lt3A_1161 = arith.cmpi slt, %broadcast_in_dim3A_10, %lt3A_1160 : vector<16xi32>
        %add3A_1162 = arith.constant 16 : i32
        %add3A_1163 = vector.broadcast %add3A_1162 : i32 to vector<16xi32>
        %add3A_1164 = arith.addi %broadcast_in_dim3A_10, %add3A_1163 : vector<16xi32>
        %select_n3A_1165 = arith.select %lt3A_1161, %add3A_1164, %broadcast_in_dim3A_10 : vector<16xi1>, vector<16xi32>
        %broadcast_in_dim3A_1166 = vector.shape_cast %select_n3A_1165 : vector<16xi32> to vector<16x1xi32>
        %gather3A_1167 = vector.shape_cast %broadcast_in_dim3A_1166 : vector<16x1xi32> to vector<16xi32>
        %gather3A_1168 = tpu.dynamic_gather %add3A_1158[%gather3A_1167] in [0] : vector<16xi32>, vector<16xi32> -> vector<16xi32>
        %add3A_1169 = arith.constant 1 : i32
        %add3A_1170 = vector.broadcast %add3A_1169 : i32 to vector<16xi32>
        %add3A_1171 = arith.addi %gather3A_1168, %add3A_1170 : vector<16xi32>
        %add3A_1172 = arith.addi %add3A_1171, %masked_cumsum3A_588 : vector<16xi32>
        %lt3A_1173 = arith.constant 0 : i32
        %lt3A_1174 = vector.broadcast %lt3A_1173 : i32 to vector<16xi32>
        %lt3A_1175 = arith.cmpi slt, %broadcast_in_dim3A_10, %lt3A_1174 : vector<16xi32>
        %add3A_1176 = arith.constant 16 : i32
        %add3A_1177 = vector.broadcast %add3A_1176 : i32 to vector<16xi32>
        %add3A_1178 = arith.addi %broadcast_in_dim3A_10, %add3A_1177 : vector<16xi32>
        %select_n3A_1179 = arith.select %lt3A_1175, %add3A_1178, %broadcast_in_dim3A_10 : vector<16xi1>, vector<16xi32>
        %broadcast_in_dim3A_1180 = vector.shape_cast %select_n3A_1179 : vector<16xi32> to vector<16x1xi32>
        %gather3A_1181 = vector.shape_cast %broadcast_in_dim3A_1180 : vector<16x1xi32> to vector<16xi32>
        %gather3A_1182 = tpu.dynamic_gather %add3A_1172[%gather3A_1181] in [0] : vector<16xi32>, vector<16xi32> -> vector<16xi32>
        %add3A_1183 = arith.constant 1 : i32
        %add3A_1184 = vector.broadcast %add3A_1183 : i32 to vector<16xi32>
        %add3A_1185 = arith.addi %gather3A_1182, %add3A_1184 : vector<16xi32>
        %shift_right_arithmetic3A = arith.constant 7 : i32
        %shift_right_arithmetic3A_1186 = vector.broadcast %shift_right_arithmetic3A : i32 to vector<16xi32>
        %shift_right_arithmetic3A_1187 = arith.shrsi %add3A_1046, %shift_right_arithmetic3A_1186 : vector<16xi32>
        %and3A_1188 = arith.constant 127 : i32
        %and3A_1189 = vector.broadcast %and3A_1188 : i32 to vector<16xi32>
        %and3A_1190 = arith.andi %add3A_1046, %and3A_1189 : vector<16xi32>
        tpu.vector_store_idx %arg10[%broadcast_in_dim3A_217, %shift_right_arithmetic3A_1187, %and3A_1190], %get3A_258 masked %or3A : memref<2x2x128xi32, #tpu.memory_space<vmem>>[vector<16xi32>, vector<16xi32>, vector<16xi32>], vector<16xi32>, vector<16xi1>
        tpu.vector_store_idx %arg11[%broadcast_in_dim3A_217, %shift_right_arithmetic3A_1187, %and3A_1190], %sub3A_827 masked %or3A : memref<2x2x128xf32, #tpu.memory_space<vmem>>[vector<16xi32>, vector<16xi32>, vector<16xi32>], vector<16xf32>, vector<16xi1>
        tpu.vector_store_idx %arg12[%broadcast_in_dim3A_217, %shift_right_arithmetic3A_1187, %and3A_1190], %add3A_990 masked %or3A : memref<2x2x128xf32, #tpu.memory_space<vmem>>[vector<16xi32>, vector<16xi32>, vector<16xi32>], vector<16xf32>, vector<16xi1>
        %shift_right_arithmetic3A_1191 = arith.constant 7 : i32
        %shift_right_arithmetic3A_1192 = vector.broadcast %shift_right_arithmetic3A_1191 : i32 to vector<16xi32>
        %shift_right_arithmetic3A_1193 = arith.shrsi %add3A_1060, %shift_right_arithmetic3A_1192 : vector<16xi32>
        %and3A_1194 = arith.constant 127 : i32
        %and3A_1195 = vector.broadcast %and3A_1194 : i32 to vector<16xi32>
        %and3A_1196 = arith.andi %add3A_1060, %and3A_1195 : vector<16xi32>
        tpu.vector_store_idx %arg10[%broadcast_in_dim3A_217, %shift_right_arithmetic3A_1193, %and3A_1196], %get3A_260 masked %or3A_1029 : memref<2x2x128xi32, #tpu.memory_space<vmem>>[vector<16xi32>, vector<16xi32>, vector<16xi32>], vector<16xi32>, vector<16xi1>
        tpu.vector_store_idx %arg11[%broadcast_in_dim3A_217, %shift_right_arithmetic3A_1193, %and3A_1196], %sub3A_828 masked %or3A_1029 : memref<2x2x128xf32, #tpu.memory_space<vmem>>[vector<16xi32>, vector<16xi32>, vector<16xi32>], vector<16xf32>, vector<16xi1>
        tpu.vector_store_idx %arg12[%broadcast_in_dim3A_217, %shift_right_arithmetic3A_1193, %and3A_1196], %add3A_994 masked %or3A_1029 : memref<2x2x128xf32, #tpu.memory_space<vmem>>[vector<16xi32>, vector<16xi32>, vector<16xi32>], vector<16xf32>, vector<16xi1>
        %shift_right_arithmetic3A_1197 = arith.constant 7 : i32
        %shift_right_arithmetic3A_1198 = vector.broadcast %shift_right_arithmetic3A_1197 : i32 to vector<16xi32>
        %shift_right_arithmetic3A_1199 = arith.shrsi %add3A_1074, %shift_right_arithmetic3A_1198 : vector<16xi32>
        %and3A_1200 = arith.constant 127 : i32
        %and3A_1201 = vector.broadcast %and3A_1200 : i32 to vector<16xi32>
        %and3A_1202 = arith.andi %add3A_1074, %and3A_1201 : vector<16xi32>
        tpu.vector_store_idx %arg10[%broadcast_in_dim3A_217, %shift_right_arithmetic3A_1199, %and3A_1202], %get3A_262 masked %or3A_1031 : memref<2x2x128xi32, #tpu.memory_space<vmem>>[vector<16xi32>, vector<16xi32>, vector<16xi32>], vector<16xi32>, vector<16xi1>
        tpu.vector_store_idx %arg11[%broadcast_in_dim3A_217, %shift_right_arithmetic3A_1199, %and3A_1202], %sub3A_829 masked %or3A_1031 : memref<2x2x128xf32, #tpu.memory_space<vmem>>[vector<16xi32>, vector<16xi32>, vector<16xi32>], vector<16xf32>, vector<16xi1>
        tpu.vector_store_idx %arg12[%broadcast_in_dim3A_217, %shift_right_arithmetic3A_1199, %and3A_1202], %add3A_998 masked %or3A_1031 : memref<2x2x128xf32, #tpu.memory_space<vmem>>[vector<16xi32>, vector<16xi32>, vector<16xi32>], vector<16xf32>, vector<16xi1>
        %shift_right_arithmetic3A_1203 = arith.constant 7 : i32
        %shift_right_arithmetic3A_1204 = vector.broadcast %shift_right_arithmetic3A_1203 : i32 to vector<16xi32>
        %shift_right_arithmetic3A_1205 = arith.shrsi %add3A_1088, %shift_right_arithmetic3A_1204 : vector<16xi32>
        %and3A_1206 = arith.constant 127 : i32
        %and3A_1207 = vector.broadcast %and3A_1206 : i32 to vector<16xi32>
        %and3A_1208 = arith.andi %add3A_1088, %and3A_1207 : vector<16xi32>
        tpu.vector_store_idx %arg10[%broadcast_in_dim3A_217, %shift_right_arithmetic3A_1205, %and3A_1208], %get3A_264 masked %or3A_1033 : memref<2x2x128xi32, #tpu.memory_space<vmem>>[vector<16xi32>, vector<16xi32>, vector<16xi32>], vector<16xi32>, vector<16xi1>
        tpu.vector_store_idx %arg11[%broadcast_in_dim3A_217, %shift_right_arithmetic3A_1205, %and3A_1208], %sub3A_830 masked %or3A_1033 : memref<2x2x128xf32, #tpu.memory_space<vmem>>[vector<16xi32>, vector<16xi32>, vector<16xi32>], vector<16xf32>, vector<16xi1>
        tpu.vector_store_idx %arg12[%broadcast_in_dim3A_217, %shift_right_arithmetic3A_1205, %and3A_1208], %add3A_1002 masked %or3A_1033 : memref<2x2x128xf32, #tpu.memory_space<vmem>>[vector<16xi32>, vector<16xi32>, vector<16xi32>], vector<16xf32>, vector<16xi1>
        %shift_right_arithmetic3A_1209 = arith.constant 7 : i32
        %shift_right_arithmetic3A_1210 = vector.broadcast %shift_right_arithmetic3A_1209 : i32 to vector<16xi32>
        %shift_right_arithmetic3A_1211 = arith.shrsi %add3A_1102, %shift_right_arithmetic3A_1210 : vector<16xi32>
        %and3A_1212 = arith.constant 127 : i32
        %and3A_1213 = vector.broadcast %and3A_1212 : i32 to vector<16xi32>
        %and3A_1214 = arith.andi %add3A_1102, %and3A_1213 : vector<16xi32>
        tpu.vector_store_idx %arg10[%broadcast_in_dim3A_217, %shift_right_arithmetic3A_1211, %and3A_1214], %get3A_266 masked %or3A_1035 : memref<2x2x128xi32, #tpu.memory_space<vmem>>[vector<16xi32>, vector<16xi32>, vector<16xi32>], vector<16xi32>, vector<16xi1>
        tpu.vector_store_idx %arg11[%broadcast_in_dim3A_217, %shift_right_arithmetic3A_1211, %and3A_1214], %sub3A_831 masked %or3A_1035 : memref<2x2x128xf32, #tpu.memory_space<vmem>>[vector<16xi32>, vector<16xi32>, vector<16xi32>], vector<16xf32>, vector<16xi1>
        tpu.vector_store_idx %arg12[%broadcast_in_dim3A_217, %shift_right_arithmetic3A_1211, %and3A_1214], %add3A_1006 masked %or3A_1035 : memref<2x2x128xf32, #tpu.memory_space<vmem>>[vector<16xi32>, vector<16xi32>, vector<16xi32>], vector<16xf32>, vector<16xi1>
        %shift_right_arithmetic3A_1215 = arith.constant 7 : i32
        %shift_right_arithmetic3A_1216 = vector.broadcast %shift_right_arithmetic3A_1215 : i32 to vector<16xi32>
        %shift_right_arithmetic3A_1217 = arith.shrsi %add3A_1116, %shift_right_arithmetic3A_1216 : vector<16xi32>
        %and3A_1218 = arith.constant 127 : i32
        %and3A_1219 = vector.broadcast %and3A_1218 : i32 to vector<16xi32>
        %and3A_1220 = arith.andi %add3A_1116, %and3A_1219 : vector<16xi32>
        tpu.vector_store_idx %arg10[%broadcast_in_dim3A_217, %shift_right_arithmetic3A_1217, %and3A_1220], %get3A_268 masked %or3A_1037 : memref<2x2x128xi32, #tpu.memory_space<vmem>>[vector<16xi32>, vector<16xi32>, vector<16xi32>], vector<16xi32>, vector<16xi1>
        tpu.vector_store_idx %arg11[%broadcast_in_dim3A_217, %shift_right_arithmetic3A_1217, %and3A_1220], %sub3A_832 masked %or3A_1037 : memref<2x2x128xf32, #tpu.memory_space<vmem>>[vector<16xi32>, vector<16xi32>, vector<16xi32>], vector<16xf32>, vector<16xi1>
        tpu.vector_store_idx %arg12[%broadcast_in_dim3A_217, %shift_right_arithmetic3A_1217, %and3A_1220], %add3A_1010 masked %or3A_1037 : memref<2x2x128xf32, #tpu.memory_space<vmem>>[vector<16xi32>, vector<16xi32>, vector<16xi32>], vector<16xf32>, vector<16xi1>
        %shift_right_arithmetic3A_1221 = arith.constant 7 : i32
        %shift_right_arithmetic3A_1222 = vector.broadcast %shift_right_arithmetic3A_1221 : i32 to vector<16xi32>
        %shift_right_arithmetic3A_1223 = arith.shrsi %add3A_1130, %shift_right_arithmetic3A_1222 : vector<16xi32>
        %and3A_1224 = arith.constant 127 : i32
        %and3A_1225 = vector.broadcast %and3A_1224 : i32 to vector<16xi32>
        %and3A_1226 = arith.andi %add3A_1130, %and3A_1225 : vector<16xi32>
        tpu.vector_store_idx %arg10[%broadcast_in_dim3A_217, %shift_right_arithmetic3A_1223, %and3A_1226], %get3A_270 masked %or3A_1039 : memref<2x2x128xi32, #tpu.memory_space<vmem>>[vector<16xi32>, vector<16xi32>, vector<16xi32>], vector<16xi32>, vector<16xi1>
        tpu.vector_store_idx %arg11[%broadcast_in_dim3A_217, %shift_right_arithmetic3A_1223, %and3A_1226], %sub3A_833 masked %or3A_1039 : memref<2x2x128xf32, #tpu.memory_space<vmem>>[vector<16xi32>, vector<16xi32>, vector<16xi32>], vector<16xf32>, vector<16xi1>
        tpu.vector_store_idx %arg12[%broadcast_in_dim3A_217, %shift_right_arithmetic3A_1223, %and3A_1226], %add3A_1014 masked %or3A_1039 : memref<2x2x128xf32, #tpu.memory_space<vmem>>[vector<16xi32>, vector<16xi32>, vector<16xi32>], vector<16xf32>, vector<16xi1>
        %shift_right_arithmetic3A_1227 = arith.constant 7 : i32
        %shift_right_arithmetic3A_1228 = vector.broadcast %shift_right_arithmetic3A_1227 : i32 to vector<16xi32>
        %shift_right_arithmetic3A_1229 = arith.shrsi %add3A_1144, %shift_right_arithmetic3A_1228 : vector<16xi32>
        %and3A_1230 = arith.constant 127 : i32
        %and3A_1231 = vector.broadcast %and3A_1230 : i32 to vector<16xi32>
        %and3A_1232 = arith.andi %add3A_1144, %and3A_1231 : vector<16xi32>
        tpu.vector_store_idx %arg10[%broadcast_in_dim3A_217, %shift_right_arithmetic3A_1229, %and3A_1232], %get3A_272 masked %or3A_1041 : memref<2x2x128xi32, #tpu.memory_space<vmem>>[vector<16xi32>, vector<16xi32>, vector<16xi32>], vector<16xi32>, vector<16xi1>
        tpu.vector_store_idx %arg11[%broadcast_in_dim3A_217, %shift_right_arithmetic3A_1229, %and3A_1232], %sub3A_834 masked %or3A_1041 : memref<2x2x128xf32, #tpu.memory_space<vmem>>[vector<16xi32>, vector<16xi32>, vector<16xi32>], vector<16xf32>, vector<16xi1>
        tpu.vector_store_idx %arg12[%broadcast_in_dim3A_217, %shift_right_arithmetic3A_1229, %and3A_1232], %add3A_1018 masked %or3A_1041 : memref<2x2x128xf32, #tpu.memory_space<vmem>>[vector<16xi32>, vector<16xi32>, vector<16xi32>], vector<16xf32>, vector<16xi1>
        %shift_right_arithmetic3A_1233 = arith.constant 7 : i32
        %shift_right_arithmetic3A_1234 = vector.broadcast %shift_right_arithmetic3A_1233 : i32 to vector<16xi32>
        %shift_right_arithmetic3A_1235 = arith.shrsi %add3A_1158, %shift_right_arithmetic3A_1234 : vector<16xi32>
        %and3A_1236 = arith.constant 127 : i32
        %and3A_1237 = vector.broadcast %and3A_1236 : i32 to vector<16xi32>
        %and3A_1238 = arith.andi %add3A_1158, %and3A_1237 : vector<16xi32>
        tpu.vector_store_idx %arg10[%broadcast_in_dim3A_217, %shift_right_arithmetic3A_1235, %and3A_1238], %get3A_274 masked %or3A_1043 : memref<2x2x128xi32, #tpu.memory_space<vmem>>[vector<16xi32>, vector<16xi32>, vector<16xi32>], vector<16xi32>, vector<16xi1>
        tpu.vector_store_idx %arg11[%broadcast_in_dim3A_217, %shift_right_arithmetic3A_1235, %and3A_1238], %sub3A_835 masked %or3A_1043 : memref<2x2x128xf32, #tpu.memory_space<vmem>>[vector<16xi32>, vector<16xi32>, vector<16xi32>], vector<16xf32>, vector<16xi1>
        tpu.vector_store_idx %arg12[%broadcast_in_dim3A_217, %shift_right_arithmetic3A_1235, %and3A_1238], %add3A_1022 masked %or3A_1043 : memref<2x2x128xf32, #tpu.memory_space<vmem>>[vector<16xi32>, vector<16xi32>, vector<16xi32>], vector<16xf32>, vector<16xi1>
        %shift_right_arithmetic3A_1239 = arith.constant 7 : i32
        %shift_right_arithmetic3A_1240 = vector.broadcast %shift_right_arithmetic3A_1239 : i32 to vector<16xi32>
        %shift_right_arithmetic3A_1241 = arith.shrsi %add3A_1172, %shift_right_arithmetic3A_1240 : vector<16xi32>
        %and3A_1242 = arith.constant 127 : i32
        %and3A_1243 = vector.broadcast %and3A_1242 : i32 to vector<16xi32>
        %and3A_1244 = arith.andi %add3A_1172, %and3A_1243 : vector<16xi32>
        tpu.vector_store_idx %arg10[%broadcast_in_dim3A_217, %shift_right_arithmetic3A_1241, %and3A_1244], %get3A_276 masked %or3A_1045 : memref<2x2x128xi32, #tpu.memory_space<vmem>>[vector<16xi32>, vector<16xi32>, vector<16xi32>], vector<16xi32>, vector<16xi1>
        tpu.vector_store_idx %arg11[%broadcast_in_dim3A_217, %shift_right_arithmetic3A_1241, %and3A_1244], %sub3A_836 masked %or3A_1045 : memref<2x2x128xf32, #tpu.memory_space<vmem>>[vector<16xi32>, vector<16xi32>, vector<16xi32>], vector<16xf32>, vector<16xi1>
        tpu.vector_store_idx %arg12[%broadcast_in_dim3A_217, %shift_right_arithmetic3A_1241, %and3A_1244], %add3A_1026 masked %or3A_1045 : memref<2x2x128xf32, #tpu.memory_space<vmem>>[vector<16xi32>, vector<16xi32>, vector<16xi32>], vector<16xf32>, vector<16xi1>
        %reduce_max3A_1245 = arith.constant true
        %reduce_max3A_1246 = vector.broadcast %reduce_max3A_1245 : i1 to vector<16xi1>
        %reduce_max3A_1247 = arith.constant -2147483648 : i32
        %reduce_max3A_1248 = vector.broadcast %reduce_max3A_1247 : i32 to vector<16xi32>
        %reduce_max3A_1249 = arith.xori %add3A_1185, %reduce_max3A_1248 : vector<16xi32>
        %reduce_max3A_1250 = tpu.scan <max>, %reduce_max3A_1249 masked %reduce_max3A_1246 : vector<16xi32>, vector<16xi1> -> vector<16xi32>
        %reduce_max3A_1251 = arith.xori %reduce_max3A_1250, %reduce_max3A_1248 : vector<16xi32>
        %reduce_max3A_1252 = vector.extract %reduce_max3A_1251[15] : i32 from vector<16xi32>
        %ge3A_1253 = arith.constant 96 : i32
        %ge3A_1254 = arith.cmpi sge, %reduce_max3A_1252, %ge3A_1253 : i32
        %convert_element_type3A_1255 = arith.extui %ge3A_1254 : i1 to i32
        %cond3A_1256 = arith.constant 0 : i32
        %cond3A_1257 = arith.cmpi ne, %convert_element_type3A_1255, %cond3A_1256 : i32
        scf.if %cond3A_1257 {
          %eq3A_1267 = arith.constant 0 : i32
          %eq3A_1268 = arith.cmpi eq, %scan3A_207, %eq3A_1267 : i32
          %convert_element_type3A_1269 = arith.extui %eq3A_1268 : i1 to i32
          %cond3A_1270 = arith.constant 0 : i32
          %cond3A_1271 = arith.cmpi ne, %convert_element_type3A_1269, %cond3A_1270 : i32
          scf.if %cond3A_1271 {
            %dma_start3A_1277 = arith.constant 0 : i32
            %dma_start3A_1278 = arith.constant 0 : i32
            %dma_start3A_1279 = arith.constant 0 : i32
            %dma_start3A_1280 = arith.constant 0 : i32
            %dma_start3A_1281 = arith.constant 0 : i32
            %dma_start3A_1282 = tpu.memref_slice %arg11[%dma_start3A_1277, %dma_start3A_1278, %dma_start3A_1281] : memref<2x2x128xf32, #tpu.memory_space<vmem>> -> memref<1x1x128xf32, #tpu.memory_space<vmem>>
            %dma_start3A_1283 = tpu.memref_squeeze %dma_start3A_1282 : memref<1x1x128xf32, #tpu.memory_space<vmem>> -> memref<128xf32, #tpu.memory_space<vmem>>
            %dma_start3A_1284 = arith.constant 0 : i32
            %dma_start3A_1285 = tpu.memref_slice %arg10[%dma_start3A_1279, %dma_start3A_1280, %dma_start3A_1284] : memref<2x2x128xi32, #tpu.memory_space<vmem>> -> memref<1x1x128xi32, #tpu.memory_space<vmem>>
            %dma_start3A_1286 = tpu.memref_squeeze %dma_start3A_1285 : memref<1x1x128xi32, #tpu.memory_space<vmem>> -> memref<128xi32, #tpu.memory_space<vmem>>
            %dma_start3A_1287 = arith.constant 0 : i32
            %dma_start3A_1288 = tpu.memref_slice %arg13[%dma_start3A_1287] : memref<100352xf32, #tpu.memory_space<vmem_shared>> -> memref<100352xf32, #tpu.memory_space<vmem_shared>>
            tpu.enqueue_indirect_dma source(%dma_start3A_1283 : memref<128xf32, #tpu.memory_space<vmem>>) target(%dma_start3A_1288 : memref<100352xf32, #tpu.memory_space<vmem_shared>>) offsets(%dma_start3A_1286 : memref<128xi32, #tpu.memory_space<vmem>>) semaphore(%arg16 : memref<!tpu.dma_semaphore, #tpu.memory_space<semaphore_mem>>) {add = true}
            %dma_start3A_1289 = arith.constant 0 : i32
            %dma_start3A_1290 = arith.constant 0 : i32
            %dma_start3A_1291 = arith.constant 0 : i32
            %dma_start3A_1292 = arith.constant 0 : i32
            %dma_start3A_1293 = arith.constant 0 : i32
            %dma_start3A_1294 = tpu.memref_slice %arg12[%dma_start3A_1289, %dma_start3A_1290, %dma_start3A_1293] : memref<2x2x128xf32, #tpu.memory_space<vmem>> -> memref<1x1x128xf32, #tpu.memory_space<vmem>>
            %dma_start3A_1295 = tpu.memref_squeeze %dma_start3A_1294 : memref<1x1x128xf32, #tpu.memory_space<vmem>> -> memref<128xf32, #tpu.memory_space<vmem>>
            %dma_start3A_1296 = arith.constant 0 : i32
            %dma_start3A_1297 = tpu.memref_slice %arg10[%dma_start3A_1291, %dma_start3A_1292, %dma_start3A_1296] : memref<2x2x128xi32, #tpu.memory_space<vmem>> -> memref<1x1x128xi32, #tpu.memory_space<vmem>>
            %dma_start3A_1298 = tpu.memref_squeeze %dma_start3A_1297 : memref<1x1x128xi32, #tpu.memory_space<vmem>> -> memref<128xi32, #tpu.memory_space<vmem>>
            %dma_start3A_1299 = arith.constant 0 : i32
            %dma_start3A_1300 = tpu.memref_slice %arg14[%dma_start3A_1299] : memref<100352xf32, #tpu.memory_space<vmem_shared>> -> memref<100352xf32, #tpu.memory_space<vmem_shared>>
            tpu.enqueue_indirect_dma source(%dma_start3A_1295 : memref<128xf32, #tpu.memory_space<vmem>>) target(%dma_start3A_1300 : memref<100352xf32, #tpu.memory_space<vmem_shared>>) offsets(%dma_start3A_1298 : memref<128xi32, #tpu.memory_space<vmem>>) semaphore(%arg16 : memref<!tpu.dma_semaphore, #tpu.memory_space<semaphore_mem>>) {add = true}
            %dma_start3A_1301 = arith.constant 0 : i32
            %dma_start3A_1302 = arith.constant 1 : i32
            %dma_start3A_1303 = arith.constant 0 : i32
            %dma_start3A_1304 = arith.constant 1 : i32
            %dma_start3A_1305 = arith.constant 0 : i32
            %dma_start3A_1306 = tpu.memref_slice %arg11[%dma_start3A_1301, %dma_start3A_1302, %dma_start3A_1305] : memref<2x2x128xf32, #tpu.memory_space<vmem>> -> memref<1x1x128xf32, #tpu.memory_space<vmem>>
            %dma_start3A_1307 = tpu.memref_squeeze %dma_start3A_1306 : memref<1x1x128xf32, #tpu.memory_space<vmem>> -> memref<128xf32, #tpu.memory_space<vmem>>
            %dma_start3A_1308 = arith.constant 0 : i32
            %dma_start3A_1309 = tpu.memref_slice %arg10[%dma_start3A_1303, %dma_start3A_1304, %dma_start3A_1308] : memref<2x2x128xi32, #tpu.memory_space<vmem>> -> memref<1x1x128xi32, #tpu.memory_space<vmem>>
            %dma_start3A_1310 = tpu.memref_squeeze %dma_start3A_1309 : memref<1x1x128xi32, #tpu.memory_space<vmem>> -> memref<128xi32, #tpu.memory_space<vmem>>
            %dma_start3A_1311 = arith.constant 0 : i32
            %dma_start3A_1312 = tpu.memref_slice %arg13[%dma_start3A_1311] : memref<100352xf32, #tpu.memory_space<vmem_shared>> -> memref<100352xf32, #tpu.memory_space<vmem_shared>>
            tpu.enqueue_indirect_dma source(%dma_start3A_1307 : memref<128xf32, #tpu.memory_space<vmem>>) target(%dma_start3A_1312 : memref<100352xf32, #tpu.memory_space<vmem_shared>>) offsets(%dma_start3A_1310 : memref<128xi32, #tpu.memory_space<vmem>>) semaphore(%arg16 : memref<!tpu.dma_semaphore, #tpu.memory_space<semaphore_mem>>) {add = true}
            %dma_start3A_1313 = arith.constant 0 : i32
            %dma_start3A_1314 = arith.constant 1 : i32
            %dma_start3A_1315 = arith.constant 0 : i32
            %dma_start3A_1316 = arith.constant 1 : i32
            %dma_start3A_1317 = arith.constant 0 : i32
            %dma_start3A_1318 = tpu.memref_slice %arg12[%dma_start3A_1313, %dma_start3A_1314, %dma_start3A_1317] : memref<2x2x128xf32, #tpu.memory_space<vmem>> -> memref<1x1x128xf32, #tpu.memory_space<vmem>>
            %dma_start3A_1319 = tpu.memref_squeeze %dma_start3A_1318 : memref<1x1x128xf32, #tpu.memory_space<vmem>> -> memref<128xf32, #tpu.memory_space<vmem>>
            %dma_start3A_1320 = arith.constant 0 : i32
            %dma_start3A_1321 = tpu.memref_slice %arg10[%dma_start3A_1315, %dma_start3A_1316, %dma_start3A_1320] : memref<2x2x128xi32, #tpu.memory_space<vmem>> -> memref<1x1x128xi32, #tpu.memory_space<vmem>>
            %dma_start3A_1322 = tpu.memref_squeeze %dma_start3A_1321 : memref<1x1x128xi32, #tpu.memory_space<vmem>> -> memref<128xi32, #tpu.memory_space<vmem>>
            %dma_start3A_1323 = arith.constant 0 : i32
            %dma_start3A_1324 = tpu.memref_slice %arg14[%dma_start3A_1323] : memref<100352xf32, #tpu.memory_space<vmem_shared>> -> memref<100352xf32, #tpu.memory_space<vmem_shared>>
            tpu.enqueue_indirect_dma source(%dma_start3A_1319 : memref<128xf32, #tpu.memory_space<vmem>>) target(%dma_start3A_1324 : memref<100352xf32, #tpu.memory_space<vmem_shared>>) offsets(%dma_start3A_1322 : memref<128xi32, #tpu.memory_space<vmem>>) semaphore(%arg16 : memref<!tpu.dma_semaphore, #tpu.memory_space<semaphore_mem>>) {add = true}
            %ge3A_1325 = arith.constant 1 : i32
            %ge3A_1326 = arith.cmpi sge, %scan3A_208, %ge3A_1325 : i32
            %convert_element_type3A_1327 = arith.extui %ge3A_1326 : i1 to i32
            %cond3A_1328 = arith.constant 0 : i32
            %cond3A_1329 = arith.cmpi ne, %convert_element_type3A_1327, %cond3A_1328 : i32
            scf.if %cond3A_1329 {
              %dma_wait3A_1330 = arith.constant 1 : i32
              %dma_wait3A_1331 = arith.constant 0 : i32
              %dma_wait3A_1332 = arith.constant 1 : i32
              %dma_wait3A_1333 = arith.constant 0 : i32
              %dma_wait3A_1334 = arith.constant 0 : i32
              %dma_wait3A_1335 = tpu.memref_slice %arg11[%dma_wait3A_1330, %dma_wait3A_1331, %dma_wait3A_1334] : memref<2x2x128xf32, #tpu.memory_space<vmem>> -> memref<1x1x128xf32, #tpu.memory_space<vmem>>
              %dma_wait3A_1336 = tpu.memref_squeeze %dma_wait3A_1335 : memref<1x1x128xf32, #tpu.memory_space<vmem>> -> memref<128xf32, #tpu.memory_space<vmem>>
              %dma_wait3A_1337 = arith.constant 0 : i32
              %dma_wait3A_1338 = tpu.memref_slice %arg10[%dma_wait3A_1332, %dma_wait3A_1333, %dma_wait3A_1337] : memref<2x2x128xi32, #tpu.memory_space<vmem>> -> memref<1x1x128xi32, #tpu.memory_space<vmem>>
              %dma_wait3A_1339 = tpu.memref_squeeze %dma_wait3A_1338 : memref<1x1x128xi32, #tpu.memory_space<vmem>> -> memref<128xi32, #tpu.memory_space<vmem>>
              %dma_wait3A_1340 = arith.constant 0 : i32
              %dma_wait3A_1341 = tpu.memref_slice %arg13[%dma_wait3A_1340] : memref<100352xf32, #tpu.memory_space<vmem_shared>> -> memref<100352xf32, #tpu.memory_space<vmem_shared>>
              tpu.wait_indirect_dma semaphore(%arg17 : memref<!tpu.dma_semaphore, #tpu.memory_space<semaphore_mem>>) src(%dma_wait3A_1336 : memref<128xf32, #tpu.memory_space<vmem>>) dst(%dma_wait3A_1341 : memref<100352xf32, #tpu.memory_space<vmem_shared>>)
              %dma_wait3A_1342 = arith.constant 1 : i32
              %dma_wait3A_1343 = arith.constant 0 : i32
              %dma_wait3A_1344 = arith.constant 1 : i32
              %dma_wait3A_1345 = arith.constant 0 : i32
              %dma_wait3A_1346 = arith.constant 0 : i32
              %dma_wait3A_1347 = tpu.memref_slice %arg12[%dma_wait3A_1342, %dma_wait3A_1343, %dma_wait3A_1346] : memref<2x2x128xf32, #tpu.memory_space<vmem>> -> memref<1x1x128xf32, #tpu.memory_space<vmem>>
              %dma_wait3A_1348 = tpu.memref_squeeze %dma_wait3A_1347 : memref<1x1x128xf32, #tpu.memory_space<vmem>> -> memref<128xf32, #tpu.memory_space<vmem>>
              %dma_wait3A_1349 = arith.constant 0 : i32
              %dma_wait3A_1350 = tpu.memref_slice %arg10[%dma_wait3A_1344, %dma_wait3A_1345, %dma_wait3A_1349] : memref<2x2x128xi32, #tpu.memory_space<vmem>> -> memref<1x1x128xi32, #tpu.memory_space<vmem>>
              %dma_wait3A_1351 = tpu.memref_squeeze %dma_wait3A_1350 : memref<1x1x128xi32, #tpu.memory_space<vmem>> -> memref<128xi32, #tpu.memory_space<vmem>>
              %dma_wait3A_1352 = arith.constant 0 : i32
              %dma_wait3A_1353 = tpu.memref_slice %arg14[%dma_wait3A_1352] : memref<100352xf32, #tpu.memory_space<vmem_shared>> -> memref<100352xf32, #tpu.memory_space<vmem_shared>>
              tpu.wait_indirect_dma semaphore(%arg17 : memref<!tpu.dma_semaphore, #tpu.memory_space<semaphore_mem>>) src(%dma_wait3A_1348 : memref<128xf32, #tpu.memory_space<vmem>>) dst(%dma_wait3A_1353 : memref<100352xf32, #tpu.memory_space<vmem_shared>>)
              %dma_wait3A_1354 = arith.constant 1 : i32
              %dma_wait3A_1355 = arith.constant 1 : i32
              %dma_wait3A_1356 = arith.constant 1 : i32
              %dma_wait3A_1357 = arith.constant 1 : i32
              %dma_wait3A_1358 = arith.constant 0 : i32
              %dma_wait3A_1359 = tpu.memref_slice %arg11[%dma_wait3A_1354, %dma_wait3A_1355, %dma_wait3A_1358] : memref<2x2x128xf32, #tpu.memory_space<vmem>> -> memref<1x1x128xf32, #tpu.memory_space<vmem>>
              %dma_wait3A_1360 = tpu.memref_squeeze %dma_wait3A_1359 : memref<1x1x128xf32, #tpu.memory_space<vmem>> -> memref<128xf32, #tpu.memory_space<vmem>>
              %dma_wait3A_1361 = arith.constant 0 : i32
              %dma_wait3A_1362 = tpu.memref_slice %arg10[%dma_wait3A_1356, %dma_wait3A_1357, %dma_wait3A_1361] : memref<2x2x128xi32, #tpu.memory_space<vmem>> -> memref<1x1x128xi32, #tpu.memory_space<vmem>>
              %dma_wait3A_1363 = tpu.memref_squeeze %dma_wait3A_1362 : memref<1x1x128xi32, #tpu.memory_space<vmem>> -> memref<128xi32, #tpu.memory_space<vmem>>
              %dma_wait3A_1364 = arith.constant 0 : i32
              %dma_wait3A_1365 = tpu.memref_slice %arg13[%dma_wait3A_1364] : memref<100352xf32, #tpu.memory_space<vmem_shared>> -> memref<100352xf32, #tpu.memory_space<vmem_shared>>
              tpu.wait_indirect_dma semaphore(%arg17 : memref<!tpu.dma_semaphore, #tpu.memory_space<semaphore_mem>>) src(%dma_wait3A_1360 : memref<128xf32, #tpu.memory_space<vmem>>) dst(%dma_wait3A_1365 : memref<100352xf32, #tpu.memory_space<vmem_shared>>)
              %dma_wait3A_1366 = arith.constant 1 : i32
              %dma_wait3A_1367 = arith.constant 1 : i32
              %dma_wait3A_1368 = arith.constant 1 : i32
              %dma_wait3A_1369 = arith.constant 1 : i32
              %dma_wait3A_1370 = arith.constant 0 : i32
              %dma_wait3A_1371 = tpu.memref_slice %arg12[%dma_wait3A_1366, %dma_wait3A_1367, %dma_wait3A_1370] : memref<2x2x128xf32, #tpu.memory_space<vmem>> -> memref<1x1x128xf32, #tpu.memory_space<vmem>>
              %dma_wait3A_1372 = tpu.memref_squeeze %dma_wait3A_1371 : memref<1x1x128xf32, #tpu.memory_space<vmem>> -> memref<128xf32, #tpu.memory_space<vmem>>
              %dma_wait3A_1373 = arith.constant 0 : i32
              %dma_wait3A_1374 = tpu.memref_slice %arg10[%dma_wait3A_1368, %dma_wait3A_1369, %dma_wait3A_1373] : memref<2x2x128xi32, #tpu.memory_space<vmem>> -> memref<1x1x128xi32, #tpu.memory_space<vmem>>
              %dma_wait3A_1375 = tpu.memref_squeeze %dma_wait3A_1374 : memref<1x1x128xi32, #tpu.memory_space<vmem>> -> memref<128xi32, #tpu.memory_space<vmem>>
              %dma_wait3A_1376 = arith.constant 0 : i32
              %dma_wait3A_1377 = tpu.memref_slice %arg14[%dma_wait3A_1376] : memref<100352xf32, #tpu.memory_space<vmem_shared>> -> memref<100352xf32, #tpu.memory_space<vmem_shared>>
              tpu.wait_indirect_dma semaphore(%arg17 : memref<!tpu.dma_semaphore, #tpu.memory_space<semaphore_mem>>) src(%dma_wait3A_1372 : memref<128xf32, #tpu.memory_space<vmem>>) dst(%dma_wait3A_1377 : memref<100352xf32, #tpu.memory_space<vmem_shared>>)
              %scan3A_1378 = arith.constant 0 : i32
              %scan3A_1379 = arith.constant 0 : i32
              %scan3A_1380 = arith.constant 8 : i32
              %scan3A_1381 = arith.addi %scan3A_1379, %scan3A_1380 : i32
              %scan3A_1382 = arith.constant 1 : i32
              %scan3A_1383 = scf.for %scan3A_1385 = %scan3A_1379 to %scan3A_1381 step %scan3A_1382 iter_args(%scan3A_1386 = %scan3A_1378) -> (i32)  : i32 {
                %mul3A_1387 = arith.constant 16 : i32
                %mul3A_1388 = arith.muli %mul3A_1387, %scan3A_1385 : i32
                %swap3A = arith.constant 1 : i32
                %swap3A_1389 = arith.constant 0 : i32
                %swap3A_1390 = arith.index_cast %swap3A : i32 to index
                %swap3A_1391 = arith.index_cast %swap3A_1389 : i32 to index
                %swap3A_1392 = arith.index_cast %mul3A_1388 : i32 to index
                %swap3A_1393 = tpu.vector_load %arg10[%swap3A_1390, %swap3A_1391, %swap3A_1392] {strides = array<i32>} : memref<2x2x128xi32, #tpu.memory_space<vmem>>, vector<16xi32>,
                tpu.vector_store %arg10[%swap3A_1390, %swap3A_1391, %swap3A_1392], %add3A_16 {strides = array<i32>} : memref<2x2x128xi32, #tpu.memory_space<vmem>>, vector<16xi32>,
                %mul3A_1394 = arith.constant 16 : i32
                %mul3A_1395 = arith.muli %mul3A_1394, %scan3A_1385 : i32
                %swap3A_1396 = arith.constant 1 : i32
                %swap3A_1397 = arith.constant 0 : i32
                %swap3A_1398 = arith.index_cast %swap3A_1396 : i32 to index
                %swap3A_1399 = arith.index_cast %swap3A_1397 : i32 to index
                %swap3A_1400 = arith.index_cast %mul3A_1395 : i32 to index
                %swap3A_1401 = tpu.vector_load %arg11[%swap3A_1398, %swap3A_1399, %swap3A_1400] {strides = array<i32>} : memref<2x2x128xf32, #tpu.memory_space<vmem>>, vector<16xf32>,
                tpu.vector_store %arg11[%swap3A_1398, %swap3A_1399, %swap3A_1400], %broadcast_in_dim3A_18 {strides = array<i32>} : memref<2x2x128xf32, #tpu.memory_space<vmem>>, vector<16xf32>,
                %mul3A_1402 = arith.constant 16 : i32
                %mul3A_1403 = arith.muli %mul3A_1402, %scan3A_1385 : i32
                %swap3A_1404 = arith.constant 1 : i32
                %swap3A_1405 = arith.constant 0 : i32
                %swap3A_1406 = arith.index_cast %swap3A_1404 : i32 to index
                %swap3A_1407 = arith.index_cast %swap3A_1405 : i32 to index
                %swap3A_1408 = arith.index_cast %mul3A_1403 : i32 to index
                %swap3A_1409 = tpu.vector_load %arg12[%swap3A_1406, %swap3A_1407, %swap3A_1408] {strides = array<i32>} : memref<2x2x128xf32, #tpu.memory_space<vmem>>, vector<16xf32>,
                tpu.vector_store %arg12[%swap3A_1406, %swap3A_1407, %swap3A_1408], %broadcast_in_dim3A_18 {strides = array<i32>} : memref<2x2x128xf32, #tpu.memory_space<vmem>>, vector<16xf32>,
                %mul3A_1410 = arith.constant 16 : i32
                %mul3A_1411 = arith.muli %mul3A_1410, %scan3A_1385 : i32
                %swap3A_1412 = arith.constant 1 : i32
                %swap3A_1413 = arith.constant 1 : i32
                %swap3A_1414 = arith.index_cast %swap3A_1412 : i32 to index
                %swap3A_1415 = arith.index_cast %swap3A_1413 : i32 to index
                %swap3A_1416 = arith.index_cast %mul3A_1411 : i32 to index
                %swap3A_1417 = tpu.vector_load %arg10[%swap3A_1414, %swap3A_1415, %swap3A_1416] {strides = array<i32>} : memref<2x2x128xi32, #tpu.memory_space<vmem>>, vector<16xi32>,
                tpu.vector_store %arg10[%swap3A_1414, %swap3A_1415, %swap3A_1416], %add3A_16 {strides = array<i32>} : memref<2x2x128xi32, #tpu.memory_space<vmem>>, vector<16xi32>,
                %mul3A_1418 = arith.constant 16 : i32
                %mul3A_1419 = arith.muli %mul3A_1418, %scan3A_1385 : i32
                %swap3A_1420 = arith.constant 1 : i32
                %swap3A_1421 = arith.constant 1 : i32
                %swap3A_1422 = arith.index_cast %swap3A_1420 : i32 to index
                %swap3A_1423 = arith.index_cast %swap3A_1421 : i32 to index
                %swap3A_1424 = arith.index_cast %mul3A_1419 : i32 to index
                %swap3A_1425 = tpu.vector_load %arg11[%swap3A_1422, %swap3A_1423, %swap3A_1424] {strides = array<i32>} : memref<2x2x128xf32, #tpu.memory_space<vmem>>, vector<16xf32>,
                tpu.vector_store %arg11[%swap3A_1422, %swap3A_1423, %swap3A_1424], %broadcast_in_dim3A_18 {strides = array<i32>} : memref<2x2x128xf32, #tpu.memory_space<vmem>>, vector<16xf32>,
                %mul3A_1426 = arith.constant 16 : i32
                %mul3A_1427 = arith.muli %mul3A_1426, %scan3A_1385 : i32
                %swap3A_1428 = arith.constant 1 : i32
                %swap3A_1429 = arith.constant 1 : i32
                %swap3A_1430 = arith.index_cast %swap3A_1428 : i32 to index
                %swap3A_1431 = arith.index_cast %swap3A_1429 : i32 to index
                %swap3A_1432 = arith.index_cast %mul3A_1427 : i32 to index
                %swap3A_1433 = tpu.vector_load %arg12[%swap3A_1430, %swap3A_1431, %swap3A_1432] {strides = array<i32>} : memref<2x2x128xf32, #tpu.memory_space<vmem>>, vector<16xf32>,
                tpu.vector_store %arg12[%swap3A_1430, %swap3A_1431, %swap3A_1432], %broadcast_in_dim3A_18 {strides = array<i32>} : memref<2x2x128xf32, #tpu.memory_space<vmem>>, vector<16xf32>,
                %scan3A_1434 = arith.constant 0 : i32
                scf.yield %scan3A_1434 : i32
              }
              %scan3A_1384 = arith.constant 8 : i32
            } else {
            }
          } else {
          }
          %eq3A_1272 = arith.constant 1 : i32
          %eq3A_1273 = arith.cmpi eq, %scan3A_207, %eq3A_1272 : i32
          %convert_element_type3A_1274 = arith.extui %eq3A_1273 : i1 to i32
          %cond3A_1275 = arith.constant 0 : i32
          %cond3A_1276 = arith.cmpi ne, %convert_element_type3A_1274, %cond3A_1275 : i32
          scf.if %cond3A_1276 {
            %dma_start3A_1277 = arith.constant 1 : i32
            %dma_start3A_1278 = arith.constant 0 : i32
            %dma_start3A_1279 = arith.constant 1 : i32
            %dma_start3A_1280 = arith.constant 0 : i32
            %dma_start3A_1281 = arith.constant 0 : i32
            %dma_start3A_1282 = tpu.memref_slice %arg11[%dma_start3A_1277, %dma_start3A_1278, %dma_start3A_1281] : memref<2x2x128xf32, #tpu.memory_space<vmem>> -> memref<1x1x128xf32, #tpu.memory_space<vmem>>
            %dma_start3A_1283 = tpu.memref_squeeze %dma_start3A_1282 : memref<1x1x128xf32, #tpu.memory_space<vmem>> -> memref<128xf32, #tpu.memory_space<vmem>>
            %dma_start3A_1284 = arith.constant 0 : i32
            %dma_start3A_1285 = tpu.memref_slice %arg10[%dma_start3A_1279, %dma_start3A_1280, %dma_start3A_1284] : memref<2x2x128xi32, #tpu.memory_space<vmem>> -> memref<1x1x128xi32, #tpu.memory_space<vmem>>
            %dma_start3A_1286 = tpu.memref_squeeze %dma_start3A_1285 : memref<1x1x128xi32, #tpu.memory_space<vmem>> -> memref<128xi32, #tpu.memory_space<vmem>>
            %dma_start3A_1287 = arith.constant 0 : i32
            %dma_start3A_1288 = tpu.memref_slice %arg13[%dma_start3A_1287] : memref<100352xf32, #tpu.memory_space<vmem_shared>> -> memref<100352xf32, #tpu.memory_space<vmem_shared>>
            tpu.enqueue_indirect_dma source(%dma_start3A_1283 : memref<128xf32, #tpu.memory_space<vmem>>) target(%dma_start3A_1288 : memref<100352xf32, #tpu.memory_space<vmem_shared>>) offsets(%dma_start3A_1286 : memref<128xi32, #tpu.memory_space<vmem>>) semaphore(%arg17 : memref<!tpu.dma_semaphore, #tpu.memory_space<semaphore_mem>>) {add = true}
            %dma_start3A_1289 = arith.constant 1 : i32
            %dma_start3A_1290 = arith.constant 0 : i32
            %dma_start3A_1291 = arith.constant 1 : i32
            %dma_start3A_1292 = arith.constant 0 : i32
            %dma_start3A_1293 = arith.constant 0 : i32
            %dma_start3A_1294 = tpu.memref_slice %arg12[%dma_start3A_1289, %dma_start3A_1290, %dma_start3A_1293] : memref<2x2x128xf32, #tpu.memory_space<vmem>> -> memref<1x1x128xf32, #tpu.memory_space<vmem>>
            %dma_start3A_1295 = tpu.memref_squeeze %dma_start3A_1294 : memref<1x1x128xf32, #tpu.memory_space<vmem>> -> memref<128xf32, #tpu.memory_space<vmem>>
            %dma_start3A_1296 = arith.constant 0 : i32
            %dma_start3A_1297 = tpu.memref_slice %arg10[%dma_start3A_1291, %dma_start3A_1292, %dma_start3A_1296] : memref<2x2x128xi32, #tpu.memory_space<vmem>> -> memref<1x1x128xi32, #tpu.memory_space<vmem>>
            %dma_start3A_1298 = tpu.memref_squeeze %dma_start3A_1297 : memref<1x1x128xi32, #tpu.memory_space<vmem>> -> memref<128xi32, #tpu.memory_space<vmem>>
            %dma_start3A_1299 = arith.constant 0 : i32
            %dma_start3A_1300 = tpu.memref_slice %arg14[%dma_start3A_1299] : memref<100352xf32, #tpu.memory_space<vmem_shared>> -> memref<100352xf32, #tpu.memory_space<vmem_shared>>
            tpu.enqueue_indirect_dma source(%dma_start3A_1295 : memref<128xf32, #tpu.memory_space<vmem>>) target(%dma_start3A_1300 : memref<100352xf32, #tpu.memory_space<vmem_shared>>) offsets(%dma_start3A_1298 : memref<128xi32, #tpu.memory_space<vmem>>) semaphore(%arg17 : memref<!tpu.dma_semaphore, #tpu.memory_space<semaphore_mem>>) {add = true}
            %dma_start3A_1301 = arith.constant 1 : i32
            %dma_start3A_1302 = arith.constant 1 : i32
            %dma_start3A_1303 = arith.constant 1 : i32
            %dma_start3A_1304 = arith.constant 1 : i32
            %dma_start3A_1305 = arith.constant 0 : i32
            %dma_start3A_1306 = tpu.memref_slice %arg11[%dma_start3A_1301, %dma_start3A_1302, %dma_start3A_1305] : memref<2x2x128xf32, #tpu.memory_space<vmem>> -> memref<1x1x128xf32, #tpu.memory_space<vmem>>
            %dma_start3A_1307 = tpu.memref_squeeze %dma_start3A_1306 : memref<1x1x128xf32, #tpu.memory_space<vmem>> -> memref<128xf32, #tpu.memory_space<vmem>>
            %dma_start3A_1308 = arith.constant 0 : i32
            %dma_start3A_1309 = tpu.memref_slice %arg10[%dma_start3A_1303, %dma_start3A_1304, %dma_start3A_1308] : memref<2x2x128xi32, #tpu.memory_space<vmem>> -> memref<1x1x128xi32, #tpu.memory_space<vmem>>
            %dma_start3A_1310 = tpu.memref_squeeze %dma_start3A_1309 : memref<1x1x128xi32, #tpu.memory_space<vmem>> -> memref<128xi32, #tpu.memory_space<vmem>>
            %dma_start3A_1311 = arith.constant 0 : i32
            %dma_start3A_1312 = tpu.memref_slice %arg13[%dma_start3A_1311] : memref<100352xf32, #tpu.memory_space<vmem_shared>> -> memref<100352xf32, #tpu.memory_space<vmem_shared>>
            tpu.enqueue_indirect_dma source(%dma_start3A_1307 : memref<128xf32, #tpu.memory_space<vmem>>) target(%dma_start3A_1312 : memref<100352xf32, #tpu.memory_space<vmem_shared>>) offsets(%dma_start3A_1310 : memref<128xi32, #tpu.memory_space<vmem>>) semaphore(%arg17 : memref<!tpu.dma_semaphore, #tpu.memory_space<semaphore_mem>>) {add = true}
            %dma_start3A_1313 = arith.constant 1 : i32
            %dma_start3A_1314 = arith.constant 1 : i32
            %dma_start3A_1315 = arith.constant 1 : i32
            %dma_start3A_1316 = arith.constant 1 : i32
            %dma_start3A_1317 = arith.constant 0 : i32
            %dma_start3A_1318 = tpu.memref_slice %arg12[%dma_start3A_1313, %dma_start3A_1314, %dma_start3A_1317] : memref<2x2x128xf32, #tpu.memory_space<vmem>> -> memref<1x1x128xf32, #tpu.memory_space<vmem>>
            %dma_start3A_1319 = tpu.memref_squeeze %dma_start3A_1318 : memref<1x1x128xf32, #tpu.memory_space<vmem>> -> memref<128xf32, #tpu.memory_space<vmem>>
            %dma_start3A_1320 = arith.constant 0 : i32
            %dma_start3A_1321 = tpu.memref_slice %arg10[%dma_start3A_1315, %dma_start3A_1316, %dma_start3A_1320] : memref<2x2x128xi32, #tpu.memory_space<vmem>> -> memref<1x1x128xi32, #tpu.memory_space<vmem>>
            %dma_start3A_1322 = tpu.memref_squeeze %dma_start3A_1321 : memref<1x1x128xi32, #tpu.memory_space<vmem>> -> memref<128xi32, #tpu.memory_space<vmem>>
            %dma_start3A_1323 = arith.constant 0 : i32
            %dma_start3A_1324 = tpu.memref_slice %arg14[%dma_start3A_1323] : memref<100352xf32, #tpu.memory_space<vmem_shared>> -> memref<100352xf32, #tpu.memory_space<vmem_shared>>
            tpu.enqueue_indirect_dma source(%dma_start3A_1319 : memref<128xf32, #tpu.memory_space<vmem>>) target(%dma_start3A_1324 : memref<100352xf32, #tpu.memory_space<vmem_shared>>) offsets(%dma_start3A_1322 : memref<128xi32, #tpu.memory_space<vmem>>) semaphore(%arg17 : memref<!tpu.dma_semaphore, #tpu.memory_space<semaphore_mem>>) {add = true}
            %ge3A_1325 = arith.constant 1 : i32
            %ge3A_1326 = arith.cmpi sge, %scan3A_208, %ge3A_1325 : i32
            %convert_element_type3A_1327 = arith.extui %ge3A_1326 : i1 to i32
            %cond3A_1328 = arith.constant 0 : i32
            %cond3A_1329 = arith.cmpi ne, %convert_element_type3A_1327, %cond3A_1328 : i32
            scf.if %cond3A_1329 {
              %dma_wait3A_1330 = arith.constant 0 : i32
              %dma_wait3A_1331 = arith.constant 0 : i32
              %dma_wait3A_1332 = arith.constant 0 : i32
              %dma_wait3A_1333 = arith.constant 0 : i32
              %dma_wait3A_1334 = arith.constant 0 : i32
              %dma_wait3A_1335 = tpu.memref_slice %arg11[%dma_wait3A_1330, %dma_wait3A_1331, %dma_wait3A_1334] : memref<2x2x128xf32, #tpu.memory_space<vmem>> -> memref<1x1x128xf32, #tpu.memory_space<vmem>>
              %dma_wait3A_1336 = tpu.memref_squeeze %dma_wait3A_1335 : memref<1x1x128xf32, #tpu.memory_space<vmem>> -> memref<128xf32, #tpu.memory_space<vmem>>
              %dma_wait3A_1337 = arith.constant 0 : i32
              %dma_wait3A_1338 = tpu.memref_slice %arg10[%dma_wait3A_1332, %dma_wait3A_1333, %dma_wait3A_1337] : memref<2x2x128xi32, #tpu.memory_space<vmem>> -> memref<1x1x128xi32, #tpu.memory_space<vmem>>
              %dma_wait3A_1339 = tpu.memref_squeeze %dma_wait3A_1338 : memref<1x1x128xi32, #tpu.memory_space<vmem>> -> memref<128xi32, #tpu.memory_space<vmem>>
              %dma_wait3A_1340 = arith.constant 0 : i32
              %dma_wait3A_1341 = tpu.memref_slice %arg13[%dma_wait3A_1340] : memref<100352xf32, #tpu.memory_space<vmem_shared>> -> memref<100352xf32, #tpu.memory_space<vmem_shared>>
              tpu.wait_indirect_dma semaphore(%arg16 : memref<!tpu.dma_semaphore, #tpu.memory_space<semaphore_mem>>) src(%dma_wait3A_1336 : memref<128xf32, #tpu.memory_space<vmem>>) dst(%dma_wait3A_1341 : memref<100352xf32, #tpu.memory_space<vmem_shared>>)
              %dma_wait3A_1342 = arith.constant 0 : i32
              %dma_wait3A_1343 = arith.constant 0 : i32
              %dma_wait3A_1344 = arith.constant 0 : i32
              %dma_wait3A_1345 = arith.constant 0 : i32
              %dma_wait3A_1346 = arith.constant 0 : i32
              %dma_wait3A_1347 = tpu.memref_slice %arg12[%dma_wait3A_1342, %dma_wait3A_1343, %dma_wait3A_1346] : memref<2x2x128xf32, #tpu.memory_space<vmem>> -> memref<1x1x128xf32, #tpu.memory_space<vmem>>
              %dma_wait3A_1348 = tpu.memref_squeeze %dma_wait3A_1347 : memref<1x1x128xf32, #tpu.memory_space<vmem>> -> memref<128xf32, #tpu.memory_space<vmem>>
              %dma_wait3A_1349 = arith.constant 0 : i32
              %dma_wait3A_1350 = tpu.memref_slice %arg10[%dma_wait3A_1344, %dma_wait3A_1345, %dma_wait3A_1349] : memref<2x2x128xi32, #tpu.memory_space<vmem>> -> memref<1x1x128xi32, #tpu.memory_space<vmem>>
              %dma_wait3A_1351 = tpu.memref_squeeze %dma_wait3A_1350 : memref<1x1x128xi32, #tpu.memory_space<vmem>> -> memref<128xi32, #tpu.memory_space<vmem>>
              %dma_wait3A_1352 = arith.constant 0 : i32
              %dma_wait3A_1353 = tpu.memref_slice %arg14[%dma_wait3A_1352] : memref<100352xf32, #tpu.memory_space<vmem_shared>> -> memref<100352xf32, #tpu.memory_space<vmem_shared>>
              tpu.wait_indirect_dma semaphore(%arg16 : memref<!tpu.dma_semaphore, #tpu.memory_space<semaphore_mem>>) src(%dma_wait3A_1348 : memref<128xf32, #tpu.memory_space<vmem>>) dst(%dma_wait3A_1353 : memref<100352xf32, #tpu.memory_space<vmem_shared>>)
              %dma_wait3A_1354 = arith.constant 0 : i32
              %dma_wait3A_1355 = arith.constant 1 : i32
              %dma_wait3A_1356 = arith.constant 0 : i32
              %dma_wait3A_1357 = arith.constant 1 : i32
              %dma_wait3A_1358 = arith.constant 0 : i32
              %dma_wait3A_1359 = tpu.memref_slice %arg11[%dma_wait3A_1354, %dma_wait3A_1355, %dma_wait3A_1358] : memref<2x2x128xf32, #tpu.memory_space<vmem>> -> memref<1x1x128xf32, #tpu.memory_space<vmem>>
              %dma_wait3A_1360 = tpu.memref_squeeze %dma_wait3A_1359 : memref<1x1x128xf32, #tpu.memory_space<vmem>> -> memref<128xf32, #tpu.memory_space<vmem>>
              %dma_wait3A_1361 = arith.constant 0 : i32
              %dma_wait3A_1362 = tpu.memref_slice %arg10[%dma_wait3A_1356, %dma_wait3A_1357, %dma_wait3A_1361] : memref<2x2x128xi32, #tpu.memory_space<vmem>> -> memref<1x1x128xi32, #tpu.memory_space<vmem>>
              %dma_wait3A_1363 = tpu.memref_squeeze %dma_wait3A_1362 : memref<1x1x128xi32, #tpu.memory_space<vmem>> -> memref<128xi32, #tpu.memory_space<vmem>>
              %dma_wait3A_1364 = arith.constant 0 : i32
              %dma_wait3A_1365 = tpu.memref_slice %arg13[%dma_wait3A_1364] : memref<100352xf32, #tpu.memory_space<vmem_shared>> -> memref<100352xf32, #tpu.memory_space<vmem_shared>>
              tpu.wait_indirect_dma semaphore(%arg16 : memref<!tpu.dma_semaphore, #tpu.memory_space<semaphore_mem>>) src(%dma_wait3A_1360 : memref<128xf32, #tpu.memory_space<vmem>>) dst(%dma_wait3A_1365 : memref<100352xf32, #tpu.memory_space<vmem_shared>>)
              %dma_wait3A_1366 = arith.constant 0 : i32
              %dma_wait3A_1367 = arith.constant 1 : i32
              %dma_wait3A_1368 = arith.constant 0 : i32
              %dma_wait3A_1369 = arith.constant 1 : i32
              %dma_wait3A_1370 = arith.constant 0 : i32
              %dma_wait3A_1371 = tpu.memref_slice %arg12[%dma_wait3A_1366, %dma_wait3A_1367, %dma_wait3A_1370] : memref<2x2x128xf32, #tpu.memory_space<vmem>> -> memref<1x1x128xf32, #tpu.memory_space<vmem>>
              %dma_wait3A_1372 = tpu.memref_squeeze %dma_wait3A_1371 : memref<1x1x128xf32, #tpu.memory_space<vmem>> -> memref<128xf32, #tpu.memory_space<vmem>>
              %dma_wait3A_1373 = arith.constant 0 : i32
              %dma_wait3A_1374 = tpu.memref_slice %arg10[%dma_wait3A_1368, %dma_wait3A_1369, %dma_wait3A_1373] : memref<2x2x128xi32, #tpu.memory_space<vmem>> -> memref<1x1x128xi32, #tpu.memory_space<vmem>>
              %dma_wait3A_1375 = tpu.memref_squeeze %dma_wait3A_1374 : memref<1x1x128xi32, #tpu.memory_space<vmem>> -> memref<128xi32, #tpu.memory_space<vmem>>
              %dma_wait3A_1376 = arith.constant 0 : i32
              %dma_wait3A_1377 = tpu.memref_slice %arg14[%dma_wait3A_1376] : memref<100352xf32, #tpu.memory_space<vmem_shared>> -> memref<100352xf32, #tpu.memory_space<vmem_shared>>
              tpu.wait_indirect_dma semaphore(%arg16 : memref<!tpu.dma_semaphore, #tpu.memory_space<semaphore_mem>>) src(%dma_wait3A_1372 : memref<128xf32, #tpu.memory_space<vmem>>) dst(%dma_wait3A_1377 : memref<100352xf32, #tpu.memory_space<vmem_shared>>)
              %scan3A_1378 = arith.constant 0 : i32
              %scan3A_1379 = arith.constant 0 : i32
              %scan3A_1380 = arith.constant 8 : i32
              %scan3A_1381 = arith.addi %scan3A_1379, %scan3A_1380 : i32
              %scan3A_1382 = arith.constant 1 : i32
              %scan3A_1383 = scf.for %scan3A_1385 = %scan3A_1379 to %scan3A_1381 step %scan3A_1382 iter_args(%scan3A_1386 = %scan3A_1378) -> (i32)  : i32 {
                %mul3A_1387 = arith.constant 16 : i32
                %mul3A_1388 = arith.muli %mul3A_1387, %scan3A_1385 : i32
                %swap3A = arith.constant 0 : i32
                %swap3A_1389 = arith.constant 0 : i32
                %swap3A_1390 = arith.index_cast %swap3A : i32 to index
                %swap3A_1391 = arith.index_cast %swap3A_1389 : i32 to index
                %swap3A_1392 = arith.index_cast %mul3A_1388 : i32 to index
                %swap3A_1393 = tpu.vector_load %arg10[%swap3A_1390, %swap3A_1391, %swap3A_1392] {strides = array<i32>} : memref<2x2x128xi32, #tpu.memory_space<vmem>>, vector<16xi32>,
                tpu.vector_store %arg10[%swap3A_1390, %swap3A_1391, %swap3A_1392], %add3A_16 {strides = array<i32>} : memref<2x2x128xi32, #tpu.memory_space<vmem>>, vector<16xi32>,
                %mul3A_1394 = arith.constant 16 : i32
                %mul3A_1395 = arith.muli %mul3A_1394, %scan3A_1385 : i32
                %swap3A_1396 = arith.constant 0 : i32
                %swap3A_1397 = arith.constant 0 : i32
                %swap3A_1398 = arith.index_cast %swap3A_1396 : i32 to index
                %swap3A_1399 = arith.index_cast %swap3A_1397 : i32 to index
                %swap3A_1400 = arith.index_cast %mul3A_1395 : i32 to index
                %swap3A_1401 = tpu.vector_load %arg11[%swap3A_1398, %swap3A_1399, %swap3A_1400] {strides = array<i32>} : memref<2x2x128xf32, #tpu.memory_space<vmem>>, vector<16xf32>,
                tpu.vector_store %arg11[%swap3A_1398, %swap3A_1399, %swap3A_1400], %broadcast_in_dim3A_18 {strides = array<i32>} : memref<2x2x128xf32, #tpu.memory_space<vmem>>, vector<16xf32>,
                %mul3A_1402 = arith.constant 16 : i32
                %mul3A_1403 = arith.muli %mul3A_1402, %scan3A_1385 : i32
                %swap3A_1404 = arith.constant 0 : i32
                %swap3A_1405 = arith.constant 0 : i32
                %swap3A_1406 = arith.index_cast %swap3A_1404 : i32 to index
                %swap3A_1407 = arith.index_cast %swap3A_1405 : i32 to index
                %swap3A_1408 = arith.index_cast %mul3A_1403 : i32 to index
                %swap3A_1409 = tpu.vector_load %arg12[%swap3A_1406, %swap3A_1407, %swap3A_1408] {strides = array<i32>} : memref<2x2x128xf32, #tpu.memory_space<vmem>>, vector<16xf32>,
                tpu.vector_store %arg12[%swap3A_1406, %swap3A_1407, %swap3A_1408], %broadcast_in_dim3A_18 {strides = array<i32>} : memref<2x2x128xf32, #tpu.memory_space<vmem>>, vector<16xf32>,
                %mul3A_1410 = arith.constant 16 : i32
                %mul3A_1411 = arith.muli %mul3A_1410, %scan3A_1385 : i32
                %swap3A_1412 = arith.constant 0 : i32
                %swap3A_1413 = arith.constant 1 : i32
                %swap3A_1414 = arith.index_cast %swap3A_1412 : i32 to index
                %swap3A_1415 = arith.index_cast %swap3A_1413 : i32 to index
                %swap3A_1416 = arith.index_cast %mul3A_1411 : i32 to index
                %swap3A_1417 = tpu.vector_load %arg10[%swap3A_1414, %swap3A_1415, %swap3A_1416] {strides = array<i32>} : memref<2x2x128xi32, #tpu.memory_space<vmem>>, vector<16xi32>,
                tpu.vector_store %arg10[%swap3A_1414, %swap3A_1415, %swap3A_1416], %add3A_16 {strides = array<i32>} : memref<2x2x128xi32, #tpu.memory_space<vmem>>, vector<16xi32>,
                %mul3A_1418 = arith.constant 16 : i32
                %mul3A_1419 = arith.muli %mul3A_1418, %scan3A_1385 : i32
                %swap3A_1420 = arith.constant 0 : i32
                %swap3A_1421 = arith.constant 1 : i32
                %swap3A_1422 = arith.index_cast %swap3A_1420 : i32 to index
                %swap3A_1423 = arith.index_cast %swap3A_1421 : i32 to index
                %swap3A_1424 = arith.index_cast %mul3A_1419 : i32 to index
                %swap3A_1425 = tpu.vector_load %arg11[%swap3A_1422, %swap3A_1423, %swap3A_1424] {strides = array<i32>} : memref<2x2x128xf32, #tpu.memory_space<vmem>>, vector<16xf32>,
                tpu.vector_store %arg11[%swap3A_1422, %swap3A_1423, %swap3A_1424], %broadcast_in_dim3A_18 {strides = array<i32>} : memref<2x2x128xf32, #tpu.memory_space<vmem>>, vector<16xf32>,
                %mul3A_1426 = arith.constant 16 : i32
                %mul3A_1427 = arith.muli %mul3A_1426, %scan3A_1385 : i32
                %swap3A_1428 = arith.constant 0 : i32
                %swap3A_1429 = arith.constant 1 : i32
                %swap3A_1430 = arith.index_cast %swap3A_1428 : i32 to index
                %swap3A_1431 = arith.index_cast %swap3A_1429 : i32 to index
                %swap3A_1432 = arith.index_cast %mul3A_1427 : i32 to index
                %swap3A_1433 = tpu.vector_load %arg12[%swap3A_1430, %swap3A_1431, %swap3A_1432] {strides = array<i32>} : memref<2x2x128xf32, #tpu.memory_space<vmem>>, vector<16xf32>,
                tpu.vector_store %arg12[%swap3A_1430, %swap3A_1431, %swap3A_1432], %broadcast_in_dim3A_18 {strides = array<i32>} : memref<2x2x128xf32, #tpu.memory_space<vmem>>, vector<16xf32>,
                %scan3A_1434 = arith.constant 0 : i32
                scf.yield %scan3A_1434 : i32
              }
              %scan3A_1384 = arith.constant 8 : i32
            } else {
            }
          } else {
          }
        } else {
        }
        %jit3A_1258 = arith.constant 0 : i32
        %broadcast_in_dim3A_1259 = vector.broadcast %jit3A_1258 : i32 to vector<16xi32>
        %select_n3A_1260 = arith.select %ge3A_1254, %broadcast_in_dim3A_1259, %add3A_1185 : vector<16xi32>
        %sub3A_1261 = arith.constant 1 : i32
        %sub3A_1262 = arith.subi %sub3A_1261, %scan3A_207 : i32
        %select_n3A_1263 = arith.select %ge3A_1254, %sub3A_1262, %scan3A_207 : i32
        %add3A_1264 = arith.constant 1 : i32
        %add3A_1265 = arith.addi %scan3A_208, %add3A_1264 : i32
        %select_n3A_1266 = arith.select %ge3A_1254, %add3A_1265, %scan3A_208 : i32
        scf.yield %select_n3A_1260, %select_n3A_1263, %select_n3A_1266 : vector<16xi32>, i32, i32
      }
      %scan3A_204 = arith.constant 25 : i32
      scf.yield %scan3A_203#0, %scan3A_203#1, %scan3A_203#2 : vector<16xi32>, i32, i32
    }
    %scan3A_69 = arith.constant 25 : i32
    %reduce_max3A = arith.constant true
    %reduce_max3A_70 = vector.broadcast %reduce_max3A : i1 to vector<16xi1>
    %reduce_max3A_71 = arith.constant -2147483648 : i32
    %reduce_max3A_72 = vector.broadcast %reduce_max3A_71 : i32 to vector<16xi32>
    %reduce_max3A_73 = arith.xori %scan3A_68#0, %reduce_max3A_72 : vector<16xi32>
    %reduce_max3A_74 = tpu.scan <max>, %reduce_max3A_73 masked %reduce_max3A_70 : vector<16xi32>, vector<16xi1> -> vector<16xi32>
    %reduce_max3A_75 = arith.xori %reduce_max3A_74, %reduce_max3A_72 : vector<16xi32>
    %reduce_max3A_76 = vector.extract %reduce_max3A_75[15] : i32 from vector<16xi32>
    %eq3A_77 = arith.constant 1 : i32
    %eq3A_78 = arith.cmpi eq, %scan3A_68#1, %eq3A_77 : i32
    %ge3A = arith.constant 1 : i32
    %ge3A_79 = arith.cmpi sge, %scan3A_68#2, %ge3A : i32
    %and3A = arith.andi %eq3A_78, %ge3A_79 : i1
    %convert_element_type3A_80 = arith.extui %and3A : i1 to i32
    %cond3A_81 = arith.constant 0 : i32
    %cond3A_82 = arith.cmpi ne, %convert_element_type3A_80, %cond3A_81 : i32
    scf.if %cond3A_82 {
      %dma_wait3A = arith.constant 0 : i32
      %dma_wait3A_121 = arith.constant 0 : i32
      %dma_wait3A_122 = arith.constant 0 : i32
      %dma_wait3A_123 = arith.constant 0 : i32
      %dma_wait3A_124 = arith.constant 0 : i32
      %dma_wait3A_125 = tpu.memref_slice %arg11[%dma_wait3A, %dma_wait3A_121, %dma_wait3A_124] : memref<2x2x128xf32, #tpu.memory_space<vmem>> -> memref<1x1x128xf32, #tpu.memory_space<vmem>>
      %dma_wait3A_126 = tpu.memref_squeeze %dma_wait3A_125 : memref<1x1x128xf32, #tpu.memory_space<vmem>> -> memref<128xf32, #tpu.memory_space<vmem>>
      %dma_wait3A_127 = arith.constant 0 : i32
      %dma_wait3A_128 = tpu.memref_slice %arg10[%dma_wait3A_122, %dma_wait3A_123, %dma_wait3A_127] : memref<2x2x128xi32, #tpu.memory_space<vmem>> -> memref<1x1x128xi32, #tpu.memory_space<vmem>>
      %dma_wait3A_129 = tpu.memref_squeeze %dma_wait3A_128 : memref<1x1x128xi32, #tpu.memory_space<vmem>> -> memref<128xi32, #tpu.memory_space<vmem>>
      %dma_wait3A_130 = arith.constant 0 : i32
      %dma_wait3A_131 = tpu.memref_slice %arg13[%dma_wait3A_130] : memref<100352xf32, #tpu.memory_space<vmem_shared>> -> memref<100352xf32, #tpu.memory_space<vmem_shared>>
      tpu.wait_indirect_dma semaphore(%arg16 : memref<!tpu.dma_semaphore, #tpu.memory_space<semaphore_mem>>) src(%dma_wait3A_126 : memref<128xf32, #tpu.memory_space<vmem>>) dst(%dma_wait3A_131 : memref<100352xf32, #tpu.memory_space<vmem_shared>>)
      %dma_wait3A_132 = arith.constant 0 : i32
      %dma_wait3A_133 = arith.constant 0 : i32
      %dma_wait3A_134 = arith.constant 0 : i32
      %dma_wait3A_135 = arith.constant 0 : i32
      %dma_wait3A_136 = arith.constant 0 : i32
      %dma_wait3A_137 = tpu.memref_slice %arg12[%dma_wait3A_132, %dma_wait3A_133, %dma_wait3A_136] : memref<2x2x128xf32, #tpu.memory_space<vmem>> -> memref<1x1x128xf32, #tpu.memory_space<vmem>>
      %dma_wait3A_138 = tpu.memref_squeeze %dma_wait3A_137 : memref<1x1x128xf32, #tpu.memory_space<vmem>> -> memref<128xf32, #tpu.memory_space<vmem>>
      %dma_wait3A_139 = arith.constant 0 : i32
      %dma_wait3A_140 = tpu.memref_slice %arg10[%dma_wait3A_134, %dma_wait3A_135, %dma_wait3A_139] : memref<2x2x128xi32, #tpu.memory_space<vmem>> -> memref<1x1x128xi32, #tpu.memory_space<vmem>>
      %dma_wait3A_141 = tpu.memref_squeeze %dma_wait3A_140 : memref<1x1x128xi32, #tpu.memory_space<vmem>> -> memref<128xi32, #tpu.memory_space<vmem>>
      %dma_wait3A_142 = arith.constant 0 : i32
      %dma_wait3A_143 = tpu.memref_slice %arg14[%dma_wait3A_142] : memref<100352xf32, #tpu.memory_space<vmem_shared>> -> memref<100352xf32, #tpu.memory_space<vmem_shared>>
      tpu.wait_indirect_dma semaphore(%arg16 : memref<!tpu.dma_semaphore, #tpu.memory_space<semaphore_mem>>) src(%dma_wait3A_138 : memref<128xf32, #tpu.memory_space<vmem>>) dst(%dma_wait3A_143 : memref<100352xf32, #tpu.memory_space<vmem_shared>>)
      %dma_wait3A_144 = arith.constant 0 : i32
      %dma_wait3A_145 = arith.constant 1 : i32
      %dma_wait3A_146 = arith.constant 0 : i32
      %dma_wait3A_147 = arith.constant 1 : i32
      %dma_wait3A_148 = arith.constant 0 : i32
      %dma_wait3A_149 = tpu.memref_slice %arg11[%dma_wait3A_144, %dma_wait3A_145, %dma_wait3A_148] : memref<2x2x128xf32, #tpu.memory_space<vmem>> -> memref<1x1x128xf32, #tpu.memory_space<vmem>>
      %dma_wait3A_150 = tpu.memref_squeeze %dma_wait3A_149 : memref<1x1x128xf32, #tpu.memory_space<vmem>> -> memref<128xf32, #tpu.memory_space<vmem>>
      %dma_wait3A_151 = arith.constant 0 : i32
      %dma_wait3A_152 = tpu.memref_slice %arg10[%dma_wait3A_146, %dma_wait3A_147, %dma_wait3A_151] : memref<2x2x128xi32, #tpu.memory_space<vmem>> -> memref<1x1x128xi32, #tpu.memory_space<vmem>>
      %dma_wait3A_153 = tpu.memref_squeeze %dma_wait3A_152 : memref<1x1x128xi32, #tpu.memory_space<vmem>> -> memref<128xi32, #tpu.memory_space<vmem>>
      %dma_wait3A_154 = arith.constant 0 : i32
      %dma_wait3A_155 = tpu.memref_slice %arg13[%dma_wait3A_154] : memref<100352xf32, #tpu.memory_space<vmem_shared>> -> memref<100352xf32, #tpu.memory_space<vmem_shared>>
      tpu.wait_indirect_dma semaphore(%arg16 : memref<!tpu.dma_semaphore, #tpu.memory_space<semaphore_mem>>) src(%dma_wait3A_150 : memref<128xf32, #tpu.memory_space<vmem>>) dst(%dma_wait3A_155 : memref<100352xf32, #tpu.memory_space<vmem_shared>>)
      %dma_wait3A_156 = arith.constant 0 : i32
      %dma_wait3A_157 = arith.constant 1 : i32
      %dma_wait3A_158 = arith.constant 0 : i32
      %dma_wait3A_159 = arith.constant 1 : i32
      %dma_wait3A_160 = arith.constant 0 : i32
      %dma_wait3A_161 = tpu.memref_slice %arg12[%dma_wait3A_156, %dma_wait3A_157, %dma_wait3A_160] : memref<2x2x128xf32, #tpu.memory_space<vmem>> -> memref<1x1x128xf32, #tpu.memory_space<vmem>>
      %dma_wait3A_162 = tpu.memref_squeeze %dma_wait3A_161 : memref<1x1x128xf32, #tpu.memory_space<vmem>> -> memref<128xf32, #tpu.memory_space<vmem>>
      %dma_wait3A_163 = arith.constant 0 : i32
      %dma_wait3A_164 = tpu.memref_slice %arg10[%dma_wait3A_158, %dma_wait3A_159, %dma_wait3A_163] : memref<2x2x128xi32, #tpu.memory_space<vmem>> -> memref<1x1x128xi32, #tpu.memory_space<vmem>>
      %dma_wait3A_165 = tpu.memref_squeeze %dma_wait3A_164 : memref<1x1x128xi32, #tpu.memory_space<vmem>> -> memref<128xi32, #tpu.memory_space<vmem>>
      %dma_wait3A_166 = arith.constant 0 : i32
      %dma_wait3A_167 = tpu.memref_slice %arg14[%dma_wait3A_166] : memref<100352xf32, #tpu.memory_space<vmem_shared>> -> memref<100352xf32, #tpu.memory_space<vmem_shared>>
      tpu.wait_indirect_dma semaphore(%arg16 : memref<!tpu.dma_semaphore, #tpu.memory_space<semaphore_mem>>) src(%dma_wait3A_162 : memref<128xf32, #tpu.memory_space<vmem>>) dst(%dma_wait3A_167 : memref<100352xf32, #tpu.memory_space<vmem_shared>>)
    } else {
    }
    %eq3A_83 = arith.constant 0 : i32
    %eq3A_84 = arith.cmpi eq, %scan3A_68#1, %eq3A_83 : i32
    %gt3A_85 = arith.constant 0 : i32
    %gt3A_86 = arith.cmpi sgt, %reduce_max3A_76, %gt3A_85 : i32
    %and3A_87 = arith.andi %eq3A_84, %gt3A_86 : i1
    %convert_element_type3A_88 = arith.extui %and3A_87 : i1 to i32
    %cond3A_89 = arith.constant 0 : i32
    %cond3A_90 = arith.cmpi ne, %convert_element_type3A_88, %cond3A_89 : i32
    scf.if %cond3A_90 {
      %dma_start3A_121 = arith.constant 0 : i32
      %dma_start3A_122 = arith.constant 0 : i32
      %dma_start3A_123 = arith.constant 0 : i32
      %dma_start3A_124 = arith.constant 0 : i32
      %dma_start3A_125 = arith.constant 0 : i32
      %dma_start3A_126 = tpu.memref_slice %arg11[%dma_start3A_121, %dma_start3A_122, %dma_start3A_125] : memref<2x2x128xf32, #tpu.memory_space<vmem>> -> memref<1x1x128xf32, #tpu.memory_space<vmem>>
      %dma_start3A_127 = tpu.memref_squeeze %dma_start3A_126 : memref<1x1x128xf32, #tpu.memory_space<vmem>> -> memref<128xf32, #tpu.memory_space<vmem>>
      %dma_start3A_128 = arith.constant 0 : i32
      %dma_start3A_129 = tpu.memref_slice %arg10[%dma_start3A_123, %dma_start3A_124, %dma_start3A_128] : memref<2x2x128xi32, #tpu.memory_space<vmem>> -> memref<1x1x128xi32, #tpu.memory_space<vmem>>
      %dma_start3A_130 = tpu.memref_squeeze %dma_start3A_129 : memref<1x1x128xi32, #tpu.memory_space<vmem>> -> memref<128xi32, #tpu.memory_space<vmem>>
      %dma_start3A_131 = arith.constant 0 : i32
      %dma_start3A_132 = tpu.memref_slice %arg13[%dma_start3A_131] : memref<100352xf32, #tpu.memory_space<vmem_shared>> -> memref<100352xf32, #tpu.memory_space<vmem_shared>>
      tpu.enqueue_indirect_dma source(%dma_start3A_127 : memref<128xf32, #tpu.memory_space<vmem>>) target(%dma_start3A_132 : memref<100352xf32, #tpu.memory_space<vmem_shared>>) offsets(%dma_start3A_130 : memref<128xi32, #tpu.memory_space<vmem>>) semaphore(%arg16 : memref<!tpu.dma_semaphore, #tpu.memory_space<semaphore_mem>>) {add = true}
      %dma_start3A_133 = arith.constant 0 : i32
      %dma_start3A_134 = arith.constant 0 : i32
      %dma_start3A_135 = arith.constant 0 : i32
      %dma_start3A_136 = arith.constant 0 : i32
      %dma_start3A_137 = arith.constant 0 : i32
      %dma_start3A_138 = tpu.memref_slice %arg12[%dma_start3A_133, %dma_start3A_134, %dma_start3A_137] : memref<2x2x128xf32, #tpu.memory_space<vmem>> -> memref<1x1x128xf32, #tpu.memory_space<vmem>>
      %dma_start3A_139 = tpu.memref_squeeze %dma_start3A_138 : memref<1x1x128xf32, #tpu.memory_space<vmem>> -> memref<128xf32, #tpu.memory_space<vmem>>
      %dma_start3A_140 = arith.constant 0 : i32
      %dma_start3A_141 = tpu.memref_slice %arg10[%dma_start3A_135, %dma_start3A_136, %dma_start3A_140] : memref<2x2x128xi32, #tpu.memory_space<vmem>> -> memref<1x1x128xi32, #tpu.memory_space<vmem>>
      %dma_start3A_142 = tpu.memref_squeeze %dma_start3A_141 : memref<1x1x128xi32, #tpu.memory_space<vmem>> -> memref<128xi32, #tpu.memory_space<vmem>>
      %dma_start3A_143 = arith.constant 0 : i32
      %dma_start3A_144 = tpu.memref_slice %arg14[%dma_start3A_143] : memref<100352xf32, #tpu.memory_space<vmem_shared>> -> memref<100352xf32, #tpu.memory_space<vmem_shared>>
      tpu.enqueue_indirect_dma source(%dma_start3A_139 : memref<128xf32, #tpu.memory_space<vmem>>) target(%dma_start3A_144 : memref<100352xf32, #tpu.memory_space<vmem_shared>>) offsets(%dma_start3A_142 : memref<128xi32, #tpu.memory_space<vmem>>) semaphore(%arg16 : memref<!tpu.dma_semaphore, #tpu.memory_space<semaphore_mem>>) {add = true}
      %dma_start3A_145 = arith.constant 0 : i32
      %dma_start3A_146 = arith.constant 1 : i32
      %dma_start3A_147 = arith.constant 0 : i32
      %dma_start3A_148 = arith.constant 1 : i32
      %dma_start3A_149 = arith.constant 0 : i32
      %dma_start3A_150 = tpu.memref_slice %arg11[%dma_start3A_145, %dma_start3A_146, %dma_start3A_149] : memref<2x2x128xf32, #tpu.memory_space<vmem>> -> memref<1x1x128xf32, #tpu.memory_space<vmem>>
      %dma_start3A_151 = tpu.memref_squeeze %dma_start3A_150 : memref<1x1x128xf32, #tpu.memory_space<vmem>> -> memref<128xf32, #tpu.memory_space<vmem>>
      %dma_start3A_152 = arith.constant 0 : i32
      %dma_start3A_153 = tpu.memref_slice %arg10[%dma_start3A_147, %dma_start3A_148, %dma_start3A_152] : memref<2x2x128xi32, #tpu.memory_space<vmem>> -> memref<1x1x128xi32, #tpu.memory_space<vmem>>
      %dma_start3A_154 = tpu.memref_squeeze %dma_start3A_153 : memref<1x1x128xi32, #tpu.memory_space<vmem>> -> memref<128xi32, #tpu.memory_space<vmem>>
      %dma_start3A_155 = arith.constant 0 : i32
      %dma_start3A_156 = tpu.memref_slice %arg13[%dma_start3A_155] : memref<100352xf32, #tpu.memory_space<vmem_shared>> -> memref<100352xf32, #tpu.memory_space<vmem_shared>>
      tpu.enqueue_indirect_dma source(%dma_start3A_151 : memref<128xf32, #tpu.memory_space<vmem>>) target(%dma_start3A_156 : memref<100352xf32, #tpu.memory_space<vmem_shared>>) offsets(%dma_start3A_154 : memref<128xi32, #tpu.memory_space<vmem>>) semaphore(%arg16 : memref<!tpu.dma_semaphore, #tpu.memory_space<semaphore_mem>>) {add = true}
      %dma_start3A_157 = arith.constant 0 : i32
      %dma_start3A_158 = arith.constant 1 : i32
      %dma_start3A_159 = arith.constant 0 : i32
      %dma_start3A_160 = arith.constant 1 : i32
      %dma_start3A_161 = arith.constant 0 : i32
      %dma_start3A_162 = tpu.memref_slice %arg12[%dma_start3A_157, %dma_start3A_158, %dma_start3A_161] : memref<2x2x128xf32, #tpu.memory_space<vmem>> -> memref<1x1x128xf32, #tpu.memory_space<vmem>>
      %dma_start3A_163 = tpu.memref_squeeze %dma_start3A_162 : memref<1x1x128xf32, #tpu.memory_space<vmem>> -> memref<128xf32, #tpu.memory_space<vmem>>
      %dma_start3A_164 = arith.constant 0 : i32
      %dma_start3A_165 = tpu.memref_slice %arg10[%dma_start3A_159, %dma_start3A_160, %dma_start3A_164] : memref<2x2x128xi32, #tpu.memory_space<vmem>> -> memref<1x1x128xi32, #tpu.memory_space<vmem>>
      %dma_start3A_166 = tpu.memref_squeeze %dma_start3A_165 : memref<1x1x128xi32, #tpu.memory_space<vmem>> -> memref<128xi32, #tpu.memory_space<vmem>>
      %dma_start3A_167 = arith.constant 0 : i32
      %dma_start3A_168 = tpu.memref_slice %arg14[%dma_start3A_167] : memref<100352xf32, #tpu.memory_space<vmem_shared>> -> memref<100352xf32, #tpu.memory_space<vmem_shared>>
      tpu.enqueue_indirect_dma source(%dma_start3A_163 : memref<128xf32, #tpu.memory_space<vmem>>) target(%dma_start3A_168 : memref<100352xf32, #tpu.memory_space<vmem_shared>>) offsets(%dma_start3A_166 : memref<128xi32, #tpu.memory_space<vmem>>) semaphore(%arg16 : memref<!tpu.dma_semaphore, #tpu.memory_space<semaphore_mem>>) {add = true}
      %dma_wait3A = arith.constant 0 : i32
      %dma_wait3A_169 = arith.constant 0 : i32
      %dma_wait3A_170 = arith.constant 0 : i32
      %dma_wait3A_171 = arith.constant 0 : i32
      %dma_wait3A_172 = arith.constant 0 : i32
      %dma_wait3A_173 = tpu.memref_slice %arg11[%dma_wait3A, %dma_wait3A_169, %dma_wait3A_172] : memref<2x2x128xf32, #tpu.memory_space<vmem>> -> memref<1x1x128xf32, #tpu.memory_space<vmem>>
      %dma_wait3A_174 = tpu.memref_squeeze %dma_wait3A_173 : memref<1x1x128xf32, #tpu.memory_space<vmem>> -> memref<128xf32, #tpu.memory_space<vmem>>
      %dma_wait3A_175 = arith.constant 0 : i32
      %dma_wait3A_176 = tpu.memref_slice %arg10[%dma_wait3A_170, %dma_wait3A_171, %dma_wait3A_175] : memref<2x2x128xi32, #tpu.memory_space<vmem>> -> memref<1x1x128xi32, #tpu.memory_space<vmem>>
      %dma_wait3A_177 = tpu.memref_squeeze %dma_wait3A_176 : memref<1x1x128xi32, #tpu.memory_space<vmem>> -> memref<128xi32, #tpu.memory_space<vmem>>
      %dma_wait3A_178 = arith.constant 0 : i32
      %dma_wait3A_179 = tpu.memref_slice %arg13[%dma_wait3A_178] : memref<100352xf32, #tpu.memory_space<vmem_shared>> -> memref<100352xf32, #tpu.memory_space<vmem_shared>>
      tpu.wait_indirect_dma semaphore(%arg16 : memref<!tpu.dma_semaphore, #tpu.memory_space<semaphore_mem>>) src(%dma_wait3A_174 : memref<128xf32, #tpu.memory_space<vmem>>) dst(%dma_wait3A_179 : memref<100352xf32, #tpu.memory_space<vmem_shared>>)
      %dma_wait3A_180 = arith.constant 0 : i32
      %dma_wait3A_181 = arith.constant 0 : i32
      %dma_wait3A_182 = arith.constant 0 : i32
      %dma_wait3A_183 = arith.constant 0 : i32
      %dma_wait3A_184 = arith.constant 0 : i32
      %dma_wait3A_185 = tpu.memref_slice %arg12[%dma_wait3A_180, %dma_wait3A_181, %dma_wait3A_184] : memref<2x2x128xf32, #tpu.memory_space<vmem>> -> memref<1x1x128xf32, #tpu.memory_space<vmem>>
      %dma_wait3A_186 = tpu.memref_squeeze %dma_wait3A_185 : memref<1x1x128xf32, #tpu.memory_space<vmem>> -> memref<128xf32, #tpu.memory_space<vmem>>
      %dma_wait3A_187 = arith.constant 0 : i32
      %dma_wait3A_188 = tpu.memref_slice %arg10[%dma_wait3A_182, %dma_wait3A_183, %dma_wait3A_187] : memref<2x2x128xi32, #tpu.memory_space<vmem>> -> memref<1x1x128xi32, #tpu.memory_space<vmem>>
      %dma_wait3A_189 = tpu.memref_squeeze %dma_wait3A_188 : memref<1x1x128xi32, #tpu.memory_space<vmem>> -> memref<128xi32, #tpu.memory_space<vmem>>
      %dma_wait3A_190 = arith.constant 0 : i32
      %dma_wait3A_191 = tpu.memref_slice %arg14[%dma_wait3A_190] : memref<100352xf32, #tpu.memory_space<vmem_shared>> -> memref<100352xf32, #tpu.memory_space<vmem_shared>>
      tpu.wait_indirect_dma semaphore(%arg16 : memref<!tpu.dma_semaphore, #tpu.memory_space<semaphore_mem>>) src(%dma_wait3A_186 : memref<128xf32, #tpu.memory_space<vmem>>) dst(%dma_wait3A_191 : memref<100352xf32, #tpu.memory_space<vmem_shared>>)
      %dma_wait3A_192 = arith.constant 0 : i32
      %dma_wait3A_193 = arith.constant 1 : i32
      %dma_wait3A_194 = arith.constant 0 : i32
      %dma_wait3A_195 = arith.constant 1 : i32
      %dma_wait3A_196 = arith.constant 0 : i32
      %dma_wait3A_197 = tpu.memref_slice %arg11[%dma_wait3A_192, %dma_wait3A_193, %dma_wait3A_196] : memref<2x2x128xf32, #tpu.memory_space<vmem>> -> memref<1x1x128xf32, #tpu.memory_space<vmem>>
      %dma_wait3A_198 = tpu.memref_squeeze %dma_wait3A_197 : memref<1x1x128xf32, #tpu.memory_space<vmem>> -> memref<128xf32, #tpu.memory_space<vmem>>
      %dma_wait3A_199 = arith.constant 0 : i32
      %dma_wait3A_200 = tpu.memref_slice %arg10[%dma_wait3A_194, %dma_wait3A_195, %dma_wait3A_199] : memref<2x2x128xi32, #tpu.memory_space<vmem>> -> memref<1x1x128xi32, #tpu.memory_space<vmem>>
      %dma_wait3A_201 = tpu.memref_squeeze %dma_wait3A_200 : memref<1x1x128xi32, #tpu.memory_space<vmem>> -> memref<128xi32, #tpu.memory_space<vmem>>
      %dma_wait3A_202 = arith.constant 0 : i32
      %dma_wait3A_203 = tpu.memref_slice %arg13[%dma_wait3A_202] : memref<100352xf32, #tpu.memory_space<vmem_shared>> -> memref<100352xf32, #tpu.memory_space<vmem_shared>>
      tpu.wait_indirect_dma semaphore(%arg16 : memref<!tpu.dma_semaphore, #tpu.memory_space<semaphore_mem>>) src(%dma_wait3A_198 : memref<128xf32, #tpu.memory_space<vmem>>) dst(%dma_wait3A_203 : memref<100352xf32, #tpu.memory_space<vmem_shared>>)
      %dma_wait3A_204 = arith.constant 0 : i32
      %dma_wait3A_205 = arith.constant 1 : i32
      %dma_wait3A_206 = arith.constant 0 : i32
      %dma_wait3A_207 = arith.constant 1 : i32
      %dma_wait3A_208 = arith.constant 0 : i32
      %dma_wait3A_209 = tpu.memref_slice %arg12[%dma_wait3A_204, %dma_wait3A_205, %dma_wait3A_208] : memref<2x2x128xf32, #tpu.memory_space<vmem>> -> memref<1x1x128xf32, #tpu.memory_space<vmem>>
      %dma_wait3A_210 = tpu.memref_squeeze %dma_wait3A_209 : memref<1x1x128xf32, #tpu.memory_space<vmem>> -> memref<128xf32, #tpu.memory_space<vmem>>
      %dma_wait3A_211 = arith.constant 0 : i32
      %dma_wait3A_212 = tpu.memref_slice %arg10[%dma_wait3A_206, %dma_wait3A_207, %dma_wait3A_211] : memref<2x2x128xi32, #tpu.memory_space<vmem>> -> memref<1x1x128xi32, #tpu.memory_space<vmem>>
      %dma_wait3A_213 = tpu.memref_squeeze %dma_wait3A_212 : memref<1x1x128xi32, #tpu.memory_space<vmem>> -> memref<128xi32, #tpu.memory_space<vmem>>
      %dma_wait3A_214 = arith.constant 0 : i32
      %dma_wait3A_215 = tpu.memref_slice %arg14[%dma_wait3A_214] : memref<100352xf32, #tpu.memory_space<vmem_shared>> -> memref<100352xf32, #tpu.memory_space<vmem_shared>>
      tpu.wait_indirect_dma semaphore(%arg16 : memref<!tpu.dma_semaphore, #tpu.memory_space<semaphore_mem>>) src(%dma_wait3A_210 : memref<128xf32, #tpu.memory_space<vmem>>) dst(%dma_wait3A_215 : memref<100352xf32, #tpu.memory_space<vmem_shared>>)
    } else {
    }
    %eq3A_91 = arith.constant 0 : i32
    %eq3A_92 = arith.cmpi eq, %scan3A_68#1, %eq3A_91 : i32
    %ge3A_93 = arith.constant 1 : i32
    %ge3A_94 = arith.cmpi sge, %scan3A_68#2, %ge3A_93 : i32
    %and3A_95 = arith.andi %eq3A_92, %ge3A_94 : i1
    %convert_element_type3A_96 = arith.extui %and3A_95 : i1 to i32
    %cond3A_97 = arith.constant 0 : i32
    %cond3A_98 = arith.cmpi ne, %convert_element_type3A_96, %cond3A_97 : i32
    scf.if %cond3A_98 {
      %dma_wait3A = arith.constant 1 : i32
      %dma_wait3A_121 = arith.constant 0 : i32
      %dma_wait3A_122 = arith.constant 1 : i32
      %dma_wait3A_123 = arith.constant 0 : i32
      %dma_wait3A_124 = arith.constant 0 : i32
      %dma_wait3A_125 = tpu.memref_slice %arg11[%dma_wait3A, %dma_wait3A_121, %dma_wait3A_124] : memref<2x2x128xf32, #tpu.memory_space<vmem>> -> memref<1x1x128xf32, #tpu.memory_space<vmem>>
      %dma_wait3A_126 = tpu.memref_squeeze %dma_wait3A_125 : memref<1x1x128xf32, #tpu.memory_space<vmem>> -> memref<128xf32, #tpu.memory_space<vmem>>
      %dma_wait3A_127 = arith.constant 0 : i32
      %dma_wait3A_128 = tpu.memref_slice %arg10[%dma_wait3A_122, %dma_wait3A_123, %dma_wait3A_127] : memref<2x2x128xi32, #tpu.memory_space<vmem>> -> memref<1x1x128xi32, #tpu.memory_space<vmem>>
      %dma_wait3A_129 = tpu.memref_squeeze %dma_wait3A_128 : memref<1x1x128xi32, #tpu.memory_space<vmem>> -> memref<128xi32, #tpu.memory_space<vmem>>
      %dma_wait3A_130 = arith.constant 0 : i32
      %dma_wait3A_131 = tpu.memref_slice %arg13[%dma_wait3A_130] : memref<100352xf32, #tpu.memory_space<vmem_shared>> -> memref<100352xf32, #tpu.memory_space<vmem_shared>>
      tpu.wait_indirect_dma semaphore(%arg17 : memref<!tpu.dma_semaphore, #tpu.memory_space<semaphore_mem>>) src(%dma_wait3A_126 : memref<128xf32, #tpu.memory_space<vmem>>) dst(%dma_wait3A_131 : memref<100352xf32, #tpu.memory_space<vmem_shared>>)
      %dma_wait3A_132 = arith.constant 1 : i32
      %dma_wait3A_133 = arith.constant 0 : i32
      %dma_wait3A_134 = arith.constant 1 : i32
      %dma_wait3A_135 = arith.constant 0 : i32
      %dma_wait3A_136 = arith.constant 0 : i32
      %dma_wait3A_137 = tpu.memref_slice %arg12[%dma_wait3A_132, %dma_wait3A_133, %dma_wait3A_136] : memref<2x2x128xf32, #tpu.memory_space<vmem>> -> memref<1x1x128xf32, #tpu.memory_space<vmem>>
      %dma_wait3A_138 = tpu.memref_squeeze %dma_wait3A_137 : memref<1x1x128xf32, #tpu.memory_space<vmem>> -> memref<128xf32, #tpu.memory_space<vmem>>
      %dma_wait3A_139 = arith.constant 0 : i32
      %dma_wait3A_140 = tpu.memref_slice %arg10[%dma_wait3A_134, %dma_wait3A_135, %dma_wait3A_139] : memref<2x2x128xi32, #tpu.memory_space<vmem>> -> memref<1x1x128xi32, #tpu.memory_space<vmem>>
      %dma_wait3A_141 = tpu.memref_squeeze %dma_wait3A_140 : memref<1x1x128xi32, #tpu.memory_space<vmem>> -> memref<128xi32, #tpu.memory_space<vmem>>
      %dma_wait3A_142 = arith.constant 0 : i32
      %dma_wait3A_143 = tpu.memref_slice %arg14[%dma_wait3A_142] : memref<100352xf32, #tpu.memory_space<vmem_shared>> -> memref<100352xf32, #tpu.memory_space<vmem_shared>>
      tpu.wait_indirect_dma semaphore(%arg17 : memref<!tpu.dma_semaphore, #tpu.memory_space<semaphore_mem>>) src(%dma_wait3A_138 : memref<128xf32, #tpu.memory_space<vmem>>) dst(%dma_wait3A_143 : memref<100352xf32, #tpu.memory_space<vmem_shared>>)
      %dma_wait3A_144 = arith.constant 1 : i32
      %dma_wait3A_145 = arith.constant 1 : i32
      %dma_wait3A_146 = arith.constant 1 : i32
      %dma_wait3A_147 = arith.constant 1 : i32
      %dma_wait3A_148 = arith.constant 0 : i32
      %dma_wait3A_149 = tpu.memref_slice %arg11[%dma_wait3A_144, %dma_wait3A_145, %dma_wait3A_148] : memref<2x2x128xf32, #tpu.memory_space<vmem>> -> memref<1x1x128xf32, #tpu.memory_space<vmem>>
      %dma_wait3A_150 = tpu.memref_squeeze %dma_wait3A_149 : memref<1x1x128xf32, #tpu.memory_space<vmem>> -> memref<128xf32, #tpu.memory_space<vmem>>
      %dma_wait3A_151 = arith.constant 0 : i32
      %dma_wait3A_152 = tpu.memref_slice %arg10[%dma_wait3A_146, %dma_wait3A_147, %dma_wait3A_151] : memref<2x2x128xi32, #tpu.memory_space<vmem>> -> memref<1x1x128xi32, #tpu.memory_space<vmem>>
      %dma_wait3A_153 = tpu.memref_squeeze %dma_wait3A_152 : memref<1x1x128xi32, #tpu.memory_space<vmem>> -> memref<128xi32, #tpu.memory_space<vmem>>
      %dma_wait3A_154 = arith.constant 0 : i32
      %dma_wait3A_155 = tpu.memref_slice %arg13[%dma_wait3A_154] : memref<100352xf32, #tpu.memory_space<vmem_shared>> -> memref<100352xf32, #tpu.memory_space<vmem_shared>>
      tpu.wait_indirect_dma semaphore(%arg17 : memref<!tpu.dma_semaphore, #tpu.memory_space<semaphore_mem>>) src(%dma_wait3A_150 : memref<128xf32, #tpu.memory_space<vmem>>) dst(%dma_wait3A_155 : memref<100352xf32, #tpu.memory_space<vmem_shared>>)
      %dma_wait3A_156 = arith.constant 1 : i32
      %dma_wait3A_157 = arith.constant 1 : i32
      %dma_wait3A_158 = arith.constant 1 : i32
      %dma_wait3A_159 = arith.constant 1 : i32
      %dma_wait3A_160 = arith.constant 0 : i32
      %dma_wait3A_161 = tpu.memref_slice %arg12[%dma_wait3A_156, %dma_wait3A_157, %dma_wait3A_160] : memref<2x2x128xf32, #tpu.memory_space<vmem>> -> memref<1x1x128xf32, #tpu.memory_space<vmem>>
      %dma_wait3A_162 = tpu.memref_squeeze %dma_wait3A_161 : memref<1x1x128xf32, #tpu.memory_space<vmem>> -> memref<128xf32, #tpu.memory_space<vmem>>
      %dma_wait3A_163 = arith.constant 0 : i32
      %dma_wait3A_164 = tpu.memref_slice %arg10[%dma_wait3A_158, %dma_wait3A_159, %dma_wait3A_163] : memref<2x2x128xi32, #tpu.memory_space<vmem>> -> memref<1x1x128xi32, #tpu.memory_space<vmem>>
      %dma_wait3A_165 = tpu.memref_squeeze %dma_wait3A_164 : memref<1x1x128xi32, #tpu.memory_space<vmem>> -> memref<128xi32, #tpu.memory_space<vmem>>
      %dma_wait3A_166 = arith.constant 0 : i32
      %dma_wait3A_167 = tpu.memref_slice %arg14[%dma_wait3A_166] : memref<100352xf32, #tpu.memory_space<vmem_shared>> -> memref<100352xf32, #tpu.memory_space<vmem_shared>>
      tpu.wait_indirect_dma semaphore(%arg17 : memref<!tpu.dma_semaphore, #tpu.memory_space<semaphore_mem>>) src(%dma_wait3A_162 : memref<128xf32, #tpu.memory_space<vmem>>) dst(%dma_wait3A_167 : memref<100352xf32, #tpu.memory_space<vmem_shared>>)
    } else {
    }
    %eq3A_99 = arith.constant 1 : i32
    %eq3A_100 = arith.cmpi eq, %scan3A_68#1, %eq3A_99 : i32
    %gt3A_101 = arith.constant 0 : i32
    %gt3A_102 = arith.cmpi sgt, %reduce_max3A_76, %gt3A_101 : i32
    %and3A_103 = arith.andi %eq3A_100, %gt3A_102 : i1
    %convert_element_type3A_104 = arith.extui %and3A_103 : i1 to i32
    %cond3A_105 = arith.constant 0 : i32
    %cond3A_106 = arith.cmpi ne, %convert_element_type3A_104, %cond3A_105 : i32
    scf.if %cond3A_106 {
      %dma_start3A_121 = arith.constant 1 : i32
      %dma_start3A_122 = arith.constant 0 : i32
      %dma_start3A_123 = arith.constant 1 : i32
      %dma_start3A_124 = arith.constant 0 : i32
      %dma_start3A_125 = arith.constant 0 : i32
      %dma_start3A_126 = tpu.memref_slice %arg11[%dma_start3A_121, %dma_start3A_122, %dma_start3A_125] : memref<2x2x128xf32, #tpu.memory_space<vmem>> -> memref<1x1x128xf32, #tpu.memory_space<vmem>>
      %dma_start3A_127 = tpu.memref_squeeze %dma_start3A_126 : memref<1x1x128xf32, #tpu.memory_space<vmem>> -> memref<128xf32, #tpu.memory_space<vmem>>
      %dma_start3A_128 = arith.constant 0 : i32
      %dma_start3A_129 = tpu.memref_slice %arg10[%dma_start3A_123, %dma_start3A_124, %dma_start3A_128] : memref<2x2x128xi32, #tpu.memory_space<vmem>> -> memref<1x1x128xi32, #tpu.memory_space<vmem>>
      %dma_start3A_130 = tpu.memref_squeeze %dma_start3A_129 : memref<1x1x128xi32, #tpu.memory_space<vmem>> -> memref<128xi32, #tpu.memory_space<vmem>>
      %dma_start3A_131 = arith.constant 0 : i32
      %dma_start3A_132 = tpu.memref_slice %arg13[%dma_start3A_131] : memref<100352xf32, #tpu.memory_space<vmem_shared>> -> memref<100352xf32, #tpu.memory_space<vmem_shared>>
      tpu.enqueue_indirect_dma source(%dma_start3A_127 : memref<128xf32, #tpu.memory_space<vmem>>) target(%dma_start3A_132 : memref<100352xf32, #tpu.memory_space<vmem_shared>>) offsets(%dma_start3A_130 : memref<128xi32, #tpu.memory_space<vmem>>) semaphore(%arg17 : memref<!tpu.dma_semaphore, #tpu.memory_space<semaphore_mem>>) {add = true}
      %dma_start3A_133 = arith.constant 1 : i32
      %dma_start3A_134 = arith.constant 0 : i32
      %dma_start3A_135 = arith.constant 1 : i32
      %dma_start3A_136 = arith.constant 0 : i32
      %dma_start3A_137 = arith.constant 0 : i32
      %dma_start3A_138 = tpu.memref_slice %arg12[%dma_start3A_133, %dma_start3A_134, %dma_start3A_137] : memref<2x2x128xf32, #tpu.memory_space<vmem>> -> memref<1x1x128xf32, #tpu.memory_space<vmem>>
      %dma_start3A_139 = tpu.memref_squeeze %dma_start3A_138 : memref<1x1x128xf32, #tpu.memory_space<vmem>> -> memref<128xf32, #tpu.memory_space<vmem>>
      %dma_start3A_140 = arith.constant 0 : i32
      %dma_start3A_141 = tpu.memref_slice %arg10[%dma_start3A_135, %dma_start3A_136, %dma_start3A_140] : memref<2x2x128xi32, #tpu.memory_space<vmem>> -> memref<1x1x128xi32, #tpu.memory_space<vmem>>
      %dma_start3A_142 = tpu.memref_squeeze %dma_start3A_141 : memref<1x1x128xi32, #tpu.memory_space<vmem>> -> memref<128xi32, #tpu.memory_space<vmem>>
      %dma_start3A_143 = arith.constant 0 : i32
      %dma_start3A_144 = tpu.memref_slice %arg14[%dma_start3A_143] : memref<100352xf32, #tpu.memory_space<vmem_shared>> -> memref<100352xf32, #tpu.memory_space<vmem_shared>>
      tpu.enqueue_indirect_dma source(%dma_start3A_139 : memref<128xf32, #tpu.memory_space<vmem>>) target(%dma_start3A_144 : memref<100352xf32, #tpu.memory_space<vmem_shared>>) offsets(%dma_start3A_142 : memref<128xi32, #tpu.memory_space<vmem>>) semaphore(%arg17 : memref<!tpu.dma_semaphore, #tpu.memory_space<semaphore_mem>>) {add = true}
      %dma_start3A_145 = arith.constant 1 : i32
      %dma_start3A_146 = arith.constant 1 : i32
      %dma_start3A_147 = arith.constant 1 : i32
      %dma_start3A_148 = arith.constant 1 : i32
      %dma_start3A_149 = arith.constant 0 : i32
      %dma_start3A_150 = tpu.memref_slice %arg11[%dma_start3A_145, %dma_start3A_146, %dma_start3A_149] : memref<2x2x128xf32, #tpu.memory_space<vmem>> -> memref<1x1x128xf32, #tpu.memory_space<vmem>>
      %dma_start3A_151 = tpu.memref_squeeze %dma_start3A_150 : memref<1x1x128xf32, #tpu.memory_space<vmem>> -> memref<128xf32, #tpu.memory_space<vmem>>
      %dma_start3A_152 = arith.constant 0 : i32
      %dma_start3A_153 = tpu.memref_slice %arg10[%dma_start3A_147, %dma_start3A_148, %dma_start3A_152] : memref<2x2x128xi32, #tpu.memory_space<vmem>> -> memref<1x1x128xi32, #tpu.memory_space<vmem>>
      %dma_start3A_154 = tpu.memref_squeeze %dma_start3A_153 : memref<1x1x128xi32, #tpu.memory_space<vmem>> -> memref<128xi32, #tpu.memory_space<vmem>>
      %dma_start3A_155 = arith.constant 0 : i32
      %dma_start3A_156 = tpu.memref_slice %arg13[%dma_start3A_155] : memref<100352xf32, #tpu.memory_space<vmem_shared>> -> memref<100352xf32, #tpu.memory_space<vmem_shared>>
      tpu.enqueue_indirect_dma source(%dma_start3A_151 : memref<128xf32, #tpu.memory_space<vmem>>) target(%dma_start3A_156 : memref<100352xf32, #tpu.memory_space<vmem_shared>>) offsets(%dma_start3A_154 : memref<128xi32, #tpu.memory_space<vmem>>) semaphore(%arg17 : memref<!tpu.dma_semaphore, #tpu.memory_space<semaphore_mem>>) {add = true}
      %dma_start3A_157 = arith.constant 1 : i32
      %dma_start3A_158 = arith.constant 1 : i32
      %dma_start3A_159 = arith.constant 1 : i32
      %dma_start3A_160 = arith.constant 1 : i32
      %dma_start3A_161 = arith.constant 0 : i32
      %dma_start3A_162 = tpu.memref_slice %arg12[%dma_start3A_157, %dma_start3A_158, %dma_start3A_161] : memref<2x2x128xf32, #tpu.memory_space<vmem>> -> memref<1x1x128xf32, #tpu.memory_space<vmem>>
      %dma_start3A_163 = tpu.memref_squeeze %dma_start3A_162 : memref<1x1x128xf32, #tpu.memory_space<vmem>> -> memref<128xf32, #tpu.memory_space<vmem>>
      %dma_start3A_164 = arith.constant 0 : i32
      %dma_start3A_165 = tpu.memref_slice %arg10[%dma_start3A_159, %dma_start3A_160, %dma_start3A_164] : memref<2x2x128xi32, #tpu.memory_space<vmem>> -> memref<1x1x128xi32, #tpu.memory_space<vmem>>
      %dma_start3A_166 = tpu.memref_squeeze %dma_start3A_165 : memref<1x1x128xi32, #tpu.memory_space<vmem>> -> memref<128xi32, #tpu.memory_space<vmem>>
      %dma_start3A_167 = arith.constant 0 : i32
      %dma_start3A_168 = tpu.memref_slice %arg14[%dma_start3A_167] : memref<100352xf32, #tpu.memory_space<vmem_shared>> -> memref<100352xf32, #tpu.memory_space<vmem_shared>>
      tpu.enqueue_indirect_dma source(%dma_start3A_163 : memref<128xf32, #tpu.memory_space<vmem>>) target(%dma_start3A_168 : memref<100352xf32, #tpu.memory_space<vmem_shared>>) offsets(%dma_start3A_166 : memref<128xi32, #tpu.memory_space<vmem>>) semaphore(%arg17 : memref<!tpu.dma_semaphore, #tpu.memory_space<semaphore_mem>>) {add = true}
      %dma_wait3A = arith.constant 1 : i32
      %dma_wait3A_169 = arith.constant 0 : i32
      %dma_wait3A_170 = arith.constant 1 : i32
      %dma_wait3A_171 = arith.constant 0 : i32
      %dma_wait3A_172 = arith.constant 0 : i32
      %dma_wait3A_173 = tpu.memref_slice %arg11[%dma_wait3A, %dma_wait3A_169, %dma_wait3A_172] : memref<2x2x128xf32, #tpu.memory_space<vmem>> -> memref<1x1x128xf32, #tpu.memory_space<vmem>>
      %dma_wait3A_174 = tpu.memref_squeeze %dma_wait3A_173 : memref<1x1x128xf32, #tpu.memory_space<vmem>> -> memref<128xf32, #tpu.memory_space<vmem>>
      %dma_wait3A_175 = arith.constant 0 : i32
      %dma_wait3A_176 = tpu.memref_slice %arg10[%dma_wait3A_170, %dma_wait3A_171, %dma_wait3A_175] : memref<2x2x128xi32, #tpu.memory_space<vmem>> -> memref<1x1x128xi32, #tpu.memory_space<vmem>>
      %dma_wait3A_177 = tpu.memref_squeeze %dma_wait3A_176 : memref<1x1x128xi32, #tpu.memory_space<vmem>> -> memref<128xi32, #tpu.memory_space<vmem>>
      %dma_wait3A_178 = arith.constant 0 : i32
      %dma_wait3A_179 = tpu.memref_slice %arg13[%dma_wait3A_178] : memref<100352xf32, #tpu.memory_space<vmem_shared>> -> memref<100352xf32, #tpu.memory_space<vmem_shared>>
      tpu.wait_indirect_dma semaphore(%arg17 : memref<!tpu.dma_semaphore, #tpu.memory_space<semaphore_mem>>) src(%dma_wait3A_174 : memref<128xf32, #tpu.memory_space<vmem>>) dst(%dma_wait3A_179 : memref<100352xf32, #tpu.memory_space<vmem_shared>>)
      %dma_wait3A_180 = arith.constant 1 : i32
      %dma_wait3A_181 = arith.constant 0 : i32
      %dma_wait3A_182 = arith.constant 1 : i32
      %dma_wait3A_183 = arith.constant 0 : i32
      %dma_wait3A_184 = arith.constant 0 : i32
      %dma_wait3A_185 = tpu.memref_slice %arg12[%dma_wait3A_180, %dma_wait3A_181, %dma_wait3A_184] : memref<2x2x128xf32, #tpu.memory_space<vmem>> -> memref<1x1x128xf32, #tpu.memory_space<vmem>>
      %dma_wait3A_186 = tpu.memref_squeeze %dma_wait3A_185 : memref<1x1x128xf32, #tpu.memory_space<vmem>> -> memref<128xf32, #tpu.memory_space<vmem>>
      %dma_wait3A_187 = arith.constant 0 : i32
      %dma_wait3A_188 = tpu.memref_slice %arg10[%dma_wait3A_182, %dma_wait3A_183, %dma_wait3A_187] : memref<2x2x128xi32, #tpu.memory_space<vmem>> -> memref<1x1x128xi32, #tpu.memory_space<vmem>>
      %dma_wait3A_189 = tpu.memref_squeeze %dma_wait3A_188 : memref<1x1x128xi32, #tpu.memory_space<vmem>> -> memref<128xi32, #tpu.memory_space<vmem>>
      %dma_wait3A_190 = arith.constant 0 : i32
      %dma_wait3A_191 = tpu.memref_slice %arg14[%dma_wait3A_190] : memref<100352xf32, #tpu.memory_space<vmem_shared>> -> memref<100352xf32, #tpu.memory_space<vmem_shared>>
      tpu.wait_indirect_dma semaphore(%arg17 : memref<!tpu.dma_semaphore, #tpu.memory_space<semaphore_mem>>) src(%dma_wait3A_186 : memref<128xf32, #tpu.memory_space<vmem>>) dst(%dma_wait3A_191 : memref<100352xf32, #tpu.memory_space<vmem_shared>>)
      %dma_wait3A_192 = arith.constant 1 : i32
      %dma_wait3A_193 = arith.constant 1 : i32
      %dma_wait3A_194 = arith.constant 1 : i32
      %dma_wait3A_195 = arith.constant 1 : i32
      %dma_wait3A_196 = arith.constant 0 : i32
      %dma_wait3A_197 = tpu.memref_slice %arg11[%dma_wait3A_192, %dma_wait3A_193, %dma_wait3A_196] : memref<2x2x128xf32, #tpu.memory_space<vmem>> -> memref<1x1x128xf32, #tpu.memory_space<vmem>>
      %dma_wait3A_198 = tpu.memref_squeeze %dma_wait3A_197 : memref<1x1x128xf32, #tpu.memory_space<vmem>> -> memref<128xf32, #tpu.memory_space<vmem>>
      %dma_wait3A_199 = arith.constant 0 : i32
      %dma_wait3A_200 = tpu.memref_slice %arg10[%dma_wait3A_194, %dma_wait3A_195, %dma_wait3A_199] : memref<2x2x128xi32, #tpu.memory_space<vmem>> -> memref<1x1x128xi32, #tpu.memory_space<vmem>>
      %dma_wait3A_201 = tpu.memref_squeeze %dma_wait3A_200 : memref<1x1x128xi32, #tpu.memory_space<vmem>> -> memref<128xi32, #tpu.memory_space<vmem>>
      %dma_wait3A_202 = arith.constant 0 : i32
      %dma_wait3A_203 = tpu.memref_slice %arg13[%dma_wait3A_202] : memref<100352xf32, #tpu.memory_space<vmem_shared>> -> memref<100352xf32, #tpu.memory_space<vmem_shared>>
      tpu.wait_indirect_dma semaphore(%arg17 : memref<!tpu.dma_semaphore, #tpu.memory_space<semaphore_mem>>) src(%dma_wait3A_198 : memref<128xf32, #tpu.memory_space<vmem>>) dst(%dma_wait3A_203 : memref<100352xf32, #tpu.memory_space<vmem_shared>>)
      %dma_wait3A_204 = arith.constant 1 : i32
      %dma_wait3A_205 = arith.constant 1 : i32
      %dma_wait3A_206 = arith.constant 1 : i32
      %dma_wait3A_207 = arith.constant 1 : i32
      %dma_wait3A_208 = arith.constant 0 : i32
      %dma_wait3A_209 = tpu.memref_slice %arg12[%dma_wait3A_204, %dma_wait3A_205, %dma_wait3A_208] : memref<2x2x128xf32, #tpu.memory_space<vmem>> -> memref<1x1x128xf32, #tpu.memory_space<vmem>>
      %dma_wait3A_210 = tpu.memref_squeeze %dma_wait3A_209 : memref<1x1x128xf32, #tpu.memory_space<vmem>> -> memref<128xf32, #tpu.memory_space<vmem>>
      %dma_wait3A_211 = arith.constant 0 : i32
      %dma_wait3A_212 = tpu.memref_slice %arg10[%dma_wait3A_206, %dma_wait3A_207, %dma_wait3A_211] : memref<2x2x128xi32, #tpu.memory_space<vmem>> -> memref<1x1x128xi32, #tpu.memory_space<vmem>>
      %dma_wait3A_213 = tpu.memref_squeeze %dma_wait3A_212 : memref<1x1x128xi32, #tpu.memory_space<vmem>> -> memref<128xi32, #tpu.memory_space<vmem>>
      %dma_wait3A_214 = arith.constant 0 : i32
      %dma_wait3A_215 = tpu.memref_slice %arg14[%dma_wait3A_214] : memref<100352xf32, #tpu.memory_space<vmem_shared>> -> memref<100352xf32, #tpu.memory_space<vmem_shared>>
      tpu.wait_indirect_dma semaphore(%arg17 : memref<!tpu.dma_semaphore, #tpu.memory_space<semaphore_mem>>) src(%dma_wait3A_210 : memref<128xf32, #tpu.memory_space<vmem>>) dst(%dma_wait3A_215 : memref<100352xf32, #tpu.memory_space<vmem_shared>>)
    } else {
    }
    %barrier3A = arith.constant 0 : index
    tpu.barrier barrier_id(%barrier3A)
    "tpu.region"() ({
      %run_scoped3A = tpu.sem_alloc : memref<!tpu.dma_semaphore, #tpu.memory_space<semaphore_mem>>
      %dma_start3A_121 = tpu.memref_slice %arg13[%mul3A_26] : memref<100352xf32, #tpu.memory_space<vmem_shared>> -> memref<6272xf32, #tpu.memory_space<vmem_shared>>
      %dma_start3A_122 = tpu.memref_slice %arg13[%mul3A_26] : memref<100352xf32, #tpu.memory_space<vmem_shared>> -> memref<6272xf32, #tpu.memory_space<vmem_shared>>
      tpu.enqueue_dma source(%dma_start3A_122 : memref<6272xf32, #tpu.memory_space<vmem_shared>>) target(%arg9 : memref<6272xf32, #tpu.memory_space<vmem>>) target_semaphore(%run_scoped3A : memref<!tpu.dma_semaphore, #tpu.memory_space<semaphore_mem>>)
      %dma_wait3A = tpu.memref_slice %arg13[%mul3A_26] : memref<100352xf32, #tpu.memory_space<vmem_shared>> -> memref<6272xf32, #tpu.memory_space<vmem_shared>>
      %dma_wait3A_123 = tpu.memref_slice %arg13[%mul3A_26] : memref<100352xf32, #tpu.memory_space<vmem_shared>> -> memref<6272xf32, #tpu.memory_space<vmem_shared>>
      tpu.wait_dma2 semaphore(%run_scoped3A : memref<!tpu.dma_semaphore, #tpu.memory_space<semaphore_mem>>) src(%dma_wait3A_123 : memref<6272xf32, #tpu.memory_space<vmem_shared>>) dst(%arg9 : memref<6272xf32, #tpu.memory_space<vmem>>)
      tpu.yield
    }) : () -> ()
    %mul3A_107 = arith.constant 2 : i32
    %mul3A_108 = arith.muli %arg0, %mul3A_107 : i32
    %add3A_109 = arith.constant 0 : i32
    %add3A_110 = arith.addi %mul3A_108, %add3A_109 : i32
    %mul3A_111 = arith.constant 100352 : i32
    %mul3A_112 = arith.muli %add3A_110, %mul3A_111 : i32
    %add3A_113 = arith.addi %mul3A_112, %mul3A_26 : i32
    "tpu.region"() ({
      %run_scoped3A = tpu.sem_alloc : memref<!tpu.dma_semaphore, #tpu.memory_space<semaphore_mem>>
      %dma_start3A_121 = tpu.memref_slice %arg5[%add3A_113] : memref<401408xf32, #tpu.memory_space<hbm>> -> memref<6272xf32, #tpu.memory_space<hbm>>
      %dma_start3A_122 = tpu.memref_slice %arg5[%add3A_113] : memref<401408xf32, #tpu.memory_space<hbm>> -> memref<6272xf32, #tpu.memory_space<hbm>>
      tpu.enqueue_dma source(%arg9 : memref<6272xf32, #tpu.memory_space<vmem>>) target(%dma_start3A_122 : memref<6272xf32, #tpu.memory_space<hbm>>) target_semaphore(%run_scoped3A : memref<!tpu.dma_semaphore, #tpu.memory_space<semaphore_mem>>)
      %dma_wait3A = tpu.memref_slice %arg5[%add3A_113] : memref<401408xf32, #tpu.memory_space<hbm>> -> memref<6272xf32, #tpu.memory_space<hbm>>
      %dma_wait3A_123 = tpu.memref_slice %arg5[%add3A_113] : memref<401408xf32, #tpu.memory_space<hbm>> -> memref<6272xf32, #tpu.memory_space<hbm>>
      tpu.wait_dma2 semaphore(%run_scoped3A : memref<!tpu.dma_semaphore, #tpu.memory_space<semaphore_mem>>) src(%arg9 : memref<6272xf32, #tpu.memory_space<vmem>>) dst(%dma_wait3A_123 : memref<6272xf32, #tpu.memory_space<hbm>>)
      tpu.yield
    }) : () -> ()
    "tpu.region"() ({
      %run_scoped3A = tpu.sem_alloc : memref<!tpu.dma_semaphore, #tpu.memory_space<semaphore_mem>>
      %dma_start3A_121 = tpu.memref_slice %arg14[%mul3A_26] : memref<100352xf32, #tpu.memory_space<vmem_shared>> -> memref<6272xf32, #tpu.memory_space<vmem_shared>>
      %dma_start3A_122 = tpu.memref_slice %arg14[%mul3A_26] : memref<100352xf32, #tpu.memory_space<vmem_shared>> -> memref<6272xf32, #tpu.memory_space<vmem_shared>>
      tpu.enqueue_dma source(%dma_start3A_122 : memref<6272xf32, #tpu.memory_space<vmem_shared>>) target(%arg9 : memref<6272xf32, #tpu.memory_space<vmem>>) target_semaphore(%run_scoped3A : memref<!tpu.dma_semaphore, #tpu.memory_space<semaphore_mem>>)
      %dma_wait3A = tpu.memref_slice %arg14[%mul3A_26] : memref<100352xf32, #tpu.memory_space<vmem_shared>> -> memref<6272xf32, #tpu.memory_space<vmem_shared>>
      %dma_wait3A_123 = tpu.memref_slice %arg14[%mul3A_26] : memref<100352xf32, #tpu.memory_space<vmem_shared>> -> memref<6272xf32, #tpu.memory_space<vmem_shared>>
      tpu.wait_dma2 semaphore(%run_scoped3A : memref<!tpu.dma_semaphore, #tpu.memory_space<semaphore_mem>>) src(%dma_wait3A_123 : memref<6272xf32, #tpu.memory_space<vmem_shared>>) dst(%arg9 : memref<6272xf32, #tpu.memory_space<vmem>>)
      tpu.yield
    }) : () -> ()
    %mul3A_114 = arith.constant 2 : i32
    %mul3A_115 = arith.muli %arg0, %mul3A_114 : i32
    %add3A_116 = arith.constant 1 : i32
    %add3A_117 = arith.addi %mul3A_115, %add3A_116 : i32
    %mul3A_118 = arith.constant 100352 : i32
    %mul3A_119 = arith.muli %add3A_117, %mul3A_118 : i32
    %add3A_120 = arith.addi %mul3A_119, %mul3A_26 : i32
    "tpu.region"() ({
      %run_scoped3A = tpu.sem_alloc : memref<!tpu.dma_semaphore, #tpu.memory_space<semaphore_mem>>
      %dma_start3A_121 = tpu.memref_slice %arg5[%add3A_120] : memref<401408xf32, #tpu.memory_space<hbm>> -> memref<6272xf32, #tpu.memory_space<hbm>>
      %dma_start3A_122 = tpu.memref_slice %arg5[%add3A_120] : memref<401408xf32, #tpu.memory_space<hbm>> -> memref<6272xf32, #tpu.memory_space<hbm>>
      tpu.enqueue_dma source(%arg9 : memref<6272xf32, #tpu.memory_space<vmem>>) target(%dma_start3A_122 : memref<6272xf32, #tpu.memory_space<hbm>>) target_semaphore(%run_scoped3A : memref<!tpu.dma_semaphore, #tpu.memory_space<semaphore_mem>>)
      %dma_wait3A = tpu.memref_slice %arg5[%add3A_120] : memref<401408xf32, #tpu.memory_space<hbm>> -> memref<6272xf32, #tpu.memory_space<hbm>>
      %dma_wait3A_123 = tpu.memref_slice %arg5[%add3A_120] : memref<401408xf32, #tpu.memory_space<hbm>> -> memref<6272xf32, #tpu.memory_space<hbm>>
      tpu.wait_dma2 semaphore(%run_scoped3A : memref<!tpu.dma_semaphore, #tpu.memory_space<semaphore_mem>>) src(%arg9 : memref<6272xf32, #tpu.memory_space<vmem>>) dst(%dma_wait3A_123 : memref<6272xf32, #tpu.memory_space<hbm>>)
      tpu.yield
    }) : () -> ()
    return
  }
}

</mosaic_0001>

<sc_bundles>
// kernel: _sc_segsum.3.cloned.1.call-start
scs
__scs_entry_jumppad:
0x0: {  	(pc) =	sbr.rel $0x88, $3  }
0x1: {  	(tag) =	ssettag $0x0;
	lr =	simm.s32 $0x1  }
0x2: {  	[smem:$0x3F9E] =	sst lr;
	_ =	strace $0xD0000000  }
0x3: {  	_ = 	snop  }
0x4: {  	_ = 	snop  }
0x5: {  	_ = 	snop  }
0x6: {  	_ = 	snop  }
0x7: {  	_ = 	snop  }
__scs_overlays_trampoline_lowered:
0x8: {  	[smem:$0x3FAD] =	sst s0  }
0x9: {  	[smem:$0x3FAE] =	sst s1  }
0xa: {  	[smem:$0x3FAF] =	sst s2  }
0xb: {  	[smem:$0x3FB0] =	sst s3  }
0xc: {  	[smem:$0x3FB1] =	sst s4  }
0xd: {  	[smem:$0x3FB2] =	sst s5  }
0xe: {  	[smem:$0x3FB3] =	sst s6  }
0xf: {  	[smem:$0x3FB4] =	sst s7  }
0x10: {  	[smem:$0x3FB5] =	sst s8  }
0x11: {  	[smem:$0x3FB6] =	sst s9;
	s0 =	simm.s32 @!p0 $0x0  }
0x12: {  	s1 =	sld [smem:$0x3F9C];
	s0 =	simm.s32 @p0 $0x1  }
0x13: {  	[smem:$0x3FB7] =	sst s0;
	s0 =	simm.s32 @!p1 $0x0  }
0x14: {  	s2 =	sld [smem:$0x3F9B];
	s0 =	simm.s32 @p1 $0x1  }
0x15: {  	[smem:$0x3FB8] =	sst s0;
	s0 =	simm.s32 @!p2 $0x0  }
0x16: {  	s3 =	sld [smem:$0x3FDB];
	s0 =	simm.s32 @p2 $0x1  }
0x17: {  	s4 =	simm.s32 $0x1BF5;
	[smem:$0x3FBA] =	sst s0  }
0x18: {  	s0 =	sld [smem:$0x3F9D];
	_ =	swait.ge [sflag:s4], $0x0  }
0x19: {  	s7 =	sld [smem:$0x3F9E]  }
0x1a: {  	s8 =	sadd.s32 $0xFFFFE003, lr  }
0x1b: {  	s9 =	sadd.s32 $0xFFFFFEF7, lr;
	s5 =	simm.s32 $0xFFFFFFFF;
	p2 =	slt.u32 s8, $0xFFFFF086  }
0x1c: {  	p1 =	slt.u32 s9, $0xF7A;
	s5 =	simm.s32 @!p2 $0x0  }
0x1d: {  	s5 =	simm.s32 @p1 $0x1;
	p0 =	seq.s32 s7, s2  }
0x1e: {  	s7 =	smul.u32 @!p0 $0xF7A, s2;
	p2 =	seq.s32 @!p0 s5, $0x0  }
0x1f: {  	s9 =	smul.u32 $0xF7A, s1;
	s8 =	simm.s32 @!p0 $0x1BF5;
	p2 =	por !p2, p0  }
0x20: {  	[sflag:s8] =	ssyncset.s32 @!p0 $0xFFFFF086;
	s6 =	sadd.s32 @!p0 s3, s7;
	s7 =	simm.s32 @!p0 $0x108  }
0x21: {  	s3 =	sadd.s32 s3, s9;
	s6 =	sadd.s32 @!p0 $0x88, s6;
	s7 =	simm.s32 @p2 $0x1082  }
0x22: {  	[simem:s7], [sflag:s8] =	dma.local @!p0 [hbm:s6], $0xF7A  }
0x23: {  	s9 =	sor.u32 $0xD0000000, s2;
	s6 =	simm.s32 $0x108;
	_ =	swait.ge @!p0 [sflag:s8], $0x0  }
0x24: {  	s3 =	sadd.s32 $0x88, s3;
	s6 =	simm.s32 @!p1 $0x1082;
	[sflag:s4] =	ssyncset.s32 $0xFFFFF086  }
0x25: {  	[simem:s6], [sflag:s4] =	dma.local [hbm:s3], $0xF7A  }
0x26: {  	[smem:$0x3F9E] =	sst s1;
	(tag) =	ssettag s2;
	_ =	strace s9  }
0x27: {  	s1 =	sld [smem:$0x3FAE]  }
0x28: {  	s2 =	sld [smem:$0x3FAF]  }
0x29: {  	s4 =	sld [smem:$0x3FB1]  }
0x2a: {  	p0 =	seq.s32 s5, $0x0;
	s5 =	sld [smem:$0x3FB2]  }
0x2b: {  	s6 =	sld [smem:$0x3FB3]  }
0x2c: {  	s7 =	sld [smem:$0x3FB4]  }
0x2d: {  	s3 =	simm.s32 $0x108;
	s8 =	sld [smem:$0x3FB5]  }
0x2e: {  	s3 =	simm.s32 @!p0 $0x1082;
	s9 =	sld [smem:$0x3FB6]  }
0x2f: {  	lr =	sadd.s32 s0, s3;
	s0 =	sld [smem:$0x3FAD]  }
0x30: {  	s3 =	sld [smem:$0x3FB0]  }
0x31: {  	[smem:$0x3FB9] =	sst s10  }
0x32: {  	s10 =	sld [smem:$0x3FB7];
	_ =	sdelay $0x3  }
0x33: {  	p0 =	seq.s32 s10, $0x1;
	s10 =	sld [smem:$0x3FB9];
	_ =	sdelay $0x3  }
0x34: {  	[smem:$0x3FB9] =	sst s10  }
0x35: {  	s10 =	sld [smem:$0x3FB8];
	_ =	sdelay $0x3  }
0x36: {  	p1 =	seq.s32 s10, $0x1;
	s10 =	sld [smem:$0x3FB9];
	_ =	sdelay $0x3  }
0x37: {  	[smem:$0x3FB9] =	sst s10  }
0x38: {  	s10 =	sld [smem:$0x3FBA]  }
0x39: {  	_ = 	snop;
	(pc) =	sbr.ind lr, $3  }
0x3a: {  	_ = 	snop  }
0x3b: {  	_ = 	snop  }
0x3c: {  	p2 =	seq.s32 s10, $0x1;
	s10 =	sld [smem:$0x3FB9]  }
0x3d: {  	_ =	shalt  }
0x3e: {  	_ =	shalt  }
0x3f: {  	_ =	shalt  }
0x40: {  	_ =	shalt  }
0x41: {  	_ =	shalt  }
0x42: {  	_ =	shalt  }
0x43: {  	_ =	shalt  }
0x44: {  	_ =	shalt  }
0x45: {  	_ =	shalt  }
0x46: {  	_ =	shalt  }
0x47: {  	_ =	shalt  }
0x48: {  	_ =	shalt  }
0x49: {  	_ =	shalt  }
0x4a: {  	_ =	shalt  }
0x4b: {  	_ =	shalt  }
0x4c: {  	_ =	shalt  }
0x4d: {  	_ =	shalt  }
0x4e: {  	_ =	shalt  }
0x4f: {  	_ =	shalt  }
0x50: {  	_ =	shalt  }
0x51: {  	_ =	shalt  }
0x52: {  	_ =	shalt  }
0x53: {  	_ =	shalt  }
0x54: {  	_ =	shalt  }
0x55: {  	_ =	shalt  }
0x56: {  	_ =	shalt  }
0x57: {  	_ =	shalt  }
0x58: {  	_ =	shalt  }
0x59: {  	_ =	shalt  }
0x5a: {  	_ =	shalt  }
0x5b: {  	_ =	shalt  }
0x5c: {  	_ =	shalt  }
0x5d: {  	_ =	shalt  }
0x5e: {  	_ =	shalt  }
0x5f: {  	_ =	shalt  }
0x60: {  	_ =	shalt  }
0x61: {  	_ =	shalt  }
0x62: {  	_ =	shalt  }
0x63: {  	_ =	shalt  }
0x64: {  	_ =	shalt  }
0x65: {  	_ =	shalt  }
0x66: {  	_ =	shalt  }
0x67: {  	_ =	shalt  }
0x68: {  	_ =	shalt  }
0x69: {  	_ =	shalt  }
0x6a: {  	_ =	shalt  }
0x6b: {  	_ =	shalt  }
0x6c: {  	_ =	shalt  }
0x6d: {  	_ =	shalt  }
0x6e: {  	_ =	shalt  }
0x6f: {  	_ =	shalt  }
0x70: {  	_ =	shalt  }
0x71: {  	_ =	shalt  }
0x72: {  	_ =	shalt  }
0x73: {  	_ =	shalt  }
0x74: {  	_ =	shalt  }
0x75: {  	_ =	shalt  }
0x76: {  	_ =	shalt  }
0x77: {  	_ =	shalt  }
0x78: {  	_ =	shalt  }
0x79: {  	_ =	shalt  }
0x7a: {  	_ =	shalt  }
0x7b: {  	_ =	shalt  }
0x7c: {  	_ =	shalt  }
0x7d: {  	_ =	shalt  }
0x7e: {  	_ =	shalt  }
0x7f: {  	_ =	shalt  }
0x80: {  	_ =	shalt  }
0x81: {  	_ =	shalt  }
0x82: {  	_ =	shalt  }
0x83: {  	_ =	shalt  }
0x84: {  	_ =	shalt  }
0x85: {  	_ =	shalt  }
0x86: {  	_ =	shalt  }
0x87: {  	_ =	shalt  }
.Lfunc_end0:
.L_simem_size_0:
called_computation_lowered:
.L_overlay_start_0:
0x88: {  	s2 =	sld [smem:$0x3FD9]  }
0x89: {  	s3 =	sld [smem:$0x3FFE];
	_ =	sdelay $0x1  }
0x8a: {  	s1 =	srdreg.scid  }
0x8b: {  	s0 =	sand.u32 $0x1, s1  }
0x8c: {  	s18 =	sshll.u32 s0, $0xA;
	s2 =	sadd.s32 s3, s2  }
0x8d: {  	s2 =	sadd.s32 s2, s18  }
0x8e: {  	[smem:$0x3FC5] =	sst s2  }
0x8f: {  	_ = 	snop  }
0x90: {  	s2 =	sld [smem:$0x3FC9]  }
0x91: {  	s19 =	sld [smem:$0x3FC8]  }
0x92: {  	s4 =	sld [smem:$0x3FC7]  }
0x93: {  	s5 =	sld [smem:$0x3FD0];
	(tm) =	ssettm $0x1  }
0x94: {  	s6 =	sld [smem:$0x3FFB];
	_ =	sdelay $0x3  }
0x95: {  	_ =	strace s6  }
0x96: {  	s6 =	sld [smem:$0x3FFC];
	_ =	sdelay $0x3  }
0x97: {  	_ =	strace s6  }
0x98: {  	s6 =	sld [smem:$0x3FFD];
	_ =	sdelay $0x3  }
0x99: {  	_ =	strace s6  }
0x9a: {  	_ =	strace $0x8FFFFFFF  }
0x9b: {  	s20 =	sld [smem:$0x3FDB];
	_ =	sdelay $0x1  }
0x9c: {  	s7 =	simm.s32 $_scs_section_size  }
0x9d: {  	s8 =	simm.s32 $_size__tile_overlayer_lowered;
	s9 =	simm.s32 $_tile_overlayer_lowered  }
0x9e: {  	s23 =	simm.s32 $0x1BFF;
	s22 =	sshll.u32 s9, $0x1;
	s6 =	sadd.s32 s7, s20  }
0x9f: {  	s10 =	simm.s32 $0x0;
	s21 =	sshll.u32 s8, $0x1;
	s8 =	sadd.s32 s22, s6  }
0xa0: {  	[timem:s10], [sflag:s23] =	dma.local [hbm:s8], s21  }
0xa1: {  	_ =	swait.ge [sflag:s23], s21  }
0xa2: {  	s7 =	ssub.s32 $0x0, s21;
	[sflag:s23] =	ssyncset.done $0x0  }
0xa3: {  	[sflag:s23] =	ssyncadd.s32 s7;
	_ =	sdelay $0x1  }
0xa4: {  	s24 =	simm.s32 $0x1B8B  }
0xa5: {  	_ =	swait.ge [sflag:s24], $0x1  }
0xa6: {  	[sflag:s24] =	ssyncset.done $0x0  }
0xa7: {  	s25 =	simm.s32 $0x1B8E;
	[sflag:s24] =	ssyncadd.s32 $0xFFFFFFFF  }
0xa8: {  	s26 =	simm.s32 $execute0_lowered;
	[smem:$0x3FD2] =	sst s25  }
0xa9: {  	s7 =	sshll.u32 s26, $0x1;
	_ =	strace $0x80000046;
	[dreg:$0x1] =	wrdreg $0xFFFFFFFF  }
0xaa: {  	s28 =	simm.s32 $_size_execute0_lowered;
	s6 =	sadd.s32 s6, s7;
	[dreg:$0x0] =	wrdreg $0x0  }
0xab: {  	s7 =	sshll.u32 s28, $0x1;
	[dreg:$0x2] =	wrdreg s6  }
0xac: {  	[dreg:$0x3] =	wrdreg s7  }
0xad: {  	[dreg:$0x4] =	wrdreg $0xC0  }
0xae: {  	_ =	task [dreg:s10], $0x5FFFF  }
0xaf: {  	[dreg:$0x1] =	wrdreg $0xFFFFFFFF  }
0xb0: {  	[dreg:$0x0] =	wrdreg $0x60  }
0xb1: {  	[dreg:$0x2] =	wrdreg s2  }
0xb2: {  	[dreg:$0x3] =	wrdreg s19  }
0xb3: {  	[dreg:$0x4] =	wrdreg s4  }
0xb4: {  	[dreg:$0x5] =	wrdreg s5  }
0xb5: {  	[dreg:$0x6] =	wrdreg $0x7D000  }
0xb6: {  	[dreg:$0x7] =	wrdreg $0x95800  }
0xb7: {  	[dreg:$0x8] =	wrdreg $0x9  }
0xb8: {  	_ =	task.clear_ibuf [dreg:s10], $0x9FFFF;
	_ =	strace $0x90000046  }
0xb9: {  	s29 =	simm.s32 $0x9;
	_ =	strace $0x80000048  }
0xba: {  	_ =	swait.ge [sflag:s29], $0x1  }
0xbb: {  	[sflag:s29] =	ssyncadd.s32 $0xFFFFFFFF  }
0xbc: {  	_ =	strace $0x90000048  }
0xbd: {  	_ =	sfence  }
0xbe: {  	s30 =	sld [smem:$0x0];
	_ =	sdelay $0x2  }
0xbf: {  	s31 =	sshll.u32 s1, $0xD;
	s1 =	sshrl.u32 s1, $0x2  }
0xc0: {  	s3 =	sand.u32 $0x4000, s31;
	s1 =	sadd.s32 s1, s30  }
0xc1: {  	s0 =	sor.u32 s3, s0;
	s1 =	sshll.u32 s1, $0x11  }
0xc2: {  	s0 =	sor.u32 s1, s0  }
0xc3: {  	s0 =	sadd.s32 $0x8F2B, s0  }
0xc4: {  	[sflag:s0] =	ssyncadd.remote.s32 $0x1  }
0xc5: {  	_ =	sfence.sel $0xFFFF  }
0xc6: {  	[dreg:$0x0] =	wrdreg $0xFFFFFFFF;
	(pc) =	sbr.abs _section_cstart, $3  }
0xc7: {  	[dreg:$0x1] =	wrdreg $0xFFFFFFFF  }
0xc8: {  	_ =	task.clear_ibuf [dreg:s10], $0x2FFFF;
	_ =	strace $0x9FFFFFFF  }
0xc9: {  	(tm) =	ssettm $0x7FFFFFFF  }
tec
execute0_lowered:
.L_overlay_start_1:
0x0: {  	(tag) =	ssettag $0x1  }
0x1: {  	s24 =	rddreg [dreg:$0x0]  }
0x2: {  	s0 =	rddreg [dreg:$0x1]  }
0x3: {  	s3 =	rddreg [dreg:$0x2]  }
0x4: {  	s2 =	rddreg [dreg:$0x3]  }
0x5: {  	s5 =	rddreg [dreg:$0x4]  }
0x6: {  	s4 =	srdreg.scid;
	s1 =	stileid.u32  }
0x7: {  	s6 =	rddreg [dreg:$0x5];
	s8 =	simm.s32 $0x0;
	s16 =	simm.s32 $0x5E80  }
0x8: {  	s17 =	simm.s32 $0x4;
	s28 =	simm.s32 $0x7B00;
	s29 =	simm.s32 $0x80  }
0x9: {  	s30 =	simm.s32 $0x7780;
	s31 =	simm.s32 $0x7980;
	s18 =	simm.s32 $0x0  }
0xa: {  	s4 =	sand.u32 $0x1, s4;
	s7 =	sshll.u32 s1, $0x1;
	[smem:$0x7FF] =	sst s8  }
0xb: {  	s11 =	smul.u32 $0x1880, s1;
	s20 =	sshll.u32 s1, $0x4;
	s14 =	smov.u32 s3  }
0xc: {  	s7 =	sor.u32 s4, s7;
	s19 =	ssub.s32 $0x2, s4;
	s4 =	smul.u32 $0x31000, s4  }
0xd: {  	_ =	strace $0x80000047;
	s9 =	smul.u32 $0x30D40, s7;
	s10 =	sshrl.u32 s19, $0x1  }
0xe: {  	s1 =	sadd.s32 s11, s5;
	s13 =	sadd.s32 s11, s6;
	p4 =	seq.s32 s7, $0x0  }
0xf: {  	s7 =	simm.s32 $0x7C00;
	s8 =	ssub.s32 s19, s10;
	s10 =	sadd.s32 $0x186A0, s20  }
0x10: {  	s4 =	sadd.s32 s11, s4;
	s20 =	simm.s32 $0x7A00;
	[dreg:$0x7] =	wrdreg s1  }
0x11: {  	s11 =	simm.s32 $0x7A80;
	[dreg:$0x8] =	wrdreg s13;
	s12 =	sadd.s32 $0xFFFFFFF0, s9  }
0x12: {  	s21 =	sshrl.u32 s9, $0x3;
	s4 =	sshrl.u32 s4, $0x3;
	s25 =	sadd.s32 $0xFA0, s9  }
0x13: {  	s15 =	sadd.s32 $0x1F40, s9;
	s26 =	smax.u32 s8, $0x1;
	[dreg:$0xd] =	wrdreg s25  }
0x14: {  	v4 =	vlaneseq.u32;
	s12 =	sshrl.u32 s12, $0x3;
	s22 =	sadd.s32 s24, s21;
	[dreg:$0xf] =	wrdreg s26  }
0x15: {  	v0 =	vor.u32 s10, v4;
	s10 =	simm.s32 $0x7880;
	s3 =	sadd.s32 s3, s12;
	[dreg:$0xa] =	wrdreg s22  }
0x16: {  	s23 =	sadd.s32 s2, s4;
	s25 =	simm.s32 $0x7700;
	[dreg:$0x9] =	wrdreg s3  }
.Ltmp0:
0x17: {  	s3 =	smov.u32 s0;
	s0 =	sadd.s32 s0, s21;
	(pc) =	sbr.rel .LBB2_1-.Ltmp0, $4  }
0x18: {  	s26 =	simm.s32 $0x7900;
	[dreg:$0xb] =	wrdreg s0;
	s0 =	sadd.s32 $0x3100, s23  }
0x19: {  	s4 =	simm.s32 $0x7B80;
	[dreg:$0xe] =	wrdreg s0;
	s0 =	simm.s32 @!p4 $0x0  }
0x1a: {  	v1 =	vimm.f32 $0.0e+00;
	vm0 =	vcmask $0x3F04;
	vm1 =	vcmask $0x3F3C;
	s2 =	simm.s32 $0x7800;
	[dreg:$0xc] =	wrdreg s23;
	s0 =	simm.s32 @p4 $0x1  }
0x1b: {  	v5 =	vimm.s32 $0xF;
	v3 =	vor.u32 $0x80000000, v4;
	v4 =	vadd.s32 $0x1, v4;
	s12 =	simm.s32 $0x7C80;
	s21 =	simm.s32 $0x1;
	[smem:$0x7FD] =	sst s0  }
.LBB2_21:
0x1c: {  	p2 =	sne.s32 s8, $0x0  }
0x1d: {  	p4 =	slt.u32 @!p2 s9, $0x80000001  }
0x1e: {  	p3 =	por p4, p2  }
0x1f: {  	s0 =	simm.s32 @!p3 $0x80;
	s16 =	simm.s32 @!p3 $0x7700;
	s17 =	simm.s32 @!p3 $0x7900  }
0x20: {  	[spmem:s5] =	stream.indirect.scatter.add.f32 @!p3 [tilespmem:s17], [sflag:$0x2], $0x1, s16, s0, $0xb8;
	[tilespmem:$0xAE00] =	vst v63  }
0x21: {  	s17 =	simm.s32 @!p3 $0x7B00  }
0x22: {  	[spmem:s6] =	stream.indirect.scatter.add.f32 @!p3 [tilespmem:s17], [sflag:$0x2], $0x1, s16, s0, $0xb8;
	[tilespmem:$0xAE00] =	vst v63  }
0x23: {  	s16 =	simm.s32 @!p3 $0x7780;
	s17 =	simm.s32 @!p3 $0x7980  }
0x24: {  	[spmem:s5] =	stream.indirect.scatter.add.f32 @!p3 [tilespmem:s17], [sflag:$0x2], $0x1, s16, s0, $0xb8;
	[tilespmem:$0xAE00] =	vst v63  }
0x25: {  	s17 =	simm.s32 @!p3 $0x7B80  }
0x26: {  	[spmem:s6] =	stream.indirect.scatter.add.f32 @!p3 [tilespmem:s17], [sflag:$0x2], $0x1, s16, s0, $0xb8;
	[tilespmem:$0xAE00] =	vst v63  }
0x27: {  	s0 =	simm.s32 @!p3 $0x2  }
0x28: {  	_ =	swait.ge @!p3 [sflag:s0], $0x80  }
0x29: {  	[sflag:s0] =	ssyncset.done @!p3 $0x0  }
0x2a: {  	[sflag:s0] =	ssyncadd.s32 @!p3 $0xFFFFFF80  }
0x2b: {  	_ =	swait.ge @!p3 [sflag:s0], $0x80  }
0x2c: {  	[sflag:s0] =	ssyncset.done @!p3 $0x0  }
0x2d: {  	[sflag:s0] =	ssyncadd.s32 @!p3 $0xFFFFFF80  }
0x2e: {  	p0 =	seq.s32 s8, $0x0;
	_ =	swait.ge @!p3 [sflag:s0], $0x80  }
0x2f: {  	p5 =	por !p4, p2;
	p6 =	por @!p3 $0x1, $0x1;
	[sflag:s0] =	ssyncset.done @!p3 $0x0  }
0x30: {  	p4 =	por p6, p6;
	p6 =	por @!p5 p0, p0;
	[sflag:s0] =	ssyncadd.s32 @!p3 $0xFFFFFF80  }
0x31: {  	p0 =	por @!p2 p6, p6;
	p6 =	slt.s32 s13, $0x1;
	_ =	swait.ge @!p3 [sflag:s0], $0x80  }
0x32: {  	p6 =	por !p0, p6;
	[sflag:s0] =	ssyncset.done @!p3 $0x0  }
0x33: {  	[sflag:s0] =	ssyncadd.s32 @!p3 $0xFFFFFF80;
	s0 =	simm.s32 @!p6 $0x3  }
0x34: {  	_ =	swait.ge @!p6 [sflag:s0], $0x80  }
0x35: {  	[sflag:s0] =	ssyncset.done @!p6 $0x0  }
0x36: {  	[sflag:s0] =	ssyncadd.s32 @!p6 $0xFFFFFF80  }
0x37: {  	_ =	swait.ge @!p6 [sflag:s0], $0x80  }
0x38: {  	[sflag:s0] =	ssyncset.done @!p6 $0x0  }
0x39: {  	[sflag:s0] =	ssyncadd.s32 @!p6 $0xFFFFFF80  }
0x3a: {  	_ =	swait.ge @!p6 [sflag:s0], $0x80  }
0x3b: {  	[sflag:s0] =	ssyncset.done @!p6 $0x0  }
0x3c: {  	[sflag:s0] =	ssyncadd.s32 @!p6 $0xFFFFFF80  }
0x3d: {  	_ =	swait.ge @!p6 [sflag:s0], $0x80  }
0x3e: {  	p3 =	sgt.u32 s9, $0x80000000;
	s1 =	sld [smem:$0x7FD]  }
0x3f: {  	p4 =	por @!p5 p3, p3  }
0x40: {  	p3 =	por @!p2 p4, p4;
	[sflag:s0] =	ssyncset.done @!p6 $0x0  }
0x41: {  	s18 =	rddreg [dreg:$0x10];
	[sflag:s0] =	ssyncadd.s32 @!p6 $0xFFFFFF80;
	p4 =	seq.s32 s1, $0x1  }
.LBB2_22:
0x42: {  	p1 =	por !p3, p1  }
0x43: {  	s0 =	simm.s32 @!p1 $0x80;
	s8 =	simm.s32 @!p1 $0x7800;
	s9 =	simm.s32 @!p1 $0x7A00  }
0x44: {  	[spmem:s5] =	stream.indirect.scatter.add.f32 @!p1 [tilespmem:s9], [sflag:$0x3], $0x1, s8, s0, $0xb8;
	[tilespmem:$0xAE00] =	vst v63  }
0x45: {  	s9 =	simm.s32 @!p1 $0x7C00  }
0x46: {  	[spmem:s6] =	stream.indirect.scatter.add.f32 @!p1 [tilespmem:s9], [sflag:$0x3], $0x1, s8, s0, $0xb8;
	[tilespmem:$0xAE00] =	vst v63  }
0x47: {  	s8 =	simm.s32 @!p1 $0x7880;
	s9 =	simm.s32 @!p1 $0x7A80  }
0x48: {  	[spmem:s5] =	stream.indirect.scatter.add.f32 @!p1 [tilespmem:s9], [sflag:$0x3], $0x1, s8, s0, $0xb8;
	[tilespmem:$0xAE00] =	vst v63  }
0x49: {  	s9 =	simm.s32 @!p1 $0x7C80  }
0x4a: {  	[spmem:s6] =	stream.indirect.scatter.add.f32 @!p1 [tilespmem:s9], [sflag:$0x3], $0x1, s8, s0, $0xb8;
	[tilespmem:$0xAE00] =	vst v63  }
0x4b: {  	s0 =	simm.s32 @!p1 $0x3  }
0x4c: {  	_ =	swait.ge @!p1 [sflag:s0], $0x80  }
0x4d: {  	[sflag:s0] =	ssyncset.done @!p1 $0x0  }
0x4e: {  	[sflag:s0] =	ssyncadd.s32 @!p1 $0xFFFFFF80  }
0x4f: {  	_ =	swait.ge @!p1 [sflag:s0], $0x80  }
0x50: {  	[sflag:s0] =	ssyncset.done @!p1 $0x0  }
0x51: {  	[sflag:s0] =	ssyncadd.s32 @!p1 $0xFFFFFF80  }
0x52: {  	_ =	swait.ge @!p1 [sflag:s0], $0x80  }
0x53: {  	[sflag:s0] =	ssyncset.done @!p1 $0x0  }
0x54: {  	[sflag:s0] =	ssyncadd.s32 @!p1 $0xFFFFFF80  }
0x55: {  	_ =	swait.ge @!p1 [sflag:s0], $0x80  }
0x56: {  	[sflag:s0] =	ssyncset.done @!p1 $0x0  }
0x57: {  	[sflag:s0] =	ssyncadd.s32 @!p1 $0xFFFFFF80  }
0x58: {  	[bflag:$0x0] =	sbarrier.arrive $0xFFFF  }
0x59: {  	s16 =	simm.s32 $0x5E80;
	s17 =	simm.s32 $0x4;
	s1 =	rddreg [dreg:$0x7]  }
0x5a: {  	[tilespmem:s16], [sflag:$0x4] =	stream.linear.gather [spmem:s1], $0x1880, $0x38;
	[tilespmem:$0xAE00] =	vst v63  }
0x5b: {  	_ =	swait.ge [sflag:s17], $0x1880  }
0x5c: {  	[sflag:s17] =	ssyncset.done $0x0  }
0x5d: {  	s9 =	simm.s32 $0x0;
	s19 =	rddreg [dreg:$0xc];
	[sflag:s17] =	ssyncadd.s32 $0xFFFFE780  }
0x5e: {  	[hbm4b:s19+s9] =	stream.linear.scatter [tilespmem:s16], [sflag:$0x4], $0x1880, $0x38;
	[tilespmem:$0xAE00] =	vst v63  }
0x5f: {  	_ =	swait.ge [sflag:s17], $0x1880  }
0x60: {  	[sflag:s17] =	ssyncset.done $0x0  }
0x61: {  	s13 =	rddreg [dreg:$0x8];
	[sflag:s17] =	ssyncadd.s32 $0xFFFFE780  }
0x62: {  	[tilespmem:s16], [sflag:$0x4] =	stream.linear.gather [spmem:s13], $0x1880, $0x38;
	[tilespmem:$0xAE00] =	vst v63  }
0x63: {  	_ =	swait.ge [sflag:s17], $0x1880  }
0x64: {  	[sflag:s17] =	ssyncset.done $0x0  }
0x65: {  	s22 =	rddreg [dreg:$0xe];
	[sflag:s17] =	ssyncadd.s32 $0xFFFFE780  }
0x66: {  	[hbm4b:s22+s9] =	stream.linear.scatter [tilespmem:s16], [sflag:$0x4], $0x1880, $0x38;
	[tilespmem:$0xAE00] =	vst v63  }
0x67: {  	_ =	swait.ge [sflag:s17], $0x1880  }
0x68: {  	s18 =	sadd.s32 $0x1, s18;
	s23 =	rddreg [dreg:$0xf]  }
0x69: {  	p0 =	sne.s32 s18, s23  }
.Ltmp1:
0x6a: {  	_ = 	snop;
	(pc) =	sbr.rel @!p0 .LBB2_23-.Ltmp1, $3  }
0x6b: {  	_ =	sdelay $0x1  }
0x6c: {  	[sflag:s17] =	ssyncset.done $0x0  }
0x6d: {  	v1 =	vimm.f32 $0.0e+00;
	[sflag:s17] =	ssyncadd.s32 $0xFFFFE780  }
.LBB2_1:
0x6e: {  	[dreg:$0x10] =	wrdreg s18;
	s8 =	simm.s32 $0x40;
	s9 =	simm.s32 $0x0  }
.LBB2_2:
0x6f: {  	p1 =	sne.s32 s8, $0x61C0;
	[tilespmem:s9+$0x5E80] =	vst v1;
	s9 =	smov.u32 s8;
	s8 =	sadd.s32 $0x40, s8  }
.Ltmp2:
0x70: {  	(pc) =	sbr.rel @p1 .LBB2_2-.Ltmp2, $2  }
0x71: {  	_ =	sdelay $0x2  }
0x72: {  	s9 =	sshra.s32 s9, $0x2  }
0x73: {  	[tilespmem:s9+$0x5E80] =	vst v1  }
0x74: {  	[spmem:s1] =	stream.linear.scatter [tilespmem:s16], [sflag:$0x4], $0x1880, $0x38;
	[tilespmem:$0xAE00] =	vst v63  }
0x75: {  	_ =	swait.ge [sflag:s17], $0x1880  }
0x76: {  	[sflag:s17] =	ssyncset.done $0x0  }
0x77: {  	[sflag:s17] =	ssyncadd.s32 $0xFFFFE780  }
0x78: {  	[spmem:s13] =	stream.linear.scatter [tilespmem:s16], [sflag:$0x4], $0x1880, $0x38;
	[tilespmem:$0xAE00] =	vst v63  }
0x79: {  	_ =	swait.ge [sflag:s17], $0x1880  }
0x7a: {  	[sflag:s17] =	ssyncset.done $0x0  }
0x7b: {  	[sflag:s17] =	ssyncadd.s32 $0xFFFFE780  }
0x7c: {  	[tilespmem:$0x7700] =	vst v0  }
0x7d: {  	[tilespmem:$0x7900] =	vst v1  }
0x7e: {  	[tilespmem:$0x7B00] =	vst v1  }
0x7f: {  	[tilespmem:$0x7780] =	vst v0  }
0x80: {  	[tilespmem:$0x7980] =	vst v1  }
0x81: {  	[tilespmem:$0x7B80] =	vst v1  }
0x82: {  	[tilespmem:$0x7710] =	vst v0  }
0x83: {  	[tilespmem:$0x7910] =	vst v1  }
0x84: {  	[tilespmem:$0x7B10] =	vst v1  }
0x85: {  	[tilespmem:$0x7790] =	vst v0  }
0x86: {  	[tilespmem:$0x7990] =	vst v1  }
0x87: {  	[tilespmem:$0x7B90] =	vst v1  }
0x88: {  	[tilespmem:$0x7720] =	vst v0  }
0x89: {  	[tilespmem:$0x7920] =	vst v1  }
0x8a: {  	[tilespmem:$0x7B20] =	vst v1  }
0x8b: {  	[tilespmem:$0x77A0] =	vst v0  }
0x8c: {  	[tilespmem:$0x79A0] =	vst v1  }
0x8d: {  	[tilespmem:$0x7BA0] =	vst v1  }
0x8e: {  	[tilespmem:$0x7730] =	vst v0  }
0x8f: {  	[tilespmem:$0x7930] =	vst v1  }
0x90: {  	[tilespmem:$0x7B30] =	vst v1  }
0x91: {  	[tilespmem:$0x77B0] =	vst v0  }
0x92: {  	[tilespmem:$0x79B0] =	vst v1  }
0x93: {  	[tilespmem:$0x7BB0] =	vst v1  }
0x94: {  	[tilespmem:$0x7740] =	vst v0  }
0x95: {  	[tilespmem:$0x7940] =	vst v1  }
0x96: {  	[tilespmem:$0x7B40] =	vst v1  }
0x97: {  	[tilespmem:$0x77C0] =	vst v0  }
0x98: {  	[tilespmem:$0x79C0] =	vst v1  }
0x99: {  	[tilespmem:$0x7BC0] =	vst v1  }
0x9a: {  	[tilespmem:$0x7750] =	vst v0  }
0x9b: {  	[tilespmem:$0x7950] =	vst v1  }
0x9c: {  	[tilespmem:$0x7B50] =	vst v1  }
0x9d: {  	[tilespmem:$0x77D0] =	vst v0  }
0x9e: {  	[tilespmem:$0x79D0] =	vst v1  }
0x9f: {  	[tilespmem:$0x7BD0] =	vst v1  }
0xa0: {  	[tilespmem:$0x7760] =	vst v0  }
0xa1: {  	[tilespmem:$0x7960] =	vst v1  }
0xa2: {  	[tilespmem:$0x7B60] =	vst v1  }
0xa3: {  	[tilespmem:$0x77E0] =	vst v0  }
0xa4: {  	[tilespmem:$0x79E0] =	vst v1  }
0xa5: {  	[tilespmem:$0x7BE0] =	vst v1  }
0xa6: {  	[tilespmem:$0x7770] =	vst v0  }
0xa7: {  	[tilespmem:$0x7970] =	vst v1  }
0xa8: {  	[tilespmem:$0x7B70] =	vst v1  }
0xa9: {  	[tilespmem:$0x77F0] =	vst v0  }
0xaa: {  	[tilespmem:$0x79F0] =	vst v1  }
0xab: {  	[tilespmem:$0x7BF0] =	vst v1  }
0xac: {  	[tilespmem:$0x7800] =	vst v0  }
0xad: {  	[tilespmem:$0x7A00] =	vst v1  }
0xae: {  	[tilespmem:$0x7C00] =	vst v1  }
0xaf: {  	[tilespmem:$0x7880] =	vst v0  }
0xb0: {  	[tilespmem:$0x7A80] =	vst v1  }
0xb1: {  	[tilespmem:$0x7C80] =	vst v1  }
0xb2: {  	[tilespmem:$0x7810] =	vst v0  }
0xb3: {  	[tilespmem:$0x7A10] =	vst v1  }
0xb4: {  	[tilespmem:$0x7C10] =	vst v1  }
0xb5: {  	[tilespmem:$0x7890] =	vst v0  }
0xb6: {  	[tilespmem:$0x7A90] =	vst v1  }
0xb7: {  	[tilespmem:$0x7C90] =	vst v1  }
0xb8: {  	[tilespmem:$0x7820] =	vst v0  }
0xb9: {  	[tilespmem:$0x7A20] =	vst v1  }
0xba: {  	[tilespmem:$0x7C20] =	vst v1  }
0xbb: {  	[tilespmem:$0x78A0] =	vst v0  }
0xbc: {  	[tilespmem:$0x7AA0] =	vst v1  }
0xbd: {  	[tilespmem:$0x7CA0] =	vst v1  }
0xbe: {  	[tilespmem:$0x7830] =	vst v0  }
0xbf: {  	[tilespmem:$0x7A30] =	vst v1  }
0xc0: {  	[tilespmem:$0x7C30] =	vst v1  }
0xc1: {  	[tilespmem:$0x78B0] =	vst v0  }
0xc2: {  	[tilespmem:$0x7AB0] =	vst v1  }
0xc3: {  	[tilespmem:$0x7CB0] =	vst v1  }
0xc4: {  	[tilespmem:$0x7840] =	vst v0  }
0xc5: {  	[tilespmem:$0x7A40] =	vst v1  }
0xc6: {  	[tilespmem:$0x7C40] =	vst v1  }
0xc7: {  	[tilespmem:$0x78C0] =	vst v0  }
0xc8: {  	[tilespmem:$0x7AC0] =	vst v1  }
0xc9: {  	[tilespmem:$0x7CC0] =	vst v1  }
0xca: {  	[tilespmem:$0x7850] =	vst v0  }
0xcb: {  	[tilespmem:$0x7A50] =	vst v1  }
0xcc: {  	[tilespmem:$0x7C50] =	vst v1  }
0xcd: {  	[tilespmem:$0x78D0] =	vst v0  }
0xce: {  	[tilespmem:$0x7AD0] =	vst v1  }
0xcf: {  	[tilespmem:$0x7CD0] =	vst v1  }
0xd0: {  	[tilespmem:$0x7860] =	vst v0  }
0xd1: {  	[tilespmem:$0x7A60] =	vst v1  }
0xd2: {  	[tilespmem:$0x7C60] =	vst v1  }
0xd3: {  	[tilespmem:$0x78E0] =	vst v0  }
0xd4: {  	[tilespmem:$0x7AE0] =	vst v1  }
0xd5: {  	[tilespmem:$0x7CE0] =	vst v1  }
0xd6: {  	[tilespmem:$0x7870] =	vst v0  }
0xd7: {  	[tilespmem:$0x7A70] =	vst v1  }
0xd8: {  	[tilespmem:$0x7C70] =	vst v1  }
0xd9: {  	[tilespmem:$0x78F0] =	vst v0  }
0xda: {  	[tilespmem:$0x7AF0] =	vst v1  }
0xdb: {  	v6 =	vimm.s32 @p4 $0xFFFFFFFF;
	[tilespmem:$0x7CF0] =	vst v1  }
0xdc: {  	s8 =	simm.s32 @p4 $0x0;
	s9 =	simm.s32 @p4 $0x3F10;
	[tilespmem:$0x3F00] =	vst @p4 v6  }
0xdd: {  	[tilespmem:s9], [sflag:$0x1] =	stream.linear.gather @p4 [hbm4b:s14+s8], $0xFB0, $0x38;
	[tilespmem:$0xAE00] =	vst v63  }
0xde: {  	s0 =	rddreg [dreg:$0x9];
	s8 =	simm.s32 @!p4 $0x0;
	s9 =	simm.s32 @!p4 $0x3F00  }
0xdf: {  	[tilespmem:s9], [sflag:$0x1] =	stream.linear.gather @!p4 [hbm4b:s0+s8], $0xFB0, $0x38;
	[tilespmem:$0xAE00] =	vst v63  }
.Ltmp3:
0xe0: {  	s23 =	simm.s32 $0x1F80;
	(pc) =	sbr.rel .LBB2_4-.Ltmp3, $4  }
0xe1: {  	s18 =	simm.s32 $0x0;
	s19 =	rddreg [dreg:$0xa];
	s9 =	simm.s32 $0x0  }
0xe2: {  	[tilespmem:s9], [sflag:$0x1] =	stream.linear.gather [hbm4b:s19+s9], $0xFA0, $0x38;
	[tilespmem:$0xAE00] =	vst v63  }
0xe3: {  	s13 =	simm.s32 $0x0;
	s22 =	rddreg [dreg:$0xb];
	s8 =	simm.s32 $0x0  }
0xe4: {  	v6 =	vimm.s32 $0x0;
	[tilespmem:s23], [sflag:$0x1] =	stream.linear.gather [hbm4b:s22+s9], $0xFA0, $0x38;
	[tilespmem:$0xAE00] =	vst v63  }
.LBB2_18:
0xe5: {  	s18 =	sadd.s32 $0x1, s18  }
0xe6: {  	p1 =	sne.s32 s18, $0x19  }
.Ltmp4:
0xe7: {  	_ = 	snop;
	(pc) =	sbr.rel @!p1 .LBB2_19-.Ltmp4, $1  }
0xe8: {  	_ =	sdelay $0x3  }
.LBB2_4:
0xe9: {  	_ =	swait.ge [sflag:s21], $0xFA0  }
0xea: {  	[sflag:s21] =	ssyncset.done $0x0  }
0xeb: {  	[sflag:s21] =	ssyncadd.s32 $0xFFFFF060  }
0xec: {  	_ =	swait.ge [sflag:s21], $0xFA0  }
0xed: {  	[sflag:s21] =	ssyncset.done $0x0  }
0xee: {  	[sflag:s21] =	ssyncadd.s32 $0xFFFFF060  }
0xef: {  	s16 =	smul.u32 $0x1F40, s18;
	_ =	swait.ge [sflag:s21], $0xFB0  }
0xf0: {  	s0 =	rddreg [dreg:$0xd]  }
0xf1: {  	s1 =	smov.u32 s24;
	[sflag:s21] =	ssyncset.done $0x0;
	s17 =	sadd.s32 s16, s0  }
0xf2: {  	s23 =	simm.s32 $0x2F20;
	[sflag:s21] =	ssyncadd.s32 $0xFFFFF050;
	s19 =	sshrl.u32 s17, $0x3  }
0xf3: {  	s17 =	sadd.s32 $0xFFFFFFF0, s17;
	s22 =	sadd.s32 s24, s19;
	s24 =	simm.s32 $0xFA0  }
0xf4: {  	[tilespmem:s24], [sflag:$0x1] =	stream.linear.gather [hbm4b:s22+s9], $0xFA0, $0x38;
	[tilespmem:$0xAE00] =	vst v63  }
.Ltmp5:
0xf5: {  	s19 =	sadd.s32 s3, s19;
	s17 =	sshrl.u32 s17, $0x3;
	(pc) =	sbr.rel .LBB2_5-.Ltmp5, $4  }
0xf6: {  	[tilespmem:s23], [sflag:$0x1] =	stream.linear.gather [hbm4b:s19+s9], $0xFA0, $0x38;
	[tilespmem:$0xAE00] =	vst v63  }
0xf7: {  	s17 =	sadd.s32 s14, s17;
	s24 =	simm.s32 $0x4EC0;
	s22 =	simm.s32 $0x3F51  }
0xf8: {  	[tilespmem:s24], [sflag:$0x1] =	stream.linear.gather [hbm4b:s17+s9], $0xFB0, $0x38;
	[tilespmem:$0xAE00] =	vst v63  }
0xf9: {  	s19 =	simm.s32 $0x1FD0;
	s23 =	simm.s32 $0x0;
	s17 =	simm.s32 $0x50  }
.LBB2_6:
0xfa: {  	v6 =	vadd.s32 $0x1, v14  }
.LBB2_10:
0xfb: {  	p1 =	sgt.u32 s24, $0x8000005F  }
0xfc: {  	s0 =	simm.s32 $0x1;
	s24 =	sxor.u32 $0x1, s8;
	s23 =	sadd.s32 $0xA0, s23  }
0xfd: {  	s0 =	simm.s32 @!p1 $0x0;
	s8 =	smov.u32 @p1 s24;
	p1 =	sne.s32 s23, $0xFA0  }
.Ltmp6:
0xfe: {  	_ = 	snop;
	(pc) =	sbr.rel @!p1 .LBB2_11-.Ltmp6, $3  }
0xff: {  	_ =	sdelay $0x1  }
0x100: {  	s17 =	sadd.s32 $0xA0, s17  }
0x101: {  	s19 =	sadd.s32 $0xA0, s19;
	s22 =	sadd.s32 $0xA0, s22;
	s13 =	sadd.s32 s0, s13  }
.LBB2_5:
0x102: {  	v7 =	vld [tilespmem:s17+$0xFFFFFFB0];
	_ =	sdelay $0x4  }
0x103: {  	v7 =	vsub.f32 $0.0e+00, v7;
	_ =	sdelay $0x1  }
0x104: {  	v7 =	vmul.f32 $1.442695020e+00, v7;
	_ =	sdelay $0x1  }
0x105: {  	(erf) = vpow2.f32 v7;
	_ =	sdelay $0x3  }
0x106: {  	v7 =	vld [tilespmem:s17+$0xFFFFFFC0];
	_ =	sdelay $0x4  }
0x107: {  	v7 =	vsub.f32 $0.0e+00, v7;
	v8 =	vpop (erf)  }
0x108: {  	v8 =	vadd.f32 $1.000000000e+00, v8  }
0x109: {  	v7 =	vmul.f32 $1.442695020e+00, v7  }
0x10a: {  	(erf) = vrcp.f32 v8  }
0x10b: {  	(erf) = vpow2.f32 v7;
	_ =	sdelay $0x3  }
0x10c: {  	v7 =	vld [tilespmem:s17+$0xFFFFFFD0];
	_ =	sdelay $0x3  }
0x10d: {  	v22 =	vpop (erf)  }
0x10e: {  	v7 =	vsub.f32 $0.0e+00, v7;
	v57 =	vpop (erf)  }
0x10f: {  	v8 =	vadd.f32 $1.000000000e+00, v57  }
0x110: {  	v7 =	vmul.f32 $1.442695020e+00, v7  }
0x111: {  	(erf) = vrcp.f32 v8  }
0x112: {  	(erf) = vpow2.f32 v7;
	_ =	sdelay $0x3  }
0x113: {  	v7 =	vld [tilespmem:s17+$0xFFFFFFE0];
	_ =	sdelay $0x3  }
0x114: {  	v21 =	vpop (erf)  }
0x115: {  	v7 =	vsub.f32 $0.0e+00, v7;
	v58 =	vpop (erf)  }
0x116: {  	v8 =	vadd.f32 $1.000000000e+00, v58  }
0x117: {  	v7 =	vmul.f32 $1.442695020e+00, v7  }
0x118: {  	(erf) = vrcp.f32 v8  }
0x119: {  	(erf) = vpow2.f32 v7;
	_ =	sdelay $0x3  }
0x11a: {  	v7 =	vld [tilespmem:s17+$0xFFFFFFF0];
	_ =	sdelay $0x3  }
0x11b: {  	v23 =	vpop (erf)  }
0x11c: {  	v7 =	vsub.f32 $0.0e+00, v7;
	v59 =	vpop (erf)  }
0x11d: {  	v8 =	vadd.f32 $1.000000000e+00, v59  }
0x11e: {  	v7 =	vmul.f32 $1.442695020e+00, v7  }
0x11f: {  	(erf) = vrcp.f32 v8  }
0x120: {  	(erf) = vpow2.f32 v7;
	_ =	sdelay $0x3  }
0x121: {  	v7 =	vld [tilespmem:s17+$0x0];
	_ =	sdelay $0x3  }
0x122: {  	v24 =	vpop (erf)  }
0x123: {  	v7 =	vsub.f32 $0.0e+00, v7;
	v60 =	vpop (erf)  }
0x124: {  	v8 =	vadd.f32 $1.000000000e+00, v60  }
0x125: {  	v7 =	vmul.f32 $1.442695020e+00, v7  }
0x126: {  	(erf) = vrcp.f32 v8  }
0x127: {  	(erf) = vpow2.f32 v7;
	_ =	sdelay $0x3  }
0x128: {  	v7 =	vld [tilespmem:s17+$0x10];
	_ =	sdelay $0x3  }
0x129: {  	v16 =	vld [tilespmem:s22+$0xFFFFFFBF];
	v26 =	vpop (erf)  }
0x12a: {  	v15 =	vld [tilespmem:s22+$0xFFFFFFCF];
	v7 =	vsub.f32 $0.0e+00, v7;
	v61 =	vpop (erf)  }
0x12b: {  	v14 =	vld [tilespmem:s22+$0xFFFFFFDF];
	v8 =	vadd.f32 $1.000000000e+00, v61  }
0x12c: {  	v13 =	vld [tilespmem:s22+$0xFFFFFFEF];
	v7 =	vmul.f32 $1.442695020e+00, v7  }
0x12d: {  	v12 =	vld [tilespmem:s22+$0xFFFFFFFF];
	(erf) = vrcp.f32 v8  }
0x12e: {  	v9 =	vld [tilespmem:s22+$0xFFFFFFBE];
	(erf) = vpow2.f32 v7  }
0x12f: {  	v17 =	vld [tilespmem:s22+$0xFFFFFFCE]  }
0x130: {  	v18 =	vld [tilespmem:s22+$0xFFFFFFDE]  }
0x131: {  	v19 =	vld [tilespmem:s22+$0xFFFFFFEE]  }
0x132: {  	v7 =	vld [tilespmem:s17+$0x20]  }
0x133: {  	v11 =	vld [tilespmem:s22+$0xF]  }
0x134: {  	v10 =	vld [tilespmem:s22+$0x1F]  }
0x135: {  	v20 =	vld [tilespmem:s22+$0xFFFFFFFE];
	v1 =	vimm.s32 $0x0  }
0x136: {  	v25 =	vld [tilespmem:s22+$0xE];
	vm9 =	vne.s32 v16, v9;
	vm8 =	vne.s32 v15, v17;
	vm7 =	vne.s32 v14, v18;
	v27 =	vpop (erf)  }
0x137: {  	v29 =	vld [tilespmem:s22+$0x1E];
	vm10 =	vne.s32 v13, v19;
	vm2 =	vmand vm9, vm0;
	v7 =	vsub.f32 $0.0e+00, v7;
	v62 =	vpop (erf)  }
0x138: {  	v63 =	vld [tilespmem:s22+$0x2E];
	vm3 =	vmand vm8, vm0;
	v30 =	vsel vm2, $0x1, v1;
	v8 =	vadd.f32 $1.000000000e+00, v62  }
0x139: {  	v32 =	vld [tilespmem:s22+$0x3E];
	vm2 =	vmand vm7, vm0;
	v33 =	vsel vm3, $0x1, v1;
	(xrf0) =	vadd.scan.msk.s32 $0xffff, v30;
	v7 =	vmul.f32 $1.442695020e+00, v7  }
0x13a: {  	s24 =	sand.u32 $0x1FE0, s23;
	v35 =	vld [tilespmem:s22+$0x4E];
	vm4 =	vmand vm10, vm0;
	v34 =	vsel vm2, $0x1, v1;
	(xrf0) =	vadd.scan.msk.s32 $0xffff, v33;
	(erf) = vrcp.f32 v8  }
0x13b: {  	v39 =	vsel vm4, $0x1, v1;
	(xrf0) =	vadd.scan.msk.s32 $0xffff, v34;
	v8 =	vld [tilespmem:s24+$0x3F80];
	(erf) = vpow2.f32 v7  }
0x13c: {  	vm11 =	vne.s32 v12, v20;
	(xrf0) =	vadd.scan.msk.s32 $0xffff, v39;
	v7 =	vld [tilespmem:s22+$0x3F]  }
0x13d: {  	v9 =	vld [tilespmem:s22+$0x4F];
	vm3 =	vne.s32 v11, v25;
	vm2 =	vmand vm11, vm0  }
0x13e: {  	vm4 =	vne.s32 v10, v29;
	vm6 =	vmand vm3, vm0;
	v41 =	vsel vm2, $0x1, v1  }
0x13f: {  	vm2 =	vmand vm4, vm0;
	v42 =	vsel vm6, $0x1, v1;
	(xrf0) =	vadd.scan.msk.s32 $0xffff, v41;
	v36, _, _ =	vpop (xrf0)  }
0x140: {  	v43 =	vsel vm2, $0x1, v1;
	(xrf0) =	vadd.scan.msk.s32 $0xffff, v42;
	v37, _, _ =	vpop (xrf0);
	vm5 =	vne.s32 v8, v63  }
0x141: {  	v40 =	vld [tilespmem:s24+$0x80];
	(xrf0) =	vadd.scan.msk.s32 $0xffff, v43;
	v38, _, _ =	vpop (xrf0);
	vm6 =	vne.s32 v7, v32;
	vm12 =	vmand vm5, vm0  }
0x142: {  	vm2 =	vne.s32 v9, v35;
	v35, _, _ =	vpop (xrf0);
	vm13 =	vmand vm6, vm0;
	v44 =	vsel vm12, $0x1, v1  }
0x143: {  	vm12 =	vmand vm2, vm0;
	(xrf0) =	vadd.scan.msk.s32 $0xffff, v44;
	v45 =	vsel vm13, $0x1, v1;
	v31 =	vpop (erf)  }
0x144: {  	v47 =	vsel vm12, $0x1, v1;
	(xrf0) =	vadd.scan.msk.s32 $0xffff, v45;
	v28 =	vpop (erf)  }
0x145: {  	v48 =	vnsel vm9, $0x80000000, v3;
	v34, _, _ =	vpop (xrf0);
	(xrf0) =	vadd.scan.msk.s32 $0xffff, v47;
	v28 =	vadd.f32 $1.000000000e+00, v28  }
0x146: {  	v46 =	vsub.f32 $0.0e+00, v40;
	v49 =	vnsel vm8, $0x80000000, v3;
	v33, _, _ =	vpop (xrf0);
	(xrf0) =	vmax.scan.msk.u32 $0xffff, v48  }
0x147: {  	v32, _, _ =	vpop (xrf0);
	(xrf0) =	vmax.scan.msk.u32 $0xffff, v49  }
0x148: {  	v18 =	vmul.f32 $1.442695020e+00, v46  }
0x149: {  	v50 =	vnsel vm7, $0x80000000, v3;
	(erf) = vrcp.f32 v28;
	v28, _, _ =	vpop (xrf0)  }
0x14a: {  	v51 =	vnsel vm10, $0x80000000, v3;
	(erf) = vpow2.f32 v18;
	(xrf0) =	vmax.scan.msk.u32 $0xffff, v50;
	v25, _, _ =	vpop (xrf0)  }
0x14b: {  	v52 =	vnsel vm11, $0x80000000, v3;
	(xrf0) =	vmax.scan.msk.u32 $0xffff, v51;
	v19, _, _ =	vpop (xrf0)  }
0x14c: {  	v53 =	vnsel vm3, $0x80000000, v3;
	v54 =	vnsel vm4, $0x80000000, v3;
	v36 =	vadd.s32 v6, v36;
	(xrf0) =	vmax.scan.msk.u32 $0xffff, v52;
	v40, _, _ =	vpop (xrf0)  }
0x14d: {  	v55 =	vnsel vm5, $0x80000000, v3;
	(xrf0) =	vmax.scan.msk.u32 $0xffff, v53;
	v41, _, _ =	vpop (xrf0);
	v47 =	vxor.u32 $0x80000000, v40;
	v53 =	vadd.s32 $0x80000010, v40  }
0x14e: {  	vm12 =	vlt.s32 v40, $0x0;
	v48 =	vxor.u32 $0x80000000, v41;
	v58 =	vadd.s32 $0x80000010, v41  }
0x14f: {  	vm13 =	vlt.s32 v41, $0x0;
	v53 =	vsel vm12, v47, v53;
	v47 =	vsub.s32 v4, v47  }
0x150: {  	(xrf2) =	vadd.scan.msk.f32 $0xffff, v22;
	v56 =	vnsel vm6, $0x80000000, v3;
	v42, _, _ =	vpop (xrf0);
	v40 =	vsel vm13, v48, v58;
	v47 =	vcvt.s32.f32 v47  }
0x151: {  	(xrf0) =	vmax.scan.msk.u32 $0xffff, v54;
	v54 =	vld [tilespmem:s19+$0xFFFFFFB0];
	v48 =	vsub.s32 v4, v48;
	v43, _, _ =	vpop (xrf0);
	v49 =	vxor.u32 $0x80000000, v42;
	v59 =	vadd.s32 $0x80000010, v42  }
0x152: {  	(xrf2) =	vadd.scan.msk.f32 $0xffff, v21;
	v39 =	vpop (erf);
	vm14 =	vlt.s32 v42, $0x0;
	v48 =	vcvt.s32.f32 v48;
	v51 =	vxor.u32 $0x80000000, v43  }
0x153: {  	(xrf0) =	vmax.scan.msk.u32 $0xffff, v55;
	v57 =	vpop (erf);
	v41 =	vsel vm14, v49, v59;
	v55 =	vadd.s32 $0x80000010, v43;
	vm12 =	vlt.s32 v43, $0x0  }
0x154: {  	(xrf0) =	vmax.scan.msk.u32 $0xffff, v56;
	v44, _, _ =	vpop (xrf0);
	v49 =	vsub.s32 v4, v49;
	v47 =	vadd.f32 v47, v47;
	v17 =	vadd.f32 $1.000000000e+00, v57  }
0x155: {  	v42 =	vld [tilespmem:s17+$0x40];
	v30 =	vxor.u32 $0x80000000, v44;
	v60 =	vadd.s32 $0x80000010, v44;
	vm13 =	vlt.s32 v44, $0x0  }
0x156: {  	(xrf2) =	vadd.scan.msk.f32 $0xffff, v23;
	v56 =	vld [tilespmem:s19+$0xFFFFFFC0];
	v45, _, _ =	vpop (xrf0);
	v55 =	vsel vm12, v51, v55;
	v54 =	vnsel vm9, $0x0, v54;
	(erf) = vrcp.f32 v17  }
0x157: {  	(xrf2) =	vadd.scan.msk.f32 $0xffff, v24;
	v49 =	vcvt.s32.f32 v49;
	v48 =	vadd.f32 v48, v48;
	v29 =	vxor.u32 $0x80000000, v45  }
0x158: {  	v46, _, _ =	vpop (xrf0);
	v61 =	vadd.s32 $0x80000010, v45;
	vm14 =	vlt.s32 v45, $0x0;
	v43 =	vsel vm13, v30, v60  }
0x159: {  	(xrf2) =	vadd.scan.msk.f32 $0xffff, v26;
	v59 =	vld [tilespmem:s19+$0xFFFFFFF0];
	v60 =	vperm.xlane v36, v5;
	v20 =	vxor.u32 $0x80000000, v46;
	v58 =	vadd.s32 $0x80000010, v46;
	v50, _, _ =	vpop (xrf0)  }
0x15a: {  	(xrf2) =	vadd.scan.msk.f32 $0xffff, v27;
	v44 =	vsel vm14, v29, v61;
	vm12 =	vlt.s32 v46, $0x0;
	v42 =	vsub.f32 $0.0e+00, v42;
	v52, _, _ =	vpop (xrf0)  }
0x15b: {  	(xrf2) =	vadd.scan.msk.f32 $0xffff, v31;
	v57 =	vld [tilespmem:s19+$0xFFFFFFE0];
	v56 =	vnsel vm8, $0x0, v56;
	v37 =	vadd.s32 v60, v37;
	v17 =	vxor.u32 $0x80000000, v52  }
0x15c: {  	v63 =	vadd.s32 $0x80000010, v52;
	vm14 =	vlt.s32 v52, $0x0;
	v52 =	vsel vm12, v20, v58;
	v58, _, _ =	vpop (xrf2)  }
0x15d: {  	(xrf2) =	vadd.scan.msk.f32 $0xffff, v39;
	v45 =	vld [tilespmem:s19+$0xFFFFFFD0];
	v18 =	vxor.u32 $0x80000000, v50;
	v62 =	vadd.s32 $0x80000010, v50;
	v22 =	vsub.f32 v58, v22  }
0x15e: {  	vm13 =	vlt.s32 v50, $0x0;
	v59 =	vnsel vm11, $0x0, v59;
	v37 =	vadd.s32 $0x1, v37;
	v6, _, _ =	vpop (xrf2)  }
0x15f: {  	v46 =	vsel vm13, v18, v62;
	v42 =	vmul.f32 $1.442695020e+00, v42;
	v22 =	vperm.xlane v22, v53;
	v61 =	vpop (erf)  }
0x160: {  	v57 =	vnsel vm10, $0x0, v57;
	v50 =	vsel vm14, v17, v63;
	v62, _, _ =	vpop (xrf2);
	v21 =	vsub.f32 v6, v21;
	(xrf2) =	vadd.scan.msk.f32 $0xffff, v61  }
0x161: {  	v60, _, _ =	vpop (xrf2);
	v23 =	vsub.f32 v62, v23;
	v58 =	vsub.f32 v58, v22;
	v22 =	vperm.xlane v37, v5  }
0x162: {  	v45 =	vnsel vm7, $0x0, v45;
	v24 =	vsub.f32 v60, v24;
	v21 =	vperm.xlane v21, v40  }
0x163: {  	v23 =	vperm.xlane v23, v41;
	(erf) = vpow2.f32 v42;
	v42, _, _ =	vpop (xrf2);
	v22 =	vadd.s32 v22, v38  }
0x164: {  	v24 =	vperm.xlane v24, v55;
	v63, _, _ =	vpop (xrf2);
	v26 =	vsub.f32 v42, v26;
	v2 =	vadd.s32 $0x1, v22  }
0x165: {  	v1 =	vsub.f32 v6, v21;
	v27 =	vsub.f32 v63, v27;
	v38, _, _ =	vpop (xrf2);
	v22 =	vperm.xlane v2, v5  }
0x166: {  	v6 =	vsub.f32 v38, v31;
	v31 =	vsub.f32 v60, v24;
	v60 =	vperm.xlane v26, v43  }
0x167: {  	v41 =	vperm.xlane v45, v41;
	v21, _, _ =	vpop (xrf2);
	v26 =	vperm.xlane v27, v44;
	v22 =	vadd.s32 v22, v35  }
0x168: {  	v39 =	vsub.f32 v21, v39;
	v27 =	vsub.f32 v42, v60;
	v60 =	vld [tilespmem:s19+$0x0];
	v42 =	vadd.s32 $0x1, v22  }
0x169: {  	v35 =	vperm.xlane v6, v52;
	v24 =	vsub.f32 v63, v26;
	v26 =	vperm.xlane v42, v5  }
0x16a: {  	v62 =	vsub.f32 v62, v23;
	v43 =	vperm.xlane v59, v43;
	v39 =	vperm.xlane v39, v46;
	v63 =	vld [tilespmem:s19+$0x20];
	v6, _, _ =	vpop (xrf2)  }
0x16b: {  	v23 =	vsub.f32 v38, v35;
	v38 =	vld [tilespmem:s19+$0x10];
	v26 =	vadd.s32 v26, v34;
	v61 =	vsub.f32 v6, v61  }
0x16c: {  	v35 =	vperm.xlane v54, v53;
	v54 =	vld [tilespmem:s22+$0xFFFFFFC0];
	v22 =	vsub.f32 v21, v39;
	v45 =	vadd.s32 $0x1, v26  }
0x16d: {  	v34 =	vld [tilespmem:s24+$0x2000];
	v21 =	vperm.xlane v61, v50;
	v61 =	vnsel vm3, $0x0, v60;
	v60 =	vperm.xlane v45, v5  }
0x16e: {  	v59 =	vand.u32 $0xFFFFFF80, v36;
	v36 =	vand.u32 $0x7F, v36;
	v39 =	vperm.xlane v56, v40  }
0x16f: {  	v40 =	vperm.xlane v57, v55;
	v57 =	vadd.f32 v49, v49;
	v33 =	vadd.s32 v60, v33  }
0x170: {  	v39 =	vadd.f32 v39, v48;
	v63 =	vnsel vm5, $0x0, v63;
	v33 =	vadd.s32 $0x1, v33  }
0x171: {  	v38 =	vnsel vm4, $0x0, v38;
	v44 =	vperm.xlane v61, v44;
	v61 =	vld [tilespmem:s22+$0xFFFFFFD0];
	v56 =	vperm.xlane v33, v5  }
0x172: {  	v49 =	vld [tilespmem:s22+$0x0];
	v46 =	vperm.xlane v63, v46;
	v34 =	vnsel vm6, $0x0, v34;
	vm3 =	vne.s32 v16, v54  }
0x173: {  	s0 =	sshll.u32 s8, $0x8;
	v55 =	vld [tilespmem:s22+$0x40];
	v26 =	vperm.xlane v34, v50;
	v34 =	vadd.f32 v35, v47;
	v32 =	vadd.s32 v56, v32  }
0x174: {  	v63 =	vld [tilespmem:s22+$0xFFFFFFE0];
	vm3 =	vmor vm3, vm1;
	v35 =	vadd.s32 s0, v59;
	v32 =	vadd.s32 $0x1, v32  }
0x175: {  	v38 =	vperm.xlane v38, v52;
	v52 =	vld [tilespmem:s22+$0x50];
	v35 =	vor.u32 v36, v35;
	v60 =	vperm.xlane v32, v5  }
0x176: {  	v54 =	vld [tilespmem:s22+$0x20];
	vm15 =	vne.s32 v15, v61;
	v61 =	vand.u32 $0xFFFFFF80, v37;
	v37 =	vand.u32 $0x7F, v37  }
0x177: {  	v47 =	vld [tilespmem:s22+$0xFFFFFFF0];
	vm4 =	vmor vm15, vm1;
	v48 =	vadd.s32 s0, v61;
	v28 =	vadd.s32 v60, v28  }
0x178: {  	v51 =	vsub.s32 v4, v51;
	v50 =	vld [tilespmem:s22+$0x10];
	v37 =	vor.u32 v37, v48;
	v28 =	vadd.s32 $0x1, v28  }
0x179: {  	v36 =	vld [tilespmem:s22+$0x30];
	vm8 =	vne.s32 v14, v63;
	v60 =	vand.u32 $0xFFFFFF80, v2;
	v63 =	vperm.xlane v28, v5  }
0x17a: {  	vm5 =	vmor vm8, vm1;
	v48 =	vld [tilespmem:s19+$0x40];
	[tilespmem:v35+s25+$0x0] =	vst.idx.msk vm3, v16;
	v2 =	vand.u32 $0x7F, v2;
	v56 =	vadd.s32 s0, v60  }
0x17b: {  	v51 =	vcvt.s32.f32 v51;
	[tilespmem:v35+s26+$0x0] =	vst.idx.msk vm3, v58;
	v2 =	vor.u32 v2, v56;
	v25 =	vadd.s32 v63, v25  }
0x17c: {  	[tilespmem:v35+s28+$0x0] =	vst.idx.msk vm3, v34;
	v25 =	vadd.s32 $0x1, v25  }
0x17d: {  	v51 =	vadd.f32 v51, v51;
	[tilespmem:v37+s25+$0x0] =	vst.idx.msk vm4, v15;
	v15 =	vperm.xlane v25, v5  }
0x17e: {  	v41 =	vadd.f32 v41, v57;
	vm3 =	vne.s32 v13, v47;
	[tilespmem:v37+s26+$0x0] =	vst.idx.msk vm4, v1  }
0x17f: {  	v63 =	vadd.f32 v40, v51;
	v40 =	vand.u32 $0xFFFFFF80, v42;
	[tilespmem:v37+s28+$0x0] =	vst.idx.msk vm4, v39;
	v15 =	vadd.s32 v15, v19  }
0x180: {  	v61 =	vpop (erf);
	[tilespmem:v2+s25+$0x0] =	vst.idx.msk vm5, v14;
	v14 =	vand.u32 $0x7F, v42;
	v19 =	vadd.s32 s0, v40;
	v15 =	vadd.s32 $0x1, v15  }
0x181: {  	v16 =	vadd.f32 $1.000000000e+00, v61;
	[tilespmem:v2+s26+$0x0] =	vst.idx.msk vm5, v62;
	v19 =	vor.u32 v14, v19;
	v14 =	vperm.xlane v15, v5  }
0x182: {  	vm3 =	vmor vm3, vm1;
	[tilespmem:v2+s28+$0x0] =	vst.idx.msk vm5, v41;
	v2 =	vnsel vm2, $0x80000000, v3  }
0x183: {  	v20 =	vsub.s32 v4, v20;
	(erf) = vrcp.f32 v16;
	(xrf0) =	vmax.scan.msk.u32 $0xffff, v2;
	v42 =	vadd.s32 $0x80000001, v14  }
0x184: {  	v20 =	vcvt.s32.f32 v20;
	(xrf0) =	vmax.scan.msk.u32 $0xffff, v42;
	_ =	sdelay $0x1  }
0x185: {  	v30 =	vsub.s32 v4, v30;
	v20 =	vadd.f32 v20, v20  }
0x186: {  	v18 =	vsub.s32 v4, v18;
	vm9 =	vne.s32 v12, v49;
	vm13 =	vne.s32 v7, v55  }
0x187: {  	v57 =	vadd.f32 v38, v20;
	vm10 =	vne.s32 v11, v50;
	v2 =	vand.u32 $0xFFFFFF80, v45;
	[tilespmem:v19+s25+$0x0] =	vst.idx.msk vm3, v13  }
0x188: {  	v47 =	vand.u32 $0x7F, v45;
	vm4 =	vmor vm9, vm1;
	v2 =	vadd.s32 s0, v2;
	[tilespmem:v19+s26+$0x0] =	vst.idx.msk vm3, v31;
	v51, _, _ =	vpop (xrf0)  }
0x189: {  	v50 =	vand.u32 $0x7F, v33;
	v2 =	vor.u32 v47, v2;
	[tilespmem:v19+s28+$0x0] =	vst.idx.msk vm3, v63;
	vm3 =	vne.s32 v10, v54;
	v54, _, _ =	vpop (xrf0)  }
0x18a: {  	v1 =	vcvt.s32.f32 v30;
	v13 =	vand.u32 $0xFFFFFF80, v33;
	(v2sf) =	vpush v54, $0xF  }
0x18b: {  	vm11 =	vmor vm10, vm1;
	v53 =	vand.u32 $0xFFFFFF80, v32;
	v49 =	vpop (erf);
	v13 =	vadd.s32 s0, v13  }
0x18c: {  	v35 =	vsub.s32 v4, v29;
	v1 =	vadd.f32 v1, v1;
	(xrf2) =	vadd.scan.msk.f32 $0xffff, v49;
	v13 =	vor.u32 v50, v13  }
0x18d: {  	vm14 =	vne.s32 v9, v52;
	v16 =	vcvt.s32.f32 v35;
	v30 =	vadd.s32 s0, v53  }
0x18e: {  	v1 =	vadd.f32 v43, v1;
	vm12 =	vmor vm3, vm1;
	[tilespmem:v2+s25+$0x0] =	vst.idx.msk vm4, v12;
	v12 =	vand.u32 $0x7F, v32  }
0x18f: {  	v18 =	vcvt.s32.f32 v18;
	v16 =	vadd.f32 v16, v16;
	[tilespmem:v2+s26+$0x0] =	vst.idx.msk vm4, v27;
	v12 =	vor.u32 v12, v30  }
0x190: {  	v56 =	vand.u32 $0x7F, v28;
	vm3 =	vne.s32 v8, v36;
	[tilespmem:v2+s28+$0x0] =	vst.idx.msk vm4, v1;
	v2 =	vand.u32 $0xFFFFFF80, v28  }
0x191: {  	v16 =	vadd.f32 v44, v16;
	vm3 =	vmor vm3, vm1;
	v2 =	vadd.s32 s0, v2;
	[tilespmem:v13+s25+$0x0] =	vst.idx.msk vm11, v11  }
0x192: {  	vm6 =	vmor vm14, vm1;
	v61 =	vsub.s32 v4, v17;
	v2 =	vor.u32 v56, v2;
	[tilespmem:v13+s26+$0x0] =	vst.idx.msk vm11, v24  }
0x193: {  	v58 =	vand.u32 $0xFFFFFF80, v25;
	v59 =	vand.u32 $0x7F, v25;
	v63 =	vand.u32 $0xFFFFFF80, v15;
	[tilespmem:v13+s28+$0x0] =	vst.idx.msk vm11, v16  }
0x194: {  	v1 =	vadd.f32 v18, v18;
	vm4 =	vmor vm13, vm1;
	v11 =	vadd.s32 s0, v58;
	[tilespmem:v12+s25+$0x0] =	vst.idx.msk vm12, v10  }
0x195: {  	v15 =	vand.u32 $0x7F, v15;
	v16 =	vcvt.s32.f32 v61;
	v10 =	vor.u32 v59, v11;
	[tilespmem:v12+s26+$0x0] =	vst.idx.msk vm12, v23  }
0x196: {  	vm15 =	vlt.s32 v51, $0x0;
	v1 =	vadd.f32 v46, v1;
	v60, _, _ =	vpop (xrf2);
	v13 =	vxor.u32 $0x80000000, v51;
	[tilespmem:v12+s28+$0x0] =	vst.idx.msk vm12, v57  }
0x197: {  	v16 =	vadd.f32 v16, v16;
	v12 =	vsub.f32 v60, v49;
	[tilespmem:v2+s25+$0x0] =	vst.idx.msk vm3, v8;
	v8 =	vadd.s32 s0, v63  }
0x198: {  	v62 =	vadd.s32 $0x80000010, v51;
	[tilespmem:v2+s26+$0x0] =	vst.idx.msk vm3, v22;
	v8 =	vor.u32 v15, v8;
	v15 =	vsub.s32 v4, v13  }
0x199: {  	v13 =	vsel vm15, v13, v62;
	[tilespmem:v2+s28+$0x0] =	vst.idx.msk vm3, v1;
	v1 =	vsub.f32 v6, v21;
	v2 =	vcvt.s32.f32 v15;
	s24 =	spop (v2sf)  }
0x19a: {  	v6 =	vnsel vm2, $0x0, v48;
	v15 =	vadd.f32 v26, v16;
	[tilespmem:v10+s25+$0x0] =	vst.idx.msk vm4, v7;
	v7 =	vperm.xlane v12, v13;
	p1 =	slt.u32 s24, $0x80000060  }
.Ltmp7:
0x19b: {  	v6 =	vperm.xlane v6, v13;
	[tilespmem:v10+s26+$0x0] =	vst.idx.msk vm4, v1;
	v1 =	vadd.f32 v2, v2;
	(pc) =	sbr.rel @p1 .LBB2_6-.Ltmp7, $4  }
0x19c: {  	[tilespmem:v10+s28+$0x0] =	vst.idx.msk vm4, v15;
	v2 =	vsub.f32 v60, v7  }
0x19d: {  	v1 =	vadd.f32 v6, v1;
	[tilespmem:v8+s25+$0x0] =	vst.idx.msk vm6, v9  }
0x19e: {  	[tilespmem:v8+s26+$0x0] =	vst.idx.msk vm6, v2  }
0x19f: {  	[tilespmem:v8+s28+$0x0] =	vst.idx.msk vm6, v1  }
0x1a0: {  	p2 =	sne.s32 s8, $0x0  }
.Ltmp8:
0x1a1: {  	_ = 	snop;
	(pc) =	sbr.rel @!p2 .LBB2_8-.Ltmp8, $2  }
0x1a2: {  	_ =	sdelay $0x2  }
0x1a3: {  	p1 =	slt.s32 s13, $0x1  }
0x1a4: {  	[spmem:s5] =	stream.indirect.scatter.add.f32 [tilespmem:s20], [sflag:$0x3], $0x1, s2, s29, $0xb8;
	[tilespmem:$0xAE00] =	vst v63  }
0x1a5: {  	_ = 	snop  }
0x1a6: {  	[spmem:s6] =	stream.indirect.scatter.add.f32 [tilespmem:s7], [sflag:$0x3], $0x1, s2, s29, $0xb8;
	[tilespmem:$0xAE00] =	vst v63  }
0x1a7: {  	_ = 	snop  }
0x1a8: {  	[spmem:s5] =	stream.indirect.scatter.add.f32 [tilespmem:s11], [sflag:$0x3], $0x1, s10, s29, $0xb8;
	[tilespmem:$0xAE00] =	vst v63  }
0x1a9: {  	s0 =	simm.s32 @!p1 $0x2  }
0x1aa: {  	[spmem:s6] =	stream.indirect.scatter.add.f32 [tilespmem:s12], [sflag:$0x3], $0x1, s10, s29, $0xb8;
	[tilespmem:$0xAE00] =	vst v63  }
0x1ab: {  	_ =	swait.ge @!p1 [sflag:s0], $0x80  }
0x1ac: {  	[sflag:s0] =	ssyncset.done @!p1 $0x0  }
0x1ad: {  	[sflag:s0] =	ssyncadd.s32 @!p1 $0xFFFFFF80  }
0x1ae: {  	_ =	swait.ge @!p1 [sflag:s0], $0x80  }
0x1af: {  	[sflag:s0] =	ssyncset.done @!p1 $0x0  }
0x1b0: {  	[sflag:s0] =	ssyncadd.s32 @!p1 $0xFFFFFF80  }
0x1b1: {  	_ =	swait.ge @!p1 [sflag:s0], $0x80  }
0x1b2: {  	[sflag:s0] =	ssyncset.done @!p1 $0x0  }
0x1b3: {  	[sflag:s0] =	ssyncadd.s32 @!p1 $0xFFFFFF80  }
0x1b4: {  	_ =	swait.ge @!p1 [sflag:s0], $0x80  }
0x1b5: {  	[sflag:s0] =	ssyncset.done @!p1 $0x0  }
0x1b6: {  	[sflag:s0] =	ssyncadd.s32 @!p1 $0xFFFFFF80  }
0x1b7: {  	v1 =	vimm.f32 @!p1 $0.0e+00;
	[tilespmem:$0x7700] =	vst @!p1 v0  }
0x1b8: {  	[tilespmem:$0x7900] =	vst @!p1 v1  }
0x1b9: {  	[tilespmem:$0x7B00] =	vst @!p1 v1  }
0x1ba: {  	[tilespmem:$0x7780] =	vst @!p1 v0  }
0x1bb: {  	[tilespmem:$0x7980] =	vst @!p1 v1  }
0x1bc: {  	[tilespmem:$0x7B80] =	vst @!p1 v1  }
0x1bd: {  	[tilespmem:$0x7710] =	vst @!p1 v0  }
0x1be: {  	[tilespmem:$0x7910] =	vst @!p1 v1  }
0x1bf: {  	[tilespmem:$0x7B10] =	vst @!p1 v1  }
0x1c0: {  	[tilespmem:$0x7790] =	vst @!p1 v0  }
0x1c1: {  	[tilespmem:$0x7990] =	vst @!p1 v1  }
0x1c2: {  	[tilespmem:$0x7B90] =	vst @!p1 v1  }
0x1c3: {  	[tilespmem:$0x7720] =	vst @!p1 v0  }
0x1c4: {  	[tilespmem:$0x7920] =	vst @!p1 v1  }
0x1c5: {  	[tilespmem:$0x7B20] =	vst @!p1 v1  }
0x1c6: {  	[tilespmem:$0x77A0] =	vst @!p1 v0  }
0x1c7: {  	[tilespmem:$0x79A0] =	vst @!p1 v1  }
0x1c8: {  	[tilespmem:$0x7BA0] =	vst @!p1 v1  }
0x1c9: {  	[tilespmem:$0x7730] =	vst @!p1 v0  }
0x1ca: {  	[tilespmem:$0x7930] =	vst @!p1 v1  }
0x1cb: {  	[tilespmem:$0x7B30] =	vst @!p1 v1  }
0x1cc: {  	[tilespmem:$0x77B0] =	vst @!p1 v0  }
0x1cd: {  	[tilespmem:$0x79B0] =	vst @!p1 v1  }
0x1ce: {  	[tilespmem:$0x7BB0] =	vst @!p1 v1  }
0x1cf: {  	[tilespmem:$0x7740] =	vst @!p1 v0  }
0x1d0: {  	[tilespmem:$0x7940] =	vst @!p1 v1  }
0x1d1: {  	[tilespmem:$0x7B40] =	vst @!p1 v1  }
0x1d2: {  	[tilespmem:$0x77C0] =	vst @!p1 v0  }
0x1d3: {  	[tilespmem:$0x79C0] =	vst @!p1 v1  }
0x1d4: {  	[tilespmem:$0x7BC0] =	vst @!p1 v1  }
0x1d5: {  	[tilespmem:$0x7750] =	vst @!p1 v0  }
0x1d6: {  	[tilespmem:$0x7950] =	vst @!p1 v1  }
0x1d7: {  	[tilespmem:$0x7B50] =	vst @!p1 v1  }
0x1d8: {  	[tilespmem:$0x77D0] =	vst @!p1 v0  }
0x1d9: {  	[tilespmem:$0x79D0] =	vst @!p1 v1  }
0x1da: {  	[tilespmem:$0x7BD0] =	vst @!p1 v1  }
0x1db: {  	[tilespmem:$0x7760] =	vst @!p1 v0  }
0x1dc: {  	[tilespmem:$0x7960] =	vst @!p1 v1  }
0x1dd: {  	[tilespmem:$0x7B60] =	vst @!p1 v1  }
0x1de: {  	[tilespmem:$0x77E0] =	vst @!p1 v0  }
0x1df: {  	[tilespmem:$0x79E0] =	vst @!p1 v1  }
0x1e0: {  	[tilespmem:$0x7BE0] =	vst @!p1 v1  }
0x1e1: {  	[tilespmem:$0x7770] =	vst @!p1 v0  }
.Ltmp9:
0x1e2: {  	[tilespmem:$0x7970] =	vst @!p1 v1;
	(pc) =	sbr.rel .LBB2_10-.Ltmp9, $4  }
0x1e3: {  	[tilespmem:$0x7B70] =	vst @!p1 v1  }
0x1e4: {  	[tilespmem:$0x79F0] =	vst @!p1 v1  }
0x1e5: {  	[tilespmem:$0x7BF0] =	vst @!p1 v1;
	v1 =	vimm.s32 @!p1 $0x0  }
0x1e6: {  	[tilespmem:$0x77F0] =	vst @!p1 v0;
	v6 =	vpsel p1, $0x0, v1  }
.LBB2_8:
0x1e7: {  	[spmem:s5] =	stream.indirect.scatter.add.f32 [tilespmem:s26], [sflag:$0x2], $0x1, s25, s29, $0xb8;
	[tilespmem:$0xAE00] =	vst v63  }
0x1e8: {  	_ = 	snop  }
0x1e9: {  	[spmem:s6] =	stream.indirect.scatter.add.f32 [tilespmem:s28], [sflag:$0x2], $0x1, s25, s29, $0xb8;
	[tilespmem:$0xAE00] =	vst v63  }
0x1ea: {  	_ = 	snop  }
0x1eb: {  	[spmem:s5] =	stream.indirect.scatter.add.f32 [tilespmem:s31], [sflag:$0x2], $0x1, s30, s29, $0xb8;
	[tilespmem:$0xAE00] =	vst v63  }
0x1ec: {  	s0 =	simm.s32 @!p1 $0x3  }
0x1ed: {  	[spmem:s6] =	stream.indirect.scatter.add.f32 [tilespmem:s4], [sflag:$0x2], $0x1, s30, s29, $0xb8;
	[tilespmem:$0xAE00] =	vst v63  }
0x1ee: {  	_ =	swait.ge @!p1 [sflag:s0], $0x80  }
0x1ef: {  	[sflag:s0] =	ssyncset.done @!p1 $0x0  }
0x1f0: {  	[sflag:s0] =	ssyncadd.s32 @!p1 $0xFFFFFF80  }
0x1f1: {  	_ =	swait.ge @!p1 [sflag:s0], $0x80  }
0x1f2: {  	[sflag:s0] =	ssyncset.done @!p1 $0x0  }
0x1f3: {  	[sflag:s0] =	ssyncadd.s32 @!p1 $0xFFFFFF80  }
0x1f4: {  	_ =	swait.ge @!p1 [sflag:s0], $0x80  }
0x1f5: {  	[sflag:s0] =	ssyncset.done @!p1 $0x0  }
0x1f6: {  	[sflag:s0] =	ssyncadd.s32 @!p1 $0xFFFFFF80  }
0x1f7: {  	_ =	swait.ge @!p1 [sflag:s0], $0x80  }
0x1f8: {  	[sflag:s0] =	ssyncset.done @!p1 $0x0  }
0x1f9: {  	[sflag:s0] =	ssyncadd.s32 @!p1 $0xFFFFFF80  }
0x1fa: {  	v1 =	vimm.f32 @!p1 $0.0e+00;
	[tilespmem:$0x7800] =	vst @!p1 v0  }
0x1fb: {  	[tilespmem:$0x7A00] =	vst @!p1 v1  }
0x1fc: {  	[tilespmem:$0x7C00] =	vst @!p1 v1  }
0x1fd: {  	[tilespmem:$0x7880] =	vst @!p1 v0  }
0x1fe: {  	[tilespmem:$0x7A80] =	vst @!p1 v1  }
0x1ff: {  	[tilespmem:$0x7C80] =	vst @!p1 v1  }
0x200: {  	[tilespmem:$0x7810] =	vst @!p1 v0  }
0x201: {  	[tilespmem:$0x7A10] =	vst @!p1 v1  }
0x202: {  	[tilespmem:$0x7C10] =	vst @!p1 v1  }
0x203: {  	[tilespmem:$0x7890] =	vst @!p1 v0  }
0x204: {  	[tilespmem:$0x7A90] =	vst @!p1 v1  }
0x205: {  	[tilespmem:$0x7C90] =	vst @!p1 v1  }
0x206: {  	[tilespmem:$0x7820] =	vst @!p1 v0  }
0x207: {  	[tilespmem:$0x7A20] =	vst @!p1 v1  }
0x208: {  	[tilespmem:$0x7C20] =	vst @!p1 v1  }
0x209: {  	[tilespmem:$0x78A0] =	vst @!p1 v0  }
0x20a: {  	[tilespmem:$0x7AA0] =	vst @!p1 v1  }
0x20b: {  	[tilespmem:$0x7CA0] =	vst @!p1 v1  }
0x20c: {  	[tilespmem:$0x7830] =	vst @!p1 v0  }
0x20d: {  	[tilespmem:$0x7A30] =	vst @!p1 v1  }
0x20e: {  	[tilespmem:$0x7C30] =	vst @!p1 v1  }
0x20f: {  	[tilespmem:$0x78B0] =	vst @!p1 v0  }
0x210: {  	[tilespmem:$0x7AB0] =	vst @!p1 v1  }
0x211: {  	[tilespmem:$0x7CB0] =	vst @!p1 v1  }
0x212: {  	[tilespmem:$0x7840] =	vst @!p1 v0  }
0x213: {  	[tilespmem:$0x7A40] =	vst @!p1 v1  }
0x214: {  	[tilespmem:$0x7C40] =	vst @!p1 v1  }
0x215: {  	[tilespmem:$0x78C0] =	vst @!p1 v0  }
0x216: {  	[tilespmem:$0x7AC0] =	vst @!p1 v1  }
0x217: {  	[tilespmem:$0x7CC0] =	vst @!p1 v1  }
0x218: {  	[tilespmem:$0x7850] =	vst @!p1 v0  }
0x219: {  	[tilespmem:$0x7A50] =	vst @!p1 v1  }
0x21a: {  	[tilespmem:$0x7C50] =	vst @!p1 v1  }
0x21b: {  	[tilespmem:$0x78D0] =	vst @!p1 v0  }
0x21c: {  	[tilespmem:$0x7AD0] =	vst @!p1 v1  }
0x21d: {  	[tilespmem:$0x7CD0] =	vst @!p1 v1  }
0x21e: {  	[tilespmem:$0x7860] =	vst @!p1 v0  }
0x21f: {  	[tilespmem:$0x7A60] =	vst @!p1 v1  }
0x220: {  	[tilespmem:$0x7C60] =	vst @!p1 v1  }
0x221: {  	[tilespmem:$0x78E0] =	vst @!p1 v0  }
0x222: {  	[tilespmem:$0x7AE0] =	vst @!p1 v1  }
0x223: {  	[tilespmem:$0x7CE0] =	vst @!p1 v1  }
0x224: {  	[tilespmem:$0x7870] =	vst @!p1 v0  }
.Ltmp10:
0x225: {  	[tilespmem:$0x7A70] =	vst @!p1 v1;
	(pc) =	sbr.rel .LBB2_10-.Ltmp10, $4  }
0x226: {  	[tilespmem:$0x7C70] =	vst @!p1 v1  }
0x227: {  	[tilespmem:$0x7AF0] =	vst @!p1 v1  }
0x228: {  	[tilespmem:$0x7CF0] =	vst @!p1 v1;
	v1 =	vimm.s32 @!p1 $0x0  }
0x229: {  	[tilespmem:$0x78F0] =	vst @!p1 v0;
	v6 =	vpsel p1, $0x0, v1  }
.LBB2_11:
0x22a: {  	_ =	swait.ge [sflag:s21], $0xFA0  }
0x22b: {  	[sflag:s21] =	ssyncset.done $0x0  }
0x22c: {  	[sflag:s21] =	ssyncadd.s32 $0xFFFFF060  }
0x22d: {  	_ =	swait.ge [sflag:s21], $0xFA0  }
0x22e: {  	[sflag:s21] =	ssyncset.done $0x0  }
0x22f: {  	p1 =	seq.s32 s18, $0x18;
	s24 =	smov.u32 s1;
	[sflag:s21] =	ssyncadd.s32 $0xFFFFF060  }
0x230: {  	s0 =	sadd.s32 @!p1 s16, s15;
	s19 =	simm.s32 @!p1 $0x0;
	_ =	swait.ge [sflag:s21], $0xFB0  }
0x231: {  	s16 =	sshrl.u32 @!p1 s0, $0x3;
	s0 =	sadd.s32 @!p1 $0xFFFFFFF0, s0;
	[sflag:s21] =	ssyncset.done $0x0  }
0x232: {  	s17 =	sadd.s32 @!p1 s1, s16;
	s16 =	sadd.s32 @!p1 s3, s16;
	[sflag:s21] =	ssyncadd.s32 $0xFFFFF050  }
0x233: {  	[tilespmem:s19], [sflag:$0x1] =	stream.linear.gather @!p1 [hbm4b:s17+s19], $0xFA0, $0x38;
	[tilespmem:$0xAE00] =	vst v63  }
.Ltmp11:
0x234: {  	s0 =	sshrl.u32 @!p1 s0, $0x3;
	s17 =	simm.s32 @!p1 $0x1F80;
	(pc) =	sbr.rel .LBB2_12-.Ltmp11, $4  }
0x235: {  	[tilespmem:s17], [sflag:$0x1] =	stream.linear.gather @!p1 [hbm4b:s16+s19], $0xFA0, $0x38;
	[tilespmem:$0xAE00] =	vst v63  }
0x236: {  	s22 =	simm.s32 $0x4F61;
	s0 =	sadd.s32 @!p1 s14, s0;
	s16 =	simm.s32 @!p1 $0x3F00  }
0x237: {  	[tilespmem:s16], [sflag:$0x1] =	stream.linear.gather @!p1 [hbm4b:s0+s19], $0xFB0, $0x38;
	[tilespmem:$0xAE00] =	vst v63  }
0x238: {  	s17 =	simm.s32 $0x2FB0;
	s16 =	simm.s32 $0x0;
	s19 =	simm.s32 $0x1030  }
.LBB2_13:
0x239: {  	v6 =	vadd.s32 $0x1, v14  }
.LBB2_17:
0x23a: {  	p1 =	sgt.u32 s23, $0x8000005F  }
0x23b: {  	s0 =	simm.s32 $0x1;
	s23 =	sxor.u32 $0x1, s8;
	s16 =	sadd.s32 $0xA0, s16  }
0x23c: {  	s0 =	simm.s32 @!p1 $0x0;
	s8 =	smov.u32 @p1 s23;
	p1 =	sne.s32 s16, $0xFA0  }
.Ltmp12:
0x23d: {  	_ = 	snop;
	(pc) =	sbr.rel @!p1 .LBB2_18-.Ltmp12, $3  }
0x23e: {  	_ =	sdelay $0x1  }
0x23f: {  	s17 =	sadd.s32 $0xA0, s17  }
0x240: {  	s19 =	sadd.s32 $0xA0, s19;
	s22 =	sadd.s32 $0xA0, s22;
	s13 =	sadd.s32 s0, s13  }
.LBB2_12:
0x241: {  	v1 =	vld [tilespmem:s19+$0xFFFFFF70];
	_ =	sdelay $0x4  }
0x242: {  	v1 =	vsub.f32 $0.0e+00, v1;
	_ =	sdelay $0x1  }
0x243: {  	v1 =	vmul.f32 $1.442695020e+00, v1;
	_ =	sdelay $0x1  }
0x244: {  	(erf) = vpow2.f32 v1;
	_ =	sdelay $0x3  }
0x245: {  	v1 =	vld [tilespmem:s19+$0xFFFFFF80];
	_ =	sdelay $0x4  }
0x246: {  	v1 =	vsub.f32 $0.0e+00, v1;
	v2 =	vpop (erf)  }
0x247: {  	v2 =	vadd.f32 $1.000000000e+00, v2  }
0x248: {  	v1 =	vmul.f32 $1.442695020e+00, v1  }
0x249: {  	(erf) = vrcp.f32 v2  }
0x24a: {  	(erf) = vpow2.f32 v1;
	_ =	sdelay $0x3  }
0x24b: {  	v1 =	vld [tilespmem:s19+$0xFFFFFF90];
	_ =	sdelay $0x3  }
0x24c: {  	v22 =	vpop (erf)  }
0x24d: {  	v1 =	vsub.f32 $0.0e+00, v1;
	v2 =	vpop (erf)  }
0x24e: {  	v2 =	vadd.f32 $1.000000000e+00, v2  }
0x24f: {  	v1 =	vmul.f32 $1.442695020e+00, v1  }
0x250: {  	(erf) = vrcp.f32 v2  }
0x251: {  	(erf) = vpow2.f32 v1;
	_ =	sdelay $0x3  }
0x252: {  	v1 =	vld [tilespmem:s19+$0xFFFFFFA0];
	_ =	sdelay $0x3  }
0x253: {  	v21 =	vpop (erf)  }
0x254: {  	v1 =	vsub.f32 $0.0e+00, v1;
	v2 =	vpop (erf)  }
0x255: {  	v2 =	vadd.f32 $1.000000000e+00, v2  }
0x256: {  	v1 =	vmul.f32 $1.442695020e+00, v1  }
0x257: {  	(erf) = vrcp.f32 v2  }
0x258: {  	(erf) = vpow2.f32 v1;
	_ =	sdelay $0x3  }
0x259: {  	v1 =	vld [tilespmem:s19+$0xFFFFFFB0];
	_ =	sdelay $0x3  }
0x25a: {  	v23 =	vpop (erf)  }
0x25b: {  	v1 =	vsub.f32 $0.0e+00, v1;
	v2 =	vpop (erf)  }
0x25c: {  	v2 =	vadd.f32 $1.000000000e+00, v2  }
0x25d: {  	v1 =	vmul.f32 $1.442695020e+00, v1  }
0x25e: {  	(erf) = vrcp.f32 v2  }
0x25f: {  	(erf) = vpow2.f32 v1;
	_ =	sdelay $0x3  }
0x260: {  	v1 =	vld [tilespmem:s19+$0xFFFFFFC0];
	_ =	sdelay $0x3  }
0x261: {  	v24 =	vpop (erf)  }
0x262: {  	v1 =	vsub.f32 $0.0e+00, v1;
	v2 =	vpop (erf)  }
0x263: {  	v2 =	vadd.f32 $1.000000000e+00, v2  }
0x264: {  	v1 =	vmul.f32 $1.442695020e+00, v1  }
0x265: {  	(erf) = vrcp.f32 v2  }
0x266: {  	(erf) = vpow2.f32 v1;
	_ =	sdelay $0x2  }
0x267: {  	s23 =	sand.u32 $0x1FE0, s16  }
0x268: {  	v1 =	vld [tilespmem:s23+$0x1000];
	_ =	sdelay $0x3  }
0x269: {  	v26 =	vpop (erf)  }
0x26a: {  	v1 =	vsub.f32 $0.0e+00, v1;
	v2 =	vpop (erf)  }
0x26b: {  	v2 =	vadd.f32 $1.000000000e+00, v2  }
0x26c: {  	v1 =	vmul.f32 $1.442695020e+00, v1  }
0x26d: {  	(erf) = vrcp.f32 v2  }
0x26e: {  	(erf) = vpow2.f32 v1  }
0x26f: {  	v16 =	vld [tilespmem:s22+$0xFFFFFF6F]  }
0x270: {  	v15 =	vld [tilespmem:s22+$0xFFFFFF7F]  }
0x271: {  	v14 =	vld [tilespmem:s22+$0xFFFFFF8F]  }
0x272: {  	v1 =	vld [tilespmem:s19+$0xFFFFFFE0]  }
0x273: {  	v12 =	vld [tilespmem:s22+$0xFFFFFFAF]  }
0x274: {  	v11 =	vld [tilespmem:s22+$0xFFFFFFBF]  }
0x275: {  	v10 =	vld [tilespmem:s22+$0xFFFFFFCF]  }
0x276: {  	v8 =	vld [tilespmem:s22+$0xFFFFFFDF];
	v27 =	vpop (erf)  }
0x277: {  	v9 =	vld [tilespmem:s22+$0xFFFFFF8E];
	v1 =	vsub.f32 $0.0e+00, v1;
	v2 =	vpop (erf)  }
0x278: {  	v17 =	vld [tilespmem:s22+$0xFFFFFF9E];
	v2 =	vadd.f32 $1.000000000e+00, v2  }
0x279: {  	v18 =	vld [tilespmem:s22+$0xFFFFFFAE];
	v1 =	vmul.f32 $1.442695020e+00, v1  }
0x27a: {  	(erf) = vrcp.f32 v2;
	v2 =	vld [tilespmem:s22+$0xFFFFFF7E]  }
0x27b: {  	(erf) = vpow2.f32 v1;
	v1 =	vld [tilespmem:s22+$0xFFFFFF6E]  }
0x27c: {  	v49 =	vld [tilespmem:s19+$0xFFFFFFF0]  }
0x27d: {  	v13 =	vld [tilespmem:s23+$0x4F00]  }
0x27e: {  	v7 =	vld [tilespmem:s22+$0xFFFFFFEF]  }
0x27f: {  	v19 =	vld [tilespmem:s22+$0xFFFFFFBE];
	v28 =	vimm.s32 $0x0  }
0x280: {  	vm7 =	vne.s32 v14, v9;
	vm8 =	vne.s32 v15, v2;
	v2 =	vld [tilespmem:s22+$0xFFFFFFDE];
	vm9 =	vne.s32 v16, v1  }
0x281: {  	vm11 =	vne.s32 v12, v18;
	v50 =	vsub.f32 $0.0e+00, v49;
	v1 =	vld [tilespmem:s22+$0xFFFFFFCE];
	vm2 =	vmand vm9, vm0  }
0x282: {  	v25 =	vld [tilespmem:s22+$0xFFFFFFEE];
	vm10 =	vne.s32 v13, v17;
	vm3 =	vmand vm8, vm0;
	v44 =	vsel vm2, $0x1, v28  }
0x283: {  	v47 =	vld [tilespmem:s22+$0xFFFFFFFE];
	vm4 =	vmand vm10, vm0;
	v45 =	vsel vm3, $0x1, v28;
	vm2 =	vmand vm7, vm0;
	(xrf0) =	vadd.scan.msk.s32 $0xffff, v44  }
0x284: {  	v9 =	vld [tilespmem:s22+$0xFFFFFFFF];
	v17 =	vmul.f32 $1.442695020e+00, v50;
	vm3 =	vne.s32 v11, v19;
	v46 =	vsel vm2, $0x1, v28;
	(xrf0) =	vadd.scan.msk.s32 $0xffff, v45  }
0x285: {  	v48 =	vsel vm4, $0x1, v28;
	vm6 =	vmand vm3, vm0;
	v31 =	vpop (erf);
	vm2 =	vmand vm11, vm0;
	(xrf0) =	vadd.scan.msk.s32 $0xffff, v46  }
0x286: {  	v20 =	vpop (erf);
	vm5 =	vne.s32 v8, v2;
	vm4 =	vne.s32 v10, v1;
	v1 =	vsel vm2, $0x1, v28;
	(xrf0) =	vadd.scan.msk.s32 $0xffff, v48  }
0x287: {  	v20 =	vadd.f32 $1.000000000e+00, v20;
	vm2 =	vmand vm4, vm0;
	(xrf0) =	vadd.scan.msk.s32 $0xffff, v1;
	v1 =	vsel vm6, $0x1, v28  }
0x288: {  	vm12 =	vmand vm5, vm0;
	vm6 =	vne.s32 v7, v25;
	(xrf0) =	vadd.scan.msk.s32 $0xffff, v1;
	v1 =	vsel vm2, $0x1, v28  }
0x289: {  	vm13 =	vmand vm6, vm0;
	vm2 =	vne.s32 v9, v47;
	v2, _, _ =	vpop (xrf0);
	(xrf0) =	vadd.scan.msk.s32 $0xffff, v1;
	v1 =	vsel vm12, $0x1, v28  }
0x28a: {  	(erf) = vrcp.f32 v20;
	vm12 =	vmand vm2, vm0;
	v36, _, _ =	vpop (xrf0);
	(xrf0) =	vadd.scan.msk.s32 $0xffff, v1;
	v1 =	vsel vm13, $0x1, v28  }
0x28b: {  	v37, _, _ =	vpop (xrf0);
	(xrf0) =	vadd.scan.msk.s32 $0xffff, v1;
	v1 =	vsel vm12, $0x1, v28  }
0x28c: {  	(erf) = vpow2.f32 v17;
	v35, _, _ =	vpop (xrf0);
	(xrf0) =	vadd.scan.msk.s32 $0xffff, v1  }
0x28d: {  	v1 =	vnsel vm9, $0x80000000, v3;
	v34, _, _ =	vpop (xrf0)  }
0x28e: {  	(xrf0) =	vmax.scan.msk.u32 $0xffff, v1;
	v1 =	vnsel vm8, $0x80000000, v3;
	v33, _, _ =	vpop (xrf0)  }
0x28f: {  	v32, _, _ =	vpop (xrf0);
	(xrf0) =	vmax.scan.msk.u32 $0xffff, v1;
	v1 =	vnsel vm7, $0x80000000, v3  }
0x290: {  	v28, _, _ =	vpop (xrf0);
	(xrf0) =	vmax.scan.msk.u32 $0xffff, v1;
	v1 =	vnsel vm10, $0x80000000, v3  }
0x291: {  	v25, _, _ =	vpop (xrf0)  }
0x292: {  	v19, _, _ =	vpop (xrf0)  }
0x293: {  	v51 =	vnsel vm11, $0x80000000, v3;
	(xrf0) =	vmax.scan.msk.u32 $0xffff, v1;
	v1 =	vpop (erf)  }
0x294: {  	v52 =	vnsel vm3, $0x80000000, v3;
	v54 =	vnsel vm5, $0x80000000, v3;
	v53 =	vnsel vm4, $0x80000000, v3;
	v38, _, _ =	vpop (xrf0)  }
0x295: {  	v55 =	vnsel vm6, $0x80000000, v3;
	v2 =	vadd.s32 v6, v2;
	v56 =	vpop (erf);
	v45 =	vxor.u32 $0x80000000, v38  }
0x296: {  	(xrf0) =	vmax.scan.msk.u32 $0xffff, v51;
	v51 =	vadd.s32 $0x80000010, v38;
	vm12 =	vlt.s32 v38, $0x0;
	v39, _, _ =	vpop (xrf0);
	v17 =	vadd.f32 $1.000000000e+00, v56  }
0x297: {  	(xrf0) =	vmax.scan.msk.u32 $0xffff, v52;
	v52 =	vld [tilespmem:s17+$0xFFFFFF70];
	v51 =	vsel vm12, v45, v51;
	v45 =	vsub.s32 v4, v45;
	v46 =	vxor.u32 $0x80000000, v39  }
0x298: {  	(xrf2) =	vadd.scan.msk.f32 $0xffff, v22;
	v40, _, _ =	vpop (xrf0);
	v57 =	vadd.s32 $0x80000010, v39;
	vm13 =	vlt.s32 v39, $0x0;
	v45 =	vcvt.s32.f32 v45  }
0x299: {  	(xrf2) =	vadd.scan.msk.f32 $0xffff, v21;
	(erf) = vrcp.f32 v17;
	v47 =	vxor.u32 $0x80000000, v40;
	v58 =	vadd.s32 $0x80000010, v40  }
0x29a: {  	(xrf0) =	vmax.scan.msk.u32 $0xffff, v53;
	v41, _, _ =	vpop (xrf0);
	vm14 =	vlt.s32 v40, $0x0;
	v38 =	vsel vm13, v46, v57;
	v46 =	vsub.s32 v4, v46  }
0x29b: {  	v61 =	vld [tilespmem:s17+$0xFFFFFF90];
	(xrf0) =	vmax.scan.msk.u32 $0xffff, v54;
	v49 =	vxor.u32 $0x80000000, v41;
	v39 =	vsel vm14, v47, v58;
	v53 =	vadd.s32 $0x80000010, v41  }
0x29c: {  	(xrf0) =	vmax.scan.msk.u32 $0xffff, v55;
	v42, _, _ =	vpop (xrf0);
	vm12 =	vlt.s32 v41, $0x0;
	v52 =	vnsel vm9, $0x0, v52;
	v58 =	vperm.xlane v2, v5  }
0x29d: {  	(xrf2) =	vadd.scan.msk.f32 $0xffff, v23;
	v54 =	vld [tilespmem:s17+$0xFFFFFF80];
	v46 =	vcvt.s32.f32 v46;
	v47 =	vsub.s32 v4, v47;
	v30 =	vxor.u32 $0x80000000, v42  }
0x29e: {  	(xrf2) =	vadd.scan.msk.f32 $0xffff, v24;
	v40 =	vld [tilespmem:s19+$0x0];
	v43, _, _ =	vpop (xrf0);
	v59 =	vadd.s32 $0x80000010, v42;
	vm13 =	vlt.s32 v42, $0x0;
	v53 =	vsel vm12, v49, v53  }
0x29f: {  	(xrf2) =	vadd.scan.msk.f32 $0xffff, v26;
	v47 =	vcvt.s32.f32 v47;
	v29 =	vxor.u32 $0x80000000, v43;
	v60 =	vadd.s32 $0x80000010, v43  }
0x2a0: {  	(xrf2) =	vadd.scan.msk.f32 $0xffff, v27;
	vm14 =	vlt.s32 v43, $0x0;
	v41 =	vsel vm13, v30, v59;
	v43 =	vnsel vm7, $0x0, v61;
	v44, _, _ =	vpop (xrf0)  }
0x2a1: {  	v36 =	vadd.s32 v58, v36;
	v46 =	vadd.f32 v46, v46;
	v48, _, _ =	vpop (xrf0);
	v56 =	vadd.s32 $0x80000010, v44  }
0x2a2: {  	(xrf2) =	vadd.scan.msk.f32 $0xffff, v31;
	v55 =	vld [tilespmem:s17+$0xFFFFFFA0];
	v42 =	vsel vm14, v29, v60;
	v54 =	vnsel vm8, $0x0, v54;
	v20 =	vxor.u32 $0x80000000, v44;
	v50, _, _ =	vpop (xrf0)  }
0x2a3: {  	vm12 =	vlt.s32 v44, $0x0;
	v40 =	vsub.f32 $0.0e+00, v40;
	v17 =	vxor.u32 $0x80000000, v50  }
0x2a4: {  	(xrf2) =	vadd.scan.msk.f32 $0xffff, v1;
	v63 =	vadd.s32 $0x80000010, v50;
	vm14 =	vlt.s32 v50, $0x0;
	v50 =	vsel vm12, v20, v56;
	v56, _, _ =	vpop (xrf2)  }
0x2a5: {  	v36 =	vadd.s32 $0x1, v36;
	v40 =	vmul.f32 $1.442695020e+00, v40;
	v6, _, _ =	vpop (xrf2);
	v22 =	vsub.f32 v56, v22  }
0x2a6: {  	v18 =	vxor.u32 $0x80000000, v48;
	v62 =	vadd.s32 $0x80000010, v48;
	vm13 =	vlt.s32 v48, $0x0;
	v59 =	vpop (erf)  }
0x2a7: {  	v55 =	vnsel vm10, $0x0, v55;
	v44 =	vsel vm13, v18, v62;
	v60, _, _ =	vpop (xrf2);
	(xrf2) =	vadd.scan.msk.f32 $0xffff, v59;
	v22 =	vperm.xlane v22, v51  }
0x2a8: {  	v48 =	vsel vm14, v17, v63;
	(erf) = vpow2.f32 v40;
	v21 =	vsub.f32 v6, v21;
	v58, _, _ =	vpop (xrf2)  }
0x2a9: {  	v23 =	vsub.f32 v60, v23;
	v40, _, _ =	vpop (xrf2);
	v56 =	vsub.f32 v56, v22;
	v22 =	vperm.xlane v36, v5  }
0x2aa: {  	v24 =	vsub.f32 v58, v24;
	v21 =	vperm.xlane v21, v38;
	v61, _, _ =	vpop (xrf2);
	v26 =	vsub.f32 v40, v26  }
0x2ab: {  	v23 =	vperm.xlane v23, v39;
	v27 =	vsub.f32 v61, v27;
	v22 =	vadd.s32 v22, v37  }
0x2ac: {  	v24 =	vperm.xlane v24, v53;
	v62 =	vsub.f32 v6, v21;
	v37, _, _ =	vpop (xrf2);
	v63 =	vadd.s32 $0x1, v22  }
0x2ad: {  	v57 =	vld [tilespmem:s17+$0xFFFFFFB0];
	v60 =	vsub.f32 v60, v23;
	v6 =	vsub.f32 v37, v31;
	v22 =	vperm.xlane v63, v5  }
0x2ae: {  	v23 =	vperm.xlane v26, v41;
	v21, _, _ =	vpop (xrf2);
	v31 =	vsub.f32 v58, v24;
	v24 =	vperm.xlane v27, v42  }
0x2af: {  	v1 =	vsub.f32 v21, v1;
	v58 =	vperm.xlane v6, v50;
	v22 =	vadd.s32 v22, v35  }
0x2b0: {  	v27 =	vsub.f32 v40, v23;
	v40 =	vld [tilespmem:s17+$0xFFFFFFC0];
	v24 =	vsub.f32 v61, v24;
	v35 =	vadd.s32 $0x1, v22  }
0x2b1: {  	v1 =	vperm.xlane v1, v44;
	v6, _, _ =	vpop (xrf2);
	v23 =	vsub.f32 v37, v58;
	v37 =	vld [tilespmem:s23+$0x2F80];
	v61 =	vperm.xlane v35, v5  }
0x2b2: {  	v57 =	vnsel vm11, $0x0, v57;
	v38 =	vperm.xlane v54, v38;
	v58 =	vsub.f32 v6, v59;
	v59 =	vld [tilespmem:s17+$0xFFFFFFE0]  }
0x2b3: {  	v22 =	vsub.f32 v21, v1;
	v1 =	vperm.xlane v52, v51;
	v52 =	vld [tilespmem:s22+$0xFFFFFF70];
	v26 =	vadd.s32 v61, v34  }
0x2b4: {  	v39 =	vperm.xlane v43, v39;
	v41 =	vperm.xlane v57, v41;
	v61 =	vld [tilespmem:s17+$0xFFFFFFF0];
	v43 =	vadd.s32 $0x1, v26  }
0x2b5: {  	v38 =	vadd.f32 v38, v46;
	v21 =	vperm.xlane v58, v48;
	v58 =	vperm.xlane v43, v5  }
0x2b6: {  	v57 =	vadd.f32 v47, v47;
	v51 =	vperm.xlane v55, v53;
	v40 =	vnsel vm3, $0x0, v40  }
0x2b7: {  	v40 =	vperm.xlane v40, v42;
	v37 =	vnsel vm4, $0x0, v37;
	v33 =	vadd.s32 v58, v33  }
0x2b8: {  	v26 =	vnsel vm5, $0x0, v59;
	v37 =	vperm.xlane v37, v50;
	v33 =	vadd.s32 $0x1, v33  }
0x2b9: {  	vm3 =	vne.s32 v16, v52;
	v34 =	vnsel vm6, $0x0, v61;
	v61 =	vld [tilespmem:s22+$0xFFFFFF80];
	v55 =	vperm.xlane v33, v5  }
0x2ba: {  	v46 =	vld [tilespmem:s22+$0x0];
	v59 =	vadd.f32 v45, v45;
	v44 =	vperm.xlane v26, v44;
	vm3 =	vmor vm3, vm1  }
0x2bb: {  	s1 =	sshll.u32 s8, $0x8;
	v47 =	vld [tilespmem:s22+$0xFFFFFFB0];
	v58 =	vand.u32 $0xFFFFFF80, v2;
	v2 =	vand.u32 $0x7F, v2;
	v32 =	vadd.s32 v55, v32  }
0x2bc: {  	v50 =	vld [tilespmem:s22+$0xFFFFFF90];
	v26 =	vperm.xlane v34, v48;
	v34 =	vadd.s32 s1, v58;
	v32 =	vadd.s32 $0x1, v32  }
0x2bd: {  	v53 =	vld [tilespmem:s22+$0xFFFFFFF0];
	v1 =	vadd.f32 v1, v59;
	v2 =	vor.u32 v2, v34;
	v59 =	vperm.xlane v32, v5  }
0x2be: {  	v42 =	vld [tilespmem:s22+$0xFFFFFFA0];
	vm15 =	vne.s32 v15, v61;
	v61 =	vand.u32 $0xFFFFFF80, v36;
	v36 =	vand.u32 $0x7F, v36  }
0x2bf: {  	v52 =	vld [tilespmem:s22+$0xFFFFFFD0];
	vm4 =	vmor vm15, vm1;
	v55 =	vadd.s32 s1, v61;
	v28 =	vadd.s32 v59, v28  }
0x2c0: {  	v39 =	vadd.f32 v39, v57;
	v45 =	vld [tilespmem:s17+$0x0];
	v36 =	vor.u32 v36, v55;
	v28 =	vadd.s32 $0x1, v28  }
0x2c1: {  	v48 =	vld [tilespmem:s22+$0xFFFFFFC0];
	v58 =	vand.u32 $0xFFFFFF80, v63;
	vm8 =	vne.s32 v14, v50;
	v57 =	vperm.xlane v28, v5  }
0x2c2: {  	v34 =	vld [tilespmem:s22+$0xFFFFFFE0];
	v54 =	vadd.s32 s1, v58;
	vm5 =	vmor vm8, vm1;
	v61 =	vand.u32 $0x7F, v63;
	[tilespmem:v2+s25+$0x0] =	vst.idx.msk vm3, v16  }
0x2c3: {  	v63 =	vor.u32 v61, v54;
	[tilespmem:v2+s26+$0x0] =	vst.idx.msk vm3, v56;
	v25 =	vadd.s32 v57, v25  }
0x2c4: {  	[tilespmem:v2+s28+$0x0] =	vst.idx.msk vm3, v1;
	v25 =	vadd.s32 $0x1, v25  }
0x2c5: {  	v49 =	vsub.s32 v4, v49;
	[tilespmem:v36+s25+$0x0] =	vst.idx.msk vm4, v15;
	v15 =	vperm.xlane v25, v5  }
0x2c6: {  	v49 =	vcvt.s32.f32 v49;
	v59 =	vpop (erf);
	vm3 =	vne.s32 v13, v42;
	[tilespmem:v36+s26+$0x0] =	vst.idx.msk vm4, v62  }
0x2c7: {  	v16 =	vadd.f32 $1.000000000e+00, v59;
	[tilespmem:v36+s28+$0x0] =	vst.idx.msk vm4, v38;
	v38 =	vand.u32 $0xFFFFFF80, v35;
	v15 =	vadd.s32 v15, v19  }
0x2c8: {  	[tilespmem:v63+s25+$0x0] =	vst.idx.msk vm5, v14;
	v14 =	vand.u32 $0x7F, v35;
	v19 =	vadd.s32 s1, v38;
	v15 =	vadd.s32 $0x1, v15  }
0x2c9: {  	vm3 =	vmor vm3, vm1;
	v19 =	vor.u32 v14, v19;
	v14 =	vperm.xlane v15, v5  }
0x2ca: {  	v42 =	vnsel vm2, $0x80000000, v3  }
0x2cb: {  	v49 =	vadd.f32 v49, v49;
	(xrf0) =	vmax.scan.msk.u32 $0xffff, v42;
	(erf) = vrcp.f32 v16;
	v50 =	vadd.s32 $0x80000001, v14  }
0x2cc: {  	v20 =	vsub.s32 v4, v20;
	(xrf0) =	vmax.scan.msk.u32 $0xffff, v50  }
0x2cd: {  	v18 =	vsub.s32 v4, v18;
	v1 =	vadd.f32 v51, v49;
	[tilespmem:v63+s26+$0x0] =	vst.idx.msk vm5, v60  }
0x2ce: {  	vm9 =	vne.s32 v12, v47;
	vm10 =	vne.s32 v11, v48;
	[tilespmem:v63+s28+$0x0] =	vst.idx.msk vm5, v39  }
0x2cf: {  	v2 =	vsub.s32 v4, v30;
	v30 =	vsub.s32 v4, v29;
	v49 =	vand.u32 $0xFFFFFF80, v43;
	[tilespmem:v19+s25+$0x0] =	vst.idx.msk vm3, v13  }
0x2d0: {  	v51 =	vand.u32 $0x7F, v43;
	v29 =	vadd.s32 s1, v49;
	vm4 =	vmor vm9, vm1;
	[tilespmem:v19+s26+$0x0] =	vst.idx.msk vm3, v31  }
0x2d1: {  	v20 =	vcvt.s32.f32 v20;
	vm11 =	vmor vm10, vm1;
	v29 =	vor.u32 v51, v29;
	[tilespmem:v19+s28+$0x0] =	vst.idx.msk vm3, v1;
	v1, _, _ =	vpop (xrf0)  }
0x2d2: {  	v2 =	vcvt.s32.f32 v2;
	v16 =	vcvt.s32.f32 v30;
	v13 =	vand.u32 $0xFFFFFF80, v33;
	v56, _, _ =	vpop (xrf0)  }
0x2d3: {  	v33 =	vand.u32 $0x7F, v33;
	v13 =	vadd.s32 s1, v13;
	(v2sf) =	vpush v56, $0xF  }
0x2d4: {  	v17 =	vsub.s32 v4, v17;
	v2 =	vadd.f32 v2, v2;
	v54 =	vpop (erf);
	v13 =	vor.u32 v33, v13  }
0x2d5: {  	v18 =	vcvt.s32.f32 v18;
	v17 =	vcvt.s32.f32 v17;
	v16 =	vadd.f32 v16, v16;
	(xrf2) =	vadd.scan.msk.f32 $0xffff, v54  }
0x2d6: {  	v55 =	vand.u32 $0xFFFFFF80, v32;
	v2 =	vadd.f32 v41, v2;
	vm3 =	vne.s32 v10, v52;
	[tilespmem:v29+s25+$0x0] =	vst.idx.msk vm4, v12  }
0x2d7: {  	v19 =	vadd.s32 s1, v55;
	vm12 =	vmor vm3, vm1;
	v12 =	vand.u32 $0x7F, v32;
	[tilespmem:v29+s26+$0x0] =	vst.idx.msk vm4, v27  }
0x2d8: {  	v17 =	vadd.f32 v17, v17;
	v58 =	vand.u32 $0xFFFFFF80, v28;
	v12 =	vor.u32 v12, v19;
	[tilespmem:v29+s28+$0x0] =	vst.idx.msk vm4, v2  }
0x2d9: {  	v59 =	vand.u32 $0x7F, v28;
	v16 =	vadd.f32 v40, v16;
	vm3 =	vne.s32 v8, v34;
	[tilespmem:v13+s25+$0x0] =	vst.idx.msk vm11, v11  }
0x2da: {  	vm3 =	vmor vm3, vm1;
	v2 =	vadd.f32 v18, v18;
	v18 =	vadd.s32 s1, v58;
	[tilespmem:v13+s26+$0x0] =	vst.idx.msk vm11, v24  }
0x2db: {  	v57 =	vadd.f32 v20, v20;
	v11 =	vor.u32 v59, v18;
	[tilespmem:v13+s28+$0x0] =	vst.idx.msk vm11, v16;
	v13 =	vand.u32 $0xFFFFFF80, v25  }
0x2dc: {  	vm14 =	vne.s32 v9, v46;
	vm13 =	vne.s32 v7, v53;
	v13 =	vadd.s32 s1, v13  }
0x2dd: {  	v60 =	vand.u32 $0x7F, v25;
	v19 =	vadd.f32 v37, v57;
	vm4 =	vmor vm13, vm1;
	[tilespmem:v12+s25+$0x0] =	vst.idx.msk vm12, v10  }
0x2de: {  	vm6 =	vmor vm14, vm1;
	v62 =	vand.u32 $0xFFFFFF80, v15;
	[tilespmem:v12+s26+$0x0] =	vst.idx.msk vm12, v23;
	v10 =	vor.u32 v60, v13  }
0x2df: {  	v15 =	vand.u32 $0x7F, v15;
	v61 =	vxor.u32 $0x80000000, v1;
	vm15 =	vlt.s32 v1, $0x0;
	[tilespmem:v12+s28+$0x0] =	vst.idx.msk vm12, v19;
	v13, _, _ =	vpop (xrf2)  }
0x2e0: {  	v2 =	vadd.f32 v44, v2;
	[tilespmem:v11+s25+$0x0] =	vst.idx.msk vm3, v8;
	v8 =	vadd.s32 s1, v62;
	v12 =	vsub.f32 v13, v54  }
0x2e1: {  	v1 =	vadd.s32 $0x80000010, v1;
	[tilespmem:v11+s26+$0x0] =	vst.idx.msk vm3, v22;
	v8 =	vor.u32 v15, v8;
	v15 =	vsub.s32 v4, v61  }
0x2e2: {  	v1 =	vsel vm15, v61, v1;
	[tilespmem:v11+s28+$0x0] =	vst.idx.msk vm3, v2;
	v2 =	vsub.f32 v6, v21;
	v6 =	vcvt.s32.f32 v15;
	s23 =	spop (v2sf)  }
0x2e3: {  	v63 =	vnsel vm2, $0x0, v45;
	v15 =	vadd.f32 v26, v17;
	[tilespmem:v10+s25+$0x0] =	vst.idx.msk vm4, v7;
	v7 =	vperm.xlane v12, v1;
	p1 =	slt.u32 s23, $0x80000060  }
.Ltmp13:
0x2e4: {  	v1 =	vperm.xlane v63, v1;
	[tilespmem:v10+s26+$0x0] =	vst.idx.msk vm4, v2;
	v2 =	vadd.f32 v6, v6;
	(pc) =	sbr.rel @p1 .LBB2_13-.Ltmp13, $4  }
0x2e5: {  	[tilespmem:v10+s28+$0x0] =	vst.idx.msk vm4, v15;
	v6 =	vsub.f32 v13, v7  }
0x2e6: {  	v1 =	vadd.f32 v1, v2;
	[tilespmem:v8+s25+$0x0] =	vst.idx.msk vm6, v9  }
0x2e7: {  	[tilespmem:v8+s26+$0x0] =	vst.idx.msk vm6, v6  }
0x2e8: {  	[tilespmem:v8+s28+$0x0] =	vst.idx.msk vm6, v1  }
0x2e9: {  	p2 =	sne.s32 s8, $0x0  }
.Ltmp14:
0x2ea: {  	_ = 	snop;
	(pc) =	sbr.rel @!p2 .LBB2_15-.Ltmp14, $2  }
0x2eb: {  	_ =	sdelay $0x2  }
0x2ec: {  	p1 =	slt.s32 s13, $0x1  }
0x2ed: {  	[spmem:s5] =	stream.indirect.scatter.add.f32 [tilespmem:s20], [sflag:$0x3], $0x1, s2, s29, $0xb8;
	[tilespmem:$0xAE00] =	vst v63  }
0x2ee: {  	_ = 	snop  }
0x2ef: {  	[spmem:s6] =	stream.indirect.scatter.add.f32 [tilespmem:s7], [sflag:$0x3], $0x1, s2, s29, $0xb8;
	[tilespmem:$0xAE00] =	vst v63  }
0x2f0: {  	_ = 	snop  }
0x2f1: {  	[spmem:s5] =	stream.indirect.scatter.add.f32 [tilespmem:s11], [sflag:$0x3], $0x1, s10, s29, $0xb8;
	[tilespmem:$0xAE00] =	vst v63  }
0x2f2: {  	s0 =	simm.s32 @!p1 $0x2  }
0x2f3: {  	[spmem:s6] =	stream.indirect.scatter.add.f32 [tilespmem:s12], [sflag:$0x3], $0x1, s10, s29, $0xb8;
	[tilespmem:$0xAE00] =	vst v63  }
0x2f4: {  	_ =	swait.ge @!p1 [sflag:s0], $0x80  }
0x2f5: {  	[sflag:s0] =	ssyncset.done @!p1 $0x0  }
0x2f6: {  	[sflag:s0] =	ssyncadd.s32 @!p1 $0xFFFFFF80  }
0x2f7: {  	_ =	swait.ge @!p1 [sflag:s0], $0x80  }
0x2f8: {  	[sflag:s0] =	ssyncset.done @!p1 $0x0  }
0x2f9: {  	[sflag:s0] =	ssyncadd.s32 @!p1 $0xFFFFFF80  }
0x2fa: {  	_ =	swait.ge @!p1 [sflag:s0], $0x80  }
0x2fb: {  	[sflag:s0] =	ssyncset.done @!p1 $0x0  }
0x2fc: {  	[sflag:s0] =	ssyncadd.s32 @!p1 $0xFFFFFF80  }
0x2fd: {  	_ =	swait.ge @!p1 [sflag:s0], $0x80  }
0x2fe: {  	[sflag:s0] =	ssyncset.done @!p1 $0x0  }
0x2ff: {  	[sflag:s0] =	ssyncadd.s32 @!p1 $0xFFFFFF80  }
0x300: {  	v1 =	vimm.f32 @!p1 $0.0e+00;
	[tilespmem:$0x7700] =	vst @!p1 v0  }
0x301: {  	[tilespmem:$0x7900] =	vst @!p1 v1  }
0x302: {  	[tilespmem:$0x7B00] =	vst @!p1 v1  }
0x303: {  	[tilespmem:$0x7780] =	vst @!p1 v0  }
0x304: {  	[tilespmem:$0x7980] =	vst @!p1 v1  }
0x305: {  	[tilespmem:$0x7B80] =	vst @!p1 v1  }
0x306: {  	[tilespmem:$0x7710] =	vst @!p1 v0  }
0x307: {  	[tilespmem:$0x7910] =	vst @!p1 v1  }
0x308: {  	[tilespmem:$0x7B10] =	vst @!p1 v1  }
0x309: {  	[tilespmem:$0x7790] =	vst @!p1 v0  }
0x30a: {  	[tilespmem:$0x7990] =	vst @!p1 v1  }
0x30b: {  	[tilespmem:$0x7B90] =	vst @!p1 v1  }
0x30c: {  	[tilespmem:$0x7720] =	vst @!p1 v0  }
0x30d: {  	[tilespmem:$0x7920] =	vst @!p1 v1  }
0x30e: {  	[tilespmem:$0x7B20] =	vst @!p1 v1  }
0x30f: {  	[tilespmem:$0x77A0] =	vst @!p1 v0  }
0x310: {  	[tilespmem:$0x79A0] =	vst @!p1 v1  }
0x311: {  	[tilespmem:$0x7BA0] =	vst @!p1 v1  }
0x312: {  	[tilespmem:$0x7730] =	vst @!p1 v0  }
0x313: {  	[tilespmem:$0x7930] =	vst @!p1 v1  }
0x314: {  	[tilespmem:$0x7B30] =	vst @!p1 v1  }
0x315: {  	[tilespmem:$0x77B0] =	vst @!p1 v0  }
0x316: {  	[tilespmem:$0x79B0] =	vst @!p1 v1  }
0x317: {  	[tilespmem:$0x7BB0] =	vst @!p1 v1  }
0x318: {  	[tilespmem:$0x7740] =	vst @!p1 v0  }
0x319: {  	[tilespmem:$0x7940] =	vst @!p1 v1  }
0x31a: {  	[tilespmem:$0x7B40] =	vst @!p1 v1  }
0x31b: {  	[tilespmem:$0x77C0] =	vst @!p1 v0  }
0x31c: {  	[tilespmem:$0x79C0] =	vst @!p1 v1  }
0x31d: {  	[tilespmem:$0x7BC0] =	vst @!p1 v1  }
0x31e: {  	[tilespmem:$0x7750] =	vst @!p1 v0  }
0x31f: {  	[tilespmem:$0x7950] =	vst @!p1 v1  }
0x320: {  	[tilespmem:$0x7B50] =	vst @!p1 v1  }
0x321: {  	[tilespmem:$0x77D0] =	vst @!p1 v0  }
0x322: {  	[tilespmem:$0x79D0] =	vst @!p1 v1  }
0x323: {  	[tilespmem:$0x7BD0] =	vst @!p1 v1  }
0x324: {  	[tilespmem:$0x7760] =	vst @!p1 v0  }
0x325: {  	[tilespmem:$0x7960] =	vst @!p1 v1  }
0x326: {  	[tilespmem:$0x7B60] =	vst @!p1 v1  }
0x327: {  	[tilespmem:$0x77E0] =	vst @!p1 v0  }
0x328: {  	[tilespmem:$0x79E0] =	vst @!p1 v1  }
0x329: {  	[tilespmem:$0x7BE0] =	vst @!p1 v1  }
0x32a: {  	[tilespmem:$0x7770] =	vst @!p1 v0  }
.Ltmp15:
0x32b: {  	[tilespmem:$0x7970] =	vst @!p1 v1;
	(pc) =	sbr.rel .LBB2_17-.Ltmp15, $4  }
0x32c: {  	[tilespmem:$0x7B70] =	vst @!p1 v1  }
0x32d: {  	[tilespmem:$0x79F0] =	vst @!p1 v1  }
0x32e: {  	[tilespmem:$0x7BF0] =	vst @!p1 v1;
	v1 =	vimm.s32 @!p1 $0x0  }
0x32f: {  	[tilespmem:$0x77F0] =	vst @!p1 v0;
	v6 =	vpsel p1, $0x0, v1  }
.LBB2_15:
0x330: {  	[spmem:s5] =	stream.indirect.scatter.add.f32 [tilespmem:s26], [sflag:$0x2], $0x1, s25, s29, $0xb8;
	[tilespmem:$0xAE00] =	vst v63  }
0x331: {  	_ = 	snop  }
0x332: {  	[spmem:s6] =	stream.indirect.scatter.add.f32 [tilespmem:s28], [sflag:$0x2], $0x1, s25, s29, $0xb8;
	[tilespmem:$0xAE00] =	vst v63  }
0x333: {  	_ = 	snop  }
0x334: {  	[spmem:s5] =	stream.indirect.scatter.add.f32 [tilespmem:s31], [sflag:$0x2], $0x1, s30, s29, $0xb8;
	[tilespmem:$0xAE00] =	vst v63  }
0x335: {  	s0 =	simm.s32 @!p1 $0x3  }
0x336: {  	[spmem:s6] =	stream.indirect.scatter.add.f32 [tilespmem:s4], [sflag:$0x2], $0x1, s30, s29, $0xb8;
	[tilespmem:$0xAE00] =	vst v63  }
0x337: {  	_ =	swait.ge @!p1 [sflag:s0], $0x80  }
0x338: {  	[sflag:s0] =	ssyncset.done @!p1 $0x0  }
0x339: {  	[sflag:s0] =	ssyncadd.s32 @!p1 $0xFFFFFF80  }
0x33a: {  	_ =	swait.ge @!p1 [sflag:s0], $0x80  }
0x33b: {  	[sflag:s0] =	ssyncset.done @!p1 $0x0  }
0x33c: {  	[sflag:s0] =	ssyncadd.s32 @!p1 $0xFFFFFF80  }
0x33d: {  	_ =	swait.ge @!p1 [sflag:s0], $0x80  }
0x33e: {  	[sflag:s0] =	ssyncset.done @!p1 $0x0  }
0x33f: {  	[sflag:s0] =	ssyncadd.s32 @!p1 $0xFFFFFF80  }
0x340: {  	_ =	swait.ge @!p1 [sflag:s0], $0x80  }
0x341: {  	[sflag:s0] =	ssyncset.done @!p1 $0x0  }
0x342: {  	[sflag:s0] =	ssyncadd.s32 @!p1 $0xFFFFFF80  }
0x343: {  	v1 =	vimm.f32 @!p1 $0.0e+00;
	[tilespmem:$0x7800] =	vst @!p1 v0  }
0x344: {  	[tilespmem:$0x7A00] =	vst @!p1 v1  }
0x345: {  	[tilespmem:$0x7C00] =	vst @!p1 v1  }
0x346: {  	[tilespmem:$0x7880] =	vst @!p1 v0  }
0x347: {  	[tilespmem:$0x7A80] =	vst @!p1 v1  }
0x348: {  	[tilespmem:$0x7C80] =	vst @!p1 v1  }
0x349: {  	[tilespmem:$0x7810] =	vst @!p1 v0  }
0x34a: {  	[tilespmem:$0x7A10] =	vst @!p1 v1  }
0x34b: {  	[tilespmem:$0x7C10] =	vst @!p1 v1  }
0x34c: {  	[tilespmem:$0x7890] =	vst @!p1 v0  }
0x34d: {  	[tilespmem:$0x7A90] =	vst @!p1 v1  }
0x34e: {  	[tilespmem:$0x7C90] =	vst @!p1 v1  }
0x34f: {  	[tilespmem:$0x7820] =	vst @!p1 v0  }
0x350: {  	[tilespmem:$0x7A20] =	vst @!p1 v1  }
0x351: {  	[tilespmem:$0x7C20] =	vst @!p1 v1  }
0x352: {  	[tilespmem:$0x78A0] =	vst @!p1 v0  }
0x353: {  	[tilespmem:$0x7AA0] =	vst @!p1 v1  }
0x354: {  	[tilespmem:$0x7CA0] =	vst @!p1 v1  }
0x355: {  	[tilespmem:$0x7830] =	vst @!p1 v0  }
0x356: {  	[tilespmem:$0x7A30] =	vst @!p1 v1  }
0x357: {  	[tilespmem:$0x7C30] =	vst @!p1 v1  }
0x358: {  	[tilespmem:$0x78B0] =	vst @!p1 v0  }
0x359: {  	[tilespmem:$0x7AB0] =	vst @!p1 v1  }
0x35a: {  	[tilespmem:$0x7CB0] =	vst @!p1 v1  }
0x35b: {  	[tilespmem:$0x7840] =	vst @!p1 v0  }
0x35c: {  	[tilespmem:$0x7A40] =	vst @!p1 v1  }
0x35d: {  	[tilespmem:$0x7C40] =	vst @!p1 v1  }
0x35e: {  	[tilespmem:$0x78C0] =	vst @!p1 v0  }
0x35f: {  	[tilespmem:$0x7AC0] =	vst @!p1 v1  }
0x360: {  	[tilespmem:$0x7CC0] =	vst @!p1 v1  }
0x361: {  	[tilespmem:$0x7850] =	vst @!p1 v0  }
0x362: {  	[tilespmem:$0x7A50] =	vst @!p1 v1  }
0x363: {  	[tilespmem:$0x7C50] =	vst @!p1 v1  }
0x364: {  	[tilespmem:$0x78D0] =	vst @!p1 v0  }
0x365: {  	[tilespmem:$0x7AD0] =	vst @!p1 v1  }
0x366: {  	[tilespmem:$0x7CD0] =	vst @!p1 v1  }
0x367: {  	[tilespmem:$0x7860] =	vst @!p1 v0  }
0x368: {  	[tilespmem:$0x7A60] =	vst @!p1 v1  }
0x369: {  	[tilespmem:$0x7C60] =	vst @!p1 v1  }
0x36a: {  	[tilespmem:$0x78E0] =	vst @!p1 v0  }
0x36b: {  	[tilespmem:$0x7AE0] =	vst @!p1 v1  }
0x36c: {  	[tilespmem:$0x7CE0] =	vst @!p1 v1  }
0x36d: {  	[tilespmem:$0x7870] =	vst @!p1 v0  }
.Ltmp16:
0x36e: {  	[tilespmem:$0x7A70] =	vst @!p1 v1;
	(pc) =	sbr.rel .LBB2_17-.Ltmp16, $4  }
0x36f: {  	[tilespmem:$0x7C70] =	vst @!p1 v1  }
0x370: {  	[tilespmem:$0x7AF0] =	vst @!p1 v1  }
0x371: {  	[tilespmem:$0x7CF0] =	vst @!p1 v1;
	v1 =	vimm.s32 @!p1 $0x0  }
0x372: {  	[tilespmem:$0x78F0] =	vst @!p1 v0;
	v6 =	vpsel p1, $0x0, v1  }
.LBB2_19:
0x373: {  	v1 =	vxor.u32 $0x80000000, v6  }
0x374: {  	(xrf0) =	vmax.scan.msk.u32 $0xffff, v1;
	_ =	sdelay $0x5  }
0x375: {  	v1, _, _ =	vpop (xrf0)  }
0x376: {  	(v2sf) =	vpush v1, $0xF;
	_ =	sdelay $0x7  }
0x377: {  	p1 =	sne.s32 s8, $0x1  }
0x378: {  	p2 =	slt.s32 @!p1 s13, $0x1  }
0x379: {  	p2 =	por p1, p2  }
.Ltmp17:
0x37a: {  	_ = 	snop;
	(pc) =	sbr.rel @p2 .LBB2_21-.Ltmp17, $2  }
0x37b: {  	_ =	sdelay $0x2  }
0x37c: {  	s9 =	spop (v2sf)  }
0x37d: {  	s0 =	simm.s32 $0x2  }
0x37e: {  	_ =	swait.ge [sflag:s0], $0x80  }
0x37f: {  	[sflag:s0] =	ssyncset.done $0x0  }
0x380: {  	[sflag:s0] =	ssyncadd.s32 $0xFFFFFF80  }
0x381: {  	_ =	swait.ge [sflag:s0], $0x80  }
0x382: {  	[sflag:s0] =	ssyncset.done $0x0  }
0x383: {  	[sflag:s0] =	ssyncadd.s32 $0xFFFFFF80  }
0x384: {  	_ =	swait.ge [sflag:s0], $0x80  }
.Ltmp18:
0x385: {  	[sflag:s0] =	ssyncset.done $0x0;
	(pc) =	sbr.rel .LBB2_22-.Ltmp18, $4  }
0x386: {  	[sflag:s0] =	ssyncadd.s32 $0xFFFFFF80  }
0x387: {  	_ =	swait.ge [sflag:s0], $0x80  }
0x388: {  	[sflag:s0] =	ssyncset.done $0x0  }
0x389: {  	p3 =	sgt.u32 s9, $0x80000000;
	s18 =	rddreg [dreg:$0x10];
	[sflag:s0] =	ssyncadd.s32 $0xFFFFFF80  }
.LBB2_23:
0x38a: {  	_ =	sfence.sel $0x180000  }
0x38b: {  	[bflag:$0x0] =	sbarrier.arrive $0xFFFF  }
0x38c: {  	_ =	strace $0x90000047  }
0x38d: {  	s0 =	stileid.u32;
	[bflag:$0x2] =	sbarrier.arrive $0xFFFF  }
0x38e: {  	p0 =	sne.s32 s0, $0x0;
	s0 =	rddreg [dreg:$0x6]  }
0x38f: {  	s0 =	sadd.s32 @!p0 $0x100000, s0  }
0x390: {  	[sflag:s0] =	ssyncadd.tile.s32 @!p0 $0x1;
	_ =	shalt  }
.Lfunc_end2:
_tile_overlayer_lowered:
.L_overlay_start_2:
0x391: {  	(tag) =	ssettag $0x2  }
0x392: {  	s0 =	rddreg [dreg:$0x0];
	s2 =	stileid.u32  }
0x393: {  	s1 =	rddreg [dreg:$0x1];
	p0 =	sne.s32 s2, $0x0  }
0x394: {  	s3 =	rddreg [dreg:$0x2];
	[bflag:$0x3] =	sbarrier.arrive $0xFFFF;
	s2 =	simm.s32 @!p0 $0x1C04  }
0x395: {  	[timem:s3], [sflag:s2] =	dma.local @!p0 [hbm:s0], s1  }
0x396: {  	s0 =	simm.s32 @!p0 $0x4  }
0x397: {  	_ =	swait.ge @!p0 [sflag:s0], s1  }
0x398: {  	s1 =	ssub.s32 @!p0 $0x0, s1;
	[sflag:s0] =	ssyncset.done @!p0 $0x0  }
0x399: {  	[sflag:s0] =	ssyncadd.s32 @!p0 s1  }
0x39a: {  	[bflag:$0x3] =	sbarrier.arrive $0xFFFF  }
0x39b: {  	_ =	shalt  }

</sc_bundles>
